<compile_context>
chip_gen: v7x
topology: tpu7x:2x2x1
jax: 0.10.2.dev20260603
libtpu: 0.0.44.dev20260713+nightly
codegen_flags: <defaults>
</compile_context>

<pallas_src>
import jax
import jax.numpy as jnp
from jax import lax
from jax.experimental import pallas as pl
from jax.experimental.pallas import tpu as pltpu
from jax.experimental.pallas import tpu_sc as plsc

N_NODES = 100000
N_EDGES = 6400000

NW = 32
NBLK = N_EDGES // 128
BLK_PW = NBLK // NW
NEXTRA = NBLK - NW * BLK_PW
CB = 11
NCHUNK = BLK_PW // CB
B = CB * 128
NG = B // 16

_HALF = 0.5
_THREEHALF = 1.5
_MAGIC = 0x5F3759DF

_NSTAGE = 10
_SSLICE = N_NODES // _NSTAGE


def _norm16(dx, dy, dz):
    sq = dx * dx + dy * dy + dz * dz
    sqm = jnp.maximum(sq, 1e-35)
    magic = jnp.full((16,), _MAGIC, jnp.int32)
    y = lax.bitcast_convert_type(
        magic - (lax.bitcast_convert_type(sqm, jnp.int32) >> 1), jnp.float32)
    y = y * (_THREEHALF - _HALF * sqm * y * y)
    y = y * (_THREEHALF - _HALF * sqm * y * y)
    return sq * y


def _compute(nblk, eb, gx, gy, gz, vec_v, w_v):

    def body(b, _):
        b256 = b * 256
        b128 = b * 128
        for g in range(8):
            o = g * 16
            s2 = pl.ds(b256 + o, 16)
            d2 = pl.ds(b256 + 128 + o, 16)
            dx = gx[s2] - gx[d2]
            dy = gy[s2] - gy[d2]
            dz = gz[s2] - gz[d2]
            w_v[pl.ds(b128 + o, 16)] = _norm16(dx, dy, dz)
            vec_v[b, 0, pl.ds(o, 16)] = dx
            vec_v[b, 1, pl.ds(o, 16)] = dy
            vec_v[b, 2, pl.ds(o, 16)] = dz
        return 0

    lax.fori_loop(0, nblk, body, 0)


def _sc_body(pos_hbm, edge_hbm, w_hbm, vec_hbm,
             sx, sy, sz,
             eb0, eb1, g0, g1, vec0, vec1, w0, w1,
             stage_v, gsem0, gsem1, osem0, osem1):
    cid = lax.axis_index("c")
    sid = lax.axis_index("s")
    wid = cid * 16 + sid

    for c, comp in enumerate((sx, sy, sz)):
        for j in range(_NSTAGE):
            t = c * _NSTAGE + j

            @pl.when(sid == t % 16)
            def _(c=c, comp=comp, j=j):
                off = j * _SSLICE
                pltpu.sync_copy(
                    pos_hbm.at[pl.ds(c * N_NODES + off, _SSLICE)], stage_v)
                pltpu.sync_copy(stage_v, comp.at[pl.ds(off, _SSLICE)])

    plsc.subcore_barrier()

    base_blk = wid * BLK_PW + jnp.minimum(wid, NEXTRA)
    bufs = ((eb0, g0[0], g0[1], g0[2], vec0, w0, gsem0, osem0),
            (eb1, g1[0], g1[1], g1[2], vec1, w1, gsem1, osem1))

    def load_idx(k, eb):
        off = (base_blk + k * CB) * 256
        pltpu.sync_copy(edge_hbm.at[pl.ds(off, CB * 256)], eb)

    def fire_gathers(eb, gx, gy, gz, gsem):
        for comp, dst in zip((sx, sy, sz), (gx, gy, gz)):
            pltpu.async_copy(comp.at[eb], dst, gsem)

    def wait_gathers(eb, gx, gy, gz, gsem):
        for comp, dst in zip((sx, sy, sz), (gx, gy, gz)):
            pltpu.make_async_copy(comp.at[eb], dst, gsem).wait()

    def fire_out(k, vec_v, w_v, osem):
        blk = base_blk + k * CB
        pltpu.async_copy(vec_v, vec_hbm.at[pl.ds(blk, CB)], osem)
        pltpu.async_copy(w_v, w_hbm.at[pl.ds(blk * 128, B)], osem)

    def wait_out(k, vec_v, w_v, osem):
        blk = base_blk + k * CB
        pltpu.make_async_copy(
            vec_v, vec_hbm.at[pl.ds(blk, CB)], osem).wait()
        pltpu.make_async_copy(
            w_v, w_hbm.at[pl.ds(blk * 128, B)], osem).wait()

    load_idx(0, eb0)
    fire_gathers(eb0, g0[0], g0[1], g0[2], gsem0)

    def outer(ki, _):
        for h in (0, 1):
            k = 2 * ki + h
            eb, gx, gy, gz, vec_v, w_v, gsem, osem = bufs[h]
            neb, ngx, ngy, ngz, _nv, _nw, ngsem, _no = bufs[1 - h]

            wait_gathers(eb, gx, gy, gz, gsem)

            @pl.when(k + 1 < NCHUNK)
            def _():
                load_idx(k + 1, neb)
                fire_gathers(neb, ngx, ngy, ngz, ngsem)

            @pl.when(ki >= 1)
            def _():
                wait_out(k, vec_v, w_v, osem)

            _compute(CB, eb, gx, gy, gz, vec_v, w_v)
            fire_out(k, vec_v, w_v, osem)
        return 0

    lax.fori_loop(0, NCHUNK // 2, outer, 0)

    for h in (0, 1):
        eb, gx, gy, gz, vec_v, w_v, gsem, osem = bufs[h]
        wait_out(0, vec_v, w_v, osem)

    @pl.when(wid < NEXTRA)
    def _():
        eb, gx, gy, gz, vec_v, w_v, gsem, osem = bufs[0]
        xblk = base_blk + BLK_PW
        pltpu.sync_copy(edge_hbm.at[pl.ds(xblk * 256, 256)],
                        eb.at[pl.ds(0, 256)])
        for comp, dst in zip((sx, sy, sz), (gx, gy, gz)):
            pltpu.sync_copy(comp.at[eb.at[pl.ds(0, 256)]],
                            dst.at[pl.ds(0, 256)])
        _compute(1, eb, gx, gy, gz, vec_v, w_v)
        pltpu.sync_copy(vec_v.at[pl.ds(0, 1)],
                        vec_hbm.at[pl.ds(xblk, 1)])
        pltpu.sync_copy(w_v.at[pl.ds(0, 128)],
                        w_hbm.at[pl.ds(xblk * 128, 128)])


@jax.jit
def _distance_sc(pos_flat, edge_flat):
    mesh = plsc.VectorSubcoreMesh(core_axis_name="c", subcore_axis_name="s")
    kfn = pl.kernel(
        _sc_body,
        out_type=[
            jax.ShapeDtypeStruct((N_EDGES,), jnp.float32),
            jax.ShapeDtypeStruct((NBLK, 4, 128), jnp.float32),
        ],
        mesh=mesh,
        compiler_params=pltpu.CompilerParams(needs_layout_passes=False),
        scratch_types=[
            pltpu.VMEM_SHARED((N_NODES,), jnp.float32),
            pltpu.VMEM_SHARED((N_NODES,), jnp.float32),
            pltpu.VMEM_SHARED((N_NODES,), jnp.float32),
            pltpu.VMEM((CB * 256,), jnp.int32),
            pltpu.VMEM((CB * 256,), jnp.int32),
            [pltpu.VMEM((CB * 256,), jnp.float32)] * 3,
            [pltpu.VMEM((CB * 256,), jnp.float32)] * 3,
            pltpu.VMEM((CB, 4, 128), jnp.float32),
            pltpu.VMEM((CB, 4, 128), jnp.float32),
            pltpu.VMEM((B,), jnp.float32),
            pltpu.VMEM((B,), jnp.float32),
            pltpu.VMEM((_SSLICE,), jnp.float32),
            pltpu.SemaphoreType.DMA,
            pltpu.SemaphoreType.DMA,
            pltpu.SemaphoreType.DMA,
            pltpu.SemaphoreType.DMA,
        ],
    )
    return kfn(pos_flat, edge_flat)


def kernel(pos, edge_index):
    pos_flat = pos.T.reshape(3 * N_NODES)
    edge_flat = (edge_index.reshape(2, NBLK, 128)
                 .transpose(1, 0, 2).reshape(2 * N_EDGES))
    edge_weight, vec_blk = _distance_sc(pos_flat, edge_flat)
    edge_vec = vec_blk[:, :3, :].transpose(0, 2, 1).reshape(N_EDGES, 3)
    return (edge_index, edge_weight, edge_vec)

# --- scband reference (transcript-rebuilt; emitter-appended) ---
"""Pipeline reference for scband-distance-86603720556963 (READ-ONLY COPY).

The authoritative reference and input builder live on the scoring server;
editing this copy changes nothing except your own understanding.
"""

import jax, jax.numpy as jnp
import numpy as np

N_NODES = 100000
N_EDGES = 6400000


def setup_inputs(seed: int = 0) -> dict:
    key = jax.random.key(seed)
    k1, k2 = jax.random.split(key)
    pos = jax.random.normal(k1, (N_NODES, 3), dtype=jnp.float32)
    edge_index = jax.random.randint(k2, (2, N_EDGES), 0, N_NODES, dtype=jnp.int32)
    return {"pos": pos, "edge_index": edge_index}


def reference(pos, edge_index):
    # edge_vec = pos[src] - pos[dst]  (gather over edges)
    edge_vec = jnp.take(pos, edge_index[0], axis=0) - jnp.take(pos, edge_index[1], axis=0)
    # loop=True branch: edge_weight = torch.norm(edge_vec, dim=-1)
    edge_weight = jnp.linalg.norm(edge_vec, axis=-1)
    # edge_mask is None -> no masking
    return (edge_index, edge_weight, edge_vec)

if __name__ == "__main__":
    import jax
    _d = setup_inputs()
    print(jax.jit(kernel)(*tuple(_d.values())))

</pallas_src>

<mosaic_0001>
#map = affine_map<(d0, d1) -> (0)>
#map1 = affine_map<(d0, d1) -> (0, 0, 0)>
module attributes {stable_mosaic.version = 14 : i64} {
  func.func @_sc_body(%arg0: i32, %arg1: i32, %arg2: memref<300000xf32, #tpu.memory_space<hbm>>, %arg3: memref<12800000xi32, #tpu.memory_space<hbm>>, %arg4: memref<6400000xf32, #tpu.memory_space<hbm>>, %arg5: memref<50000x4x128xf32, #tpu.memory_space<hbm>>, %arg6: memref<100000xf32, #tpu.memory_space<vmem_shared>>, %arg7: memref<100000xf32, #tpu.memory_space<vmem_shared>>, %arg8: memref<100000xf32, #tpu.memory_space<vmem_shared>>, %arg9: memref<2816xi32, #tpu.memory_space<vmem>>, %arg10: memref<2816xi32, #tpu.memory_space<vmem>>, %arg11: memref<2816xf32, #tpu.memory_space<vmem>>, %arg12: memref<2816xf32, #tpu.memory_space<vmem>>, %arg13: memref<2816xf32, #tpu.memory_space<vmem>>, %arg14: memref<2816xf32, #tpu.memory_space<vmem>>, %arg15: memref<2816xf32, #tpu.memory_space<vmem>>, %arg16: memref<2816xf32, #tpu.memory_space<vmem>>, %arg17: memref<11x4x128xf32, #tpu.memory_space<vmem>>, %arg18: memref<11x4x128xf32, #tpu.memory_space<vmem>>, %arg19: memref<1408xf32, #tpu.memory_space<vmem>>, %arg20: memref<1408xf32, #tpu.memory_space<vmem>>, %arg21: memref<10000xf32, #tpu.memory_space<vmem>>, %arg22: memref<!tpu.dma_semaphore, #tpu.memory_space<semaphore_mem>>, %arg23: memref<!tpu.dma_semaphore, #tpu.memory_space<semaphore_mem>>, %arg24: memref<!tpu.dma_semaphore, #tpu.memory_space<semaphore_mem>>, %arg25: memref<!tpu.dma_semaphore, #tpu.memory_space<semaphore_mem>>) attributes {dimension_semantics = [#tpu.dimension_semantics<core_parallel>, #tpu.dimension_semantics<subcore_parallel>], iteration_bounds = array<i64: 2, 16>, scalar_prefetch = 0 : i64, scratch_operands = 20 : i64, tpu.core_type = #tpu.core_type<sc_vector_subcore>, window_params = [{transform_indices = #map}, {transform_indices = #map}, {transform_indices = #map}, {transform_indices = #map1}]} {
    %mul3A = arith.constant 16 : i32
    %mul3A_0 = arith.muli %arg0, %mul3A : i32
    %add3A = arith.addi %mul3A_0, %arg1 : i32
    %eq3A = arith.constant 0 : i32
    %eq3A_1 = arith.cmpi eq, %arg1, %eq3A : i32
    %convert_element_type3A = arith.extui %eq3A_1 : i1 to i32
    %cond3A = arith.constant 0 : i32
    %cond3A_2 = arith.cmpi ne, %convert_element_type3A, %cond3A : i32
    scf.if %cond3A_2 {
      "tpu.region"() ({
        %run_scoped3A = tpu.sem_alloc : memref<!tpu.dma_semaphore, #tpu.memory_space<semaphore_mem>>
        %dma_start3A_194 = arith.constant 0 : i32
        %dma_start3A_195 = tpu.memref_slice %arg2[%dma_start3A_194] : memref<300000xf32, #tpu.memory_space<hbm>> -> memref<10000xf32, #tpu.memory_space<hbm>>
        %dma_start3A_196 = arith.constant 0 : i32
        %dma_start3A_197 = tpu.memref_slice %arg2[%dma_start3A_196] : memref<300000xf32, #tpu.memory_space<hbm>> -> memref<10000xf32, #tpu.memory_space<hbm>>
        tpu.enqueue_dma source(%dma_start3A_197 : memref<10000xf32, #tpu.memory_space<hbm>>) target(%arg21 : memref<10000xf32, #tpu.memory_space<vmem>>) target_semaphore(%run_scoped3A : memref<!tpu.dma_semaphore, #tpu.memory_space<semaphore_mem>>)
        %dma_wait3A_198 = arith.constant 0 : i32
        %dma_wait3A_199 = tpu.memref_slice %arg2[%dma_wait3A_198] : memref<300000xf32, #tpu.memory_space<hbm>> -> memref<10000xf32, #tpu.memory_space<hbm>>
        %dma_wait3A_200 = arith.constant 0 : i32
        %dma_wait3A_201 = tpu.memref_slice %arg2[%dma_wait3A_200] : memref<300000xf32, #tpu.memory_space<hbm>> -> memref<10000xf32, #tpu.memory_space<hbm>>
        tpu.wait_dma2 semaphore(%run_scoped3A : memref<!tpu.dma_semaphore, #tpu.memory_space<semaphore_mem>>) src(%dma_wait3A_201 : memref<10000xf32, #tpu.memory_space<hbm>>) dst(%arg21 : memref<10000xf32, #tpu.memory_space<vmem>>)
        tpu.yield
      }) : () -> ()
      "tpu.region"() ({
        %run_scoped3A = tpu.sem_alloc : memref<!tpu.dma_semaphore, #tpu.memory_space<semaphore_mem>>
        %dma_start3A_194 = arith.constant 0 : i32
        %dma_start3A_195 = tpu.memref_slice %arg6[%dma_start3A_194] : memref<100000xf32, #tpu.memory_space<vmem_shared>> -> memref<10000xf32, #tpu.memory_space<vmem_shared>>
        %dma_start3A_196 = arith.constant 0 : i32
        %dma_start3A_197 = tpu.memref_slice %arg6[%dma_start3A_196] : memref<100000xf32, #tpu.memory_space<vmem_shared>> -> memref<10000xf32, #tpu.memory_space<vmem_shared>>
        tpu.enqueue_dma source(%arg21 : memref<10000xf32, #tpu.memory_space<vmem>>) target(%dma_start3A_197 : memref<10000xf32, #tpu.memory_space<vmem_shared>>) target_semaphore(%run_scoped3A : memref<!tpu.dma_semaphore, #tpu.memory_space<semaphore_mem>>)
        %dma_wait3A_198 = arith.constant 0 : i32
        %dma_wait3A_199 = tpu.memref_slice %arg6[%dma_wait3A_198] : memref<100000xf32, #tpu.memory_space<vmem_shared>> -> memref<10000xf32, #tpu.memory_space<vmem_shared>>
        %dma_wait3A_200 = arith.constant 0 : i32
        %dma_wait3A_201 = tpu.memref_slice %arg6[%dma_wait3A_200] : memref<100000xf32, #tpu.memory_space<vmem_shared>> -> memref<10000xf32, #tpu.memory_space<vmem_shared>>
        tpu.wait_dma2 semaphore(%run_scoped3A : memref<!tpu.dma_semaphore, #tpu.memory_space<semaphore_mem>>) src(%arg21 : memref<10000xf32, #tpu.memory_space<vmem>>) dst(%dma_wait3A_201 : memref<10000xf32, #tpu.memory_space<vmem_shared>>)
        tpu.yield
      }) : () -> ()
    } else {
    }
    %eq3A_3 = arith.constant 1 : i32
    %eq3A_4 = arith.cmpi eq, %arg1, %eq3A_3 : i32
    %convert_element_type3A_5 = arith.extui %eq3A_4 : i1 to i32
    %cond3A_6 = arith.constant 0 : i32
    %cond3A_7 = arith.cmpi ne, %convert_element_type3A_5, %cond3A_6 : i32
    scf.if %cond3A_7 {
      "tpu.region"() ({
        %run_scoped3A = tpu.sem_alloc : memref<!tpu.dma_semaphore, #tpu.memory_space<semaphore_mem>>
        %dma_start3A_194 = arith.constant 10000 : i32
        %dma_start3A_195 = tpu.memref_slice %arg2[%dma_start3A_194] : memref<300000xf32, #tpu.memory_space<hbm>> -> memref<10000xf32, #tpu.memory_space<hbm>>
        %dma_start3A_196 = arith.constant 10000 : i32
        %dma_start3A_197 = tpu.memref_slice %arg2[%dma_start3A_196] : memref<300000xf32, #tpu.memory_space<hbm>> -> memref<10000xf32, #tpu.memory_space<hbm>>
        tpu.enqueue_dma source(%dma_start3A_197 : memref<10000xf32, #tpu.memory_space<hbm>>) target(%arg21 : memref<10000xf32, #tpu.memory_space<vmem>>) target_semaphore(%run_scoped3A : memref<!tpu.dma_semaphore, #tpu.memory_space<semaphore_mem>>)
        %dma_wait3A_198 = arith.constant 10000 : i32
        %dma_wait3A_199 = tpu.memref_slice %arg2[%dma_wait3A_198] : memref<300000xf32, #tpu.memory_space<hbm>> -> memref<10000xf32, #tpu.memory_space<hbm>>
        %dma_wait3A_200 = arith.constant 10000 : i32
        %dma_wait3A_201 = tpu.memref_slice %arg2[%dma_wait3A_200] : memref<300000xf32, #tpu.memory_space<hbm>> -> memref<10000xf32, #tpu.memory_space<hbm>>
        tpu.wait_dma2 semaphore(%run_scoped3A : memref<!tpu.dma_semaphore, #tpu.memory_space<semaphore_mem>>) src(%dma_wait3A_201 : memref<10000xf32, #tpu.memory_space<hbm>>) dst(%arg21 : memref<10000xf32, #tpu.memory_space<vmem>>)
        tpu.yield
      }) : () -> ()
      "tpu.region"() ({
        %run_scoped3A = tpu.sem_alloc : memref<!tpu.dma_semaphore, #tpu.memory_space<semaphore_mem>>
        %dma_start3A_194 = arith.constant 10000 : i32
        %dma_start3A_195 = tpu.memref_slice %arg6[%dma_start3A_194] : memref<100000xf32, #tpu.memory_space<vmem_shared>> -> memref<10000xf32, #tpu.memory_space<vmem_shared>>
        %dma_start3A_196 = arith.constant 10000 : i32
        %dma_start3A_197 = tpu.memref_slice %arg6[%dma_start3A_196] : memref<100000xf32, #tpu.memory_space<vmem_shared>> -> memref<10000xf32, #tpu.memory_space<vmem_shared>>
        tpu.enqueue_dma source(%arg21 : memref<10000xf32, #tpu.memory_space<vmem>>) target(%dma_start3A_197 : memref<10000xf32, #tpu.memory_space<vmem_shared>>) target_semaphore(%run_scoped3A : memref<!tpu.dma_semaphore, #tpu.memory_space<semaphore_mem>>)
        %dma_wait3A_198 = arith.constant 10000 : i32
        %dma_wait3A_199 = tpu.memref_slice %arg6[%dma_wait3A_198] : memref<100000xf32, #tpu.memory_space<vmem_shared>> -> memref<10000xf32, #tpu.memory_space<vmem_shared>>
        %dma_wait3A_200 = arith.constant 10000 : i32
        %dma_wait3A_201 = tpu.memref_slice %arg6[%dma_wait3A_200] : memref<100000xf32, #tpu.memory_space<vmem_shared>> -> memref<10000xf32, #tpu.memory_space<vmem_shared>>
        tpu.wait_dma2 semaphore(%run_scoped3A : memref<!tpu.dma_semaphore, #tpu.memory_space<semaphore_mem>>) src(%arg21 : memref<10000xf32, #tpu.memory_space<vmem>>) dst(%dma_wait3A_201 : memref<10000xf32, #tpu.memory_space<vmem_shared>>)
        tpu.yield
      }) : () -> ()
    } else {
    }
    %eq3A_8 = arith.constant 2 : i32
    %eq3A_9 = arith.cmpi eq, %arg1, %eq3A_8 : i32
    %convert_element_type3A_10 = arith.extui %eq3A_9 : i1 to i32
    %cond3A_11 = arith.constant 0 : i32
    %cond3A_12 = arith.cmpi ne, %convert_element_type3A_10, %cond3A_11 : i32
    scf.if %cond3A_12 {
      "tpu.region"() ({
        %run_scoped3A = tpu.sem_alloc : memref<!tpu.dma_semaphore, #tpu.memory_space<semaphore_mem>>
        %dma_start3A_194 = arith.constant 20000 : i32
        %dma_start3A_195 = tpu.memref_slice %arg2[%dma_start3A_194] : memref<300000xf32, #tpu.memory_space<hbm>> -> memref<10000xf32, #tpu.memory_space<hbm>>
        %dma_start3A_196 = arith.constant 20000 : i32
        %dma_start3A_197 = tpu.memref_slice %arg2[%dma_start3A_196] : memref<300000xf32, #tpu.memory_space<hbm>> -> memref<10000xf32, #tpu.memory_space<hbm>>
        tpu.enqueue_dma source(%dma_start3A_197 : memref<10000xf32, #tpu.memory_space<hbm>>) target(%arg21 : memref<10000xf32, #tpu.memory_space<vmem>>) target_semaphore(%run_scoped3A : memref<!tpu.dma_semaphore, #tpu.memory_space<semaphore_mem>>)
        %dma_wait3A_198 = arith.constant 20000 : i32
        %dma_wait3A_199 = tpu.memref_slice %arg2[%dma_wait3A_198] : memref<300000xf32, #tpu.memory_space<hbm>> -> memref<10000xf32, #tpu.memory_space<hbm>>
        %dma_wait3A_200 = arith.constant 20000 : i32
        %dma_wait3A_201 = tpu.memref_slice %arg2[%dma_wait3A_200] : memref<300000xf32, #tpu.memory_space<hbm>> -> memref<10000xf32, #tpu.memory_space<hbm>>
        tpu.wait_dma2 semaphore(%run_scoped3A : memref<!tpu.dma_semaphore, #tpu.memory_space<semaphore_mem>>) src(%dma_wait3A_201 : memref<10000xf32, #tpu.memory_space<hbm>>) dst(%arg21 : memref<10000xf32, #tpu.memory_space<vmem>>)
        tpu.yield
      }) : () -> ()
      "tpu.region"() ({
        %run_scoped3A = tpu.sem_alloc : memref<!tpu.dma_semaphore, #tpu.memory_space<semaphore_mem>>
        %dma_start3A_194 = arith.constant 20000 : i32
        %dma_start3A_195 = tpu.memref_slice %arg6[%dma_start3A_194] : memref<100000xf32, #tpu.memory_space<vmem_shared>> -> memref<10000xf32, #tpu.memory_space<vmem_shared>>
        %dma_start3A_196 = arith.constant 20000 : i32
        %dma_start3A_197 = tpu.memref_slice %arg6[%dma_start3A_196] : memref<100000xf32, #tpu.memory_space<vmem_shared>> -> memref<10000xf32, #tpu.memory_space<vmem_shared>>
        tpu.enqueue_dma source(%arg21 : memref<10000xf32, #tpu.memory_space<vmem>>) target(%dma_start3A_197 : memref<10000xf32, #tpu.memory_space<vmem_shared>>) target_semaphore(%run_scoped3A : memref<!tpu.dma_semaphore, #tpu.memory_space<semaphore_mem>>)
        %dma_wait3A_198 = arith.constant 20000 : i32
        %dma_wait3A_199 = tpu.memref_slice %arg6[%dma_wait3A_198] : memref<100000xf32, #tpu.memory_space<vmem_shared>> -> memref<10000xf32, #tpu.memory_space<vmem_shared>>
        %dma_wait3A_200 = arith.constant 20000 : i32
        %dma_wait3A_201 = tpu.memref_slice %arg6[%dma_wait3A_200] : memref<100000xf32, #tpu.memory_space<vmem_shared>> -> memref<10000xf32, #tpu.memory_space<vmem_shared>>
        tpu.wait_dma2 semaphore(%run_scoped3A : memref<!tpu.dma_semaphore, #tpu.memory_space<semaphore_mem>>) src(%arg21 : memref<10000xf32, #tpu.memory_space<vmem>>) dst(%dma_wait3A_201 : memref<10000xf32, #tpu.memory_space<vmem_shared>>)
        tpu.yield
      }) : () -> ()
    } else {
    }
    %eq3A_13 = arith.constant 3 : i32
    %eq3A_14 = arith.cmpi eq, %arg1, %eq3A_13 : i32
    %convert_element_type3A_15 = arith.extui %eq3A_14 : i1 to i32
    %cond3A_16 = arith.constant 0 : i32
    %cond3A_17 = arith.cmpi ne, %convert_element_type3A_15, %cond3A_16 : i32
    scf.if %cond3A_17 {
      "tpu.region"() ({
        %run_scoped3A = tpu.sem_alloc : memref<!tpu.dma_semaphore, #tpu.memory_space<semaphore_mem>>
        %dma_start3A_194 = arith.constant 30000 : i32
        %dma_start3A_195 = tpu.memref_slice %arg2[%dma_start3A_194] : memref<300000xf32, #tpu.memory_space<hbm>> -> memref<10000xf32, #tpu.memory_space<hbm>>
        %dma_start3A_196 = arith.constant 30000 : i32
        %dma_start3A_197 = tpu.memref_slice %arg2[%dma_start3A_196] : memref<300000xf32, #tpu.memory_space<hbm>> -> memref<10000xf32, #tpu.memory_space<hbm>>
        tpu.enqueue_dma source(%dma_start3A_197 : memref<10000xf32, #tpu.memory_space<hbm>>) target(%arg21 : memref<10000xf32, #tpu.memory_space<vmem>>) target_semaphore(%run_scoped3A : memref<!tpu.dma_semaphore, #tpu.memory_space<semaphore_mem>>)
        %dma_wait3A_198 = arith.constant 30000 : i32
        %dma_wait3A_199 = tpu.memref_slice %arg2[%dma_wait3A_198] : memref<300000xf32, #tpu.memory_space<hbm>> -> memref<10000xf32, #tpu.memory_space<hbm>>
        %dma_wait3A_200 = arith.constant 30000 : i32
        %dma_wait3A_201 = tpu.memref_slice %arg2[%dma_wait3A_200] : memref<300000xf32, #tpu.memory_space<hbm>> -> memref<10000xf32, #tpu.memory_space<hbm>>
        tpu.wait_dma2 semaphore(%run_scoped3A : memref<!tpu.dma_semaphore, #tpu.memory_space<semaphore_mem>>) src(%dma_wait3A_201 : memref<10000xf32, #tpu.memory_space<hbm>>) dst(%arg21 : memref<10000xf32, #tpu.memory_space<vmem>>)
        tpu.yield
      }) : () -> ()
      "tpu.region"() ({
        %run_scoped3A = tpu.sem_alloc : memref<!tpu.dma_semaphore, #tpu.memory_space<semaphore_mem>>
        %dma_start3A_194 = arith.constant 30000 : i32
        %dma_start3A_195 = tpu.memref_slice %arg6[%dma_start3A_194] : memref<100000xf32, #tpu.memory_space<vmem_shared>> -> memref<10000xf32, #tpu.memory_space<vmem_shared>>
        %dma_start3A_196 = arith.constant 30000 : i32
        %dma_start3A_197 = tpu.memref_slice %arg6[%dma_start3A_196] : memref<100000xf32, #tpu.memory_space<vmem_shared>> -> memref<10000xf32, #tpu.memory_space<vmem_shared>>
        tpu.enqueue_dma source(%arg21 : memref<10000xf32, #tpu.memory_space<vmem>>) target(%dma_start3A_197 : memref<10000xf32, #tpu.memory_space<vmem_shared>>) target_semaphore(%run_scoped3A : memref<!tpu.dma_semaphore, #tpu.memory_space<semaphore_mem>>)
        %dma_wait3A_198 = arith.constant 30000 : i32
        %dma_wait3A_199 = tpu.memref_slice %arg6[%dma_wait3A_198] : memref<100000xf32, #tpu.memory_space<vmem_shared>> -> memref<10000xf32, #tpu.memory_space<vmem_shared>>
        %dma_wait3A_200 = arith.constant 30000 : i32
        %dma_wait3A_201 = tpu.memref_slice %arg6[%dma_wait3A_200] : memref<100000xf32, #tpu.memory_space<vmem_shared>> -> memref<10000xf32, #tpu.memory_space<vmem_shared>>
        tpu.wait_dma2 semaphore(%run_scoped3A : memref<!tpu.dma_semaphore, #tpu.memory_space<semaphore_mem>>) src(%arg21 : memref<10000xf32, #tpu.memory_space<vmem>>) dst(%dma_wait3A_201 : memref<10000xf32, #tpu.memory_space<vmem_shared>>)
        tpu.yield
      }) : () -> ()
    } else {
    }
    %eq3A_18 = arith.constant 4 : i32
    %eq3A_19 = arith.cmpi eq, %arg1, %eq3A_18 : i32
    %convert_element_type3A_20 = arith.extui %eq3A_19 : i1 to i32
    %cond3A_21 = arith.constant 0 : i32
    %cond3A_22 = arith.cmpi ne, %convert_element_type3A_20, %cond3A_21 : i32
    scf.if %cond3A_22 {
      "tpu.region"() ({
        %run_scoped3A = tpu.sem_alloc : memref<!tpu.dma_semaphore, #tpu.memory_space<semaphore_mem>>
        %dma_start3A_194 = arith.constant 40000 : i32
        %dma_start3A_195 = tpu.memref_slice %arg2[%dma_start3A_194] : memref<300000xf32, #tpu.memory_space<hbm>> -> memref<10000xf32, #tpu.memory_space<hbm>>
        %dma_start3A_196 = arith.constant 40000 : i32
        %dma_start3A_197 = tpu.memref_slice %arg2[%dma_start3A_196] : memref<300000xf32, #tpu.memory_space<hbm>> -> memref<10000xf32, #tpu.memory_space<hbm>>
        tpu.enqueue_dma source(%dma_start3A_197 : memref<10000xf32, #tpu.memory_space<hbm>>) target(%arg21 : memref<10000xf32, #tpu.memory_space<vmem>>) target_semaphore(%run_scoped3A : memref<!tpu.dma_semaphore, #tpu.memory_space<semaphore_mem>>)
        %dma_wait3A_198 = arith.constant 40000 : i32
        %dma_wait3A_199 = tpu.memref_slice %arg2[%dma_wait3A_198] : memref<300000xf32, #tpu.memory_space<hbm>> -> memref<10000xf32, #tpu.memory_space<hbm>>
        %dma_wait3A_200 = arith.constant 40000 : i32
        %dma_wait3A_201 = tpu.memref_slice %arg2[%dma_wait3A_200] : memref<300000xf32, #tpu.memory_space<hbm>> -> memref<10000xf32, #tpu.memory_space<hbm>>
        tpu.wait_dma2 semaphore(%run_scoped3A : memref<!tpu.dma_semaphore, #tpu.memory_space<semaphore_mem>>) src(%dma_wait3A_201 : memref<10000xf32, #tpu.memory_space<hbm>>) dst(%arg21 : memref<10000xf32, #tpu.memory_space<vmem>>)
        tpu.yield
      }) : () -> ()
      "tpu.region"() ({
        %run_scoped3A = tpu.sem_alloc : memref<!tpu.dma_semaphore, #tpu.memory_space<semaphore_mem>>
        %dma_start3A_194 = arith.constant 40000 : i32
        %dma_start3A_195 = tpu.memref_slice %arg6[%dma_start3A_194] : memref<100000xf32, #tpu.memory_space<vmem_shared>> -> memref<10000xf32, #tpu.memory_space<vmem_shared>>
        %dma_start3A_196 = arith.constant 40000 : i32
        %dma_start3A_197 = tpu.memref_slice %arg6[%dma_start3A_196] : memref<100000xf32, #tpu.memory_space<vmem_shared>> -> memref<10000xf32, #tpu.memory_space<vmem_shared>>
        tpu.enqueue_dma source(%arg21 : memref<10000xf32, #tpu.memory_space<vmem>>) target(%dma_start3A_197 : memref<10000xf32, #tpu.memory_space<vmem_shared>>) target_semaphore(%run_scoped3A : memref<!tpu.dma_semaphore, #tpu.memory_space<semaphore_mem>>)
        %dma_wait3A_198 = arith.constant 40000 : i32
        %dma_wait3A_199 = tpu.memref_slice %arg6[%dma_wait3A_198] : memref<100000xf32, #tpu.memory_space<vmem_shared>> -> memref<10000xf32, #tpu.memory_space<vmem_shared>>
        %dma_wait3A_200 = arith.constant 40000 : i32
        %dma_wait3A_201 = tpu.memref_slice %arg6[%dma_wait3A_200] : memref<100000xf32, #tpu.memory_space<vmem_shared>> -> memref<10000xf32, #tpu.memory_space<vmem_shared>>
        tpu.wait_dma2 semaphore(%run_scoped3A : memref<!tpu.dma_semaphore, #tpu.memory_space<semaphore_mem>>) src(%arg21 : memref<10000xf32, #tpu.memory_space<vmem>>) dst(%dma_wait3A_201 : memref<10000xf32, #tpu.memory_space<vmem_shared>>)
        tpu.yield
      }) : () -> ()
    } else {
    }
    %eq3A_23 = arith.constant 5 : i32
    %eq3A_24 = arith.cmpi eq, %arg1, %eq3A_23 : i32
    %convert_element_type3A_25 = arith.extui %eq3A_24 : i1 to i32
    %cond3A_26 = arith.constant 0 : i32
    %cond3A_27 = arith.cmpi ne, %convert_element_type3A_25, %cond3A_26 : i32
    scf.if %cond3A_27 {
      "tpu.region"() ({
        %run_scoped3A = tpu.sem_alloc : memref<!tpu.dma_semaphore, #tpu.memory_space<semaphore_mem>>
        %dma_start3A_194 = arith.constant 50000 : i32
        %dma_start3A_195 = tpu.memref_slice %arg2[%dma_start3A_194] : memref<300000xf32, #tpu.memory_space<hbm>> -> memref<10000xf32, #tpu.memory_space<hbm>>
        %dma_start3A_196 = arith.constant 50000 : i32
        %dma_start3A_197 = tpu.memref_slice %arg2[%dma_start3A_196] : memref<300000xf32, #tpu.memory_space<hbm>> -> memref<10000xf32, #tpu.memory_space<hbm>>
        tpu.enqueue_dma source(%dma_start3A_197 : memref<10000xf32, #tpu.memory_space<hbm>>) target(%arg21 : memref<10000xf32, #tpu.memory_space<vmem>>) target_semaphore(%run_scoped3A : memref<!tpu.dma_semaphore, #tpu.memory_space<semaphore_mem>>)
        %dma_wait3A_198 = arith.constant 50000 : i32
        %dma_wait3A_199 = tpu.memref_slice %arg2[%dma_wait3A_198] : memref<300000xf32, #tpu.memory_space<hbm>> -> memref<10000xf32, #tpu.memory_space<hbm>>
        %dma_wait3A_200 = arith.constant 50000 : i32
        %dma_wait3A_201 = tpu.memref_slice %arg2[%dma_wait3A_200] : memref<300000xf32, #tpu.memory_space<hbm>> -> memref<10000xf32, #tpu.memory_space<hbm>>
        tpu.wait_dma2 semaphore(%run_scoped3A : memref<!tpu.dma_semaphore, #tpu.memory_space<semaphore_mem>>) src(%dma_wait3A_201 : memref<10000xf32, #tpu.memory_space<hbm>>) dst(%arg21 : memref<10000xf32, #tpu.memory_space<vmem>>)
        tpu.yield
      }) : () -> ()
      "tpu.region"() ({
        %run_scoped3A = tpu.sem_alloc : memref<!tpu.dma_semaphore, #tpu.memory_space<semaphore_mem>>
        %dma_start3A_194 = arith.constant 50000 : i32
        %dma_start3A_195 = tpu.memref_slice %arg6[%dma_start3A_194] : memref<100000xf32, #tpu.memory_space<vmem_shared>> -> memref<10000xf32, #tpu.memory_space<vmem_shared>>
        %dma_start3A_196 = arith.constant 50000 : i32
        %dma_start3A_197 = tpu.memref_slice %arg6[%dma_start3A_196] : memref<100000xf32, #tpu.memory_space<vmem_shared>> -> memref<10000xf32, #tpu.memory_space<vmem_shared>>
        tpu.enqueue_dma source(%arg21 : memref<10000xf32, #tpu.memory_space<vmem>>) target(%dma_start3A_197 : memref<10000xf32, #tpu.memory_space<vmem_shared>>) target_semaphore(%run_scoped3A : memref<!tpu.dma_semaphore, #tpu.memory_space<semaphore_mem>>)
        %dma_wait3A_198 = arith.constant 50000 : i32
        %dma_wait3A_199 = tpu.memref_slice %arg6[%dma_wait3A_198] : memref<100000xf32, #tpu.memory_space<vmem_shared>> -> memref<10000xf32, #tpu.memory_space<vmem_shared>>
        %dma_wait3A_200 = arith.constant 50000 : i32
        %dma_wait3A_201 = tpu.memref_slice %arg6[%dma_wait3A_200] : memref<100000xf32, #tpu.memory_space<vmem_shared>> -> memref<10000xf32, #tpu.memory_space<vmem_shared>>
        tpu.wait_dma2 semaphore(%run_scoped3A : memref<!tpu.dma_semaphore, #tpu.memory_space<semaphore_mem>>) src(%arg21 : memref<10000xf32, #tpu.memory_space<vmem>>) dst(%dma_wait3A_201 : memref<10000xf32, #tpu.memory_space<vmem_shared>>)
        tpu.yield
      }) : () -> ()
    } else {
    }
    %eq3A_28 = arith.constant 6 : i32
    %eq3A_29 = arith.cmpi eq, %arg1, %eq3A_28 : i32
    %convert_element_type3A_30 = arith.extui %eq3A_29 : i1 to i32
    %cond3A_31 = arith.constant 0 : i32
    %cond3A_32 = arith.cmpi ne, %convert_element_type3A_30, %cond3A_31 : i32
    scf.if %cond3A_32 {
      "tpu.region"() ({
        %run_scoped3A = tpu.sem_alloc : memref<!tpu.dma_semaphore, #tpu.memory_space<semaphore_mem>>
        %dma_start3A_194 = arith.constant 60000 : i32
        %dma_start3A_195 = tpu.memref_slice %arg2[%dma_start3A_194] : memref<300000xf32, #tpu.memory_space<hbm>> -> memref<10000xf32, #tpu.memory_space<hbm>>
        %dma_start3A_196 = arith.constant 60000 : i32
        %dma_start3A_197 = tpu.memref_slice %arg2[%dma_start3A_196] : memref<300000xf32, #tpu.memory_space<hbm>> -> memref<10000xf32, #tpu.memory_space<hbm>>
        tpu.enqueue_dma source(%dma_start3A_197 : memref<10000xf32, #tpu.memory_space<hbm>>) target(%arg21 : memref<10000xf32, #tpu.memory_space<vmem>>) target_semaphore(%run_scoped3A : memref<!tpu.dma_semaphore, #tpu.memory_space<semaphore_mem>>)
        %dma_wait3A_198 = arith.constant 60000 : i32
        %dma_wait3A_199 = tpu.memref_slice %arg2[%dma_wait3A_198] : memref<300000xf32, #tpu.memory_space<hbm>> -> memref<10000xf32, #tpu.memory_space<hbm>>
        %dma_wait3A_200 = arith.constant 60000 : i32
        %dma_wait3A_201 = tpu.memref_slice %arg2[%dma_wait3A_200] : memref<300000xf32, #tpu.memory_space<hbm>> -> memref<10000xf32, #tpu.memory_space<hbm>>
        tpu.wait_dma2 semaphore(%run_scoped3A : memref<!tpu.dma_semaphore, #tpu.memory_space<semaphore_mem>>) src(%dma_wait3A_201 : memref<10000xf32, #tpu.memory_space<hbm>>) dst(%arg21 : memref<10000xf32, #tpu.memory_space<vmem>>)
        tpu.yield
      }) : () -> ()
      "tpu.region"() ({
        %run_scoped3A = tpu.sem_alloc : memref<!tpu.dma_semaphore, #tpu.memory_space<semaphore_mem>>
        %dma_start3A_194 = arith.constant 60000 : i32
        %dma_start3A_195 = tpu.memref_slice %arg6[%dma_start3A_194] : memref<100000xf32, #tpu.memory_space<vmem_shared>> -> memref<10000xf32, #tpu.memory_space<vmem_shared>>
        %dma_start3A_196 = arith.constant 60000 : i32
        %dma_start3A_197 = tpu.memref_slice %arg6[%dma_start3A_196] : memref<100000xf32, #tpu.memory_space<vmem_shared>> -> memref<10000xf32, #tpu.memory_space<vmem_shared>>
        tpu.enqueue_dma source(%arg21 : memref<10000xf32, #tpu.memory_space<vmem>>) target(%dma_start3A_197 : memref<10000xf32, #tpu.memory_space<vmem_shared>>) target_semaphore(%run_scoped3A : memref<!tpu.dma_semaphore, #tpu.memory_space<semaphore_mem>>)
        %dma_wait3A_198 = arith.constant 60000 : i32
        %dma_wait3A_199 = tpu.memref_slice %arg6[%dma_wait3A_198] : memref<100000xf32, #tpu.memory_space<vmem_shared>> -> memref<10000xf32, #tpu.memory_space<vmem_shared>>
        %dma_wait3A_200 = arith.constant 60000 : i32
        %dma_wait3A_201 = tpu.memref_slice %arg6[%dma_wait3A_200] : memref<100000xf32, #tpu.memory_space<vmem_shared>> -> memref<10000xf32, #tpu.memory_space<vmem_shared>>
        tpu.wait_dma2 semaphore(%run_scoped3A : memref<!tpu.dma_semaphore, #tpu.memory_space<semaphore_mem>>) src(%arg21 : memref<10000xf32, #tpu.memory_space<vmem>>) dst(%dma_wait3A_201 : memref<10000xf32, #tpu.memory_space<vmem_shared>>)
        tpu.yield
      }) : () -> ()
    } else {
    }
    %eq3A_33 = arith.constant 7 : i32
    %eq3A_34 = arith.cmpi eq, %arg1, %eq3A_33 : i32
    %convert_element_type3A_35 = arith.extui %eq3A_34 : i1 to i32
    %cond3A_36 = arith.constant 0 : i32
    %cond3A_37 = arith.cmpi ne, %convert_element_type3A_35, %cond3A_36 : i32
    scf.if %cond3A_37 {
      "tpu.region"() ({
        %run_scoped3A = tpu.sem_alloc : memref<!tpu.dma_semaphore, #tpu.memory_space<semaphore_mem>>
        %dma_start3A_194 = arith.constant 70000 : i32
        %dma_start3A_195 = tpu.memref_slice %arg2[%dma_start3A_194] : memref<300000xf32, #tpu.memory_space<hbm>> -> memref<10000xf32, #tpu.memory_space<hbm>>
        %dma_start3A_196 = arith.constant 70000 : i32
        %dma_start3A_197 = tpu.memref_slice %arg2[%dma_start3A_196] : memref<300000xf32, #tpu.memory_space<hbm>> -> memref<10000xf32, #tpu.memory_space<hbm>>
        tpu.enqueue_dma source(%dma_start3A_197 : memref<10000xf32, #tpu.memory_space<hbm>>) target(%arg21 : memref<10000xf32, #tpu.memory_space<vmem>>) target_semaphore(%run_scoped3A : memref<!tpu.dma_semaphore, #tpu.memory_space<semaphore_mem>>)
        %dma_wait3A_198 = arith.constant 70000 : i32
        %dma_wait3A_199 = tpu.memref_slice %arg2[%dma_wait3A_198] : memref<300000xf32, #tpu.memory_space<hbm>> -> memref<10000xf32, #tpu.memory_space<hbm>>
        %dma_wait3A_200 = arith.constant 70000 : i32
        %dma_wait3A_201 = tpu.memref_slice %arg2[%dma_wait3A_200] : memref<300000xf32, #tpu.memory_space<hbm>> -> memref<10000xf32, #tpu.memory_space<hbm>>
        tpu.wait_dma2 semaphore(%run_scoped3A : memref<!tpu.dma_semaphore, #tpu.memory_space<semaphore_mem>>) src(%dma_wait3A_201 : memref<10000xf32, #tpu.memory_space<hbm>>) dst(%arg21 : memref<10000xf32, #tpu.memory_space<vmem>>)
        tpu.yield
      }) : () -> ()
      "tpu.region"() ({
        %run_scoped3A = tpu.sem_alloc : memref<!tpu.dma_semaphore, #tpu.memory_space<semaphore_mem>>
        %dma_start3A_194 = arith.constant 70000 : i32
        %dma_start3A_195 = tpu.memref_slice %arg6[%dma_start3A_194] : memref<100000xf32, #tpu.memory_space<vmem_shared>> -> memref<10000xf32, #tpu.memory_space<vmem_shared>>
        %dma_start3A_196 = arith.constant 70000 : i32
        %dma_start3A_197 = tpu.memref_slice %arg6[%dma_start3A_196] : memref<100000xf32, #tpu.memory_space<vmem_shared>> -> memref<10000xf32, #tpu.memory_space<vmem_shared>>
        tpu.enqueue_dma source(%arg21 : memref<10000xf32, #tpu.memory_space<vmem>>) target(%dma_start3A_197 : memref<10000xf32, #tpu.memory_space<vmem_shared>>) target_semaphore(%run_scoped3A : memref<!tpu.dma_semaphore, #tpu.memory_space<semaphore_mem>>)
        %dma_wait3A_198 = arith.constant 70000 : i32
        %dma_wait3A_199 = tpu.memref_slice %arg6[%dma_wait3A_198] : memref<100000xf32, #tpu.memory_space<vmem_shared>> -> memref<10000xf32, #tpu.memory_space<vmem_shared>>
        %dma_wait3A_200 = arith.constant 70000 : i32
        %dma_wait3A_201 = tpu.memref_slice %arg6[%dma_wait3A_200] : memref<100000xf32, #tpu.memory_space<vmem_shared>> -> memref<10000xf32, #tpu.memory_space<vmem_shared>>
        tpu.wait_dma2 semaphore(%run_scoped3A : memref<!tpu.dma_semaphore, #tpu.memory_space<semaphore_mem>>) src(%arg21 : memref<10000xf32, #tpu.memory_space<vmem>>) dst(%dma_wait3A_201 : memref<10000xf32, #tpu.memory_space<vmem_shared>>)
        tpu.yield
      }) : () -> ()
    } else {
    }
    %eq3A_38 = arith.constant 8 : i32
    %eq3A_39 = arith.cmpi eq, %arg1, %eq3A_38 : i32
    %convert_element_type3A_40 = arith.extui %eq3A_39 : i1 to i32
    %cond3A_41 = arith.constant 0 : i32
    %cond3A_42 = arith.cmpi ne, %convert_element_type3A_40, %cond3A_41 : i32
    scf.if %cond3A_42 {
      "tpu.region"() ({
        %run_scoped3A = tpu.sem_alloc : memref<!tpu.dma_semaphore, #tpu.memory_space<semaphore_mem>>
        %dma_start3A_194 = arith.constant 80000 : i32
        %dma_start3A_195 = tpu.memref_slice %arg2[%dma_start3A_194] : memref<300000xf32, #tpu.memory_space<hbm>> -> memref<10000xf32, #tpu.memory_space<hbm>>
        %dma_start3A_196 = arith.constant 80000 : i32
        %dma_start3A_197 = tpu.memref_slice %arg2[%dma_start3A_196] : memref<300000xf32, #tpu.memory_space<hbm>> -> memref<10000xf32, #tpu.memory_space<hbm>>
        tpu.enqueue_dma source(%dma_start3A_197 : memref<10000xf32, #tpu.memory_space<hbm>>) target(%arg21 : memref<10000xf32, #tpu.memory_space<vmem>>) target_semaphore(%run_scoped3A : memref<!tpu.dma_semaphore, #tpu.memory_space<semaphore_mem>>)
        %dma_wait3A_198 = arith.constant 80000 : i32
        %dma_wait3A_199 = tpu.memref_slice %arg2[%dma_wait3A_198] : memref<300000xf32, #tpu.memory_space<hbm>> -> memref<10000xf32, #tpu.memory_space<hbm>>
        %dma_wait3A_200 = arith.constant 80000 : i32
        %dma_wait3A_201 = tpu.memref_slice %arg2[%dma_wait3A_200] : memref<300000xf32, #tpu.memory_space<hbm>> -> memref<10000xf32, #tpu.memory_space<hbm>>
        tpu.wait_dma2 semaphore(%run_scoped3A : memref<!tpu.dma_semaphore, #tpu.memory_space<semaphore_mem>>) src(%dma_wait3A_201 : memref<10000xf32, #tpu.memory_space<hbm>>) dst(%arg21 : memref<10000xf32, #tpu.memory_space<vmem>>)
        tpu.yield
      }) : () -> ()
      "tpu.region"() ({
        %run_scoped3A = tpu.sem_alloc : memref<!tpu.dma_semaphore, #tpu.memory_space<semaphore_mem>>
        %dma_start3A_194 = arith.constant 80000 : i32
        %dma_start3A_195 = tpu.memref_slice %arg6[%dma_start3A_194] : memref<100000xf32, #tpu.memory_space<vmem_shared>> -> memref<10000xf32, #tpu.memory_space<vmem_shared>>
        %dma_start3A_196 = arith.constant 80000 : i32
        %dma_start3A_197 = tpu.memref_slice %arg6[%dma_start3A_196] : memref<100000xf32, #tpu.memory_space<vmem_shared>> -> memref<10000xf32, #tpu.memory_space<vmem_shared>>
        tpu.enqueue_dma source(%arg21 : memref<10000xf32, #tpu.memory_space<vmem>>) target(%dma_start3A_197 : memref<10000xf32, #tpu.memory_space<vmem_shared>>) target_semaphore(%run_scoped3A : memref<!tpu.dma_semaphore, #tpu.memory_space<semaphore_mem>>)
        %dma_wait3A_198 = arith.constant 80000 : i32
        %dma_wait3A_199 = tpu.memref_slice %arg6[%dma_wait3A_198] : memref<100000xf32, #tpu.memory_space<vmem_shared>> -> memref<10000xf32, #tpu.memory_space<vmem_shared>>
        %dma_wait3A_200 = arith.constant 80000 : i32
        %dma_wait3A_201 = tpu.memref_slice %arg6[%dma_wait3A_200] : memref<100000xf32, #tpu.memory_space<vmem_shared>> -> memref<10000xf32, #tpu.memory_space<vmem_shared>>
        tpu.wait_dma2 semaphore(%run_scoped3A : memref<!tpu.dma_semaphore, #tpu.memory_space<semaphore_mem>>) src(%arg21 : memref<10000xf32, #tpu.memory_space<vmem>>) dst(%dma_wait3A_201 : memref<10000xf32, #tpu.memory_space<vmem_shared>>)
        tpu.yield
      }) : () -> ()
    } else {
    }
    %eq3A_43 = arith.constant 9 : i32
    %eq3A_44 = arith.cmpi eq, %arg1, %eq3A_43 : i32
    %convert_element_type3A_45 = arith.extui %eq3A_44 : i1 to i32
    %cond3A_46 = arith.constant 0 : i32
    %cond3A_47 = arith.cmpi ne, %convert_element_type3A_45, %cond3A_46 : i32
    scf.if %cond3A_47 {
      "tpu.region"() ({
        %run_scoped3A = tpu.sem_alloc : memref<!tpu.dma_semaphore, #tpu.memory_space<semaphore_mem>>
        %dma_start3A_194 = arith.constant 90000 : i32
        %dma_start3A_195 = tpu.memref_slice %arg2[%dma_start3A_194] : memref<300000xf32, #tpu.memory_space<hbm>> -> memref<10000xf32, #tpu.memory_space<hbm>>
        %dma_start3A_196 = arith.constant 90000 : i32
        %dma_start3A_197 = tpu.memref_slice %arg2[%dma_start3A_196] : memref<300000xf32, #tpu.memory_space<hbm>> -> memref<10000xf32, #tpu.memory_space<hbm>>
        tpu.enqueue_dma source(%dma_start3A_197 : memref<10000xf32, #tpu.memory_space<hbm>>) target(%arg21 : memref<10000xf32, #tpu.memory_space<vmem>>) target_semaphore(%run_scoped3A : memref<!tpu.dma_semaphore, #tpu.memory_space<semaphore_mem>>)
        %dma_wait3A_198 = arith.constant 90000 : i32
        %dma_wait3A_199 = tpu.memref_slice %arg2[%dma_wait3A_198] : memref<300000xf32, #tpu.memory_space<hbm>> -> memref<10000xf32, #tpu.memory_space<hbm>>
        %dma_wait3A_200 = arith.constant 90000 : i32
        %dma_wait3A_201 = tpu.memref_slice %arg2[%dma_wait3A_200] : memref<300000xf32, #tpu.memory_space<hbm>> -> memref<10000xf32, #tpu.memory_space<hbm>>
        tpu.wait_dma2 semaphore(%run_scoped3A : memref<!tpu.dma_semaphore, #tpu.memory_space<semaphore_mem>>) src(%dma_wait3A_201 : memref<10000xf32, #tpu.memory_space<hbm>>) dst(%arg21 : memref<10000xf32, #tpu.memory_space<vmem>>)
        tpu.yield
      }) : () -> ()
      "tpu.region"() ({
        %run_scoped3A = tpu.sem_alloc : memref<!tpu.dma_semaphore, #tpu.memory_space<semaphore_mem>>
        %dma_start3A_194 = arith.constant 90000 : i32
        %dma_start3A_195 = tpu.memref_slice %arg6[%dma_start3A_194] : memref<100000xf32, #tpu.memory_space<vmem_shared>> -> memref<10000xf32, #tpu.memory_space<vmem_shared>>
        %dma_start3A_196 = arith.constant 90000 : i32
        %dma_start3A_197 = tpu.memref_slice %arg6[%dma_start3A_196] : memref<100000xf32, #tpu.memory_space<vmem_shared>> -> memref<10000xf32, #tpu.memory_space<vmem_shared>>
        tpu.enqueue_dma source(%arg21 : memref<10000xf32, #tpu.memory_space<vmem>>) target(%dma_start3A_197 : memref<10000xf32, #tpu.memory_space<vmem_shared>>) target_semaphore(%run_scoped3A : memref<!tpu.dma_semaphore, #tpu.memory_space<semaphore_mem>>)
        %dma_wait3A_198 = arith.constant 90000 : i32
        %dma_wait3A_199 = tpu.memref_slice %arg6[%dma_wait3A_198] : memref<100000xf32, #tpu.memory_space<vmem_shared>> -> memref<10000xf32, #tpu.memory_space<vmem_shared>>
        %dma_wait3A_200 = arith.constant 90000 : i32
        %dma_wait3A_201 = tpu.memref_slice %arg6[%dma_wait3A_200] : memref<100000xf32, #tpu.memory_space<vmem_shared>> -> memref<10000xf32, #tpu.memory_space<vmem_shared>>
        tpu.wait_dma2 semaphore(%run_scoped3A : memref<!tpu.dma_semaphore, #tpu.memory_space<semaphore_mem>>) src(%arg21 : memref<10000xf32, #tpu.memory_space<vmem>>) dst(%dma_wait3A_201 : memref<10000xf32, #tpu.memory_space<vmem_shared>>)
        tpu.yield
      }) : () -> ()
    } else {
    }
    %eq3A_48 = arith.constant 10 : i32
    %eq3A_49 = arith.cmpi eq, %arg1, %eq3A_48 : i32
    %convert_element_type3A_50 = arith.extui %eq3A_49 : i1 to i32
    %cond3A_51 = arith.constant 0 : i32
    %cond3A_52 = arith.cmpi ne, %convert_element_type3A_50, %cond3A_51 : i32
    scf.if %cond3A_52 {
      "tpu.region"() ({
        %run_scoped3A = tpu.sem_alloc : memref<!tpu.dma_semaphore, #tpu.memory_space<semaphore_mem>>
        %dma_start3A_194 = arith.constant 100000 : i32
        %dma_start3A_195 = tpu.memref_slice %arg2[%dma_start3A_194] : memref<300000xf32, #tpu.memory_space<hbm>> -> memref<10000xf32, #tpu.memory_space<hbm>>
        %dma_start3A_196 = arith.constant 100000 : i32
        %dma_start3A_197 = tpu.memref_slice %arg2[%dma_start3A_196] : memref<300000xf32, #tpu.memory_space<hbm>> -> memref<10000xf32, #tpu.memory_space<hbm>>
        tpu.enqueue_dma source(%dma_start3A_197 : memref<10000xf32, #tpu.memory_space<hbm>>) target(%arg21 : memref<10000xf32, #tpu.memory_space<vmem>>) target_semaphore(%run_scoped3A : memref<!tpu.dma_semaphore, #tpu.memory_space<semaphore_mem>>)
        %dma_wait3A_198 = arith.constant 100000 : i32
        %dma_wait3A_199 = tpu.memref_slice %arg2[%dma_wait3A_198] : memref<300000xf32, #tpu.memory_space<hbm>> -> memref<10000xf32, #tpu.memory_space<hbm>>
        %dma_wait3A_200 = arith.constant 100000 : i32
        %dma_wait3A_201 = tpu.memref_slice %arg2[%dma_wait3A_200] : memref<300000xf32, #tpu.memory_space<hbm>> -> memref<10000xf32, #tpu.memory_space<hbm>>
        tpu.wait_dma2 semaphore(%run_scoped3A : memref<!tpu.dma_semaphore, #tpu.memory_space<semaphore_mem>>) src(%dma_wait3A_201 : memref<10000xf32, #tpu.memory_space<hbm>>) dst(%arg21 : memref<10000xf32, #tpu.memory_space<vmem>>)
        tpu.yield
      }) : () -> ()
      "tpu.region"() ({
        %run_scoped3A = tpu.sem_alloc : memref<!tpu.dma_semaphore, #tpu.memory_space<semaphore_mem>>
        %dma_start3A_194 = arith.constant 0 : i32
        %dma_start3A_195 = tpu.memref_slice %arg7[%dma_start3A_194] : memref<100000xf32, #tpu.memory_space<vmem_shared>> -> memref<10000xf32, #tpu.memory_space<vmem_shared>>
        %dma_start3A_196 = arith.constant 0 : i32
        %dma_start3A_197 = tpu.memref_slice %arg7[%dma_start3A_196] : memref<100000xf32, #tpu.memory_space<vmem_shared>> -> memref<10000xf32, #tpu.memory_space<vmem_shared>>
        tpu.enqueue_dma source(%arg21 : memref<10000xf32, #tpu.memory_space<vmem>>) target(%dma_start3A_197 : memref<10000xf32, #tpu.memory_space<vmem_shared>>) target_semaphore(%run_scoped3A : memref<!tpu.dma_semaphore, #tpu.memory_space<semaphore_mem>>)
        %dma_wait3A_198 = arith.constant 0 : i32
        %dma_wait3A_199 = tpu.memref_slice %arg7[%dma_wait3A_198] : memref<100000xf32, #tpu.memory_space<vmem_shared>> -> memref<10000xf32, #tpu.memory_space<vmem_shared>>
        %dma_wait3A_200 = arith.constant 0 : i32
        %dma_wait3A_201 = tpu.memref_slice %arg7[%dma_wait3A_200] : memref<100000xf32, #tpu.memory_space<vmem_shared>> -> memref<10000xf32, #tpu.memory_space<vmem_shared>>
        tpu.wait_dma2 semaphore(%run_scoped3A : memref<!tpu.dma_semaphore, #tpu.memory_space<semaphore_mem>>) src(%arg21 : memref<10000xf32, #tpu.memory_space<vmem>>) dst(%dma_wait3A_201 : memref<10000xf32, #tpu.memory_space<vmem_shared>>)
        tpu.yield
      }) : () -> ()
    } else {
    }
    %eq3A_53 = arith.constant 11 : i32
    %eq3A_54 = arith.cmpi eq, %arg1, %eq3A_53 : i32
    %convert_element_type3A_55 = arith.extui %eq3A_54 : i1 to i32
    %cond3A_56 = arith.constant 0 : i32
    %cond3A_57 = arith.cmpi ne, %convert_element_type3A_55, %cond3A_56 : i32
    scf.if %cond3A_57 {
      "tpu.region"() ({
        %run_scoped3A = tpu.sem_alloc : memref<!tpu.dma_semaphore, #tpu.memory_space<semaphore_mem>>
        %dma_start3A_194 = arith.constant 110000 : i32
        %dma_start3A_195 = tpu.memref_slice %arg2[%dma_start3A_194] : memref<300000xf32, #tpu.memory_space<hbm>> -> memref<10000xf32, #tpu.memory_space<hbm>>
        %dma_start3A_196 = arith.constant 110000 : i32
        %dma_start3A_197 = tpu.memref_slice %arg2[%dma_start3A_196] : memref<300000xf32, #tpu.memory_space<hbm>> -> memref<10000xf32, #tpu.memory_space<hbm>>
        tpu.enqueue_dma source(%dma_start3A_197 : memref<10000xf32, #tpu.memory_space<hbm>>) target(%arg21 : memref<10000xf32, #tpu.memory_space<vmem>>) target_semaphore(%run_scoped3A : memref<!tpu.dma_semaphore, #tpu.memory_space<semaphore_mem>>)
        %dma_wait3A_198 = arith.constant 110000 : i32
        %dma_wait3A_199 = tpu.memref_slice %arg2[%dma_wait3A_198] : memref<300000xf32, #tpu.memory_space<hbm>> -> memref<10000xf32, #tpu.memory_space<hbm>>
        %dma_wait3A_200 = arith.constant 110000 : i32
        %dma_wait3A_201 = tpu.memref_slice %arg2[%dma_wait3A_200] : memref<300000xf32, #tpu.memory_space<hbm>> -> memref<10000xf32, #tpu.memory_space<hbm>>
        tpu.wait_dma2 semaphore(%run_scoped3A : memref<!tpu.dma_semaphore, #tpu.memory_space<semaphore_mem>>) src(%dma_wait3A_201 : memref<10000xf32, #tpu.memory_space<hbm>>) dst(%arg21 : memref<10000xf32, #tpu.memory_space<vmem>>)
        tpu.yield
      }) : () -> ()
      "tpu.region"() ({
        %run_scoped3A = tpu.sem_alloc : memref<!tpu.dma_semaphore, #tpu.memory_space<semaphore_mem>>
        %dma_start3A_194 = arith.constant 10000 : i32
        %dma_start3A_195 = tpu.memref_slice %arg7[%dma_start3A_194] : memref<100000xf32, #tpu.memory_space<vmem_shared>> -> memref<10000xf32, #tpu.memory_space<vmem_shared>>
        %dma_start3A_196 = arith.constant 10000 : i32
        %dma_start3A_197 = tpu.memref_slice %arg7[%dma_start3A_196] : memref<100000xf32, #tpu.memory_space<vmem_shared>> -> memref<10000xf32, #tpu.memory_space<vmem_shared>>
        tpu.enqueue_dma source(%arg21 : memref<10000xf32, #tpu.memory_space<vmem>>) target(%dma_start3A_197 : memref<10000xf32, #tpu.memory_space<vmem_shared>>) target_semaphore(%run_scoped3A : memref<!tpu.dma_semaphore, #tpu.memory_space<semaphore_mem>>)
        %dma_wait3A_198 = arith.constant 10000 : i32
        %dma_wait3A_199 = tpu.memref_slice %arg7[%dma_wait3A_198] : memref<100000xf32, #tpu.memory_space<vmem_shared>> -> memref<10000xf32, #tpu.memory_space<vmem_shared>>
        %dma_wait3A_200 = arith.constant 10000 : i32
        %dma_wait3A_201 = tpu.memref_slice %arg7[%dma_wait3A_200] : memref<100000xf32, #tpu.memory_space<vmem_shared>> -> memref<10000xf32, #tpu.memory_space<vmem_shared>>
        tpu.wait_dma2 semaphore(%run_scoped3A : memref<!tpu.dma_semaphore, #tpu.memory_space<semaphore_mem>>) src(%arg21 : memref<10000xf32, #tpu.memory_space<vmem>>) dst(%dma_wait3A_201 : memref<10000xf32, #tpu.memory_space<vmem_shared>>)
        tpu.yield
      }) : () -> ()
    } else {
    }
    %eq3A_58 = arith.constant 12 : i32
    %eq3A_59 = arith.cmpi eq, %arg1, %eq3A_58 : i32
    %convert_element_type3A_60 = arith.extui %eq3A_59 : i1 to i32
    %cond3A_61 = arith.constant 0 : i32
    %cond3A_62 = arith.cmpi ne, %convert_element_type3A_60, %cond3A_61 : i32
    scf.if %cond3A_62 {
      "tpu.region"() ({
        %run_scoped3A = tpu.sem_alloc : memref<!tpu.dma_semaphore, #tpu.memory_space<semaphore_mem>>
        %dma_start3A_194 = arith.constant 120000 : i32
        %dma_start3A_195 = tpu.memref_slice %arg2[%dma_start3A_194] : memref<300000xf32, #tpu.memory_space<hbm>> -> memref<10000xf32, #tpu.memory_space<hbm>>
        %dma_start3A_196 = arith.constant 120000 : i32
        %dma_start3A_197 = tpu.memref_slice %arg2[%dma_start3A_196] : memref<300000xf32, #tpu.memory_space<hbm>> -> memref<10000xf32, #tpu.memory_space<hbm>>
        tpu.enqueue_dma source(%dma_start3A_197 : memref<10000xf32, #tpu.memory_space<hbm>>) target(%arg21 : memref<10000xf32, #tpu.memory_space<vmem>>) target_semaphore(%run_scoped3A : memref<!tpu.dma_semaphore, #tpu.memory_space<semaphore_mem>>)
        %dma_wait3A_198 = arith.constant 120000 : i32
        %dma_wait3A_199 = tpu.memref_slice %arg2[%dma_wait3A_198] : memref<300000xf32, #tpu.memory_space<hbm>> -> memref<10000xf32, #tpu.memory_space<hbm>>
        %dma_wait3A_200 = arith.constant 120000 : i32
        %dma_wait3A_201 = tpu.memref_slice %arg2[%dma_wait3A_200] : memref<300000xf32, #tpu.memory_space<hbm>> -> memref<10000xf32, #tpu.memory_space<hbm>>
        tpu.wait_dma2 semaphore(%run_scoped3A : memref<!tpu.dma_semaphore, #tpu.memory_space<semaphore_mem>>) src(%dma_wait3A_201 : memref<10000xf32, #tpu.memory_space<hbm>>) dst(%arg21 : memref<10000xf32, #tpu.memory_space<vmem>>)
        tpu.yield
      }) : () -> ()
      "tpu.region"() ({
        %run_scoped3A = tpu.sem_alloc : memref<!tpu.dma_semaphore, #tpu.memory_space<semaphore_mem>>
        %dma_start3A_194 = arith.constant 20000 : i32
        %dma_start3A_195 = tpu.memref_slice %arg7[%dma_start3A_194] : memref<100000xf32, #tpu.memory_space<vmem_shared>> -> memref<10000xf32, #tpu.memory_space<vmem_shared>>
        %dma_start3A_196 = arith.constant 20000 : i32
        %dma_start3A_197 = tpu.memref_slice %arg7[%dma_start3A_196] : memref<100000xf32, #tpu.memory_space<vmem_shared>> -> memref<10000xf32, #tpu.memory_space<vmem_shared>>
        tpu.enqueue_dma source(%arg21 : memref<10000xf32, #tpu.memory_space<vmem>>) target(%dma_start3A_197 : memref<10000xf32, #tpu.memory_space<vmem_shared>>) target_semaphore(%run_scoped3A : memref<!tpu.dma_semaphore, #tpu.memory_space<semaphore_mem>>)
        %dma_wait3A_198 = arith.constant 20000 : i32
        %dma_wait3A_199 = tpu.memref_slice %arg7[%dma_wait3A_198] : memref<100000xf32, #tpu.memory_space<vmem_shared>> -> memref<10000xf32, #tpu.memory_space<vmem_shared>>
        %dma_wait3A_200 = arith.constant 20000 : i32
        %dma_wait3A_201 = tpu.memref_slice %arg7[%dma_wait3A_200] : memref<100000xf32, #tpu.memory_space<vmem_shared>> -> memref<10000xf32, #tpu.memory_space<vmem_shared>>
        tpu.wait_dma2 semaphore(%run_scoped3A : memref<!tpu.dma_semaphore, #tpu.memory_space<semaphore_mem>>) src(%arg21 : memref<10000xf32, #tpu.memory_space<vmem>>) dst(%dma_wait3A_201 : memref<10000xf32, #tpu.memory_space<vmem_shared>>)
        tpu.yield
      }) : () -> ()
    } else {
    }
    %eq3A_63 = arith.constant 13 : i32
    %eq3A_64 = arith.cmpi eq, %arg1, %eq3A_63 : i32
    %convert_element_type3A_65 = arith.extui %eq3A_64 : i1 to i32
    %cond3A_66 = arith.constant 0 : i32
    %cond3A_67 = arith.cmpi ne, %convert_element_type3A_65, %cond3A_66 : i32
    scf.if %cond3A_67 {
      "tpu.region"() ({
        %run_scoped3A = tpu.sem_alloc : memref<!tpu.dma_semaphore, #tpu.memory_space<semaphore_mem>>
        %dma_start3A_194 = arith.constant 130000 : i32
        %dma_start3A_195 = tpu.memref_slice %arg2[%dma_start3A_194] : memref<300000xf32, #tpu.memory_space<hbm>> -> memref<10000xf32, #tpu.memory_space<hbm>>
        %dma_start3A_196 = arith.constant 130000 : i32
        %dma_start3A_197 = tpu.memref_slice %arg2[%dma_start3A_196] : memref<300000xf32, #tpu.memory_space<hbm>> -> memref<10000xf32, #tpu.memory_space<hbm>>
        tpu.enqueue_dma source(%dma_start3A_197 : memref<10000xf32, #tpu.memory_space<hbm>>) target(%arg21 : memref<10000xf32, #tpu.memory_space<vmem>>) target_semaphore(%run_scoped3A : memref<!tpu.dma_semaphore, #tpu.memory_space<semaphore_mem>>)
        %dma_wait3A_198 = arith.constant 130000 : i32
        %dma_wait3A_199 = tpu.memref_slice %arg2[%dma_wait3A_198] : memref<300000xf32, #tpu.memory_space<hbm>> -> memref<10000xf32, #tpu.memory_space<hbm>>
        %dma_wait3A_200 = arith.constant 130000 : i32
        %dma_wait3A_201 = tpu.memref_slice %arg2[%dma_wait3A_200] : memref<300000xf32, #tpu.memory_space<hbm>> -> memref<10000xf32, #tpu.memory_space<hbm>>
        tpu.wait_dma2 semaphore(%run_scoped3A : memref<!tpu.dma_semaphore, #tpu.memory_space<semaphore_mem>>) src(%dma_wait3A_201 : memref<10000xf32, #tpu.memory_space<hbm>>) dst(%arg21 : memref<10000xf32, #tpu.memory_space<vmem>>)
        tpu.yield
      }) : () -> ()
      "tpu.region"() ({
        %run_scoped3A = tpu.sem_alloc : memref<!tpu.dma_semaphore, #tpu.memory_space<semaphore_mem>>
        %dma_start3A_194 = arith.constant 30000 : i32
        %dma_start3A_195 = tpu.memref_slice %arg7[%dma_start3A_194] : memref<100000xf32, #tpu.memory_space<vmem_shared>> -> memref<10000xf32, #tpu.memory_space<vmem_shared>>
        %dma_start3A_196 = arith.constant 30000 : i32
        %dma_start3A_197 = tpu.memref_slice %arg7[%dma_start3A_196] : memref<100000xf32, #tpu.memory_space<vmem_shared>> -> memref<10000xf32, #tpu.memory_space<vmem_shared>>
        tpu.enqueue_dma source(%arg21 : memref<10000xf32, #tpu.memory_space<vmem>>) target(%dma_start3A_197 : memref<10000xf32, #tpu.memory_space<vmem_shared>>) target_semaphore(%run_scoped3A : memref<!tpu.dma_semaphore, #tpu.memory_space<semaphore_mem>>)
        %dma_wait3A_198 = arith.constant 30000 : i32
        %dma_wait3A_199 = tpu.memref_slice %arg7[%dma_wait3A_198] : memref<100000xf32, #tpu.memory_space<vmem_shared>> -> memref<10000xf32, #tpu.memory_space<vmem_shared>>
        %dma_wait3A_200 = arith.constant 30000 : i32
        %dma_wait3A_201 = tpu.memref_slice %arg7[%dma_wait3A_200] : memref<100000xf32, #tpu.memory_space<vmem_shared>> -> memref<10000xf32, #tpu.memory_space<vmem_shared>>
        tpu.wait_dma2 semaphore(%run_scoped3A : memref<!tpu.dma_semaphore, #tpu.memory_space<semaphore_mem>>) src(%arg21 : memref<10000xf32, #tpu.memory_space<vmem>>) dst(%dma_wait3A_201 : memref<10000xf32, #tpu.memory_space<vmem_shared>>)
        tpu.yield
      }) : () -> ()
    } else {
    }
    %eq3A_68 = arith.constant 14 : i32
    %eq3A_69 = arith.cmpi eq, %arg1, %eq3A_68 : i32
    %convert_element_type3A_70 = arith.extui %eq3A_69 : i1 to i32
    %cond3A_71 = arith.constant 0 : i32
    %cond3A_72 = arith.cmpi ne, %convert_element_type3A_70, %cond3A_71 : i32
    scf.if %cond3A_72 {
      "tpu.region"() ({
        %run_scoped3A = tpu.sem_alloc : memref<!tpu.dma_semaphore, #tpu.memory_space<semaphore_mem>>
        %dma_start3A_194 = arith.constant 140000 : i32
        %dma_start3A_195 = tpu.memref_slice %arg2[%dma_start3A_194] : memref<300000xf32, #tpu.memory_space<hbm>> -> memref<10000xf32, #tpu.memory_space<hbm>>
        %dma_start3A_196 = arith.constant 140000 : i32
        %dma_start3A_197 = tpu.memref_slice %arg2[%dma_start3A_196] : memref<300000xf32, #tpu.memory_space<hbm>> -> memref<10000xf32, #tpu.memory_space<hbm>>
        tpu.enqueue_dma source(%dma_start3A_197 : memref<10000xf32, #tpu.memory_space<hbm>>) target(%arg21 : memref<10000xf32, #tpu.memory_space<vmem>>) target_semaphore(%run_scoped3A : memref<!tpu.dma_semaphore, #tpu.memory_space<semaphore_mem>>)
        %dma_wait3A_198 = arith.constant 140000 : i32
        %dma_wait3A_199 = tpu.memref_slice %arg2[%dma_wait3A_198] : memref<300000xf32, #tpu.memory_space<hbm>> -> memref<10000xf32, #tpu.memory_space<hbm>>
        %dma_wait3A_200 = arith.constant 140000 : i32
        %dma_wait3A_201 = tpu.memref_slice %arg2[%dma_wait3A_200] : memref<300000xf32, #tpu.memory_space<hbm>> -> memref<10000xf32, #tpu.memory_space<hbm>>
        tpu.wait_dma2 semaphore(%run_scoped3A : memref<!tpu.dma_semaphore, #tpu.memory_space<semaphore_mem>>) src(%dma_wait3A_201 : memref<10000xf32, #tpu.memory_space<hbm>>) dst(%arg21 : memref<10000xf32, #tpu.memory_space<vmem>>)
        tpu.yield
      }) : () -> ()
      "tpu.region"() ({
        %run_scoped3A = tpu.sem_alloc : memref<!tpu.dma_semaphore, #tpu.memory_space<semaphore_mem>>
        %dma_start3A_194 = arith.constant 40000 : i32
        %dma_start3A_195 = tpu.memref_slice %arg7[%dma_start3A_194] : memref<100000xf32, #tpu.memory_space<vmem_shared>> -> memref<10000xf32, #tpu.memory_space<vmem_shared>>
        %dma_start3A_196 = arith.constant 40000 : i32
        %dma_start3A_197 = tpu.memref_slice %arg7[%dma_start3A_196] : memref<100000xf32, #tpu.memory_space<vmem_shared>> -> memref<10000xf32, #tpu.memory_space<vmem_shared>>
        tpu.enqueue_dma source(%arg21 : memref<10000xf32, #tpu.memory_space<vmem>>) target(%dma_start3A_197 : memref<10000xf32, #tpu.memory_space<vmem_shared>>) target_semaphore(%run_scoped3A : memref<!tpu.dma_semaphore, #tpu.memory_space<semaphore_mem>>)
        %dma_wait3A_198 = arith.constant 40000 : i32
        %dma_wait3A_199 = tpu.memref_slice %arg7[%dma_wait3A_198] : memref<100000xf32, #tpu.memory_space<vmem_shared>> -> memref<10000xf32, #tpu.memory_space<vmem_shared>>
        %dma_wait3A_200 = arith.constant 40000 : i32
        %dma_wait3A_201 = tpu.memref_slice %arg7[%dma_wait3A_200] : memref<100000xf32, #tpu.memory_space<vmem_shared>> -> memref<10000xf32, #tpu.memory_space<vmem_shared>>
        tpu.wait_dma2 semaphore(%run_scoped3A : memref<!tpu.dma_semaphore, #tpu.memory_space<semaphore_mem>>) src(%arg21 : memref<10000xf32, #tpu.memory_space<vmem>>) dst(%dma_wait3A_201 : memref<10000xf32, #tpu.memory_space<vmem_shared>>)
        tpu.yield
      }) : () -> ()
    } else {
    }
    %eq3A_73 = arith.constant 15 : i32
    %eq3A_74 = arith.cmpi eq, %arg1, %eq3A_73 : i32
    %convert_element_type3A_75 = arith.extui %eq3A_74 : i1 to i32
    %cond3A_76 = arith.constant 0 : i32
    %cond3A_77 = arith.cmpi ne, %convert_element_type3A_75, %cond3A_76 : i32
    scf.if %cond3A_77 {
      "tpu.region"() ({
        %run_scoped3A = tpu.sem_alloc : memref<!tpu.dma_semaphore, #tpu.memory_space<semaphore_mem>>
        %dma_start3A_194 = arith.constant 150000 : i32
        %dma_start3A_195 = tpu.memref_slice %arg2[%dma_start3A_194] : memref<300000xf32, #tpu.memory_space<hbm>> -> memref<10000xf32, #tpu.memory_space<hbm>>
        %dma_start3A_196 = arith.constant 150000 : i32
        %dma_start3A_197 = tpu.memref_slice %arg2[%dma_start3A_196] : memref<300000xf32, #tpu.memory_space<hbm>> -> memref<10000xf32, #tpu.memory_space<hbm>>
        tpu.enqueue_dma source(%dma_start3A_197 : memref<10000xf32, #tpu.memory_space<hbm>>) target(%arg21 : memref<10000xf32, #tpu.memory_space<vmem>>) target_semaphore(%run_scoped3A : memref<!tpu.dma_semaphore, #tpu.memory_space<semaphore_mem>>)
        %dma_wait3A_198 = arith.constant 150000 : i32
        %dma_wait3A_199 = tpu.memref_slice %arg2[%dma_wait3A_198] : memref<300000xf32, #tpu.memory_space<hbm>> -> memref<10000xf32, #tpu.memory_space<hbm>>
        %dma_wait3A_200 = arith.constant 150000 : i32
        %dma_wait3A_201 = tpu.memref_slice %arg2[%dma_wait3A_200] : memref<300000xf32, #tpu.memory_space<hbm>> -> memref<10000xf32, #tpu.memory_space<hbm>>
        tpu.wait_dma2 semaphore(%run_scoped3A : memref<!tpu.dma_semaphore, #tpu.memory_space<semaphore_mem>>) src(%dma_wait3A_201 : memref<10000xf32, #tpu.memory_space<hbm>>) dst(%arg21 : memref<10000xf32, #tpu.memory_space<vmem>>)
        tpu.yield
      }) : () -> ()
      "tpu.region"() ({
        %run_scoped3A = tpu.sem_alloc : memref<!tpu.dma_semaphore, #tpu.memory_space<semaphore_mem>>
        %dma_start3A_194 = arith.constant 50000 : i32
        %dma_start3A_195 = tpu.memref_slice %arg7[%dma_start3A_194] : memref<100000xf32, #tpu.memory_space<vmem_shared>> -> memref<10000xf32, #tpu.memory_space<vmem_shared>>
        %dma_start3A_196 = arith.constant 50000 : i32
        %dma_start3A_197 = tpu.memref_slice %arg7[%dma_start3A_196] : memref<100000xf32, #tpu.memory_space<vmem_shared>> -> memref<10000xf32, #tpu.memory_space<vmem_shared>>
        tpu.enqueue_dma source(%arg21 : memref<10000xf32, #tpu.memory_space<vmem>>) target(%dma_start3A_197 : memref<10000xf32, #tpu.memory_space<vmem_shared>>) target_semaphore(%run_scoped3A : memref<!tpu.dma_semaphore, #tpu.memory_space<semaphore_mem>>)
        %dma_wait3A_198 = arith.constant 50000 : i32
        %dma_wait3A_199 = tpu.memref_slice %arg7[%dma_wait3A_198] : memref<100000xf32, #tpu.memory_space<vmem_shared>> -> memref<10000xf32, #tpu.memory_space<vmem_shared>>
        %dma_wait3A_200 = arith.constant 50000 : i32
        %dma_wait3A_201 = tpu.memref_slice %arg7[%dma_wait3A_200] : memref<100000xf32, #tpu.memory_space<vmem_shared>> -> memref<10000xf32, #tpu.memory_space<vmem_shared>>
        tpu.wait_dma2 semaphore(%run_scoped3A : memref<!tpu.dma_semaphore, #tpu.memory_space<semaphore_mem>>) src(%arg21 : memref<10000xf32, #tpu.memory_space<vmem>>) dst(%dma_wait3A_201 : memref<10000xf32, #tpu.memory_space<vmem_shared>>)
        tpu.yield
      }) : () -> ()
    } else {
    }
    %eq3A_78 = arith.constant 0 : i32
    %eq3A_79 = arith.cmpi eq, %arg1, %eq3A_78 : i32
    %convert_element_type3A_80 = arith.extui %eq3A_79 : i1 to i32
    %cond3A_81 = arith.constant 0 : i32
    %cond3A_82 = arith.cmpi ne, %convert_element_type3A_80, %cond3A_81 : i32
    scf.if %cond3A_82 {
      "tpu.region"() ({
        %run_scoped3A = tpu.sem_alloc : memref<!tpu.dma_semaphore, #tpu.memory_space<semaphore_mem>>
        %dma_start3A_194 = arith.constant 160000 : i32
        %dma_start3A_195 = tpu.memref_slice %arg2[%dma_start3A_194] : memref<300000xf32, #tpu.memory_space<hbm>> -> memref<10000xf32, #tpu.memory_space<hbm>>
        %dma_start3A_196 = arith.constant 160000 : i32
        %dma_start3A_197 = tpu.memref_slice %arg2[%dma_start3A_196] : memref<300000xf32, #tpu.memory_space<hbm>> -> memref<10000xf32, #tpu.memory_space<hbm>>
        tpu.enqueue_dma source(%dma_start3A_197 : memref<10000xf32, #tpu.memory_space<hbm>>) target(%arg21 : memref<10000xf32, #tpu.memory_space<vmem>>) target_semaphore(%run_scoped3A : memref<!tpu.dma_semaphore, #tpu.memory_space<semaphore_mem>>)
        %dma_wait3A_198 = arith.constant 160000 : i32
        %dma_wait3A_199 = tpu.memref_slice %arg2[%dma_wait3A_198] : memref<300000xf32, #tpu.memory_space<hbm>> -> memref<10000xf32, #tpu.memory_space<hbm>>
        %dma_wait3A_200 = arith.constant 160000 : i32
        %dma_wait3A_201 = tpu.memref_slice %arg2[%dma_wait3A_200] : memref<300000xf32, #tpu.memory_space<hbm>> -> memref<10000xf32, #tpu.memory_space<hbm>>
        tpu.wait_dma2 semaphore(%run_scoped3A : memref<!tpu.dma_semaphore, #tpu.memory_space<semaphore_mem>>) src(%dma_wait3A_201 : memref<10000xf32, #tpu.memory_space<hbm>>) dst(%arg21 : memref<10000xf32, #tpu.memory_space<vmem>>)
        tpu.yield
      }) : () -> ()
      "tpu.region"() ({
        %run_scoped3A = tpu.sem_alloc : memref<!tpu.dma_semaphore, #tpu.memory_space<semaphore_mem>>
        %dma_start3A_194 = arith.constant 60000 : i32
        %dma_start3A_195 = tpu.memref_slice %arg7[%dma_start3A_194] : memref<100000xf32, #tpu.memory_space<vmem_shared>> -> memref<10000xf32, #tpu.memory_space<vmem_shared>>
        %dma_start3A_196 = arith.constant 60000 : i32
        %dma_start3A_197 = tpu.memref_slice %arg7[%dma_start3A_196] : memref<100000xf32, #tpu.memory_space<vmem_shared>> -> memref<10000xf32, #tpu.memory_space<vmem_shared>>
        tpu.enqueue_dma source(%arg21 : memref<10000xf32, #tpu.memory_space<vmem>>) target(%dma_start3A_197 : memref<10000xf32, #tpu.memory_space<vmem_shared>>) target_semaphore(%run_scoped3A : memref<!tpu.dma_semaphore, #tpu.memory_space<semaphore_mem>>)
        %dma_wait3A_198 = arith.constant 60000 : i32
        %dma_wait3A_199 = tpu.memref_slice %arg7[%dma_wait3A_198] : memref<100000xf32, #tpu.memory_space<vmem_shared>> -> memref<10000xf32, #tpu.memory_space<vmem_shared>>
        %dma_wait3A_200 = arith.constant 60000 : i32
        %dma_wait3A_201 = tpu.memref_slice %arg7[%dma_wait3A_200] : memref<100000xf32, #tpu.memory_space<vmem_shared>> -> memref<10000xf32, #tpu.memory_space<vmem_shared>>
        tpu.wait_dma2 semaphore(%run_scoped3A : memref<!tpu.dma_semaphore, #tpu.memory_space<semaphore_mem>>) src(%arg21 : memref<10000xf32, #tpu.memory_space<vmem>>) dst(%dma_wait3A_201 : memref<10000xf32, #tpu.memory_space<vmem_shared>>)
        tpu.yield
      }) : () -> ()
    } else {
    }
    %eq3A_83 = arith.constant 1 : i32
    %eq3A_84 = arith.cmpi eq, %arg1, %eq3A_83 : i32
    %convert_element_type3A_85 = arith.extui %eq3A_84 : i1 to i32
    %cond3A_86 = arith.constant 0 : i32
    %cond3A_87 = arith.cmpi ne, %convert_element_type3A_85, %cond3A_86 : i32
    scf.if %cond3A_87 {
      "tpu.region"() ({
        %run_scoped3A = tpu.sem_alloc : memref<!tpu.dma_semaphore, #tpu.memory_space<semaphore_mem>>
        %dma_start3A_194 = arith.constant 170000 : i32
        %dma_start3A_195 = tpu.memref_slice %arg2[%dma_start3A_194] : memref<300000xf32, #tpu.memory_space<hbm>> -> memref<10000xf32, #tpu.memory_space<hbm>>
        %dma_start3A_196 = arith.constant 170000 : i32
        %dma_start3A_197 = tpu.memref_slice %arg2[%dma_start3A_196] : memref<300000xf32, #tpu.memory_space<hbm>> -> memref<10000xf32, #tpu.memory_space<hbm>>
        tpu.enqueue_dma source(%dma_start3A_197 : memref<10000xf32, #tpu.memory_space<hbm>>) target(%arg21 : memref<10000xf32, #tpu.memory_space<vmem>>) target_semaphore(%run_scoped3A : memref<!tpu.dma_semaphore, #tpu.memory_space<semaphore_mem>>)
        %dma_wait3A_198 = arith.constant 170000 : i32
        %dma_wait3A_199 = tpu.memref_slice %arg2[%dma_wait3A_198] : memref<300000xf32, #tpu.memory_space<hbm>> -> memref<10000xf32, #tpu.memory_space<hbm>>
        %dma_wait3A_200 = arith.constant 170000 : i32
        %dma_wait3A_201 = tpu.memref_slice %arg2[%dma_wait3A_200] : memref<300000xf32, #tpu.memory_space<hbm>> -> memref<10000xf32, #tpu.memory_space<hbm>>
        tpu.wait_dma2 semaphore(%run_scoped3A : memref<!tpu.dma_semaphore, #tpu.memory_space<semaphore_mem>>) src(%dma_wait3A_201 : memref<10000xf32, #tpu.memory_space<hbm>>) dst(%arg21 : memref<10000xf32, #tpu.memory_space<vmem>>)
        tpu.yield
      }) : () -> ()
      "tpu.region"() ({
        %run_scoped3A = tpu.sem_alloc : memref<!tpu.dma_semaphore, #tpu.memory_space<semaphore_mem>>
        %dma_start3A_194 = arith.constant 70000 : i32
        %dma_start3A_195 = tpu.memref_slice %arg7[%dma_start3A_194] : memref<100000xf32, #tpu.memory_space<vmem_shared>> -> memref<10000xf32, #tpu.memory_space<vmem_shared>>
        %dma_start3A_196 = arith.constant 70000 : i32
        %dma_start3A_197 = tpu.memref_slice %arg7[%dma_start3A_196] : memref<100000xf32, #tpu.memory_space<vmem_shared>> -> memref<10000xf32, #tpu.memory_space<vmem_shared>>
        tpu.enqueue_dma source(%arg21 : memref<10000xf32, #tpu.memory_space<vmem>>) target(%dma_start3A_197 : memref<10000xf32, #tpu.memory_space<vmem_shared>>) target_semaphore(%run_scoped3A : memref<!tpu.dma_semaphore, #tpu.memory_space<semaphore_mem>>)
        %dma_wait3A_198 = arith.constant 70000 : i32
        %dma_wait3A_199 = tpu.memref_slice %arg7[%dma_wait3A_198] : memref<100000xf32, #tpu.memory_space<vmem_shared>> -> memref<10000xf32, #tpu.memory_space<vmem_shared>>
        %dma_wait3A_200 = arith.constant 70000 : i32
        %dma_wait3A_201 = tpu.memref_slice %arg7[%dma_wait3A_200] : memref<100000xf32, #tpu.memory_space<vmem_shared>> -> memref<10000xf32, #tpu.memory_space<vmem_shared>>
        tpu.wait_dma2 semaphore(%run_scoped3A : memref<!tpu.dma_semaphore, #tpu.memory_space<semaphore_mem>>) src(%arg21 : memref<10000xf32, #tpu.memory_space<vmem>>) dst(%dma_wait3A_201 : memref<10000xf32, #tpu.memory_space<vmem_shared>>)
        tpu.yield
      }) : () -> ()
    } else {
    }
    %eq3A_88 = arith.constant 2 : i32
    %eq3A_89 = arith.cmpi eq, %arg1, %eq3A_88 : i32
    %convert_element_type3A_90 = arith.extui %eq3A_89 : i1 to i32
    %cond3A_91 = arith.constant 0 : i32
    %cond3A_92 = arith.cmpi ne, %convert_element_type3A_90, %cond3A_91 : i32
    scf.if %cond3A_92 {
      "tpu.region"() ({
        %run_scoped3A = tpu.sem_alloc : memref<!tpu.dma_semaphore, #tpu.memory_space<semaphore_mem>>
        %dma_start3A_194 = arith.constant 180000 : i32
        %dma_start3A_195 = tpu.memref_slice %arg2[%dma_start3A_194] : memref<300000xf32, #tpu.memory_space<hbm>> -> memref<10000xf32, #tpu.memory_space<hbm>>
        %dma_start3A_196 = arith.constant 180000 : i32
        %dma_start3A_197 = tpu.memref_slice %arg2[%dma_start3A_196] : memref<300000xf32, #tpu.memory_space<hbm>> -> memref<10000xf32, #tpu.memory_space<hbm>>
        tpu.enqueue_dma source(%dma_start3A_197 : memref<10000xf32, #tpu.memory_space<hbm>>) target(%arg21 : memref<10000xf32, #tpu.memory_space<vmem>>) target_semaphore(%run_scoped3A : memref<!tpu.dma_semaphore, #tpu.memory_space<semaphore_mem>>)
        %dma_wait3A_198 = arith.constant 180000 : i32
        %dma_wait3A_199 = tpu.memref_slice %arg2[%dma_wait3A_198] : memref<300000xf32, #tpu.memory_space<hbm>> -> memref<10000xf32, #tpu.memory_space<hbm>>
        %dma_wait3A_200 = arith.constant 180000 : i32
        %dma_wait3A_201 = tpu.memref_slice %arg2[%dma_wait3A_200] : memref<300000xf32, #tpu.memory_space<hbm>> -> memref<10000xf32, #tpu.memory_space<hbm>>
        tpu.wait_dma2 semaphore(%run_scoped3A : memref<!tpu.dma_semaphore, #tpu.memory_space<semaphore_mem>>) src(%dma_wait3A_201 : memref<10000xf32, #tpu.memory_space<hbm>>) dst(%arg21 : memref<10000xf32, #tpu.memory_space<vmem>>)
        tpu.yield
      }) : () -> ()
      "tpu.region"() ({
        %run_scoped3A = tpu.sem_alloc : memref<!tpu.dma_semaphore, #tpu.memory_space<semaphore_mem>>
        %dma_start3A_194 = arith.constant 80000 : i32
        %dma_start3A_195 = tpu.memref_slice %arg7[%dma_start3A_194] : memref<100000xf32, #tpu.memory_space<vmem_shared>> -> memref<10000xf32, #tpu.memory_space<vmem_shared>>
        %dma_start3A_196 = arith.constant 80000 : i32
        %dma_start3A_197 = tpu.memref_slice %arg7[%dma_start3A_196] : memref<100000xf32, #tpu.memory_space<vmem_shared>> -> memref<10000xf32, #tpu.memory_space<vmem_shared>>
        tpu.enqueue_dma source(%arg21 : memref<10000xf32, #tpu.memory_space<vmem>>) target(%dma_start3A_197 : memref<10000xf32, #tpu.memory_space<vmem_shared>>) target_semaphore(%run_scoped3A : memref<!tpu.dma_semaphore, #tpu.memory_space<semaphore_mem>>)
        %dma_wait3A_198 = arith.constant 80000 : i32
        %dma_wait3A_199 = tpu.memref_slice %arg7[%dma_wait3A_198] : memref<100000xf32, #tpu.memory_space<vmem_shared>> -> memref<10000xf32, #tpu.memory_space<vmem_shared>>
        %dma_wait3A_200 = arith.constant 80000 : i32
        %dma_wait3A_201 = tpu.memref_slice %arg7[%dma_wait3A_200] : memref<100000xf32, #tpu.memory_space<vmem_shared>> -> memref<10000xf32, #tpu.memory_space<vmem_shared>>
        tpu.wait_dma2 semaphore(%run_scoped3A : memref<!tpu.dma_semaphore, #tpu.memory_space<semaphore_mem>>) src(%arg21 : memref<10000xf32, #tpu.memory_space<vmem>>) dst(%dma_wait3A_201 : memref<10000xf32, #tpu.memory_space<vmem_shared>>)
        tpu.yield
      }) : () -> ()
    } else {
    }
    %eq3A_93 = arith.constant 3 : i32
    %eq3A_94 = arith.cmpi eq, %arg1, %eq3A_93 : i32
    %convert_element_type3A_95 = arith.extui %eq3A_94 : i1 to i32
    %cond3A_96 = arith.constant 0 : i32
    %cond3A_97 = arith.cmpi ne, %convert_element_type3A_95, %cond3A_96 : i32
    scf.if %cond3A_97 {
      "tpu.region"() ({
        %run_scoped3A = tpu.sem_alloc : memref<!tpu.dma_semaphore, #tpu.memory_space<semaphore_mem>>
        %dma_start3A_194 = arith.constant 190000 : i32
        %dma_start3A_195 = tpu.memref_slice %arg2[%dma_start3A_194] : memref<300000xf32, #tpu.memory_space<hbm>> -> memref<10000xf32, #tpu.memory_space<hbm>>
        %dma_start3A_196 = arith.constant 190000 : i32
        %dma_start3A_197 = tpu.memref_slice %arg2[%dma_start3A_196] : memref<300000xf32, #tpu.memory_space<hbm>> -> memref<10000xf32, #tpu.memory_space<hbm>>
        tpu.enqueue_dma source(%dma_start3A_197 : memref<10000xf32, #tpu.memory_space<hbm>>) target(%arg21 : memref<10000xf32, #tpu.memory_space<vmem>>) target_semaphore(%run_scoped3A : memref<!tpu.dma_semaphore, #tpu.memory_space<semaphore_mem>>)
        %dma_wait3A_198 = arith.constant 190000 : i32
        %dma_wait3A_199 = tpu.memref_slice %arg2[%dma_wait3A_198] : memref<300000xf32, #tpu.memory_space<hbm>> -> memref<10000xf32, #tpu.memory_space<hbm>>
        %dma_wait3A_200 = arith.constant 190000 : i32
        %dma_wait3A_201 = tpu.memref_slice %arg2[%dma_wait3A_200] : memref<300000xf32, #tpu.memory_space<hbm>> -> memref<10000xf32, #tpu.memory_space<hbm>>
        tpu.wait_dma2 semaphore(%run_scoped3A : memref<!tpu.dma_semaphore, #tpu.memory_space<semaphore_mem>>) src(%dma_wait3A_201 : memref<10000xf32, #tpu.memory_space<hbm>>) dst(%arg21 : memref<10000xf32, #tpu.memory_space<vmem>>)
        tpu.yield
      }) : () -> ()
      "tpu.region"() ({
        %run_scoped3A = tpu.sem_alloc : memref<!tpu.dma_semaphore, #tpu.memory_space<semaphore_mem>>
        %dma_start3A_194 = arith.constant 90000 : i32
        %dma_start3A_195 = tpu.memref_slice %arg7[%dma_start3A_194] : memref<100000xf32, #tpu.memory_space<vmem_shared>> -> memref<10000xf32, #tpu.memory_space<vmem_shared>>
        %dma_start3A_196 = arith.constant 90000 : i32
        %dma_start3A_197 = tpu.memref_slice %arg7[%dma_start3A_196] : memref<100000xf32, #tpu.memory_space<vmem_shared>> -> memref<10000xf32, #tpu.memory_space<vmem_shared>>
        tpu.enqueue_dma source(%arg21 : memref<10000xf32, #tpu.memory_space<vmem>>) target(%dma_start3A_197 : memref<10000xf32, #tpu.memory_space<vmem_shared>>) target_semaphore(%run_scoped3A : memref<!tpu.dma_semaphore, #tpu.memory_space<semaphore_mem>>)
        %dma_wait3A_198 = arith.constant 90000 : i32
        %dma_wait3A_199 = tpu.memref_slice %arg7[%dma_wait3A_198] : memref<100000xf32, #tpu.memory_space<vmem_shared>> -> memref<10000xf32, #tpu.memory_space<vmem_shared>>
        %dma_wait3A_200 = arith.constant 90000 : i32
        %dma_wait3A_201 = tpu.memref_slice %arg7[%dma_wait3A_200] : memref<100000xf32, #tpu.memory_space<vmem_shared>> -> memref<10000xf32, #tpu.memory_space<vmem_shared>>
        tpu.wait_dma2 semaphore(%run_scoped3A : memref<!tpu.dma_semaphore, #tpu.memory_space<semaphore_mem>>) src(%arg21 : memref<10000xf32, #tpu.memory_space<vmem>>) dst(%dma_wait3A_201 : memref<10000xf32, #tpu.memory_space<vmem_shared>>)
        tpu.yield
      }) : () -> ()
    } else {
    }
    %eq3A_98 = arith.constant 4 : i32
    %eq3A_99 = arith.cmpi eq, %arg1, %eq3A_98 : i32
    %convert_element_type3A_100 = arith.extui %eq3A_99 : i1 to i32
    %cond3A_101 = arith.constant 0 : i32
    %cond3A_102 = arith.cmpi ne, %convert_element_type3A_100, %cond3A_101 : i32
    scf.if %cond3A_102 {
      "tpu.region"() ({
        %run_scoped3A = tpu.sem_alloc : memref<!tpu.dma_semaphore, #tpu.memory_space<semaphore_mem>>
        %dma_start3A_194 = arith.constant 200000 : i32
        %dma_start3A_195 = tpu.memref_slice %arg2[%dma_start3A_194] : memref<300000xf32, #tpu.memory_space<hbm>> -> memref<10000xf32, #tpu.memory_space<hbm>>
        %dma_start3A_196 = arith.constant 200000 : i32
        %dma_start3A_197 = tpu.memref_slice %arg2[%dma_start3A_196] : memref<300000xf32, #tpu.memory_space<hbm>> -> memref<10000xf32, #tpu.memory_space<hbm>>
        tpu.enqueue_dma source(%dma_start3A_197 : memref<10000xf32, #tpu.memory_space<hbm>>) target(%arg21 : memref<10000xf32, #tpu.memory_space<vmem>>) target_semaphore(%run_scoped3A : memref<!tpu.dma_semaphore, #tpu.memory_space<semaphore_mem>>)
        %dma_wait3A_198 = arith.constant 200000 : i32
        %dma_wait3A_199 = tpu.memref_slice %arg2[%dma_wait3A_198] : memref<300000xf32, #tpu.memory_space<hbm>> -> memref<10000xf32, #tpu.memory_space<hbm>>
        %dma_wait3A_200 = arith.constant 200000 : i32
        %dma_wait3A_201 = tpu.memref_slice %arg2[%dma_wait3A_200] : memref<300000xf32, #tpu.memory_space<hbm>> -> memref<10000xf32, #tpu.memory_space<hbm>>
        tpu.wait_dma2 semaphore(%run_scoped3A : memref<!tpu.dma_semaphore, #tpu.memory_space<semaphore_mem>>) src(%dma_wait3A_201 : memref<10000xf32, #tpu.memory_space<hbm>>) dst(%arg21 : memref<10000xf32, #tpu.memory_space<vmem>>)
        tpu.yield
      }) : () -> ()
      "tpu.region"() ({
        %run_scoped3A = tpu.sem_alloc : memref<!tpu.dma_semaphore, #tpu.memory_space<semaphore_mem>>
        %dma_start3A_194 = arith.constant 0 : i32
        %dma_start3A_195 = tpu.memref_slice %arg8[%dma_start3A_194] : memref<100000xf32, #tpu.memory_space<vmem_shared>> -> memref<10000xf32, #tpu.memory_space<vmem_shared>>
        %dma_start3A_196 = arith.constant 0 : i32
        %dma_start3A_197 = tpu.memref_slice %arg8[%dma_start3A_196] : memref<100000xf32, #tpu.memory_space<vmem_shared>> -> memref<10000xf32, #tpu.memory_space<vmem_shared>>
        tpu.enqueue_dma source(%arg21 : memref<10000xf32, #tpu.memory_space<vmem>>) target(%dma_start3A_197 : memref<10000xf32, #tpu.memory_space<vmem_shared>>) target_semaphore(%run_scoped3A : memref<!tpu.dma_semaphore, #tpu.memory_space<semaphore_mem>>)
        %dma_wait3A_198 = arith.constant 0 : i32
        %dma_wait3A_199 = tpu.memref_slice %arg8[%dma_wait3A_198] : memref<100000xf32, #tpu.memory_space<vmem_shared>> -> memref<10000xf32, #tpu.memory_space<vmem_shared>>
        %dma_wait3A_200 = arith.constant 0 : i32
        %dma_wait3A_201 = tpu.memref_slice %arg8[%dma_wait3A_200] : memref<100000xf32, #tpu.memory_space<vmem_shared>> -> memref<10000xf32, #tpu.memory_space<vmem_shared>>
        tpu.wait_dma2 semaphore(%run_scoped3A : memref<!tpu.dma_semaphore, #tpu.memory_space<semaphore_mem>>) src(%arg21 : memref<10000xf32, #tpu.memory_space<vmem>>) dst(%dma_wait3A_201 : memref<10000xf32, #tpu.memory_space<vmem_shared>>)
        tpu.yield
      }) : () -> ()
    } else {
    }
    %eq3A_103 = arith.constant 5 : i32
    %eq3A_104 = arith.cmpi eq, %arg1, %eq3A_103 : i32
    %convert_element_type3A_105 = arith.extui %eq3A_104 : i1 to i32
    %cond3A_106 = arith.constant 0 : i32
    %cond3A_107 = arith.cmpi ne, %convert_element_type3A_105, %cond3A_106 : i32
    scf.if %cond3A_107 {
      "tpu.region"() ({
        %run_scoped3A = tpu.sem_alloc : memref<!tpu.dma_semaphore, #tpu.memory_space<semaphore_mem>>
        %dma_start3A_194 = arith.constant 210000 : i32
        %dma_start3A_195 = tpu.memref_slice %arg2[%dma_start3A_194] : memref<300000xf32, #tpu.memory_space<hbm>> -> memref<10000xf32, #tpu.memory_space<hbm>>
        %dma_start3A_196 = arith.constant 210000 : i32
        %dma_start3A_197 = tpu.memref_slice %arg2[%dma_start3A_196] : memref<300000xf32, #tpu.memory_space<hbm>> -> memref<10000xf32, #tpu.memory_space<hbm>>
        tpu.enqueue_dma source(%dma_start3A_197 : memref<10000xf32, #tpu.memory_space<hbm>>) target(%arg21 : memref<10000xf32, #tpu.memory_space<vmem>>) target_semaphore(%run_scoped3A : memref<!tpu.dma_semaphore, #tpu.memory_space<semaphore_mem>>)
        %dma_wait3A_198 = arith.constant 210000 : i32
        %dma_wait3A_199 = tpu.memref_slice %arg2[%dma_wait3A_198] : memref<300000xf32, #tpu.memory_space<hbm>> -> memref<10000xf32, #tpu.memory_space<hbm>>
        %dma_wait3A_200 = arith.constant 210000 : i32
        %dma_wait3A_201 = tpu.memref_slice %arg2[%dma_wait3A_200] : memref<300000xf32, #tpu.memory_space<hbm>> -> memref<10000xf32, #tpu.memory_space<hbm>>
        tpu.wait_dma2 semaphore(%run_scoped3A : memref<!tpu.dma_semaphore, #tpu.memory_space<semaphore_mem>>) src(%dma_wait3A_201 : memref<10000xf32, #tpu.memory_space<hbm>>) dst(%arg21 : memref<10000xf32, #tpu.memory_space<vmem>>)
        tpu.yield
      }) : () -> ()
      "tpu.region"() ({
        %run_scoped3A = tpu.sem_alloc : memref<!tpu.dma_semaphore, #tpu.memory_space<semaphore_mem>>
        %dma_start3A_194 = arith.constant 10000 : i32
        %dma_start3A_195 = tpu.memref_slice %arg8[%dma_start3A_194] : memref<100000xf32, #tpu.memory_space<vmem_shared>> -> memref<10000xf32, #tpu.memory_space<vmem_shared>>
        %dma_start3A_196 = arith.constant 10000 : i32
        %dma_start3A_197 = tpu.memref_slice %arg8[%dma_start3A_196] : memref<100000xf32, #tpu.memory_space<vmem_shared>> -> memref<10000xf32, #tpu.memory_space<vmem_shared>>
        tpu.enqueue_dma source(%arg21 : memref<10000xf32, #tpu.memory_space<vmem>>) target(%dma_start3A_197 : memref<10000xf32, #tpu.memory_space<vmem_shared>>) target_semaphore(%run_scoped3A : memref<!tpu.dma_semaphore, #tpu.memory_space<semaphore_mem>>)
        %dma_wait3A_198 = arith.constant 10000 : i32
        %dma_wait3A_199 = tpu.memref_slice %arg8[%dma_wait3A_198] : memref<100000xf32, #tpu.memory_space<vmem_shared>> -> memref<10000xf32, #tpu.memory_space<vmem_shared>>
        %dma_wait3A_200 = arith.constant 10000 : i32
        %dma_wait3A_201 = tpu.memref_slice %arg8[%dma_wait3A_200] : memref<100000xf32, #tpu.memory_space<vmem_shared>> -> memref<10000xf32, #tpu.memory_space<vmem_shared>>
        tpu.wait_dma2 semaphore(%run_scoped3A : memref<!tpu.dma_semaphore, #tpu.memory_space<semaphore_mem>>) src(%arg21 : memref<10000xf32, #tpu.memory_space<vmem>>) dst(%dma_wait3A_201 : memref<10000xf32, #tpu.memory_space<vmem_shared>>)
        tpu.yield
      }) : () -> ()
    } else {
    }
    %eq3A_108 = arith.constant 6 : i32
    %eq3A_109 = arith.cmpi eq, %arg1, %eq3A_108 : i32
    %convert_element_type3A_110 = arith.extui %eq3A_109 : i1 to i32
    %cond3A_111 = arith.constant 0 : i32
    %cond3A_112 = arith.cmpi ne, %convert_element_type3A_110, %cond3A_111 : i32
    scf.if %cond3A_112 {
      "tpu.region"() ({
        %run_scoped3A = tpu.sem_alloc : memref<!tpu.dma_semaphore, #tpu.memory_space<semaphore_mem>>
        %dma_start3A_194 = arith.constant 220000 : i32
        %dma_start3A_195 = tpu.memref_slice %arg2[%dma_start3A_194] : memref<300000xf32, #tpu.memory_space<hbm>> -> memref<10000xf32, #tpu.memory_space<hbm>>
        %dma_start3A_196 = arith.constant 220000 : i32
        %dma_start3A_197 = tpu.memref_slice %arg2[%dma_start3A_196] : memref<300000xf32, #tpu.memory_space<hbm>> -> memref<10000xf32, #tpu.memory_space<hbm>>
        tpu.enqueue_dma source(%dma_start3A_197 : memref<10000xf32, #tpu.memory_space<hbm>>) target(%arg21 : memref<10000xf32, #tpu.memory_space<vmem>>) target_semaphore(%run_scoped3A : memref<!tpu.dma_semaphore, #tpu.memory_space<semaphore_mem>>)
        %dma_wait3A_198 = arith.constant 220000 : i32
        %dma_wait3A_199 = tpu.memref_slice %arg2[%dma_wait3A_198] : memref<300000xf32, #tpu.memory_space<hbm>> -> memref<10000xf32, #tpu.memory_space<hbm>>
        %dma_wait3A_200 = arith.constant 220000 : i32
        %dma_wait3A_201 = tpu.memref_slice %arg2[%dma_wait3A_200] : memref<300000xf32, #tpu.memory_space<hbm>> -> memref<10000xf32, #tpu.memory_space<hbm>>
        tpu.wait_dma2 semaphore(%run_scoped3A : memref<!tpu.dma_semaphore, #tpu.memory_space<semaphore_mem>>) src(%dma_wait3A_201 : memref<10000xf32, #tpu.memory_space<hbm>>) dst(%arg21 : memref<10000xf32, #tpu.memory_space<vmem>>)
        tpu.yield
      }) : () -> ()
      "tpu.region"() ({
        %run_scoped3A = tpu.sem_alloc : memref<!tpu.dma_semaphore, #tpu.memory_space<semaphore_mem>>
        %dma_start3A_194 = arith.constant 20000 : i32
        %dma_start3A_195 = tpu.memref_slice %arg8[%dma_start3A_194] : memref<100000xf32, #tpu.memory_space<vmem_shared>> -> memref<10000xf32, #tpu.memory_space<vmem_shared>>
        %dma_start3A_196 = arith.constant 20000 : i32
        %dma_start3A_197 = tpu.memref_slice %arg8[%dma_start3A_196] : memref<100000xf32, #tpu.memory_space<vmem_shared>> -> memref<10000xf32, #tpu.memory_space<vmem_shared>>
        tpu.enqueue_dma source(%arg21 : memref<10000xf32, #tpu.memory_space<vmem>>) target(%dma_start3A_197 : memref<10000xf32, #tpu.memory_space<vmem_shared>>) target_semaphore(%run_scoped3A : memref<!tpu.dma_semaphore, #tpu.memory_space<semaphore_mem>>)
        %dma_wait3A_198 = arith.constant 20000 : i32
        %dma_wait3A_199 = tpu.memref_slice %arg8[%dma_wait3A_198] : memref<100000xf32, #tpu.memory_space<vmem_shared>> -> memref<10000xf32, #tpu.memory_space<vmem_shared>>
        %dma_wait3A_200 = arith.constant 20000 : i32
        %dma_wait3A_201 = tpu.memref_slice %arg8[%dma_wait3A_200] : memref<100000xf32, #tpu.memory_space<vmem_shared>> -> memref<10000xf32, #tpu.memory_space<vmem_shared>>
        tpu.wait_dma2 semaphore(%run_scoped3A : memref<!tpu.dma_semaphore, #tpu.memory_space<semaphore_mem>>) src(%arg21 : memref<10000xf32, #tpu.memory_space<vmem>>) dst(%dma_wait3A_201 : memref<10000xf32, #tpu.memory_space<vmem_shared>>)
        tpu.yield
      }) : () -> ()
    } else {
    }
    %eq3A_113 = arith.constant 7 : i32
    %eq3A_114 = arith.cmpi eq, %arg1, %eq3A_113 : i32
    %convert_element_type3A_115 = arith.extui %eq3A_114 : i1 to i32
    %cond3A_116 = arith.constant 0 : i32
    %cond3A_117 = arith.cmpi ne, %convert_element_type3A_115, %cond3A_116 : i32
    scf.if %cond3A_117 {
      "tpu.region"() ({
        %run_scoped3A = tpu.sem_alloc : memref<!tpu.dma_semaphore, #tpu.memory_space<semaphore_mem>>
        %dma_start3A_194 = arith.constant 230000 : i32
        %dma_start3A_195 = tpu.memref_slice %arg2[%dma_start3A_194] : memref<300000xf32, #tpu.memory_space<hbm>> -> memref<10000xf32, #tpu.memory_space<hbm>>
        %dma_start3A_196 = arith.constant 230000 : i32
        %dma_start3A_197 = tpu.memref_slice %arg2[%dma_start3A_196] : memref<300000xf32, #tpu.memory_space<hbm>> -> memref<10000xf32, #tpu.memory_space<hbm>>
        tpu.enqueue_dma source(%dma_start3A_197 : memref<10000xf32, #tpu.memory_space<hbm>>) target(%arg21 : memref<10000xf32, #tpu.memory_space<vmem>>) target_semaphore(%run_scoped3A : memref<!tpu.dma_semaphore, #tpu.memory_space<semaphore_mem>>)
        %dma_wait3A_198 = arith.constant 230000 : i32
        %dma_wait3A_199 = tpu.memref_slice %arg2[%dma_wait3A_198] : memref<300000xf32, #tpu.memory_space<hbm>> -> memref<10000xf32, #tpu.memory_space<hbm>>
        %dma_wait3A_200 = arith.constant 230000 : i32
        %dma_wait3A_201 = tpu.memref_slice %arg2[%dma_wait3A_200] : memref<300000xf32, #tpu.memory_space<hbm>> -> memref<10000xf32, #tpu.memory_space<hbm>>
        tpu.wait_dma2 semaphore(%run_scoped3A : memref<!tpu.dma_semaphore, #tpu.memory_space<semaphore_mem>>) src(%dma_wait3A_201 : memref<10000xf32, #tpu.memory_space<hbm>>) dst(%arg21 : memref<10000xf32, #tpu.memory_space<vmem>>)
        tpu.yield
      }) : () -> ()
      "tpu.region"() ({
        %run_scoped3A = tpu.sem_alloc : memref<!tpu.dma_semaphore, #tpu.memory_space<semaphore_mem>>
        %dma_start3A_194 = arith.constant 30000 : i32
        %dma_start3A_195 = tpu.memref_slice %arg8[%dma_start3A_194] : memref<100000xf32, #tpu.memory_space<vmem_shared>> -> memref<10000xf32, #tpu.memory_space<vmem_shared>>
        %dma_start3A_196 = arith.constant 30000 : i32
        %dma_start3A_197 = tpu.memref_slice %arg8[%dma_start3A_196] : memref<100000xf32, #tpu.memory_space<vmem_shared>> -> memref<10000xf32, #tpu.memory_space<vmem_shared>>
        tpu.enqueue_dma source(%arg21 : memref<10000xf32, #tpu.memory_space<vmem>>) target(%dma_start3A_197 : memref<10000xf32, #tpu.memory_space<vmem_shared>>) target_semaphore(%run_scoped3A : memref<!tpu.dma_semaphore, #tpu.memory_space<semaphore_mem>>)
        %dma_wait3A_198 = arith.constant 30000 : i32
        %dma_wait3A_199 = tpu.memref_slice %arg8[%dma_wait3A_198] : memref<100000xf32, #tpu.memory_space<vmem_shared>> -> memref<10000xf32, #tpu.memory_space<vmem_shared>>
        %dma_wait3A_200 = arith.constant 30000 : i32
        %dma_wait3A_201 = tpu.memref_slice %arg8[%dma_wait3A_200] : memref<100000xf32, #tpu.memory_space<vmem_shared>> -> memref<10000xf32, #tpu.memory_space<vmem_shared>>
        tpu.wait_dma2 semaphore(%run_scoped3A : memref<!tpu.dma_semaphore, #tpu.memory_space<semaphore_mem>>) src(%arg21 : memref<10000xf32, #tpu.memory_space<vmem>>) dst(%dma_wait3A_201 : memref<10000xf32, #tpu.memory_space<vmem_shared>>)
        tpu.yield
      }) : () -> ()
    } else {
    }
    %eq3A_118 = arith.constant 8 : i32
    %eq3A_119 = arith.cmpi eq, %arg1, %eq3A_118 : i32
    %convert_element_type3A_120 = arith.extui %eq3A_119 : i1 to i32
    %cond3A_121 = arith.constant 0 : i32
    %cond3A_122 = arith.cmpi ne, %convert_element_type3A_120, %cond3A_121 : i32
    scf.if %cond3A_122 {
      "tpu.region"() ({
        %run_scoped3A = tpu.sem_alloc : memref<!tpu.dma_semaphore, #tpu.memory_space<semaphore_mem>>
        %dma_start3A_194 = arith.constant 240000 : i32
        %dma_start3A_195 = tpu.memref_slice %arg2[%dma_start3A_194] : memref<300000xf32, #tpu.memory_space<hbm>> -> memref<10000xf32, #tpu.memory_space<hbm>>
        %dma_start3A_196 = arith.constant 240000 : i32
        %dma_start3A_197 = tpu.memref_slice %arg2[%dma_start3A_196] : memref<300000xf32, #tpu.memory_space<hbm>> -> memref<10000xf32, #tpu.memory_space<hbm>>
        tpu.enqueue_dma source(%dma_start3A_197 : memref<10000xf32, #tpu.memory_space<hbm>>) target(%arg21 : memref<10000xf32, #tpu.memory_space<vmem>>) target_semaphore(%run_scoped3A : memref<!tpu.dma_semaphore, #tpu.memory_space<semaphore_mem>>)
        %dma_wait3A_198 = arith.constant 240000 : i32
        %dma_wait3A_199 = tpu.memref_slice %arg2[%dma_wait3A_198] : memref<300000xf32, #tpu.memory_space<hbm>> -> memref<10000xf32, #tpu.memory_space<hbm>>
        %dma_wait3A_200 = arith.constant 240000 : i32
        %dma_wait3A_201 = tpu.memref_slice %arg2[%dma_wait3A_200] : memref<300000xf32, #tpu.memory_space<hbm>> -> memref<10000xf32, #tpu.memory_space<hbm>>
        tpu.wait_dma2 semaphore(%run_scoped3A : memref<!tpu.dma_semaphore, #tpu.memory_space<semaphore_mem>>) src(%dma_wait3A_201 : memref<10000xf32, #tpu.memory_space<hbm>>) dst(%arg21 : memref<10000xf32, #tpu.memory_space<vmem>>)
        tpu.yield
      }) : () -> ()
      "tpu.region"() ({
        %run_scoped3A = tpu.sem_alloc : memref<!tpu.dma_semaphore, #tpu.memory_space<semaphore_mem>>
        %dma_start3A_194 = arith.constant 40000 : i32
        %dma_start3A_195 = tpu.memref_slice %arg8[%dma_start3A_194] : memref<100000xf32, #tpu.memory_space<vmem_shared>> -> memref<10000xf32, #tpu.memory_space<vmem_shared>>
        %dma_start3A_196 = arith.constant 40000 : i32
        %dma_start3A_197 = tpu.memref_slice %arg8[%dma_start3A_196] : memref<100000xf32, #tpu.memory_space<vmem_shared>> -> memref<10000xf32, #tpu.memory_space<vmem_shared>>
        tpu.enqueue_dma source(%arg21 : memref<10000xf32, #tpu.memory_space<vmem>>) target(%dma_start3A_197 : memref<10000xf32, #tpu.memory_space<vmem_shared>>) target_semaphore(%run_scoped3A : memref<!tpu.dma_semaphore, #tpu.memory_space<semaphore_mem>>)
        %dma_wait3A_198 = arith.constant 40000 : i32
        %dma_wait3A_199 = tpu.memref_slice %arg8[%dma_wait3A_198] : memref<100000xf32, #tpu.memory_space<vmem_shared>> -> memref<10000xf32, #tpu.memory_space<vmem_shared>>
        %dma_wait3A_200 = arith.constant 40000 : i32
        %dma_wait3A_201 = tpu.memref_slice %arg8[%dma_wait3A_200] : memref<100000xf32, #tpu.memory_space<vmem_shared>> -> memref<10000xf32, #tpu.memory_space<vmem_shared>>
        tpu.wait_dma2 semaphore(%run_scoped3A : memref<!tpu.dma_semaphore, #tpu.memory_space<semaphore_mem>>) src(%arg21 : memref<10000xf32, #tpu.memory_space<vmem>>) dst(%dma_wait3A_201 : memref<10000xf32, #tpu.memory_space<vmem_shared>>)
        tpu.yield
      }) : () -> ()
    } else {
    }
    %eq3A_123 = arith.constant 9 : i32
    %eq3A_124 = arith.cmpi eq, %arg1, %eq3A_123 : i32
    %convert_element_type3A_125 = arith.extui %eq3A_124 : i1 to i32
    %cond3A_126 = arith.constant 0 : i32
    %cond3A_127 = arith.cmpi ne, %convert_element_type3A_125, %cond3A_126 : i32
    scf.if %cond3A_127 {
      "tpu.region"() ({
        %run_scoped3A = tpu.sem_alloc : memref<!tpu.dma_semaphore, #tpu.memory_space<semaphore_mem>>
        %dma_start3A_194 = arith.constant 250000 : i32
        %dma_start3A_195 = tpu.memref_slice %arg2[%dma_start3A_194] : memref<300000xf32, #tpu.memory_space<hbm>> -> memref<10000xf32, #tpu.memory_space<hbm>>
        %dma_start3A_196 = arith.constant 250000 : i32
        %dma_start3A_197 = tpu.memref_slice %arg2[%dma_start3A_196] : memref<300000xf32, #tpu.memory_space<hbm>> -> memref<10000xf32, #tpu.memory_space<hbm>>
        tpu.enqueue_dma source(%dma_start3A_197 : memref<10000xf32, #tpu.memory_space<hbm>>) target(%arg21 : memref<10000xf32, #tpu.memory_space<vmem>>) target_semaphore(%run_scoped3A : memref<!tpu.dma_semaphore, #tpu.memory_space<semaphore_mem>>)
        %dma_wait3A_198 = arith.constant 250000 : i32
        %dma_wait3A_199 = tpu.memref_slice %arg2[%dma_wait3A_198] : memref<300000xf32, #tpu.memory_space<hbm>> -> memref<10000xf32, #tpu.memory_space<hbm>>
        %dma_wait3A_200 = arith.constant 250000 : i32
        %dma_wait3A_201 = tpu.memref_slice %arg2[%dma_wait3A_200] : memref<300000xf32, #tpu.memory_space<hbm>> -> memref<10000xf32, #tpu.memory_space<hbm>>
        tpu.wait_dma2 semaphore(%run_scoped3A : memref<!tpu.dma_semaphore, #tpu.memory_space<semaphore_mem>>) src(%dma_wait3A_201 : memref<10000xf32, #tpu.memory_space<hbm>>) dst(%arg21 : memref<10000xf32, #tpu.memory_space<vmem>>)
        tpu.yield
      }) : () -> ()
      "tpu.region"() ({
        %run_scoped3A = tpu.sem_alloc : memref<!tpu.dma_semaphore, #tpu.memory_space<semaphore_mem>>
        %dma_start3A_194 = arith.constant 50000 : i32
        %dma_start3A_195 = tpu.memref_slice %arg8[%dma_start3A_194] : memref<100000xf32, #tpu.memory_space<vmem_shared>> -> memref<10000xf32, #tpu.memory_space<vmem_shared>>
        %dma_start3A_196 = arith.constant 50000 : i32
        %dma_start3A_197 = tpu.memref_slice %arg8[%dma_start3A_196] : memref<100000xf32, #tpu.memory_space<vmem_shared>> -> memref<10000xf32, #tpu.memory_space<vmem_shared>>
        tpu.enqueue_dma source(%arg21 : memref<10000xf32, #tpu.memory_space<vmem>>) target(%dma_start3A_197 : memref<10000xf32, #tpu.memory_space<vmem_shared>>) target_semaphore(%run_scoped3A : memref<!tpu.dma_semaphore, #tpu.memory_space<semaphore_mem>>)
        %dma_wait3A_198 = arith.constant 50000 : i32
        %dma_wait3A_199 = tpu.memref_slice %arg8[%dma_wait3A_198] : memref<100000xf32, #tpu.memory_space<vmem_shared>> -> memref<10000xf32, #tpu.memory_space<vmem_shared>>
        %dma_wait3A_200 = arith.constant 50000 : i32
        %dma_wait3A_201 = tpu.memref_slice %arg8[%dma_wait3A_200] : memref<100000xf32, #tpu.memory_space<vmem_shared>> -> memref<10000xf32, #tpu.memory_space<vmem_shared>>
        tpu.wait_dma2 semaphore(%run_scoped3A : memref<!tpu.dma_semaphore, #tpu.memory_space<semaphore_mem>>) src(%arg21 : memref<10000xf32, #tpu.memory_space<vmem>>) dst(%dma_wait3A_201 : memref<10000xf32, #tpu.memory_space<vmem_shared>>)
        tpu.yield
      }) : () -> ()
    } else {
    }
    %eq3A_128 = arith.constant 10 : i32
    %eq3A_129 = arith.cmpi eq, %arg1, %eq3A_128 : i32
    %convert_element_type3A_130 = arith.extui %eq3A_129 : i1 to i32
    %cond3A_131 = arith.constant 0 : i32
    %cond3A_132 = arith.cmpi ne, %convert_element_type3A_130, %cond3A_131 : i32
    scf.if %cond3A_132 {
      "tpu.region"() ({
        %run_scoped3A = tpu.sem_alloc : memref<!tpu.dma_semaphore, #tpu.memory_space<semaphore_mem>>
        %dma_start3A_194 = arith.constant 260000 : i32
        %dma_start3A_195 = tpu.memref_slice %arg2[%dma_start3A_194] : memref<300000xf32, #tpu.memory_space<hbm>> -> memref<10000xf32, #tpu.memory_space<hbm>>
        %dma_start3A_196 = arith.constant 260000 : i32
        %dma_start3A_197 = tpu.memref_slice %arg2[%dma_start3A_196] : memref<300000xf32, #tpu.memory_space<hbm>> -> memref<10000xf32, #tpu.memory_space<hbm>>
        tpu.enqueue_dma source(%dma_start3A_197 : memref<10000xf32, #tpu.memory_space<hbm>>) target(%arg21 : memref<10000xf32, #tpu.memory_space<vmem>>) target_semaphore(%run_scoped3A : memref<!tpu.dma_semaphore, #tpu.memory_space<semaphore_mem>>)
        %dma_wait3A_198 = arith.constant 260000 : i32
        %dma_wait3A_199 = tpu.memref_slice %arg2[%dma_wait3A_198] : memref<300000xf32, #tpu.memory_space<hbm>> -> memref<10000xf32, #tpu.memory_space<hbm>>
        %dma_wait3A_200 = arith.constant 260000 : i32
        %dma_wait3A_201 = tpu.memref_slice %arg2[%dma_wait3A_200] : memref<300000xf32, #tpu.memory_space<hbm>> -> memref<10000xf32, #tpu.memory_space<hbm>>
        tpu.wait_dma2 semaphore(%run_scoped3A : memref<!tpu.dma_semaphore, #tpu.memory_space<semaphore_mem>>) src(%dma_wait3A_201 : memref<10000xf32, #tpu.memory_space<hbm>>) dst(%arg21 : memref<10000xf32, #tpu.memory_space<vmem>>)
        tpu.yield
      }) : () -> ()
      "tpu.region"() ({
        %run_scoped3A = tpu.sem_alloc : memref<!tpu.dma_semaphore, #tpu.memory_space<semaphore_mem>>
        %dma_start3A_194 = arith.constant 60000 : i32
        %dma_start3A_195 = tpu.memref_slice %arg8[%dma_start3A_194] : memref<100000xf32, #tpu.memory_space<vmem_shared>> -> memref<10000xf32, #tpu.memory_space<vmem_shared>>
        %dma_start3A_196 = arith.constant 60000 : i32
        %dma_start3A_197 = tpu.memref_slice %arg8[%dma_start3A_196] : memref<100000xf32, #tpu.memory_space<vmem_shared>> -> memref<10000xf32, #tpu.memory_space<vmem_shared>>
        tpu.enqueue_dma source(%arg21 : memref<10000xf32, #tpu.memory_space<vmem>>) target(%dma_start3A_197 : memref<10000xf32, #tpu.memory_space<vmem_shared>>) target_semaphore(%run_scoped3A : memref<!tpu.dma_semaphore, #tpu.memory_space<semaphore_mem>>)
        %dma_wait3A_198 = arith.constant 60000 : i32
        %dma_wait3A_199 = tpu.memref_slice %arg8[%dma_wait3A_198] : memref<100000xf32, #tpu.memory_space<vmem_shared>> -> memref<10000xf32, #tpu.memory_space<vmem_shared>>
        %dma_wait3A_200 = arith.constant 60000 : i32
        %dma_wait3A_201 = tpu.memref_slice %arg8[%dma_wait3A_200] : memref<100000xf32, #tpu.memory_space<vmem_shared>> -> memref<10000xf32, #tpu.memory_space<vmem_shared>>
        tpu.wait_dma2 semaphore(%run_scoped3A : memref<!tpu.dma_semaphore, #tpu.memory_space<semaphore_mem>>) src(%arg21 : memref<10000xf32, #tpu.memory_space<vmem>>) dst(%dma_wait3A_201 : memref<10000xf32, #tpu.memory_space<vmem_shared>>)
        tpu.yield
      }) : () -> ()
    } else {
    }
    %eq3A_133 = arith.constant 11 : i32
    %eq3A_134 = arith.cmpi eq, %arg1, %eq3A_133 : i32
    %convert_element_type3A_135 = arith.extui %eq3A_134 : i1 to i32
    %cond3A_136 = arith.constant 0 : i32
    %cond3A_137 = arith.cmpi ne, %convert_element_type3A_135, %cond3A_136 : i32
    scf.if %cond3A_137 {
      "tpu.region"() ({
        %run_scoped3A = tpu.sem_alloc : memref<!tpu.dma_semaphore, #tpu.memory_space<semaphore_mem>>
        %dma_start3A_194 = arith.constant 270000 : i32
        %dma_start3A_195 = tpu.memref_slice %arg2[%dma_start3A_194] : memref<300000xf32, #tpu.memory_space<hbm>> -> memref<10000xf32, #tpu.memory_space<hbm>>
        %dma_start3A_196 = arith.constant 270000 : i32
        %dma_start3A_197 = tpu.memref_slice %arg2[%dma_start3A_196] : memref<300000xf32, #tpu.memory_space<hbm>> -> memref<10000xf32, #tpu.memory_space<hbm>>
        tpu.enqueue_dma source(%dma_start3A_197 : memref<10000xf32, #tpu.memory_space<hbm>>) target(%arg21 : memref<10000xf32, #tpu.memory_space<vmem>>) target_semaphore(%run_scoped3A : memref<!tpu.dma_semaphore, #tpu.memory_space<semaphore_mem>>)
        %dma_wait3A_198 = arith.constant 270000 : i32
        %dma_wait3A_199 = tpu.memref_slice %arg2[%dma_wait3A_198] : memref<300000xf32, #tpu.memory_space<hbm>> -> memref<10000xf32, #tpu.memory_space<hbm>>
        %dma_wait3A_200 = arith.constant 270000 : i32
        %dma_wait3A_201 = tpu.memref_slice %arg2[%dma_wait3A_200] : memref<300000xf32, #tpu.memory_space<hbm>> -> memref<10000xf32, #tpu.memory_space<hbm>>
        tpu.wait_dma2 semaphore(%run_scoped3A : memref<!tpu.dma_semaphore, #tpu.memory_space<semaphore_mem>>) src(%dma_wait3A_201 : memref<10000xf32, #tpu.memory_space<hbm>>) dst(%arg21 : memref<10000xf32, #tpu.memory_space<vmem>>)
        tpu.yield
      }) : () -> ()
      "tpu.region"() ({
        %run_scoped3A = tpu.sem_alloc : memref<!tpu.dma_semaphore, #tpu.memory_space<semaphore_mem>>
        %dma_start3A_194 = arith.constant 70000 : i32
        %dma_start3A_195 = tpu.memref_slice %arg8[%dma_start3A_194] : memref<100000xf32, #tpu.memory_space<vmem_shared>> -> memref<10000xf32, #tpu.memory_space<vmem_shared>>
        %dma_start3A_196 = arith.constant 70000 : i32
        %dma_start3A_197 = tpu.memref_slice %arg8[%dma_start3A_196] : memref<100000xf32, #tpu.memory_space<vmem_shared>> -> memref<10000xf32, #tpu.memory_space<vmem_shared>>
        tpu.enqueue_dma source(%arg21 : memref<10000xf32, #tpu.memory_space<vmem>>) target(%dma_start3A_197 : memref<10000xf32, #tpu.memory_space<vmem_shared>>) target_semaphore(%run_scoped3A : memref<!tpu.dma_semaphore, #tpu.memory_space<semaphore_mem>>)
        %dma_wait3A_198 = arith.constant 70000 : i32
        %dma_wait3A_199 = tpu.memref_slice %arg8[%dma_wait3A_198] : memref<100000xf32, #tpu.memory_space<vmem_shared>> -> memref<10000xf32, #tpu.memory_space<vmem_shared>>
        %dma_wait3A_200 = arith.constant 70000 : i32
        %dma_wait3A_201 = tpu.memref_slice %arg8[%dma_wait3A_200] : memref<100000xf32, #tpu.memory_space<vmem_shared>> -> memref<10000xf32, #tpu.memory_space<vmem_shared>>
        tpu.wait_dma2 semaphore(%run_scoped3A : memref<!tpu.dma_semaphore, #tpu.memory_space<semaphore_mem>>) src(%arg21 : memref<10000xf32, #tpu.memory_space<vmem>>) dst(%dma_wait3A_201 : memref<10000xf32, #tpu.memory_space<vmem_shared>>)
        tpu.yield
      }) : () -> ()
    } else {
    }
    %eq3A_138 = arith.constant 12 : i32
    %eq3A_139 = arith.cmpi eq, %arg1, %eq3A_138 : i32
    %convert_element_type3A_140 = arith.extui %eq3A_139 : i1 to i32
    %cond3A_141 = arith.constant 0 : i32
    %cond3A_142 = arith.cmpi ne, %convert_element_type3A_140, %cond3A_141 : i32
    scf.if %cond3A_142 {
      "tpu.region"() ({
        %run_scoped3A = tpu.sem_alloc : memref<!tpu.dma_semaphore, #tpu.memory_space<semaphore_mem>>
        %dma_start3A_194 = arith.constant 280000 : i32
        %dma_start3A_195 = tpu.memref_slice %arg2[%dma_start3A_194] : memref<300000xf32, #tpu.memory_space<hbm>> -> memref<10000xf32, #tpu.memory_space<hbm>>
        %dma_start3A_196 = arith.constant 280000 : i32
        %dma_start3A_197 = tpu.memref_slice %arg2[%dma_start3A_196] : memref<300000xf32, #tpu.memory_space<hbm>> -> memref<10000xf32, #tpu.memory_space<hbm>>
        tpu.enqueue_dma source(%dma_start3A_197 : memref<10000xf32, #tpu.memory_space<hbm>>) target(%arg21 : memref<10000xf32, #tpu.memory_space<vmem>>) target_semaphore(%run_scoped3A : memref<!tpu.dma_semaphore, #tpu.memory_space<semaphore_mem>>)
        %dma_wait3A_198 = arith.constant 280000 : i32
        %dma_wait3A_199 = tpu.memref_slice %arg2[%dma_wait3A_198] : memref<300000xf32, #tpu.memory_space<hbm>> -> memref<10000xf32, #tpu.memory_space<hbm>>
        %dma_wait3A_200 = arith.constant 280000 : i32
        %dma_wait3A_201 = tpu.memref_slice %arg2[%dma_wait3A_200] : memref<300000xf32, #tpu.memory_space<hbm>> -> memref<10000xf32, #tpu.memory_space<hbm>>
        tpu.wait_dma2 semaphore(%run_scoped3A : memref<!tpu.dma_semaphore, #tpu.memory_space<semaphore_mem>>) src(%dma_wait3A_201 : memref<10000xf32, #tpu.memory_space<hbm>>) dst(%arg21 : memref<10000xf32, #tpu.memory_space<vmem>>)
        tpu.yield
      }) : () -> ()
      "tpu.region"() ({
        %run_scoped3A = tpu.sem_alloc : memref<!tpu.dma_semaphore, #tpu.memory_space<semaphore_mem>>
        %dma_start3A_194 = arith.constant 80000 : i32
        %dma_start3A_195 = tpu.memref_slice %arg8[%dma_start3A_194] : memref<100000xf32, #tpu.memory_space<vmem_shared>> -> memref<10000xf32, #tpu.memory_space<vmem_shared>>
        %dma_start3A_196 = arith.constant 80000 : i32
        %dma_start3A_197 = tpu.memref_slice %arg8[%dma_start3A_196] : memref<100000xf32, #tpu.memory_space<vmem_shared>> -> memref<10000xf32, #tpu.memory_space<vmem_shared>>
        tpu.enqueue_dma source(%arg21 : memref<10000xf32, #tpu.memory_space<vmem>>) target(%dma_start3A_197 : memref<10000xf32, #tpu.memory_space<vmem_shared>>) target_semaphore(%run_scoped3A : memref<!tpu.dma_semaphore, #tpu.memory_space<semaphore_mem>>)
        %dma_wait3A_198 = arith.constant 80000 : i32
        %dma_wait3A_199 = tpu.memref_slice %arg8[%dma_wait3A_198] : memref<100000xf32, #tpu.memory_space<vmem_shared>> -> memref<10000xf32, #tpu.memory_space<vmem_shared>>
        %dma_wait3A_200 = arith.constant 80000 : i32
        %dma_wait3A_201 = tpu.memref_slice %arg8[%dma_wait3A_200] : memref<100000xf32, #tpu.memory_space<vmem_shared>> -> memref<10000xf32, #tpu.memory_space<vmem_shared>>
        tpu.wait_dma2 semaphore(%run_scoped3A : memref<!tpu.dma_semaphore, #tpu.memory_space<semaphore_mem>>) src(%arg21 : memref<10000xf32, #tpu.memory_space<vmem>>) dst(%dma_wait3A_201 : memref<10000xf32, #tpu.memory_space<vmem_shared>>)
        tpu.yield
      }) : () -> ()
    } else {
    }
    %eq3A_143 = arith.constant 13 : i32
    %eq3A_144 = arith.cmpi eq, %arg1, %eq3A_143 : i32
    %convert_element_type3A_145 = arith.extui %eq3A_144 : i1 to i32
    %cond3A_146 = arith.constant 0 : i32
    %cond3A_147 = arith.cmpi ne, %convert_element_type3A_145, %cond3A_146 : i32
    scf.if %cond3A_147 {
      "tpu.region"() ({
        %run_scoped3A = tpu.sem_alloc : memref<!tpu.dma_semaphore, #tpu.memory_space<semaphore_mem>>
        %dma_start3A_194 = arith.constant 290000 : i32
        %dma_start3A_195 = tpu.memref_slice %arg2[%dma_start3A_194] : memref<300000xf32, #tpu.memory_space<hbm>> -> memref<10000xf32, #tpu.memory_space<hbm>>
        %dma_start3A_196 = arith.constant 290000 : i32
        %dma_start3A_197 = tpu.memref_slice %arg2[%dma_start3A_196] : memref<300000xf32, #tpu.memory_space<hbm>> -> memref<10000xf32, #tpu.memory_space<hbm>>
        tpu.enqueue_dma source(%dma_start3A_197 : memref<10000xf32, #tpu.memory_space<hbm>>) target(%arg21 : memref<10000xf32, #tpu.memory_space<vmem>>) target_semaphore(%run_scoped3A : memref<!tpu.dma_semaphore, #tpu.memory_space<semaphore_mem>>)
        %dma_wait3A_198 = arith.constant 290000 : i32
        %dma_wait3A_199 = tpu.memref_slice %arg2[%dma_wait3A_198] : memref<300000xf32, #tpu.memory_space<hbm>> -> memref<10000xf32, #tpu.memory_space<hbm>>
        %dma_wait3A_200 = arith.constant 290000 : i32
        %dma_wait3A_201 = tpu.memref_slice %arg2[%dma_wait3A_200] : memref<300000xf32, #tpu.memory_space<hbm>> -> memref<10000xf32, #tpu.memory_space<hbm>>
        tpu.wait_dma2 semaphore(%run_scoped3A : memref<!tpu.dma_semaphore, #tpu.memory_space<semaphore_mem>>) src(%dma_wait3A_201 : memref<10000xf32, #tpu.memory_space<hbm>>) dst(%arg21 : memref<10000xf32, #tpu.memory_space<vmem>>)
        tpu.yield
      }) : () -> ()
      "tpu.region"() ({
        %run_scoped3A = tpu.sem_alloc : memref<!tpu.dma_semaphore, #tpu.memory_space<semaphore_mem>>
        %dma_start3A_194 = arith.constant 90000 : i32
        %dma_start3A_195 = tpu.memref_slice %arg8[%dma_start3A_194] : memref<100000xf32, #tpu.memory_space<vmem_shared>> -> memref<10000xf32, #tpu.memory_space<vmem_shared>>
        %dma_start3A_196 = arith.constant 90000 : i32
        %dma_start3A_197 = tpu.memref_slice %arg8[%dma_start3A_196] : memref<100000xf32, #tpu.memory_space<vmem_shared>> -> memref<10000xf32, #tpu.memory_space<vmem_shared>>
        tpu.enqueue_dma source(%arg21 : memref<10000xf32, #tpu.memory_space<vmem>>) target(%dma_start3A_197 : memref<10000xf32, #tpu.memory_space<vmem_shared>>) target_semaphore(%run_scoped3A : memref<!tpu.dma_semaphore, #tpu.memory_space<semaphore_mem>>)
        %dma_wait3A_198 = arith.constant 90000 : i32
        %dma_wait3A_199 = tpu.memref_slice %arg8[%dma_wait3A_198] : memref<100000xf32, #tpu.memory_space<vmem_shared>> -> memref<10000xf32, #tpu.memory_space<vmem_shared>>
        %dma_wait3A_200 = arith.constant 90000 : i32
        %dma_wait3A_201 = tpu.memref_slice %arg8[%dma_wait3A_200] : memref<100000xf32, #tpu.memory_space<vmem_shared>> -> memref<10000xf32, #tpu.memory_space<vmem_shared>>
        tpu.wait_dma2 semaphore(%run_scoped3A : memref<!tpu.dma_semaphore, #tpu.memory_space<semaphore_mem>>) src(%arg21 : memref<10000xf32, #tpu.memory_space<vmem>>) dst(%dma_wait3A_201 : memref<10000xf32, #tpu.memory_space<vmem_shared>>)
        tpu.yield
      }) : () -> ()
    } else {
    }
    %barrier3A = arith.constant 0 : index
    tpu.barrier barrier_id(%barrier3A)
    %mul3A_148 = arith.constant 1562 : i32
    %mul3A_149 = arith.muli %add3A, %mul3A_148 : i32
    %min3A = arith.constant 16 : i32
    %min3A_150 = arith.minsi %add3A, %min3A : i32
    %add3A_151 = arith.addi %mul3A_149, %min3A_150 : i32
    %add3A_152 = arith.constant 0 : i32
    %add3A_153 = arith.addi %add3A_151, %add3A_152 : i32
    %mul3A_154 = arith.constant 256 : i32
    %mul3A_155 = arith.muli %add3A_153, %mul3A_154 : i32
    "tpu.region"() ({
      %run_scoped3A = tpu.sem_alloc : memref<!tpu.dma_semaphore, #tpu.memory_space<semaphore_mem>>
      %dma_start3A_194 = tpu.memref_slice %arg3[%mul3A_155] : memref<12800000xi32, #tpu.memory_space<hbm>> -> memref<2816xi32, #tpu.memory_space<hbm>>
      %dma_start3A_195 = tpu.memref_slice %arg3[%mul3A_155] : memref<12800000xi32, #tpu.memory_space<hbm>> -> memref<2816xi32, #tpu.memory_space<hbm>>
      tpu.enqueue_dma source(%dma_start3A_195 : memref<2816xi32, #tpu.memory_space<hbm>>) target(%arg9 : memref<2816xi32, #tpu.memory_space<vmem>>) target_semaphore(%run_scoped3A : memref<!tpu.dma_semaphore, #tpu.memory_space<semaphore_mem>>)
      %dma_wait3A_196 = tpu.memref_slice %arg3[%mul3A_155] : memref<12800000xi32, #tpu.memory_space<hbm>> -> memref<2816xi32, #tpu.memory_space<hbm>>
      %dma_wait3A_197 = tpu.memref_slice %arg3[%mul3A_155] : memref<12800000xi32, #tpu.memory_space<hbm>> -> memref<2816xi32, #tpu.memory_space<hbm>>
      tpu.wait_dma2 semaphore(%run_scoped3A : memref<!tpu.dma_semaphore, #tpu.memory_space<semaphore_mem>>) src(%dma_wait3A_197 : memref<2816xi32, #tpu.memory_space<hbm>>) dst(%arg9 : memref<2816xi32, #tpu.memory_space<vmem>>)
      tpu.yield
    }) : () -> ()
    %dma_start3A = arith.constant 0 : i32
    %dma_start3A_156 = tpu.memref_slice %arg6[%dma_start3A] : memref<100000xf32, #tpu.memory_space<vmem_shared>> -> memref<100000xf32, #tpu.memory_space<vmem_shared>>
    tpu.enqueue_indirect_dma source(%dma_start3A_156 : memref<100000xf32, #tpu.memory_space<vmem_shared>>) target(%arg11 : memref<2816xf32, #tpu.memory_space<vmem>>) offsets(%arg9 : memref<2816xi32, #tpu.memory_space<vmem>>) semaphore(%arg22 : memref<!tpu.dma_semaphore, #tpu.memory_space<semaphore_mem>>)
    %dma_start3A_157 = arith.constant 0 : i32
    %dma_start3A_158 = tpu.memref_slice %arg7[%dma_start3A_157] : memref<100000xf32, #tpu.memory_space<vmem_shared>> -> memref<100000xf32, #tpu.memory_space<vmem_shared>>
    tpu.enqueue_indirect_dma source(%dma_start3A_158 : memref<100000xf32, #tpu.memory_space<vmem_shared>>) target(%arg12 : memref<2816xf32, #tpu.memory_space<vmem>>) offsets(%arg9 : memref<2816xi32, #tpu.memory_space<vmem>>) semaphore(%arg22 : memref<!tpu.dma_semaphore, #tpu.memory_space<semaphore_mem>>)
    %dma_start3A_159 = arith.constant 0 : i32
    %dma_start3A_160 = tpu.memref_slice %arg8[%dma_start3A_159] : memref<100000xf32, #tpu.memory_space<vmem_shared>> -> memref<100000xf32, #tpu.memory_space<vmem_shared>>
    tpu.enqueue_indirect_dma source(%dma_start3A_160 : memref<100000xf32, #tpu.memory_space<vmem_shared>>) target(%arg13 : memref<2816xf32, #tpu.memory_space<vmem>>) offsets(%arg9 : memref<2816xi32, #tpu.memory_space<vmem>>) semaphore(%arg22 : memref<!tpu.dma_semaphore, #tpu.memory_space<semaphore_mem>>)
    %scan3A = arith.constant 0 : i32
    %scan3A_161 = arith.constant 0 : i32
    %scan3A_162 = arith.constant 71 : i32
    %scan3A_163 = arith.addi %scan3A_161, %scan3A_162 : i32
    %scan3A_164 = arith.constant 1 : i32
    %scan3A_165 = scf.for %scan3A_194 = %scan3A_161 to %scan3A_163 step %scan3A_164 iter_args(%scan3A_195 = %scan3A) -> (i32)  : i32 {
      %mul3A_196 = arith.constant 2 : i32
      %mul3A_197 = arith.muli %mul3A_196, %scan3A_194 : i32
      %add3A_198 = arith.constant 0 : i32
      %add3A_199 = arith.addi %mul3A_197, %add3A_198 : i32
      %dma_wait3A_200 = arith.constant 0 : i32
      %dma_wait3A_201 = tpu.memref_slice %arg6[%dma_wait3A_200] : memref<100000xf32, #tpu.memory_space<vmem_shared>> -> memref<100000xf32, #tpu.memory_space<vmem_shared>>
      tpu.wait_indirect_dma semaphore(%arg22 : memref<!tpu.dma_semaphore, #tpu.memory_space<semaphore_mem>>) src(%dma_wait3A_201 : memref<100000xf32, #tpu.memory_space<vmem_shared>>) dst(%arg11 : memref<2816xf32, #tpu.memory_space<vmem>>)
      %dma_wait3A_202 = arith.constant 0 : i32
      %dma_wait3A_203 = tpu.memref_slice %arg7[%dma_wait3A_202] : memref<100000xf32, #tpu.memory_space<vmem_shared>> -> memref<100000xf32, #tpu.memory_space<vmem_shared>>
      tpu.wait_indirect_dma semaphore(%arg22 : memref<!tpu.dma_semaphore, #tpu.memory_space<semaphore_mem>>) src(%dma_wait3A_203 : memref<100000xf32, #tpu.memory_space<vmem_shared>>) dst(%arg12 : memref<2816xf32, #tpu.memory_space<vmem>>)
      %dma_wait3A_204 = arith.constant 0 : i32
      %dma_wait3A_205 = tpu.memref_slice %arg8[%dma_wait3A_204] : memref<100000xf32, #tpu.memory_space<vmem_shared>> -> memref<100000xf32, #tpu.memory_space<vmem_shared>>
      tpu.wait_indirect_dma semaphore(%arg22 : memref<!tpu.dma_semaphore, #tpu.memory_space<semaphore_mem>>) src(%dma_wait3A_205 : memref<100000xf32, #tpu.memory_space<vmem_shared>>) dst(%arg13 : memref<2816xf32, #tpu.memory_space<vmem>>)
      %add3A_206 = arith.constant 1 : i32
      %add3A_207 = arith.addi %add3A_199, %add3A_206 : i32
      %lt3A_208 = arith.constant 142 : i32
      %lt3A_209 = arith.cmpi slt, %add3A_207, %lt3A_208 : i32
      %convert_element_type3A_210 = arith.extui %lt3A_209 : i1 to i32
      %cond3A_211 = arith.constant 0 : i32
      %cond3A_212 = arith.cmpi ne, %convert_element_type3A_210, %cond3A_211 : i32
      scf.if %cond3A_212 {
        %add3A_280 = arith.constant 1 : i32
        %add3A_281 = arith.addi %add3A_199, %add3A_280 : i32
        %mul3A_282 = arith.constant 11 : i32
        %mul3A_283 = arith.muli %add3A_281, %mul3A_282 : i32
        %add3A_284 = arith.addi %add3A_151, %mul3A_283 : i32
        %mul3A_285 = arith.constant 256 : i32
        %mul3A_286 = arith.muli %add3A_284, %mul3A_285 : i32
        "tpu.region"() ({
          %run_scoped3A = tpu.sem_alloc : memref<!tpu.dma_semaphore, #tpu.memory_space<semaphore_mem>>
          %dma_start3A_293 = tpu.memref_slice %arg3[%mul3A_286] : memref<12800000xi32, #tpu.memory_space<hbm>> -> memref<2816xi32, #tpu.memory_space<hbm>>
          %dma_start3A_294 = tpu.memref_slice %arg3[%mul3A_286] : memref<12800000xi32, #tpu.memory_space<hbm>> -> memref<2816xi32, #tpu.memory_space<hbm>>
          tpu.enqueue_dma source(%dma_start3A_294 : memref<2816xi32, #tpu.memory_space<hbm>>) target(%arg10 : memref<2816xi32, #tpu.memory_space<vmem>>) target_semaphore(%run_scoped3A : memref<!tpu.dma_semaphore, #tpu.memory_space<semaphore_mem>>)
          %dma_wait3A_295 = tpu.memref_slice %arg3[%mul3A_286] : memref<12800000xi32, #tpu.memory_space<hbm>> -> memref<2816xi32, #tpu.memory_space<hbm>>
          %dma_wait3A_296 = tpu.memref_slice %arg3[%mul3A_286] : memref<12800000xi32, #tpu.memory_space<hbm>> -> memref<2816xi32, #tpu.memory_space<hbm>>
          tpu.wait_dma2 semaphore(%run_scoped3A : memref<!tpu.dma_semaphore, #tpu.memory_space<semaphore_mem>>) src(%dma_wait3A_296 : memref<2816xi32, #tpu.memory_space<hbm>>) dst(%arg10 : memref<2816xi32, #tpu.memory_space<vmem>>)
          tpu.yield
        }) : () -> ()
        %dma_start3A_287 = arith.constant 0 : i32
        %dma_start3A_288 = tpu.memref_slice %arg6[%dma_start3A_287] : memref<100000xf32, #tpu.memory_space<vmem_shared>> -> memref<100000xf32, #tpu.memory_space<vmem_shared>>
        tpu.enqueue_indirect_dma source(%dma_start3A_288 : memref<100000xf32, #tpu.memory_space<vmem_shared>>) target(%arg14 : memref<2816xf32, #tpu.memory_space<vmem>>) offsets(%arg10 : memref<2816xi32, #tpu.memory_space<vmem>>) semaphore(%arg23 : memref<!tpu.dma_semaphore, #tpu.memory_space<semaphore_mem>>)
        %dma_start3A_289 = arith.constant 0 : i32
        %dma_start3A_290 = tpu.memref_slice %arg7[%dma_start3A_289] : memref<100000xf32, #tpu.memory_space<vmem_shared>> -> memref<100000xf32, #tpu.memory_space<vmem_shared>>
        tpu.enqueue_indirect_dma source(%dma_start3A_290 : memref<100000xf32, #tpu.memory_space<vmem_shared>>) target(%arg15 : memref<2816xf32, #tpu.memory_space<vmem>>) offsets(%arg10 : memref<2816xi32, #tpu.memory_space<vmem>>) semaphore(%arg23 : memref<!tpu.dma_semaphore, #tpu.memory_space<semaphore_mem>>)
        %dma_start3A_291 = arith.constant 0 : i32
        %dma_start3A_292 = tpu.memref_slice %arg8[%dma_start3A_291] : memref<100000xf32, #tpu.memory_space<vmem_shared>> -> memref<100000xf32, #tpu.memory_space<vmem_shared>>
        tpu.enqueue_indirect_dma source(%dma_start3A_292 : memref<100000xf32, #tpu.memory_space<vmem_shared>>) target(%arg16 : memref<2816xf32, #tpu.memory_space<vmem>>) offsets(%arg10 : memref<2816xi32, #tpu.memory_space<vmem>>) semaphore(%arg23 : memref<!tpu.dma_semaphore, #tpu.memory_space<semaphore_mem>>)
      } else {
      }
      %ge3A = arith.constant 1 : i32
      %ge3A_213 = arith.cmpi sge, %scan3A_194, %ge3A : i32
      %convert_element_type3A_214 = arith.extui %ge3A_213 : i1 to i32
      %cond3A_215 = arith.constant 0 : i32
      %cond3A_216 = arith.cmpi ne, %convert_element_type3A_214, %cond3A_215 : i32
      scf.if %cond3A_216 {
        %mul3A_280 = arith.constant 11 : i32
        %mul3A_281 = arith.muli %add3A_199, %mul3A_280 : i32
        %add3A_282 = arith.addi %add3A_151, %mul3A_281 : i32
        %dma_wait3A_283 = arith.constant 0 : i32
        %dma_wait3A_284 = arith.constant 0 : i32
        %dma_wait3A_285 = tpu.memref_slice %arg5[%add3A_282, %dma_wait3A_283, %dma_wait3A_284] : memref<50000x4x128xf32, #tpu.memory_space<hbm>> -> memref<11x4x128xf32, #tpu.memory_space<hbm>>
        %dma_wait3A_286 = arith.constant 0 : i32
        %dma_wait3A_287 = arith.constant 0 : i32
        %dma_wait3A_288 = tpu.memref_slice %arg5[%add3A_282, %dma_wait3A_286, %dma_wait3A_287] : memref<50000x4x128xf32, #tpu.memory_space<hbm>> -> memref<11x4x128xf32, #tpu.memory_space<hbm>>
        tpu.wait_dma2 semaphore(%arg24 : memref<!tpu.dma_semaphore, #tpu.memory_space<semaphore_mem>>) src(%arg17 : memref<11x4x128xf32, #tpu.memory_space<vmem>>) dst(%dma_wait3A_288 : memref<11x4x128xf32, #tpu.memory_space<hbm>>)
        %mul3A_289 = arith.constant 128 : i32
        %mul3A_290 = arith.muli %add3A_282, %mul3A_289 : i32
        %dma_wait3A_291 = tpu.memref_slice %arg4[%mul3A_290] : memref<6400000xf32, #tpu.memory_space<hbm>> -> memref<1408xf32, #tpu.memory_space<hbm>>
        %dma_wait3A_292 = tpu.memref_slice %arg4[%mul3A_290] : memref<6400000xf32, #tpu.memory_space<hbm>> -> memref<1408xf32, #tpu.memory_space<hbm>>
        tpu.wait_dma2 semaphore(%arg24 : memref<!tpu.dma_semaphore, #tpu.memory_space<semaphore_mem>>) src(%arg19 : memref<1408xf32, #tpu.memory_space<vmem>>) dst(%dma_wait3A_292 : memref<1408xf32, #tpu.memory_space<hbm>>)
      } else {
      }
      %scan3A_217 = arith.constant 0 : i32
      %scan3A_218 = arith.constant 0 : i32
      %scan3A_219 = arith.constant 11 : i32
      %scan3A_220 = arith.addi %scan3A_218, %scan3A_219 : i32
      %scan3A_221 = arith.constant 1 : i32
      %scan3A_222 = scf.for %scan3A_280 = %scan3A_218 to %scan3A_220 step %scan3A_221 iter_args(%scan3A_281 = %scan3A_217) -> (i32)  : i32 {
        %mul3A_282 = arith.constant 256 : i32
        %mul3A_283 = arith.muli %scan3A_280, %mul3A_282 : i32
        %mul3A_284 = arith.constant 128 : i32
        %mul3A_285 = arith.muli %scan3A_280, %mul3A_284 : i32
        %add3A_286 = arith.constant 0 : i32
        %add3A_287 = arith.addi %mul3A_283, %add3A_286 : i32
        %add3A_288 = arith.constant 128 : i32
        %add3A_289 = arith.addi %mul3A_283, %add3A_288 : i32
        %add3A_290 = arith.constant 0 : i32
        %add3A_291 = arith.addi %add3A_289, %add3A_290 : i32
        %get3A = arith.index_cast %add3A_287 : i32 to index
        %get3A_292 = tpu.vector_load %arg11[%get3A] {strides = array<i32>} : memref<2816xf32, #tpu.memory_space<vmem>>, vector<16xf32>,
        %get3A_293 = arith.index_cast %add3A_291 : i32 to index
        %get3A_294 = tpu.vector_load %arg11[%get3A_293] {strides = array<i32>} : memref<2816xf32, #tpu.memory_space<vmem>>, vector<16xf32>,
        %sub3A = arith.subf %get3A_292, %get3A_294 : vector<16xf32>
        %get3A_295 = arith.index_cast %add3A_287 : i32 to index
        %get3A_296 = tpu.vector_load %arg12[%get3A_295] {strides = array<i32>} : memref<2816xf32, #tpu.memory_space<vmem>>, vector<16xf32>,
        %get3A_297 = arith.index_cast %add3A_291 : i32 to index
        %get3A_298 = tpu.vector_load %arg12[%get3A_297] {strides = array<i32>} : memref<2816xf32, #tpu.memory_space<vmem>>, vector<16xf32>,
        %sub3A_299 = arith.subf %get3A_296, %get3A_298 : vector<16xf32>
        %get3A_300 = arith.index_cast %add3A_287 : i32 to index
        %get3A_301 = tpu.vector_load %arg13[%get3A_300] {strides = array<i32>} : memref<2816xf32, #tpu.memory_space<vmem>>, vector<16xf32>,
        %get3A_302 = arith.index_cast %add3A_291 : i32 to index
        %get3A_303 = tpu.vector_load %arg13[%get3A_302] {strides = array<i32>} : memref<2816xf32, #tpu.memory_space<vmem>>, vector<16xf32>,
        %sub3A_304 = arith.subf %get3A_301, %get3A_303 : vector<16xf32>
        %mul3A_305 = arith.mulf %sub3A, %sub3A : vector<16xf32>
        %mul3A_306 = arith.mulf %sub3A_299, %sub3A_299 : vector<16xf32>
        %add3A_307 = arith.addf %mul3A_305, %mul3A_306 : vector<16xf32>
        %mul3A_308 = arith.mulf %sub3A_304, %sub3A_304 : vector<16xf32>
        %add3A_309 = arith.addf %add3A_307, %mul3A_308 : vector<16xf32>
        %max3A = arith.constant 1.000000e-35 : f32
        %max3A_310 = vector.broadcast %max3A : f32 to vector<16xf32>
        %max3A_311 = arith.maximumf %add3A_309, %max3A_310 : vector<16xf32>
        %broadcast_in_dim3A = arith.constant 1597463007 : i32
        %broadcast_in_dim3A_312 = vector.broadcast %broadcast_in_dim3A : i32 to vector<16xi32>
        %bitcast_convert_type3A = tpu.bitcast %max3A_311 : vector<16xf32> -> vector<16xi32>
        %shift_right_arithmetic3A = arith.constant 1 : i32
        %shift_right_arithmetic3A_313 = vector.broadcast %shift_right_arithmetic3A : i32 to vector<16xi32>
        %shift_right_arithmetic3A_314 = arith.shrsi %bitcast_convert_type3A, %shift_right_arithmetic3A_313 : vector<16xi32>
        %sub3A_315 = arith.subi %broadcast_in_dim3A_312, %shift_right_arithmetic3A_314 : vector<16xi32>
        %bitcast_convert_type3A_316 = tpu.bitcast %sub3A_315 : vector<16xi32> -> vector<16xf32>
        %mul3A_317 = arith.constant 5.000000e-01 : f32
        %mul3A_318 = vector.broadcast %mul3A_317 : f32 to vector<16xf32>
        %mul3A_319 = arith.mulf %mul3A_318, %max3A_311 : vector<16xf32>
        %mul3A_320 = arith.mulf %mul3A_319, %bitcast_convert_type3A_316 : vector<16xf32>
        %mul3A_321 = arith.mulf %mul3A_320, %bitcast_convert_type3A_316 : vector<16xf32>
        %sub3A_322 = arith.constant 1.500000e+00 : f32
        %sub3A_323 = vector.broadcast %sub3A_322 : f32 to vector<16xf32>
        %sub3A_324 = arith.subf %sub3A_323, %mul3A_321 : vector<16xf32>
        %mul3A_325 = arith.mulf %bitcast_convert_type3A_316, %sub3A_324 : vector<16xf32>
        %mul3A_326 = arith.constant 5.000000e-01 : f32
        %mul3A_327 = vector.broadcast %mul3A_326 : f32 to vector<16xf32>
        %mul3A_328 = arith.mulf %mul3A_327, %max3A_311 : vector<16xf32>
        %mul3A_329 = arith.mulf %mul3A_328, %mul3A_325 : vector<16xf32>
        %mul3A_330 = arith.mulf %mul3A_329, %mul3A_325 : vector<16xf32>
        %sub3A_331 = arith.constant 1.500000e+00 : f32
        %sub3A_332 = vector.broadcast %sub3A_331 : f32 to vector<16xf32>
        %sub3A_333 = arith.subf %sub3A_332, %mul3A_330 : vector<16xf32>
        %mul3A_334 = arith.mulf %mul3A_325, %sub3A_333 : vector<16xf32>
        %mul3A_335 = arith.mulf %add3A_309, %mul3A_334 : vector<16xf32>
        %add3A_336 = arith.constant 0 : i32
        %add3A_337 = arith.addi %mul3A_285, %add3A_336 : i32
        %swap3A = arith.index_cast %add3A_337 : i32 to index
        %swap3A_338 = tpu.vector_load %arg19[%swap3A] {strides = array<i32>} : memref<1408xf32, #tpu.memory_space<vmem>>, vector<16xf32>,
        tpu.vector_store %arg19[%swap3A], %mul3A_335 {strides = array<i32>} : memref<1408xf32, #tpu.memory_space<vmem>>, vector<16xf32>,
        %swap3A_339 = arith.constant 0 : i32
        %swap3A_340 = arith.index_cast %scan3A_280 : i32 to index
        %swap3A_341 = arith.index_cast %swap3A_339 : i32 to index
        %swap3A_342 = arith.constant 0 : index
        %swap3A_343 = tpu.vector_load %arg17[%swap3A_340, %swap3A_341, %swap3A_342] {strides = array<i32>} : memref<11x4x128xf32, #tpu.memory_space<vmem>>, vector<16xf32>,
        tpu.vector_store %arg17[%swap3A_340, %swap3A_341, %swap3A_342], %sub3A {strides = array<i32>} : memref<11x4x128xf32, #tpu.memory_space<vmem>>, vector<16xf32>,
        %swap3A_344 = arith.constant 1 : i32
        %swap3A_345 = arith.index_cast %scan3A_280 : i32 to index
        %swap3A_346 = arith.index_cast %swap3A_344 : i32 to index
        %swap3A_347 = arith.constant 0 : index
        %swap3A_348 = tpu.vector_load %arg17[%swap3A_345, %swap3A_346, %swap3A_347] {strides = array<i32>} : memref<11x4x128xf32, #tpu.memory_space<vmem>>, vector<16xf32>,
        tpu.vector_store %arg17[%swap3A_345, %swap3A_346, %swap3A_347], %sub3A_299 {strides = array<i32>} : memref<11x4x128xf32, #tpu.memory_space<vmem>>, vector<16xf32>,
        %swap3A_349 = arith.constant 2 : i32
        %swap3A_350 = arith.index_cast %scan3A_280 : i32 to index
        %swap3A_351 = arith.index_cast %swap3A_349 : i32 to index
        %swap3A_352 = arith.constant 0 : index
        %swap3A_353 = tpu.vector_load %arg17[%swap3A_350, %swap3A_351, %swap3A_352] {strides = array<i32>} : memref<11x4x128xf32, #tpu.memory_space<vmem>>, vector<16xf32>,
        tpu.vector_store %arg17[%swap3A_350, %swap3A_351, %swap3A_352], %sub3A_304 {strides = array<i32>} : memref<11x4x128xf32, #tpu.memory_space<vmem>>, vector<16xf32>,
        %add3A_354 = arith.constant 16 : i32
        %add3A_355 = arith.addi %mul3A_283, %add3A_354 : i32
        %add3A_356 = arith.constant 128 : i32
        %add3A_357 = arith.addi %mul3A_283, %add3A_356 : i32
        %add3A_358 = arith.constant 16 : i32
        %add3A_359 = arith.addi %add3A_357, %add3A_358 : i32
        %get3A_360 = arith.index_cast %add3A_355 : i32 to index
        %get3A_361 = tpu.vector_load %arg11[%get3A_360] {strides = array<i32>} : memref<2816xf32, #tpu.memory_space<vmem>>, vector<16xf32>,
        %get3A_362 = arith.index_cast %add3A_359 : i32 to index
        %get3A_363 = tpu.vector_load %arg11[%get3A_362] {strides = array<i32>} : memref<2816xf32, #tpu.memory_space<vmem>>, vector<16xf32>,
        %sub3A_364 = arith.subf %get3A_361, %get3A_363 : vector<16xf32>
        %get3A_365 = arith.index_cast %add3A_355 : i32 to index
        %get3A_366 = tpu.vector_load %arg12[%get3A_365] {strides = array<i32>} : memref<2816xf32, #tpu.memory_space<vmem>>, vector<16xf32>,
        %get3A_367 = arith.index_cast %add3A_359 : i32 to index
        %get3A_368 = tpu.vector_load %arg12[%get3A_367] {strides = array<i32>} : memref<2816xf32, #tpu.memory_space<vmem>>, vector<16xf32>,
        %sub3A_369 = arith.subf %get3A_366, %get3A_368 : vector<16xf32>
        %get3A_370 = arith.index_cast %add3A_355 : i32 to index
        %get3A_371 = tpu.vector_load %arg13[%get3A_370] {strides = array<i32>} : memref<2816xf32, #tpu.memory_space<vmem>>, vector<16xf32>,
        %get3A_372 = arith.index_cast %add3A_359 : i32 to index
        %get3A_373 = tpu.vector_load %arg13[%get3A_372] {strides = array<i32>} : memref<2816xf32, #tpu.memory_space<vmem>>, vector<16xf32>,
        %sub3A_374 = arith.subf %get3A_371, %get3A_373 : vector<16xf32>
        %mul3A_375 = arith.mulf %sub3A_364, %sub3A_364 : vector<16xf32>
        %mul3A_376 = arith.mulf %sub3A_369, %sub3A_369 : vector<16xf32>
        %add3A_377 = arith.addf %mul3A_375, %mul3A_376 : vector<16xf32>
        %mul3A_378 = arith.mulf %sub3A_374, %sub3A_374 : vector<16xf32>
        %add3A_379 = arith.addf %add3A_377, %mul3A_378 : vector<16xf32>
        %max3A_380 = arith.constant 1.000000e-35 : f32
        %max3A_381 = vector.broadcast %max3A_380 : f32 to vector<16xf32>
        %max3A_382 = arith.maximumf %add3A_379, %max3A_381 : vector<16xf32>
        %broadcast_in_dim3A_383 = arith.constant 1597463007 : i32
        %broadcast_in_dim3A_384 = vector.broadcast %broadcast_in_dim3A_383 : i32 to vector<16xi32>
        %bitcast_convert_type3A_385 = tpu.bitcast %max3A_382 : vector<16xf32> -> vector<16xi32>
        %shift_right_arithmetic3A_386 = arith.constant 1 : i32
        %shift_right_arithmetic3A_387 = vector.broadcast %shift_right_arithmetic3A_386 : i32 to vector<16xi32>
        %shift_right_arithmetic3A_388 = arith.shrsi %bitcast_convert_type3A_385, %shift_right_arithmetic3A_387 : vector<16xi32>
        %sub3A_389 = arith.subi %broadcast_in_dim3A_384, %shift_right_arithmetic3A_388 : vector<16xi32>
        %bitcast_convert_type3A_390 = tpu.bitcast %sub3A_389 : vector<16xi32> -> vector<16xf32>
        %mul3A_391 = arith.constant 5.000000e-01 : f32
        %mul3A_392 = vector.broadcast %mul3A_391 : f32 to vector<16xf32>
        %mul3A_393 = arith.mulf %mul3A_392, %max3A_382 : vector<16xf32>
        %mul3A_394 = arith.mulf %mul3A_393, %bitcast_convert_type3A_390 : vector<16xf32>
        %mul3A_395 = arith.mulf %mul3A_394, %bitcast_convert_type3A_390 : vector<16xf32>
        %sub3A_396 = arith.constant 1.500000e+00 : f32
        %sub3A_397 = vector.broadcast %sub3A_396 : f32 to vector<16xf32>
        %sub3A_398 = arith.subf %sub3A_397, %mul3A_395 : vector<16xf32>
        %mul3A_399 = arith.mulf %bitcast_convert_type3A_390, %sub3A_398 : vector<16xf32>
        %mul3A_400 = arith.constant 5.000000e-01 : f32
        %mul3A_401 = vector.broadcast %mul3A_400 : f32 to vector<16xf32>
        %mul3A_402 = arith.mulf %mul3A_401, %max3A_382 : vector<16xf32>
        %mul3A_403 = arith.mulf %mul3A_402, %mul3A_399 : vector<16xf32>
        %mul3A_404 = arith.mulf %mul3A_403, %mul3A_399 : vector<16xf32>
        %sub3A_405 = arith.constant 1.500000e+00 : f32
        %sub3A_406 = vector.broadcast %sub3A_405 : f32 to vector<16xf32>
        %sub3A_407 = arith.subf %sub3A_406, %mul3A_404 : vector<16xf32>
        %mul3A_408 = arith.mulf %mul3A_399, %sub3A_407 : vector<16xf32>
        %mul3A_409 = arith.mulf %add3A_379, %mul3A_408 : vector<16xf32>
        %add3A_410 = arith.constant 16 : i32
        %add3A_411 = arith.addi %mul3A_285, %add3A_410 : i32
        %swap3A_412 = arith.index_cast %add3A_411 : i32 to index
        %swap3A_413 = tpu.vector_load %arg19[%swap3A_412] {strides = array<i32>} : memref<1408xf32, #tpu.memory_space<vmem>>, vector<16xf32>,
        tpu.vector_store %arg19[%swap3A_412], %mul3A_409 {strides = array<i32>} : memref<1408xf32, #tpu.memory_space<vmem>>, vector<16xf32>,
        %swap3A_414 = arith.constant 0 : i32
        %swap3A_415 = arith.index_cast %scan3A_280 : i32 to index
        %swap3A_416 = arith.index_cast %swap3A_414 : i32 to index
        %swap3A_417 = arith.constant 16 : index
        %swap3A_418 = tpu.vector_load %arg17[%swap3A_415, %swap3A_416, %swap3A_417] {strides = array<i32>} : memref<11x4x128xf32, #tpu.memory_space<vmem>>, vector<16xf32>,
        tpu.vector_store %arg17[%swap3A_415, %swap3A_416, %swap3A_417], %sub3A_364 {strides = array<i32>} : memref<11x4x128xf32, #tpu.memory_space<vmem>>, vector<16xf32>,
        %swap3A_419 = arith.constant 1 : i32
        %swap3A_420 = arith.index_cast %scan3A_280 : i32 to index
        %swap3A_421 = arith.index_cast %swap3A_419 : i32 to index
        %swap3A_422 = arith.constant 16 : index
        %swap3A_423 = tpu.vector_load %arg17[%swap3A_420, %swap3A_421, %swap3A_422] {strides = array<i32>} : memref<11x4x128xf32, #tpu.memory_space<vmem>>, vector<16xf32>,
        tpu.vector_store %arg17[%swap3A_420, %swap3A_421, %swap3A_422], %sub3A_369 {strides = array<i32>} : memref<11x4x128xf32, #tpu.memory_space<vmem>>, vector<16xf32>,
        %swap3A_424 = arith.constant 2 : i32
        %swap3A_425 = arith.index_cast %scan3A_280 : i32 to index
        %swap3A_426 = arith.index_cast %swap3A_424 : i32 to index
        %swap3A_427 = arith.constant 16 : index
        %swap3A_428 = tpu.vector_load %arg17[%swap3A_425, %swap3A_426, %swap3A_427] {strides = array<i32>} : memref<11x4x128xf32, #tpu.memory_space<vmem>>, vector<16xf32>,
        tpu.vector_store %arg17[%swap3A_425, %swap3A_426, %swap3A_427], %sub3A_374 {strides = array<i32>} : memref<11x4x128xf32, #tpu.memory_space<vmem>>, vector<16xf32>,
        %add3A_429 = arith.constant 32 : i32
        %add3A_430 = arith.addi %mul3A_283, %add3A_429 : i32
        %add3A_431 = arith.constant 128 : i32
        %add3A_432 = arith.addi %mul3A_283, %add3A_431 : i32
        %add3A_433 = arith.constant 32 : i32
        %add3A_434 = arith.addi %add3A_432, %add3A_433 : i32
        %get3A_435 = arith.index_cast %add3A_430 : i32 to index
        %get3A_436 = tpu.vector_load %arg11[%get3A_435] {strides = array<i32>} : memref<2816xf32, #tpu.memory_space<vmem>>, vector<16xf32>,
        %get3A_437 = arith.index_cast %add3A_434 : i32 to index
        %get3A_438 = tpu.vector_load %arg11[%get3A_437] {strides = array<i32>} : memref<2816xf32, #tpu.memory_space<vmem>>, vector<16xf32>,
        %sub3A_439 = arith.subf %get3A_436, %get3A_438 : vector<16xf32>
        %get3A_440 = arith.index_cast %add3A_430 : i32 to index
        %get3A_441 = tpu.vector_load %arg12[%get3A_440] {strides = array<i32>} : memref<2816xf32, #tpu.memory_space<vmem>>, vector<16xf32>,
        %get3A_442 = arith.index_cast %add3A_434 : i32 to index
        %get3A_443 = tpu.vector_load %arg12[%get3A_442] {strides = array<i32>} : memref<2816xf32, #tpu.memory_space<vmem>>, vector<16xf32>,
        %sub3A_444 = arith.subf %get3A_441, %get3A_443 : vector<16xf32>
        %get3A_445 = arith.index_cast %add3A_430 : i32 to index
        %get3A_446 = tpu.vector_load %arg13[%get3A_445] {strides = array<i32>} : memref<2816xf32, #tpu.memory_space<vmem>>, vector<16xf32>,
        %get3A_447 = arith.index_cast %add3A_434 : i32 to index
        %get3A_448 = tpu.vector_load %arg13[%get3A_447] {strides = array<i32>} : memref<2816xf32, #tpu.memory_space<vmem>>, vector<16xf32>,
        %sub3A_449 = arith.subf %get3A_446, %get3A_448 : vector<16xf32>
        %mul3A_450 = arith.mulf %sub3A_439, %sub3A_439 : vector<16xf32>
        %mul3A_451 = arith.mulf %sub3A_444, %sub3A_444 : vector<16xf32>
        %add3A_452 = arith.addf %mul3A_450, %mul3A_451 : vector<16xf32>
        %mul3A_453 = arith.mulf %sub3A_449, %sub3A_449 : vector<16xf32>
        %add3A_454 = arith.addf %add3A_452, %mul3A_453 : vector<16xf32>
        %max3A_455 = arith.constant 1.000000e-35 : f32
        %max3A_456 = vector.broadcast %max3A_455 : f32 to vector<16xf32>
        %max3A_457 = arith.maximumf %add3A_454, %max3A_456 : vector<16xf32>
        %broadcast_in_dim3A_458 = arith.constant 1597463007 : i32
        %broadcast_in_dim3A_459 = vector.broadcast %broadcast_in_dim3A_458 : i32 to vector<16xi32>
        %bitcast_convert_type3A_460 = tpu.bitcast %max3A_457 : vector<16xf32> -> vector<16xi32>
        %shift_right_arithmetic3A_461 = arith.constant 1 : i32
        %shift_right_arithmetic3A_462 = vector.broadcast %shift_right_arithmetic3A_461 : i32 to vector<16xi32>
        %shift_right_arithmetic3A_463 = arith.shrsi %bitcast_convert_type3A_460, %shift_right_arithmetic3A_462 : vector<16xi32>
        %sub3A_464 = arith.subi %broadcast_in_dim3A_459, %shift_right_arithmetic3A_463 : vector<16xi32>
        %bitcast_convert_type3A_465 = tpu.bitcast %sub3A_464 : vector<16xi32> -> vector<16xf32>
        %mul3A_466 = arith.constant 5.000000e-01 : f32
        %mul3A_467 = vector.broadcast %mul3A_466 : f32 to vector<16xf32>
        %mul3A_468 = arith.mulf %mul3A_467, %max3A_457 : vector<16xf32>
        %mul3A_469 = arith.mulf %mul3A_468, %bitcast_convert_type3A_465 : vector<16xf32>
        %mul3A_470 = arith.mulf %mul3A_469, %bitcast_convert_type3A_465 : vector<16xf32>
        %sub3A_471 = arith.constant 1.500000e+00 : f32
        %sub3A_472 = vector.broadcast %sub3A_471 : f32 to vector<16xf32>
        %sub3A_473 = arith.subf %sub3A_472, %mul3A_470 : vector<16xf32>
        %mul3A_474 = arith.mulf %bitcast_convert_type3A_465, %sub3A_473 : vector<16xf32>
        %mul3A_475 = arith.constant 5.000000e-01 : f32
        %mul3A_476 = vector.broadcast %mul3A_475 : f32 to vector<16xf32>
        %mul3A_477 = arith.mulf %mul3A_476, %max3A_457 : vector<16xf32>
        %mul3A_478 = arith.mulf %mul3A_477, %mul3A_474 : vector<16xf32>
        %mul3A_479 = arith.mulf %mul3A_478, %mul3A_474 : vector<16xf32>
        %sub3A_480 = arith.constant 1.500000e+00 : f32
        %sub3A_481 = vector.broadcast %sub3A_480 : f32 to vector<16xf32>
        %sub3A_482 = arith.subf %sub3A_481, %mul3A_479 : vector<16xf32>
        %mul3A_483 = arith.mulf %mul3A_474, %sub3A_482 : vector<16xf32>
        %mul3A_484 = arith.mulf %add3A_454, %mul3A_483 : vector<16xf32>
        %add3A_485 = arith.constant 32 : i32
        %add3A_486 = arith.addi %mul3A_285, %add3A_485 : i32
        %swap3A_487 = arith.index_cast %add3A_486 : i32 to index
        %swap3A_488 = tpu.vector_load %arg19[%swap3A_487] {strides = array<i32>} : memref<1408xf32, #tpu.memory_space<vmem>>, vector<16xf32>,
        tpu.vector_store %arg19[%swap3A_487], %mul3A_484 {strides = array<i32>} : memref<1408xf32, #tpu.memory_space<vmem>>, vector<16xf32>,
        %swap3A_489 = arith.constant 0 : i32
        %swap3A_490 = arith.index_cast %scan3A_280 : i32 to index
        %swap3A_491 = arith.index_cast %swap3A_489 : i32 to index
        %swap3A_492 = arith.constant 32 : index
        %swap3A_493 = tpu.vector_load %arg17[%swap3A_490, %swap3A_491, %swap3A_492] {strides = array<i32>} : memref<11x4x128xf32, #tpu.memory_space<vmem>>, vector<16xf32>,
        tpu.vector_store %arg17[%swap3A_490, %swap3A_491, %swap3A_492], %sub3A_439 {strides = array<i32>} : memref<11x4x128xf32, #tpu.memory_space<vmem>>, vector<16xf32>,
        %swap3A_494 = arith.constant 1 : i32
        %swap3A_495 = arith.index_cast %scan3A_280 : i32 to index
        %swap3A_496 = arith.index_cast %swap3A_494 : i32 to index
        %swap3A_497 = arith.constant 32 : index
        %swap3A_498 = tpu.vector_load %arg17[%swap3A_495, %swap3A_496, %swap3A_497] {strides = array<i32>} : memref<11x4x128xf32, #tpu.memory_space<vmem>>, vector<16xf32>,
        tpu.vector_store %arg17[%swap3A_495, %swap3A_496, %swap3A_497], %sub3A_444 {strides = array<i32>} : memref<11x4x128xf32, #tpu.memory_space<vmem>>, vector<16xf32>,
        %swap3A_499 = arith.constant 2 : i32
        %swap3A_500 = arith.index_cast %scan3A_280 : i32 to index
        %swap3A_501 = arith.index_cast %swap3A_499 : i32 to index
        %swap3A_502 = arith.constant 32 : index
        %swap3A_503 = tpu.vector_load %arg17[%swap3A_500, %swap3A_501, %swap3A_502] {strides = array<i32>} : memref<11x4x128xf32, #tpu.memory_space<vmem>>, vector<16xf32>,
        tpu.vector_store %arg17[%swap3A_500, %swap3A_501, %swap3A_502], %sub3A_449 {strides = array<i32>} : memref<11x4x128xf32, #tpu.memory_space<vmem>>, vector<16xf32>,
        %add3A_504 = arith.constant 48 : i32
        %add3A_505 = arith.addi %mul3A_283, %add3A_504 : i32
        %add3A_506 = arith.constant 128 : i32
        %add3A_507 = arith.addi %mul3A_283, %add3A_506 : i32
        %add3A_508 = arith.constant 48 : i32
        %add3A_509 = arith.addi %add3A_507, %add3A_508 : i32
        %get3A_510 = arith.index_cast %add3A_505 : i32 to index
        %get3A_511 = tpu.vector_load %arg11[%get3A_510] {strides = array<i32>} : memref<2816xf32, #tpu.memory_space<vmem>>, vector<16xf32>,
        %get3A_512 = arith.index_cast %add3A_509 : i32 to index
        %get3A_513 = tpu.vector_load %arg11[%get3A_512] {strides = array<i32>} : memref<2816xf32, #tpu.memory_space<vmem>>, vector<16xf32>,
        %sub3A_514 = arith.subf %get3A_511, %get3A_513 : vector<16xf32>
        %get3A_515 = arith.index_cast %add3A_505 : i32 to index
        %get3A_516 = tpu.vector_load %arg12[%get3A_515] {strides = array<i32>} : memref<2816xf32, #tpu.memory_space<vmem>>, vector<16xf32>,
        %get3A_517 = arith.index_cast %add3A_509 : i32 to index
        %get3A_518 = tpu.vector_load %arg12[%get3A_517] {strides = array<i32>} : memref<2816xf32, #tpu.memory_space<vmem>>, vector<16xf32>,
        %sub3A_519 = arith.subf %get3A_516, %get3A_518 : vector<16xf32>
        %get3A_520 = arith.index_cast %add3A_505 : i32 to index
        %get3A_521 = tpu.vector_load %arg13[%get3A_520] {strides = array<i32>} : memref<2816xf32, #tpu.memory_space<vmem>>, vector<16xf32>,
        %get3A_522 = arith.index_cast %add3A_509 : i32 to index
        %get3A_523 = tpu.vector_load %arg13[%get3A_522] {strides = array<i32>} : memref<2816xf32, #tpu.memory_space<vmem>>, vector<16xf32>,
        %sub3A_524 = arith.subf %get3A_521, %get3A_523 : vector<16xf32>
        %mul3A_525 = arith.mulf %sub3A_514, %sub3A_514 : vector<16xf32>
        %mul3A_526 = arith.mulf %sub3A_519, %sub3A_519 : vector<16xf32>
        %add3A_527 = arith.addf %mul3A_525, %mul3A_526 : vector<16xf32>
        %mul3A_528 = arith.mulf %sub3A_524, %sub3A_524 : vector<16xf32>
        %add3A_529 = arith.addf %add3A_527, %mul3A_528 : vector<16xf32>
        %max3A_530 = arith.constant 1.000000e-35 : f32
        %max3A_531 = vector.broadcast %max3A_530 : f32 to vector<16xf32>
        %max3A_532 = arith.maximumf %add3A_529, %max3A_531 : vector<16xf32>
        %broadcast_in_dim3A_533 = arith.constant 1597463007 : i32
        %broadcast_in_dim3A_534 = vector.broadcast %broadcast_in_dim3A_533 : i32 to vector<16xi32>
        %bitcast_convert_type3A_535 = tpu.bitcast %max3A_532 : vector<16xf32> -> vector<16xi32>
        %shift_right_arithmetic3A_536 = arith.constant 1 : i32
        %shift_right_arithmetic3A_537 = vector.broadcast %shift_right_arithmetic3A_536 : i32 to vector<16xi32>
        %shift_right_arithmetic3A_538 = arith.shrsi %bitcast_convert_type3A_535, %shift_right_arithmetic3A_537 : vector<16xi32>
        %sub3A_539 = arith.subi %broadcast_in_dim3A_534, %shift_right_arithmetic3A_538 : vector<16xi32>
        %bitcast_convert_type3A_540 = tpu.bitcast %sub3A_539 : vector<16xi32> -> vector<16xf32>
        %mul3A_541 = arith.constant 5.000000e-01 : f32
        %mul3A_542 = vector.broadcast %mul3A_541 : f32 to vector<16xf32>
        %mul3A_543 = arith.mulf %mul3A_542, %max3A_532 : vector<16xf32>
        %mul3A_544 = arith.mulf %mul3A_543, %bitcast_convert_type3A_540 : vector<16xf32>
        %mul3A_545 = arith.mulf %mul3A_544, %bitcast_convert_type3A_540 : vector<16xf32>
        %sub3A_546 = arith.constant 1.500000e+00 : f32
        %sub3A_547 = vector.broadcast %sub3A_546 : f32 to vector<16xf32>
        %sub3A_548 = arith.subf %sub3A_547, %mul3A_545 : vector<16xf32>
        %mul3A_549 = arith.mulf %bitcast_convert_type3A_540, %sub3A_548 : vector<16xf32>
        %mul3A_550 = arith.constant 5.000000e-01 : f32
        %mul3A_551 = vector.broadcast %mul3A_550 : f32 to vector<16xf32>
        %mul3A_552 = arith.mulf %mul3A_551, %max3A_532 : vector<16xf32>
        %mul3A_553 = arith.mulf %mul3A_552, %mul3A_549 : vector<16xf32>
        %mul3A_554 = arith.mulf %mul3A_553, %mul3A_549 : vector<16xf32>
        %sub3A_555 = arith.constant 1.500000e+00 : f32
        %sub3A_556 = vector.broadcast %sub3A_555 : f32 to vector<16xf32>
        %sub3A_557 = arith.subf %sub3A_556, %mul3A_554 : vector<16xf32>
        %mul3A_558 = arith.mulf %mul3A_549, %sub3A_557 : vector<16xf32>
        %mul3A_559 = arith.mulf %add3A_529, %mul3A_558 : vector<16xf32>
        %add3A_560 = arith.constant 48 : i32
        %add3A_561 = arith.addi %mul3A_285, %add3A_560 : i32
        %swap3A_562 = arith.index_cast %add3A_561 : i32 to index
        %swap3A_563 = tpu.vector_load %arg19[%swap3A_562] {strides = array<i32>} : memref<1408xf32, #tpu.memory_space<vmem>>, vector<16xf32>,
        tpu.vector_store %arg19[%swap3A_562], %mul3A_559 {strides = array<i32>} : memref<1408xf32, #tpu.memory_space<vmem>>, vector<16xf32>,
        %swap3A_564 = arith.constant 0 : i32
        %swap3A_565 = arith.index_cast %scan3A_280 : i32 to index
        %swap3A_566 = arith.index_cast %swap3A_564 : i32 to index
        %swap3A_567 = arith.constant 48 : index
        %swap3A_568 = tpu.vector_load %arg17[%swap3A_565, %swap3A_566, %swap3A_567] {strides = array<i32>} : memref<11x4x128xf32, #tpu.memory_space<vmem>>, vector<16xf32>,
        tpu.vector_store %arg17[%swap3A_565, %swap3A_566, %swap3A_567], %sub3A_514 {strides = array<i32>} : memref<11x4x128xf32, #tpu.memory_space<vmem>>, vector<16xf32>,
        %swap3A_569 = arith.constant 1 : i32
        %swap3A_570 = arith.index_cast %scan3A_280 : i32 to index
        %swap3A_571 = arith.index_cast %swap3A_569 : i32 to index
        %swap3A_572 = arith.constant 48 : index
        %swap3A_573 = tpu.vector_load %arg17[%swap3A_570, %swap3A_571, %swap3A_572] {strides = array<i32>} : memref<11x4x128xf32, #tpu.memory_space<vmem>>, vector<16xf32>,
        tpu.vector_store %arg17[%swap3A_570, %swap3A_571, %swap3A_572], %sub3A_519 {strides = array<i32>} : memref<11x4x128xf32, #tpu.memory_space<vmem>>, vector<16xf32>,
        %swap3A_574 = arith.constant 2 : i32
        %swap3A_575 = arith.index_cast %scan3A_280 : i32 to index
        %swap3A_576 = arith.index_cast %swap3A_574 : i32 to index
        %swap3A_577 = arith.constant 48 : index
        %swap3A_578 = tpu.vector_load %arg17[%swap3A_575, %swap3A_576, %swap3A_577] {strides = array<i32>} : memref<11x4x128xf32, #tpu.memory_space<vmem>>, vector<16xf32>,
        tpu.vector_store %arg17[%swap3A_575, %swap3A_576, %swap3A_577], %sub3A_524 {strides = array<i32>} : memref<11x4x128xf32, #tpu.memory_space<vmem>>, vector<16xf32>,
        %add3A_579 = arith.constant 64 : i32
        %add3A_580 = arith.addi %mul3A_283, %add3A_579 : i32
        %add3A_581 = arith.constant 128 : i32
        %add3A_582 = arith.addi %mul3A_283, %add3A_581 : i32
        %add3A_583 = arith.constant 64 : i32
        %add3A_584 = arith.addi %add3A_582, %add3A_583 : i32
        %get3A_585 = arith.index_cast %add3A_580 : i32 to index
        %get3A_586 = tpu.vector_load %arg11[%get3A_585] {strides = array<i32>} : memref<2816xf32, #tpu.memory_space<vmem>>, vector<16xf32>,
        %get3A_587 = arith.index_cast %add3A_584 : i32 to index
        %get3A_588 = tpu.vector_load %arg11[%get3A_587] {strides = array<i32>} : memref<2816xf32, #tpu.memory_space<vmem>>, vector<16xf32>,
        %sub3A_589 = arith.subf %get3A_586, %get3A_588 : vector<16xf32>
        %get3A_590 = arith.index_cast %add3A_580 : i32 to index
        %get3A_591 = tpu.vector_load %arg12[%get3A_590] {strides = array<i32>} : memref<2816xf32, #tpu.memory_space<vmem>>, vector<16xf32>,
        %get3A_592 = arith.index_cast %add3A_584 : i32 to index
        %get3A_593 = tpu.vector_load %arg12[%get3A_592] {strides = array<i32>} : memref<2816xf32, #tpu.memory_space<vmem>>, vector<16xf32>,
        %sub3A_594 = arith.subf %get3A_591, %get3A_593 : vector<16xf32>
        %get3A_595 = arith.index_cast %add3A_580 : i32 to index
        %get3A_596 = tpu.vector_load %arg13[%get3A_595] {strides = array<i32>} : memref<2816xf32, #tpu.memory_space<vmem>>, vector<16xf32>,
        %get3A_597 = arith.index_cast %add3A_584 : i32 to index
        %get3A_598 = tpu.vector_load %arg13[%get3A_597] {strides = array<i32>} : memref<2816xf32, #tpu.memory_space<vmem>>, vector<16xf32>,
        %sub3A_599 = arith.subf %get3A_596, %get3A_598 : vector<16xf32>
        %mul3A_600 = arith.mulf %sub3A_589, %sub3A_589 : vector<16xf32>
        %mul3A_601 = arith.mulf %sub3A_594, %sub3A_594 : vector<16xf32>
        %add3A_602 = arith.addf %mul3A_600, %mul3A_601 : vector<16xf32>
        %mul3A_603 = arith.mulf %sub3A_599, %sub3A_599 : vector<16xf32>
        %add3A_604 = arith.addf %add3A_602, %mul3A_603 : vector<16xf32>
        %max3A_605 = arith.constant 1.000000e-35 : f32
        %max3A_606 = vector.broadcast %max3A_605 : f32 to vector<16xf32>
        %max3A_607 = arith.maximumf %add3A_604, %max3A_606 : vector<16xf32>
        %broadcast_in_dim3A_608 = arith.constant 1597463007 : i32
        %broadcast_in_dim3A_609 = vector.broadcast %broadcast_in_dim3A_608 : i32 to vector<16xi32>
        %bitcast_convert_type3A_610 = tpu.bitcast %max3A_607 : vector<16xf32> -> vector<16xi32>
        %shift_right_arithmetic3A_611 = arith.constant 1 : i32
        %shift_right_arithmetic3A_612 = vector.broadcast %shift_right_arithmetic3A_611 : i32 to vector<16xi32>
        %shift_right_arithmetic3A_613 = arith.shrsi %bitcast_convert_type3A_610, %shift_right_arithmetic3A_612 : vector<16xi32>
        %sub3A_614 = arith.subi %broadcast_in_dim3A_609, %shift_right_arithmetic3A_613 : vector<16xi32>
        %bitcast_convert_type3A_615 = tpu.bitcast %sub3A_614 : vector<16xi32> -> vector<16xf32>
        %mul3A_616 = arith.constant 5.000000e-01 : f32
        %mul3A_617 = vector.broadcast %mul3A_616 : f32 to vector<16xf32>
        %mul3A_618 = arith.mulf %mul3A_617, %max3A_607 : vector<16xf32>
        %mul3A_619 = arith.mulf %mul3A_618, %bitcast_convert_type3A_615 : vector<16xf32>
        %mul3A_620 = arith.mulf %mul3A_619, %bitcast_convert_type3A_615 : vector<16xf32>
        %sub3A_621 = arith.constant 1.500000e+00 : f32
        %sub3A_622 = vector.broadcast %sub3A_621 : f32 to vector<16xf32>
        %sub3A_623 = arith.subf %sub3A_622, %mul3A_620 : vector<16xf32>
        %mul3A_624 = arith.mulf %bitcast_convert_type3A_615, %sub3A_623 : vector<16xf32>
        %mul3A_625 = arith.constant 5.000000e-01 : f32
        %mul3A_626 = vector.broadcast %mul3A_625 : f32 to vector<16xf32>
        %mul3A_627 = arith.mulf %mul3A_626, %max3A_607 : vector<16xf32>
        %mul3A_628 = arith.mulf %mul3A_627, %mul3A_624 : vector<16xf32>
        %mul3A_629 = arith.mulf %mul3A_628, %mul3A_624 : vector<16xf32>
        %sub3A_630 = arith.constant 1.500000e+00 : f32
        %sub3A_631 = vector.broadcast %sub3A_630 : f32 to vector<16xf32>
        %sub3A_632 = arith.subf %sub3A_631, %mul3A_629 : vector<16xf32>
        %mul3A_633 = arith.mulf %mul3A_624, %sub3A_632 : vector<16xf32>
        %mul3A_634 = arith.mulf %add3A_604, %mul3A_633 : vector<16xf32>
        %add3A_635 = arith.constant 64 : i32
        %add3A_636 = arith.addi %mul3A_285, %add3A_635 : i32
        %swap3A_637 = arith.index_cast %add3A_636 : i32 to index
        %swap3A_638 = tpu.vector_load %arg19[%swap3A_637] {strides = array<i32>} : memref<1408xf32, #tpu.memory_space<vmem>>, vector<16xf32>,
        tpu.vector_store %arg19[%swap3A_637], %mul3A_634 {strides = array<i32>} : memref<1408xf32, #tpu.memory_space<vmem>>, vector<16xf32>,
        %swap3A_639 = arith.constant 0 : i32
        %swap3A_640 = arith.index_cast %scan3A_280 : i32 to index
        %swap3A_641 = arith.index_cast %swap3A_639 : i32 to index
        %swap3A_642 = arith.constant 64 : index
        %swap3A_643 = tpu.vector_load %arg17[%swap3A_640, %swap3A_641, %swap3A_642] {strides = array<i32>} : memref<11x4x128xf32, #tpu.memory_space<vmem>>, vector<16xf32>,
        tpu.vector_store %arg17[%swap3A_640, %swap3A_641, %swap3A_642], %sub3A_589 {strides = array<i32>} : memref<11x4x128xf32, #tpu.memory_space<vmem>>, vector<16xf32>,
        %swap3A_644 = arith.constant 1 : i32
        %swap3A_645 = arith.index_cast %scan3A_280 : i32 to index
        %swap3A_646 = arith.index_cast %swap3A_644 : i32 to index
        %swap3A_647 = arith.constant 64 : index
        %swap3A_648 = tpu.vector_load %arg17[%swap3A_645, %swap3A_646, %swap3A_647] {strides = array<i32>} : memref<11x4x128xf32, #tpu.memory_space<vmem>>, vector<16xf32>,
        tpu.vector_store %arg17[%swap3A_645, %swap3A_646, %swap3A_647], %sub3A_594 {strides = array<i32>} : memref<11x4x128xf32, #tpu.memory_space<vmem>>, vector<16xf32>,
        %swap3A_649 = arith.constant 2 : i32
        %swap3A_650 = arith.index_cast %scan3A_280 : i32 to index
        %swap3A_651 = arith.index_cast %swap3A_649 : i32 to index
        %swap3A_652 = arith.constant 64 : index
        %swap3A_653 = tpu.vector_load %arg17[%swap3A_650, %swap3A_651, %swap3A_652] {strides = array<i32>} : memref<11x4x128xf32, #tpu.memory_space<vmem>>, vector<16xf32>,
        tpu.vector_store %arg17[%swap3A_650, %swap3A_651, %swap3A_652], %sub3A_599 {strides = array<i32>} : memref<11x4x128xf32, #tpu.memory_space<vmem>>, vector<16xf32>,
        %add3A_654 = arith.constant 80 : i32
        %add3A_655 = arith.addi %mul3A_283, %add3A_654 : i32
        %add3A_656 = arith.constant 128 : i32
        %add3A_657 = arith.addi %mul3A_283, %add3A_656 : i32
        %add3A_658 = arith.constant 80 : i32
        %add3A_659 = arith.addi %add3A_657, %add3A_658 : i32
        %get3A_660 = arith.index_cast %add3A_655 : i32 to index
        %get3A_661 = tpu.vector_load %arg11[%get3A_660] {strides = array<i32>} : memref<2816xf32, #tpu.memory_space<vmem>>, vector<16xf32>,
        %get3A_662 = arith.index_cast %add3A_659 : i32 to index
        %get3A_663 = tpu.vector_load %arg11[%get3A_662] {strides = array<i32>} : memref<2816xf32, #tpu.memory_space<vmem>>, vector<16xf32>,
        %sub3A_664 = arith.subf %get3A_661, %get3A_663 : vector<16xf32>
        %get3A_665 = arith.index_cast %add3A_655 : i32 to index
        %get3A_666 = tpu.vector_load %arg12[%get3A_665] {strides = array<i32>} : memref<2816xf32, #tpu.memory_space<vmem>>, vector<16xf32>,
        %get3A_667 = arith.index_cast %add3A_659 : i32 to index
        %get3A_668 = tpu.vector_load %arg12[%get3A_667] {strides = array<i32>} : memref<2816xf32, #tpu.memory_space<vmem>>, vector<16xf32>,
        %sub3A_669 = arith.subf %get3A_666, %get3A_668 : vector<16xf32>
        %get3A_670 = arith.index_cast %add3A_655 : i32 to index
        %get3A_671 = tpu.vector_load %arg13[%get3A_670] {strides = array<i32>} : memref<2816xf32, #tpu.memory_space<vmem>>, vector<16xf32>,
        %get3A_672 = arith.index_cast %add3A_659 : i32 to index
        %get3A_673 = tpu.vector_load %arg13[%get3A_672] {strides = array<i32>} : memref<2816xf32, #tpu.memory_space<vmem>>, vector<16xf32>,
        %sub3A_674 = arith.subf %get3A_671, %get3A_673 : vector<16xf32>
        %mul3A_675 = arith.mulf %sub3A_664, %sub3A_664 : vector<16xf32>
        %mul3A_676 = arith.mulf %sub3A_669, %sub3A_669 : vector<16xf32>
        %add3A_677 = arith.addf %mul3A_675, %mul3A_676 : vector<16xf32>
        %mul3A_678 = arith.mulf %sub3A_674, %sub3A_674 : vector<16xf32>
        %add3A_679 = arith.addf %add3A_677, %mul3A_678 : vector<16xf32>
        %max3A_680 = arith.constant 1.000000e-35 : f32
        %max3A_681 = vector.broadcast %max3A_680 : f32 to vector<16xf32>
        %max3A_682 = arith.maximumf %add3A_679, %max3A_681 : vector<16xf32>
        %broadcast_in_dim3A_683 = arith.constant 1597463007 : i32
        %broadcast_in_dim3A_684 = vector.broadcast %broadcast_in_dim3A_683 : i32 to vector<16xi32>
        %bitcast_convert_type3A_685 = tpu.bitcast %max3A_682 : vector<16xf32> -> vector<16xi32>
        %shift_right_arithmetic3A_686 = arith.constant 1 : i32
        %shift_right_arithmetic3A_687 = vector.broadcast %shift_right_arithmetic3A_686 : i32 to vector<16xi32>
        %shift_right_arithmetic3A_688 = arith.shrsi %bitcast_convert_type3A_685, %shift_right_arithmetic3A_687 : vector<16xi32>
        %sub3A_689 = arith.subi %broadcast_in_dim3A_684, %shift_right_arithmetic3A_688 : vector<16xi32>
        %bitcast_convert_type3A_690 = tpu.bitcast %sub3A_689 : vector<16xi32> -> vector<16xf32>
        %mul3A_691 = arith.constant 5.000000e-01 : f32
        %mul3A_692 = vector.broadcast %mul3A_691 : f32 to vector<16xf32>
        %mul3A_693 = arith.mulf %mul3A_692, %max3A_682 : vector<16xf32>
        %mul3A_694 = arith.mulf %mul3A_693, %bitcast_convert_type3A_690 : vector<16xf32>
        %mul3A_695 = arith.mulf %mul3A_694, %bitcast_convert_type3A_690 : vector<16xf32>
        %sub3A_696 = arith.constant 1.500000e+00 : f32
        %sub3A_697 = vector.broadcast %sub3A_696 : f32 to vector<16xf32>
        %sub3A_698 = arith.subf %sub3A_697, %mul3A_695 : vector<16xf32>
        %mul3A_699 = arith.mulf %bitcast_convert_type3A_690, %sub3A_698 : vector<16xf32>
        %mul3A_700 = arith.constant 5.000000e-01 : f32
        %mul3A_701 = vector.broadcast %mul3A_700 : f32 to vector<16xf32>
        %mul3A_702 = arith.mulf %mul3A_701, %max3A_682 : vector<16xf32>
        %mul3A_703 = arith.mulf %mul3A_702, %mul3A_699 : vector<16xf32>
        %mul3A_704 = arith.mulf %mul3A_703, %mul3A_699 : vector<16xf32>
        %sub3A_705 = arith.constant 1.500000e+00 : f32
        %sub3A_706 = vector.broadcast %sub3A_705 : f32 to vector<16xf32>
        %sub3A_707 = arith.subf %sub3A_706, %mul3A_704 : vector<16xf32>
        %mul3A_708 = arith.mulf %mul3A_699, %sub3A_707 : vector<16xf32>
        %mul3A_709 = arith.mulf %add3A_679, %mul3A_708 : vector<16xf32>
        %add3A_710 = arith.constant 80 : i32
        %add3A_711 = arith.addi %mul3A_285, %add3A_710 : i32
        %swap3A_712 = arith.index_cast %add3A_711 : i32 to index
        %swap3A_713 = tpu.vector_load %arg19[%swap3A_712] {strides = array<i32>} : memref<1408xf32, #tpu.memory_space<vmem>>, vector<16xf32>,
        tpu.vector_store %arg19[%swap3A_712], %mul3A_709 {strides = array<i32>} : memref<1408xf32, #tpu.memory_space<vmem>>, vector<16xf32>,
        %swap3A_714 = arith.constant 0 : i32
        %swap3A_715 = arith.index_cast %scan3A_280 : i32 to index
        %swap3A_716 = arith.index_cast %swap3A_714 : i32 to index
        %swap3A_717 = arith.constant 80 : index
        %swap3A_718 = tpu.vector_load %arg17[%swap3A_715, %swap3A_716, %swap3A_717] {strides = array<i32>} : memref<11x4x128xf32, #tpu.memory_space<vmem>>, vector<16xf32>,
        tpu.vector_store %arg17[%swap3A_715, %swap3A_716, %swap3A_717], %sub3A_664 {strides = array<i32>} : memref<11x4x128xf32, #tpu.memory_space<vmem>>, vector<16xf32>,
        %swap3A_719 = arith.constant 1 : i32
        %swap3A_720 = arith.index_cast %scan3A_280 : i32 to index
        %swap3A_721 = arith.index_cast %swap3A_719 : i32 to index
        %swap3A_722 = arith.constant 80 : index
        %swap3A_723 = tpu.vector_load %arg17[%swap3A_720, %swap3A_721, %swap3A_722] {strides = array<i32>} : memref<11x4x128xf32, #tpu.memory_space<vmem>>, vector<16xf32>,
        tpu.vector_store %arg17[%swap3A_720, %swap3A_721, %swap3A_722], %sub3A_669 {strides = array<i32>} : memref<11x4x128xf32, #tpu.memory_space<vmem>>, vector<16xf32>,
        %swap3A_724 = arith.constant 2 : i32
        %swap3A_725 = arith.index_cast %scan3A_280 : i32 to index
        %swap3A_726 = arith.index_cast %swap3A_724 : i32 to index
        %swap3A_727 = arith.constant 80 : index
        %swap3A_728 = tpu.vector_load %arg17[%swap3A_725, %swap3A_726, %swap3A_727] {strides = array<i32>} : memref<11x4x128xf32, #tpu.memory_space<vmem>>, vector<16xf32>,
        tpu.vector_store %arg17[%swap3A_725, %swap3A_726, %swap3A_727], %sub3A_674 {strides = array<i32>} : memref<11x4x128xf32, #tpu.memory_space<vmem>>, vector<16xf32>,
        %add3A_729 = arith.constant 96 : i32
        %add3A_730 = arith.addi %mul3A_283, %add3A_729 : i32
        %add3A_731 = arith.constant 128 : i32
        %add3A_732 = arith.addi %mul3A_283, %add3A_731 : i32
        %add3A_733 = arith.constant 96 : i32
        %add3A_734 = arith.addi %add3A_732, %add3A_733 : i32
        %get3A_735 = arith.index_cast %add3A_730 : i32 to index
        %get3A_736 = tpu.vector_load %arg11[%get3A_735] {strides = array<i32>} : memref<2816xf32, #tpu.memory_space<vmem>>, vector<16xf32>,
        %get3A_737 = arith.index_cast %add3A_734 : i32 to index
        %get3A_738 = tpu.vector_load %arg11[%get3A_737] {strides = array<i32>} : memref<2816xf32, #tpu.memory_space<vmem>>, vector<16xf32>,
        %sub3A_739 = arith.subf %get3A_736, %get3A_738 : vector<16xf32>
        %get3A_740 = arith.index_cast %add3A_730 : i32 to index
        %get3A_741 = tpu.vector_load %arg12[%get3A_740] {strides = array<i32>} : memref<2816xf32, #tpu.memory_space<vmem>>, vector<16xf32>,
        %get3A_742 = arith.index_cast %add3A_734 : i32 to index
        %get3A_743 = tpu.vector_load %arg12[%get3A_742] {strides = array<i32>} : memref<2816xf32, #tpu.memory_space<vmem>>, vector<16xf32>,
        %sub3A_744 = arith.subf %get3A_741, %get3A_743 : vector<16xf32>
        %get3A_745 = arith.index_cast %add3A_730 : i32 to index
        %get3A_746 = tpu.vector_load %arg13[%get3A_745] {strides = array<i32>} : memref<2816xf32, #tpu.memory_space<vmem>>, vector<16xf32>,
        %get3A_747 = arith.index_cast %add3A_734 : i32 to index
        %get3A_748 = tpu.vector_load %arg13[%get3A_747] {strides = array<i32>} : memref<2816xf32, #tpu.memory_space<vmem>>, vector<16xf32>,
        %sub3A_749 = arith.subf %get3A_746, %get3A_748 : vector<16xf32>
        %mul3A_750 = arith.mulf %sub3A_739, %sub3A_739 : vector<16xf32>
        %mul3A_751 = arith.mulf %sub3A_744, %sub3A_744 : vector<16xf32>
        %add3A_752 = arith.addf %mul3A_750, %mul3A_751 : vector<16xf32>
        %mul3A_753 = arith.mulf %sub3A_749, %sub3A_749 : vector<16xf32>
        %add3A_754 = arith.addf %add3A_752, %mul3A_753 : vector<16xf32>
        %max3A_755 = arith.constant 1.000000e-35 : f32
        %max3A_756 = vector.broadcast %max3A_755 : f32 to vector<16xf32>
        %max3A_757 = arith.maximumf %add3A_754, %max3A_756 : vector<16xf32>
        %broadcast_in_dim3A_758 = arith.constant 1597463007 : i32
        %broadcast_in_dim3A_759 = vector.broadcast %broadcast_in_dim3A_758 : i32 to vector<16xi32>
        %bitcast_convert_type3A_760 = tpu.bitcast %max3A_757 : vector<16xf32> -> vector<16xi32>
        %shift_right_arithmetic3A_761 = arith.constant 1 : i32
        %shift_right_arithmetic3A_762 = vector.broadcast %shift_right_arithmetic3A_761 : i32 to vector<16xi32>
        %shift_right_arithmetic3A_763 = arith.shrsi %bitcast_convert_type3A_760, %shift_right_arithmetic3A_762 : vector<16xi32>
        %sub3A_764 = arith.subi %broadcast_in_dim3A_759, %shift_right_arithmetic3A_763 : vector<16xi32>
        %bitcast_convert_type3A_765 = tpu.bitcast %sub3A_764 : vector<16xi32> -> vector<16xf32>
        %mul3A_766 = arith.constant 5.000000e-01 : f32
        %mul3A_767 = vector.broadcast %mul3A_766 : f32 to vector<16xf32>
        %mul3A_768 = arith.mulf %mul3A_767, %max3A_757 : vector<16xf32>
        %mul3A_769 = arith.mulf %mul3A_768, %bitcast_convert_type3A_765 : vector<16xf32>
        %mul3A_770 = arith.mulf %mul3A_769, %bitcast_convert_type3A_765 : vector<16xf32>
        %sub3A_771 = arith.constant 1.500000e+00 : f32
        %sub3A_772 = vector.broadcast %sub3A_771 : f32 to vector<16xf32>
        %sub3A_773 = arith.subf %sub3A_772, %mul3A_770 : vector<16xf32>
        %mul3A_774 = arith.mulf %bitcast_convert_type3A_765, %sub3A_773 : vector<16xf32>
        %mul3A_775 = arith.constant 5.000000e-01 : f32
        %mul3A_776 = vector.broadcast %mul3A_775 : f32 to vector<16xf32>
        %mul3A_777 = arith.mulf %mul3A_776, %max3A_757 : vector<16xf32>
        %mul3A_778 = arith.mulf %mul3A_777, %mul3A_774 : vector<16xf32>
        %mul3A_779 = arith.mulf %mul3A_778, %mul3A_774 : vector<16xf32>
        %sub3A_780 = arith.constant 1.500000e+00 : f32
        %sub3A_781 = vector.broadcast %sub3A_780 : f32 to vector<16xf32>
        %sub3A_782 = arith.subf %sub3A_781, %mul3A_779 : vector<16xf32>
        %mul3A_783 = arith.mulf %mul3A_774, %sub3A_782 : vector<16xf32>
        %mul3A_784 = arith.mulf %add3A_754, %mul3A_783 : vector<16xf32>
        %add3A_785 = arith.constant 96 : i32
        %add3A_786 = arith.addi %mul3A_285, %add3A_785 : i32
        %swap3A_787 = arith.index_cast %add3A_786 : i32 to index
        %swap3A_788 = tpu.vector_load %arg19[%swap3A_787] {strides = array<i32>} : memref<1408xf32, #tpu.memory_space<vmem>>, vector<16xf32>,
        tpu.vector_store %arg19[%swap3A_787], %mul3A_784 {strides = array<i32>} : memref<1408xf32, #tpu.memory_space<vmem>>, vector<16xf32>,
        %swap3A_789 = arith.constant 0 : i32
        %swap3A_790 = arith.index_cast %scan3A_280 : i32 to index
        %swap3A_791 = arith.index_cast %swap3A_789 : i32 to index
        %swap3A_792 = arith.constant 96 : index
        %swap3A_793 = tpu.vector_load %arg17[%swap3A_790, %swap3A_791, %swap3A_792] {strides = array<i32>} : memref<11x4x128xf32, #tpu.memory_space<vmem>>, vector<16xf32>,
        tpu.vector_store %arg17[%swap3A_790, %swap3A_791, %swap3A_792], %sub3A_739 {strides = array<i32>} : memref<11x4x128xf32, #tpu.memory_space<vmem>>, vector<16xf32>,
        %swap3A_794 = arith.constant 1 : i32
        %swap3A_795 = arith.index_cast %scan3A_280 : i32 to index
        %swap3A_796 = arith.index_cast %swap3A_794 : i32 to index
        %swap3A_797 = arith.constant 96 : index
        %swap3A_798 = tpu.vector_load %arg17[%swap3A_795, %swap3A_796, %swap3A_797] {strides = array<i32>} : memref<11x4x128xf32, #tpu.memory_space<vmem>>, vector<16xf32>,
        tpu.vector_store %arg17[%swap3A_795, %swap3A_796, %swap3A_797], %sub3A_744 {strides = array<i32>} : memref<11x4x128xf32, #tpu.memory_space<vmem>>, vector<16xf32>,
        %swap3A_799 = arith.constant 2 : i32
        %swap3A_800 = arith.index_cast %scan3A_280 : i32 to index
        %swap3A_801 = arith.index_cast %swap3A_799 : i32 to index
        %swap3A_802 = arith.constant 96 : index
        %swap3A_803 = tpu.vector_load %arg17[%swap3A_800, %swap3A_801, %swap3A_802] {strides = array<i32>} : memref<11x4x128xf32, #tpu.memory_space<vmem>>, vector<16xf32>,
        tpu.vector_store %arg17[%swap3A_800, %swap3A_801, %swap3A_802], %sub3A_749 {strides = array<i32>} : memref<11x4x128xf32, #tpu.memory_space<vmem>>, vector<16xf32>,
        %add3A_804 = arith.constant 112 : i32
        %add3A_805 = arith.addi %mul3A_283, %add3A_804 : i32
        %add3A_806 = arith.constant 128 : i32
        %add3A_807 = arith.addi %mul3A_283, %add3A_806 : i32
        %add3A_808 = arith.constant 112 : i32
        %add3A_809 = arith.addi %add3A_807, %add3A_808 : i32
        %get3A_810 = arith.index_cast %add3A_805 : i32 to index
        %get3A_811 = tpu.vector_load %arg11[%get3A_810] {strides = array<i32>} : memref<2816xf32, #tpu.memory_space<vmem>>, vector<16xf32>,
        %get3A_812 = arith.index_cast %add3A_809 : i32 to index
        %get3A_813 = tpu.vector_load %arg11[%get3A_812] {strides = array<i32>} : memref<2816xf32, #tpu.memory_space<vmem>>, vector<16xf32>,
        %sub3A_814 = arith.subf %get3A_811, %get3A_813 : vector<16xf32>
        %get3A_815 = arith.index_cast %add3A_805 : i32 to index
        %get3A_816 = tpu.vector_load %arg12[%get3A_815] {strides = array<i32>} : memref<2816xf32, #tpu.memory_space<vmem>>, vector<16xf32>,
        %get3A_817 = arith.index_cast %add3A_809 : i32 to index
        %get3A_818 = tpu.vector_load %arg12[%get3A_817] {strides = array<i32>} : memref<2816xf32, #tpu.memory_space<vmem>>, vector<16xf32>,
        %sub3A_819 = arith.subf %get3A_816, %get3A_818 : vector<16xf32>
        %get3A_820 = arith.index_cast %add3A_805 : i32 to index
        %get3A_821 = tpu.vector_load %arg13[%get3A_820] {strides = array<i32>} : memref<2816xf32, #tpu.memory_space<vmem>>, vector<16xf32>,
        %get3A_822 = arith.index_cast %add3A_809 : i32 to index
        %get3A_823 = tpu.vector_load %arg13[%get3A_822] {strides = array<i32>} : memref<2816xf32, #tpu.memory_space<vmem>>, vector<16xf32>,
        %sub3A_824 = arith.subf %get3A_821, %get3A_823 : vector<16xf32>
        %mul3A_825 = arith.mulf %sub3A_814, %sub3A_814 : vector<16xf32>
        %mul3A_826 = arith.mulf %sub3A_819, %sub3A_819 : vector<16xf32>
        %add3A_827 = arith.addf %mul3A_825, %mul3A_826 : vector<16xf32>
        %mul3A_828 = arith.mulf %sub3A_824, %sub3A_824 : vector<16xf32>
        %add3A_829 = arith.addf %add3A_827, %mul3A_828 : vector<16xf32>
        %max3A_830 = arith.constant 1.000000e-35 : f32
        %max3A_831 = vector.broadcast %max3A_830 : f32 to vector<16xf32>
        %max3A_832 = arith.maximumf %add3A_829, %max3A_831 : vector<16xf32>
        %broadcast_in_dim3A_833 = arith.constant 1597463007 : i32
        %broadcast_in_dim3A_834 = vector.broadcast %broadcast_in_dim3A_833 : i32 to vector<16xi32>
        %bitcast_convert_type3A_835 = tpu.bitcast %max3A_832 : vector<16xf32> -> vector<16xi32>
        %shift_right_arithmetic3A_836 = arith.constant 1 : i32
        %shift_right_arithmetic3A_837 = vector.broadcast %shift_right_arithmetic3A_836 : i32 to vector<16xi32>
        %shift_right_arithmetic3A_838 = arith.shrsi %bitcast_convert_type3A_835, %shift_right_arithmetic3A_837 : vector<16xi32>
        %sub3A_839 = arith.subi %broadcast_in_dim3A_834, %shift_right_arithmetic3A_838 : vector<16xi32>
        %bitcast_convert_type3A_840 = tpu.bitcast %sub3A_839 : vector<16xi32> -> vector<16xf32>
        %mul3A_841 = arith.constant 5.000000e-01 : f32
        %mul3A_842 = vector.broadcast %mul3A_841 : f32 to vector<16xf32>
        %mul3A_843 = arith.mulf %mul3A_842, %max3A_832 : vector<16xf32>
        %mul3A_844 = arith.mulf %mul3A_843, %bitcast_convert_type3A_840 : vector<16xf32>
        %mul3A_845 = arith.mulf %mul3A_844, %bitcast_convert_type3A_840 : vector<16xf32>
        %sub3A_846 = arith.constant 1.500000e+00 : f32
        %sub3A_847 = vector.broadcast %sub3A_846 : f32 to vector<16xf32>
        %sub3A_848 = arith.subf %sub3A_847, %mul3A_845 : vector<16xf32>
        %mul3A_849 = arith.mulf %bitcast_convert_type3A_840, %sub3A_848 : vector<16xf32>
        %mul3A_850 = arith.constant 5.000000e-01 : f32
        %mul3A_851 = vector.broadcast %mul3A_850 : f32 to vector<16xf32>
        %mul3A_852 = arith.mulf %mul3A_851, %max3A_832 : vector<16xf32>
        %mul3A_853 = arith.mulf %mul3A_852, %mul3A_849 : vector<16xf32>
        %mul3A_854 = arith.mulf %mul3A_853, %mul3A_849 : vector<16xf32>
        %sub3A_855 = arith.constant 1.500000e+00 : f32
        %sub3A_856 = vector.broadcast %sub3A_855 : f32 to vector<16xf32>
        %sub3A_857 = arith.subf %sub3A_856, %mul3A_854 : vector<16xf32>
        %mul3A_858 = arith.mulf %mul3A_849, %sub3A_857 : vector<16xf32>
        %mul3A_859 = arith.mulf %add3A_829, %mul3A_858 : vector<16xf32>
        %add3A_860 = arith.constant 112 : i32
        %add3A_861 = arith.addi %mul3A_285, %add3A_860 : i32
        %swap3A_862 = arith.index_cast %add3A_861 : i32 to index
        %swap3A_863 = tpu.vector_load %arg19[%swap3A_862] {strides = array<i32>} : memref<1408xf32, #tpu.memory_space<vmem>>, vector<16xf32>,
        tpu.vector_store %arg19[%swap3A_862], %mul3A_859 {strides = array<i32>} : memref<1408xf32, #tpu.memory_space<vmem>>, vector<16xf32>,
        %swap3A_864 = arith.constant 0 : i32
        %swap3A_865 = arith.index_cast %scan3A_280 : i32 to index
        %swap3A_866 = arith.index_cast %swap3A_864 : i32 to index
        %swap3A_867 = arith.constant 112 : index
        %swap3A_868 = tpu.vector_load %arg17[%swap3A_865, %swap3A_866, %swap3A_867] {strides = array<i32>} : memref<11x4x128xf32, #tpu.memory_space<vmem>>, vector<16xf32>,
        tpu.vector_store %arg17[%swap3A_865, %swap3A_866, %swap3A_867], %sub3A_814 {strides = array<i32>} : memref<11x4x128xf32, #tpu.memory_space<vmem>>, vector<16xf32>,
        %swap3A_869 = arith.constant 1 : i32
        %swap3A_870 = arith.index_cast %scan3A_280 : i32 to index
        %swap3A_871 = arith.index_cast %swap3A_869 : i32 to index
        %swap3A_872 = arith.constant 112 : index
        %swap3A_873 = tpu.vector_load %arg17[%swap3A_870, %swap3A_871, %swap3A_872] {strides = array<i32>} : memref<11x4x128xf32, #tpu.memory_space<vmem>>, vector<16xf32>,
        tpu.vector_store %arg17[%swap3A_870, %swap3A_871, %swap3A_872], %sub3A_819 {strides = array<i32>} : memref<11x4x128xf32, #tpu.memory_space<vmem>>, vector<16xf32>,
        %swap3A_874 = arith.constant 2 : i32
        %swap3A_875 = arith.index_cast %scan3A_280 : i32 to index
        %swap3A_876 = arith.index_cast %swap3A_874 : i32 to index
        %swap3A_877 = arith.constant 112 : index
        %swap3A_878 = tpu.vector_load %arg17[%swap3A_875, %swap3A_876, %swap3A_877] {strides = array<i32>} : memref<11x4x128xf32, #tpu.memory_space<vmem>>, vector<16xf32>,
        tpu.vector_store %arg17[%swap3A_875, %swap3A_876, %swap3A_877], %sub3A_824 {strides = array<i32>} : memref<11x4x128xf32, #tpu.memory_space<vmem>>, vector<16xf32>,
        %scan3A_879 = arith.constant 0 : i32
        scf.yield %scan3A_879 : i32
      }
      %scan3A_223 = arith.constant 11 : i32
      %mul3A_224 = arith.constant 11 : i32
      %mul3A_225 = arith.muli %add3A_199, %mul3A_224 : i32
      %add3A_226 = arith.addi %add3A_151, %mul3A_225 : i32
      %dma_start3A_227 = arith.constant 0 : i32
      %dma_start3A_228 = arith.constant 0 : i32
      %dma_start3A_229 = tpu.memref_slice %arg5[%add3A_226, %dma_start3A_227, %dma_start3A_228] : memref<50000x4x128xf32, #tpu.memory_space<hbm>> -> memref<11x4x128xf32, #tpu.memory_space<hbm>>
      %dma_start3A_230 = arith.constant 0 : i32
      %dma_start3A_231 = arith.constant 0 : i32
      %dma_start3A_232 = tpu.memref_slice %arg5[%add3A_226, %dma_start3A_230, %dma_start3A_231] : memref<50000x4x128xf32, #tpu.memory_space<hbm>> -> memref<11x4x128xf32, #tpu.memory_space<hbm>>
      tpu.enqueue_dma source(%arg17 : memref<11x4x128xf32, #tpu.memory_space<vmem>>) target(%dma_start3A_232 : memref<11x4x128xf32, #tpu.memory_space<hbm>>) target_semaphore(%arg24 : memref<!tpu.dma_semaphore, #tpu.memory_space<semaphore_mem>>)
      %mul3A_233 = arith.constant 128 : i32
      %mul3A_234 = arith.muli %add3A_226, %mul3A_233 : i32
      %dma_start3A_235 = tpu.memref_slice %arg4[%mul3A_234] : memref<6400000xf32, #tpu.memory_space<hbm>> -> memref<1408xf32, #tpu.memory_space<hbm>>
      %dma_start3A_236 = tpu.memref_slice %arg4[%mul3A_234] : memref<6400000xf32, #tpu.memory_space<hbm>> -> memref<1408xf32, #tpu.memory_space<hbm>>
      tpu.enqueue_dma source(%arg19 : memref<1408xf32, #tpu.memory_space<vmem>>) target(%dma_start3A_236 : memref<1408xf32, #tpu.memory_space<hbm>>) target_semaphore(%arg24 : memref<!tpu.dma_semaphore, #tpu.memory_space<semaphore_mem>>)
      %mul3A_237 = arith.constant 2 : i32
      %mul3A_238 = arith.muli %mul3A_237, %scan3A_194 : i32
      %add3A_239 = arith.constant 1 : i32
      %add3A_240 = arith.addi %mul3A_238, %add3A_239 : i32
      %dma_wait3A_241 = arith.constant 0 : i32
      %dma_wait3A_242 = tpu.memref_slice %arg6[%dma_wait3A_241] : memref<100000xf32, #tpu.memory_space<vmem_shared>> -> memref<100000xf32, #tpu.memory_space<vmem_shared>>
      tpu.wait_indirect_dma semaphore(%arg23 : memref<!tpu.dma_semaphore, #tpu.memory_space<semaphore_mem>>) src(%dma_wait3A_242 : memref<100000xf32, #tpu.memory_space<vmem_shared>>) dst(%arg14 : memref<2816xf32, #tpu.memory_space<vmem>>)
      %dma_wait3A_243 = arith.constant 0 : i32
      %dma_wait3A_244 = tpu.memref_slice %arg7[%dma_wait3A_243] : memref<100000xf32, #tpu.memory_space<vmem_shared>> -> memref<100000xf32, #tpu.memory_space<vmem_shared>>
      tpu.wait_indirect_dma semaphore(%arg23 : memref<!tpu.dma_semaphore, #tpu.memory_space<semaphore_mem>>) src(%dma_wait3A_244 : memref<100000xf32, #tpu.memory_space<vmem_shared>>) dst(%arg15 : memref<2816xf32, #tpu.memory_space<vmem>>)
      %dma_wait3A_245 = arith.constant 0 : i32
      %dma_wait3A_246 = tpu.memref_slice %arg8[%dma_wait3A_245] : memref<100000xf32, #tpu.memory_space<vmem_shared>> -> memref<100000xf32, #tpu.memory_space<vmem_shared>>
      tpu.wait_indirect_dma semaphore(%arg23 : memref<!tpu.dma_semaphore, #tpu.memory_space<semaphore_mem>>) src(%dma_wait3A_246 : memref<100000xf32, #tpu.memory_space<vmem_shared>>) dst(%arg16 : memref<2816xf32, #tpu.memory_space<vmem>>)
      %add3A_247 = arith.constant 1 : i32
      %add3A_248 = arith.addi %add3A_240, %add3A_247 : i32
      %lt3A_249 = arith.constant 142 : i32
      %lt3A_250 = arith.cmpi slt, %add3A_248, %lt3A_249 : i32
      %convert_element_type3A_251 = arith.extui %lt3A_250 : i1 to i32
      %cond3A_252 = arith.constant 0 : i32
      %cond3A_253 = arith.cmpi ne, %convert_element_type3A_251, %cond3A_252 : i32
      scf.if %cond3A_253 {
        %add3A_280 = arith.constant 1 : i32
        %add3A_281 = arith.addi %add3A_240, %add3A_280 : i32
        %mul3A_282 = arith.constant 11 : i32
        %mul3A_283 = arith.muli %add3A_281, %mul3A_282 : i32
        %add3A_284 = arith.addi %add3A_151, %mul3A_283 : i32
        %mul3A_285 = arith.constant 256 : i32
        %mul3A_286 = arith.muli %add3A_284, %mul3A_285 : i32
        "tpu.region"() ({
          %run_scoped3A = tpu.sem_alloc : memref<!tpu.dma_semaphore, #tpu.memory_space<semaphore_mem>>
          %dma_start3A_293 = tpu.memref_slice %arg3[%mul3A_286] : memref<12800000xi32, #tpu.memory_space<hbm>> -> memref<2816xi32, #tpu.memory_space<hbm>>
          %dma_start3A_294 = tpu.memref_slice %arg3[%mul3A_286] : memref<12800000xi32, #tpu.memory_space<hbm>> -> memref<2816xi32, #tpu.memory_space<hbm>>
          tpu.enqueue_dma source(%dma_start3A_294 : memref<2816xi32, #tpu.memory_space<hbm>>) target(%arg9 : memref<2816xi32, #tpu.memory_space<vmem>>) target_semaphore(%run_scoped3A : memref<!tpu.dma_semaphore, #tpu.memory_space<semaphore_mem>>)
          %dma_wait3A_295 = tpu.memref_slice %arg3[%mul3A_286] : memref<12800000xi32, #tpu.memory_space<hbm>> -> memref<2816xi32, #tpu.memory_space<hbm>>
          %dma_wait3A_296 = tpu.memref_slice %arg3[%mul3A_286] : memref<12800000xi32, #tpu.memory_space<hbm>> -> memref<2816xi32, #tpu.memory_space<hbm>>
          tpu.wait_dma2 semaphore(%run_scoped3A : memref<!tpu.dma_semaphore, #tpu.memory_space<semaphore_mem>>) src(%dma_wait3A_296 : memref<2816xi32, #tpu.memory_space<hbm>>) dst(%arg9 : memref<2816xi32, #tpu.memory_space<vmem>>)
          tpu.yield
        }) : () -> ()
        %dma_start3A_287 = arith.constant 0 : i32
        %dma_start3A_288 = tpu.memref_slice %arg6[%dma_start3A_287] : memref<100000xf32, #tpu.memory_space<vmem_shared>> -> memref<100000xf32, #tpu.memory_space<vmem_shared>>
        tpu.enqueue_indirect_dma source(%dma_start3A_288 : memref<100000xf32, #tpu.memory_space<vmem_shared>>) target(%arg11 : memref<2816xf32, #tpu.memory_space<vmem>>) offsets(%arg9 : memref<2816xi32, #tpu.memory_space<vmem>>) semaphore(%arg22 : memref<!tpu.dma_semaphore, #tpu.memory_space<semaphore_mem>>)
        %dma_start3A_289 = arith.constant 0 : i32
        %dma_start3A_290 = tpu.memref_slice %arg7[%dma_start3A_289] : memref<100000xf32, #tpu.memory_space<vmem_shared>> -> memref<100000xf32, #tpu.memory_space<vmem_shared>>
        tpu.enqueue_indirect_dma source(%dma_start3A_290 : memref<100000xf32, #tpu.memory_space<vmem_shared>>) target(%arg12 : memref<2816xf32, #tpu.memory_space<vmem>>) offsets(%arg9 : memref<2816xi32, #tpu.memory_space<vmem>>) semaphore(%arg22 : memref<!tpu.dma_semaphore, #tpu.memory_space<semaphore_mem>>)
        %dma_start3A_291 = arith.constant 0 : i32
        %dma_start3A_292 = tpu.memref_slice %arg8[%dma_start3A_291] : memref<100000xf32, #tpu.memory_space<vmem_shared>> -> memref<100000xf32, #tpu.memory_space<vmem_shared>>
        tpu.enqueue_indirect_dma source(%dma_start3A_292 : memref<100000xf32, #tpu.memory_space<vmem_shared>>) target(%arg13 : memref<2816xf32, #tpu.memory_space<vmem>>) offsets(%arg9 : memref<2816xi32, #tpu.memory_space<vmem>>) semaphore(%arg22 : memref<!tpu.dma_semaphore, #tpu.memory_space<semaphore_mem>>)
      } else {
      }
      %ge3A_254 = arith.constant 1 : i32
      %ge3A_255 = arith.cmpi sge, %scan3A_194, %ge3A_254 : i32
      %convert_element_type3A_256 = arith.extui %ge3A_255 : i1 to i32
      %cond3A_257 = arith.constant 0 : i32
      %cond3A_258 = arith.cmpi ne, %convert_element_type3A_256, %cond3A_257 : i32
      scf.if %cond3A_258 {
        %mul3A_280 = arith.constant 11 : i32
        %mul3A_281 = arith.muli %add3A_240, %mul3A_280 : i32
        %add3A_282 = arith.addi %add3A_151, %mul3A_281 : i32
        %dma_wait3A_283 = arith.constant 0 : i32
        %dma_wait3A_284 = arith.constant 0 : i32
        %dma_wait3A_285 = tpu.memref_slice %arg5[%add3A_282, %dma_wait3A_283, %dma_wait3A_284] : memref<50000x4x128xf32, #tpu.memory_space<hbm>> -> memref<11x4x128xf32, #tpu.memory_space<hbm>>
        %dma_wait3A_286 = arith.constant 0 : i32
        %dma_wait3A_287 = arith.constant 0 : i32
        %dma_wait3A_288 = tpu.memref_slice %arg5[%add3A_282, %dma_wait3A_286, %dma_wait3A_287] : memref<50000x4x128xf32, #tpu.memory_space<hbm>> -> memref<11x4x128xf32, #tpu.memory_space<hbm>>
        tpu.wait_dma2 semaphore(%arg25 : memref<!tpu.dma_semaphore, #tpu.memory_space<semaphore_mem>>) src(%arg18 : memref<11x4x128xf32, #tpu.memory_space<vmem>>) dst(%dma_wait3A_288 : memref<11x4x128xf32, #tpu.memory_space<hbm>>)
        %mul3A_289 = arith.constant 128 : i32
        %mul3A_290 = arith.muli %add3A_282, %mul3A_289 : i32
        %dma_wait3A_291 = tpu.memref_slice %arg4[%mul3A_290] : memref<6400000xf32, #tpu.memory_space<hbm>> -> memref<1408xf32, #tpu.memory_space<hbm>>
        %dma_wait3A_292 = tpu.memref_slice %arg4[%mul3A_290] : memref<6400000xf32, #tpu.memory_space<hbm>> -> memref<1408xf32, #tpu.memory_space<hbm>>
        tpu.wait_dma2 semaphore(%arg25 : memref<!tpu.dma_semaphore, #tpu.memory_space<semaphore_mem>>) src(%arg20 : memref<1408xf32, #tpu.memory_space<vmem>>) dst(%dma_wait3A_292 : memref<1408xf32, #tpu.memory_space<hbm>>)
      } else {
      }
      %scan3A_259 = arith.constant 0 : i32
      %scan3A_260 = arith.constant 0 : i32
      %scan3A_261 = arith.constant 11 : i32
      %scan3A_262 = arith.addi %scan3A_260, %scan3A_261 : i32
      %scan3A_263 = arith.constant 1 : i32
      %scan3A_264 = scf.for %scan3A_280 = %scan3A_260 to %scan3A_262 step %scan3A_263 iter_args(%scan3A_281 = %scan3A_259) -> (i32)  : i32 {
        %mul3A_282 = arith.constant 256 : i32
        %mul3A_283 = arith.muli %scan3A_280, %mul3A_282 : i32
        %mul3A_284 = arith.constant 128 : i32
        %mul3A_285 = arith.muli %scan3A_280, %mul3A_284 : i32
        %add3A_286 = arith.constant 0 : i32
        %add3A_287 = arith.addi %mul3A_283, %add3A_286 : i32
        %add3A_288 = arith.constant 128 : i32
        %add3A_289 = arith.addi %mul3A_283, %add3A_288 : i32
        %add3A_290 = arith.constant 0 : i32
        %add3A_291 = arith.addi %add3A_289, %add3A_290 : i32
        %get3A = arith.index_cast %add3A_287 : i32 to index
        %get3A_292 = tpu.vector_load %arg14[%get3A] {strides = array<i32>} : memref<2816xf32, #tpu.memory_space<vmem>>, vector<16xf32>,
        %get3A_293 = arith.index_cast %add3A_291 : i32 to index
        %get3A_294 = tpu.vector_load %arg14[%get3A_293] {strides = array<i32>} : memref<2816xf32, #tpu.memory_space<vmem>>, vector<16xf32>,
        %sub3A = arith.subf %get3A_292, %get3A_294 : vector<16xf32>
        %get3A_295 = arith.index_cast %add3A_287 : i32 to index
        %get3A_296 = tpu.vector_load %arg15[%get3A_295] {strides = array<i32>} : memref<2816xf32, #tpu.memory_space<vmem>>, vector<16xf32>,
        %get3A_297 = arith.index_cast %add3A_291 : i32 to index
        %get3A_298 = tpu.vector_load %arg15[%get3A_297] {strides = array<i32>} : memref<2816xf32, #tpu.memory_space<vmem>>, vector<16xf32>,
        %sub3A_299 = arith.subf %get3A_296, %get3A_298 : vector<16xf32>
        %get3A_300 = arith.index_cast %add3A_287 : i32 to index
        %get3A_301 = tpu.vector_load %arg16[%get3A_300] {strides = array<i32>} : memref<2816xf32, #tpu.memory_space<vmem>>, vector<16xf32>,
        %get3A_302 = arith.index_cast %add3A_291 : i32 to index
        %get3A_303 = tpu.vector_load %arg16[%get3A_302] {strides = array<i32>} : memref<2816xf32, #tpu.memory_space<vmem>>, vector<16xf32>,
        %sub3A_304 = arith.subf %get3A_301, %get3A_303 : vector<16xf32>
        %mul3A_305 = arith.mulf %sub3A, %sub3A : vector<16xf32>
        %mul3A_306 = arith.mulf %sub3A_299, %sub3A_299 : vector<16xf32>
        %add3A_307 = arith.addf %mul3A_305, %mul3A_306 : vector<16xf32>
        %mul3A_308 = arith.mulf %sub3A_304, %sub3A_304 : vector<16xf32>
        %add3A_309 = arith.addf %add3A_307, %mul3A_308 : vector<16xf32>
        %max3A = arith.constant 1.000000e-35 : f32
        %max3A_310 = vector.broadcast %max3A : f32 to vector<16xf32>
        %max3A_311 = arith.maximumf %add3A_309, %max3A_310 : vector<16xf32>
        %broadcast_in_dim3A = arith.constant 1597463007 : i32
        %broadcast_in_dim3A_312 = vector.broadcast %broadcast_in_dim3A : i32 to vector<16xi32>
        %bitcast_convert_type3A = tpu.bitcast %max3A_311 : vector<16xf32> -> vector<16xi32>
        %shift_right_arithmetic3A = arith.constant 1 : i32
        %shift_right_arithmetic3A_313 = vector.broadcast %shift_right_arithmetic3A : i32 to vector<16xi32>
        %shift_right_arithmetic3A_314 = arith.shrsi %bitcast_convert_type3A, %shift_right_arithmetic3A_313 : vector<16xi32>
        %sub3A_315 = arith.subi %broadcast_in_dim3A_312, %shift_right_arithmetic3A_314 : vector<16xi32>
        %bitcast_convert_type3A_316 = tpu.bitcast %sub3A_315 : vector<16xi32> -> vector<16xf32>
        %mul3A_317 = arith.constant 5.000000e-01 : f32
        %mul3A_318 = vector.broadcast %mul3A_317 : f32 to vector<16xf32>
        %mul3A_319 = arith.mulf %mul3A_318, %max3A_311 : vector<16xf32>
        %mul3A_320 = arith.mulf %mul3A_319, %bitcast_convert_type3A_316 : vector<16xf32>
        %mul3A_321 = arith.mulf %mul3A_320, %bitcast_convert_type3A_316 : vector<16xf32>
        %sub3A_322 = arith.constant 1.500000e+00 : f32
        %sub3A_323 = vector.broadcast %sub3A_322 : f32 to vector<16xf32>
        %sub3A_324 = arith.subf %sub3A_323, %mul3A_321 : vector<16xf32>
        %mul3A_325 = arith.mulf %bitcast_convert_type3A_316, %sub3A_324 : vector<16xf32>
        %mul3A_326 = arith.constant 5.000000e-01 : f32
        %mul3A_327 = vector.broadcast %mul3A_326 : f32 to vector<16xf32>
        %mul3A_328 = arith.mulf %mul3A_327, %max3A_311 : vector<16xf32>
        %mul3A_329 = arith.mulf %mul3A_328, %mul3A_325 : vector<16xf32>
        %mul3A_330 = arith.mulf %mul3A_329, %mul3A_325 : vector<16xf32>
        %sub3A_331 = arith.constant 1.500000e+00 : f32
        %sub3A_332 = vector.broadcast %sub3A_331 : f32 to vector<16xf32>
        %sub3A_333 = arith.subf %sub3A_332, %mul3A_330 : vector<16xf32>
        %mul3A_334 = arith.mulf %mul3A_325, %sub3A_333 : vector<16xf32>
        %mul3A_335 = arith.mulf %add3A_309, %mul3A_334 : vector<16xf32>
        %add3A_336 = arith.constant 0 : i32
        %add3A_337 = arith.addi %mul3A_285, %add3A_336 : i32
        %swap3A = arith.index_cast %add3A_337 : i32 to index
        %swap3A_338 = tpu.vector_load %arg20[%swap3A] {strides = array<i32>} : memref<1408xf32, #tpu.memory_space<vmem>>, vector<16xf32>,
        tpu.vector_store %arg20[%swap3A], %mul3A_335 {strides = array<i32>} : memref<1408xf32, #tpu.memory_space<vmem>>, vector<16xf32>,
        %swap3A_339 = arith.constant 0 : i32
        %swap3A_340 = arith.index_cast %scan3A_280 : i32 to index
        %swap3A_341 = arith.index_cast %swap3A_339 : i32 to index
        %swap3A_342 = arith.constant 0 : index
        %swap3A_343 = tpu.vector_load %arg18[%swap3A_340, %swap3A_341, %swap3A_342] {strides = array<i32>} : memref<11x4x128xf32, #tpu.memory_space<vmem>>, vector<16xf32>,
        tpu.vector_store %arg18[%swap3A_340, %swap3A_341, %swap3A_342], %sub3A {strides = array<i32>} : memref<11x4x128xf32, #tpu.memory_space<vmem>>, vector<16xf32>,
        %swap3A_344 = arith.constant 1 : i32
        %swap3A_345 = arith.index_cast %scan3A_280 : i32 to index
        %swap3A_346 = arith.index_cast %swap3A_344 : i32 to index
        %swap3A_347 = arith.constant 0 : index
        %swap3A_348 = tpu.vector_load %arg18[%swap3A_345, %swap3A_346, %swap3A_347] {strides = array<i32>} : memref<11x4x128xf32, #tpu.memory_space<vmem>>, vector<16xf32>,
        tpu.vector_store %arg18[%swap3A_345, %swap3A_346, %swap3A_347], %sub3A_299 {strides = array<i32>} : memref<11x4x128xf32, #tpu.memory_space<vmem>>, vector<16xf32>,
        %swap3A_349 = arith.constant 2 : i32
        %swap3A_350 = arith.index_cast %scan3A_280 : i32 to index
        %swap3A_351 = arith.index_cast %swap3A_349 : i32 to index
        %swap3A_352 = arith.constant 0 : index
        %swap3A_353 = tpu.vector_load %arg18[%swap3A_350, %swap3A_351, %swap3A_352] {strides = array<i32>} : memref<11x4x128xf32, #tpu.memory_space<vmem>>, vector<16xf32>,
        tpu.vector_store %arg18[%swap3A_350, %swap3A_351, %swap3A_352], %sub3A_304 {strides = array<i32>} : memref<11x4x128xf32, #tpu.memory_space<vmem>>, vector<16xf32>,
        %add3A_354 = arith.constant 16 : i32
        %add3A_355 = arith.addi %mul3A_283, %add3A_354 : i32
        %add3A_356 = arith.constant 128 : i32
        %add3A_357 = arith.addi %mul3A_283, %add3A_356 : i32
        %add3A_358 = arith.constant 16 : i32
        %add3A_359 = arith.addi %add3A_357, %add3A_358 : i32
        %get3A_360 = arith.index_cast %add3A_355 : i32 to index
        %get3A_361 = tpu.vector_load %arg14[%get3A_360] {strides = array<i32>} : memref<2816xf32, #tpu.memory_space<vmem>>, vector<16xf32>,
        %get3A_362 = arith.index_cast %add3A_359 : i32 to index
        %get3A_363 = tpu.vector_load %arg14[%get3A_362] {strides = array<i32>} : memref<2816xf32, #tpu.memory_space<vmem>>, vector<16xf32>,
        %sub3A_364 = arith.subf %get3A_361, %get3A_363 : vector<16xf32>
        %get3A_365 = arith.index_cast %add3A_355 : i32 to index
        %get3A_366 = tpu.vector_load %arg15[%get3A_365] {strides = array<i32>} : memref<2816xf32, #tpu.memory_space<vmem>>, vector<16xf32>,
        %get3A_367 = arith.index_cast %add3A_359 : i32 to index
        %get3A_368 = tpu.vector_load %arg15[%get3A_367] {strides = array<i32>} : memref<2816xf32, #tpu.memory_space<vmem>>, vector<16xf32>,
        %sub3A_369 = arith.subf %get3A_366, %get3A_368 : vector<16xf32>
        %get3A_370 = arith.index_cast %add3A_355 : i32 to index
        %get3A_371 = tpu.vector_load %arg16[%get3A_370] {strides = array<i32>} : memref<2816xf32, #tpu.memory_space<vmem>>, vector<16xf32>,
        %get3A_372 = arith.index_cast %add3A_359 : i32 to index
        %get3A_373 = tpu.vector_load %arg16[%get3A_372] {strides = array<i32>} : memref<2816xf32, #tpu.memory_space<vmem>>, vector<16xf32>,
        %sub3A_374 = arith.subf %get3A_371, %get3A_373 : vector<16xf32>
        %mul3A_375 = arith.mulf %sub3A_364, %sub3A_364 : vector<16xf32>
        %mul3A_376 = arith.mulf %sub3A_369, %sub3A_369 : vector<16xf32>
        %add3A_377 = arith.addf %mul3A_375, %mul3A_376 : vector<16xf32>
        %mul3A_378 = arith.mulf %sub3A_374, %sub3A_374 : vector<16xf32>
        %add3A_379 = arith.addf %add3A_377, %mul3A_378 : vector<16xf32>
        %max3A_380 = arith.constant 1.000000e-35 : f32
        %max3A_381 = vector.broadcast %max3A_380 : f32 to vector<16xf32>
        %max3A_382 = arith.maximumf %add3A_379, %max3A_381 : vector<16xf32>
        %broadcast_in_dim3A_383 = arith.constant 1597463007 : i32
        %broadcast_in_dim3A_384 = vector.broadcast %broadcast_in_dim3A_383 : i32 to vector<16xi32>
        %bitcast_convert_type3A_385 = tpu.bitcast %max3A_382 : vector<16xf32> -> vector<16xi32>
        %shift_right_arithmetic3A_386 = arith.constant 1 : i32
        %shift_right_arithmetic3A_387 = vector.broadcast %shift_right_arithmetic3A_386 : i32 to vector<16xi32>
        %shift_right_arithmetic3A_388 = arith.shrsi %bitcast_convert_type3A_385, %shift_right_arithmetic3A_387 : vector<16xi32>
        %sub3A_389 = arith.subi %broadcast_in_dim3A_384, %shift_right_arithmetic3A_388 : vector<16xi32>
        %bitcast_convert_type3A_390 = tpu.bitcast %sub3A_389 : vector<16xi32> -> vector<16xf32>
        %mul3A_391 = arith.constant 5.000000e-01 : f32
        %mul3A_392 = vector.broadcast %mul3A_391 : f32 to vector<16xf32>
        %mul3A_393 = arith.mulf %mul3A_392, %max3A_382 : vector<16xf32>
        %mul3A_394 = arith.mulf %mul3A_393, %bitcast_convert_type3A_390 : vector<16xf32>
        %mul3A_395 = arith.mulf %mul3A_394, %bitcast_convert_type3A_390 : vector<16xf32>
        %sub3A_396 = arith.constant 1.500000e+00 : f32
        %sub3A_397 = vector.broadcast %sub3A_396 : f32 to vector<16xf32>
        %sub3A_398 = arith.subf %sub3A_397, %mul3A_395 : vector<16xf32>
        %mul3A_399 = arith.mulf %bitcast_convert_type3A_390, %sub3A_398 : vector<16xf32>
        %mul3A_400 = arith.constant 5.000000e-01 : f32
        %mul3A_401 = vector.broadcast %mul3A_400 : f32 to vector<16xf32>
        %mul3A_402 = arith.mulf %mul3A_401, %max3A_382 : vector<16xf32>
        %mul3A_403 = arith.mulf %mul3A_402, %mul3A_399 : vector<16xf32>
        %mul3A_404 = arith.mulf %mul3A_403, %mul3A_399 : vector<16xf32>
        %sub3A_405 = arith.constant 1.500000e+00 : f32
        %sub3A_406 = vector.broadcast %sub3A_405 : f32 to vector<16xf32>
        %sub3A_407 = arith.subf %sub3A_406, %mul3A_404 : vector<16xf32>
        %mul3A_408 = arith.mulf %mul3A_399, %sub3A_407 : vector<16xf32>
        %mul3A_409 = arith.mulf %add3A_379, %mul3A_408 : vector<16xf32>
        %add3A_410 = arith.constant 16 : i32
        %add3A_411 = arith.addi %mul3A_285, %add3A_410 : i32
        %swap3A_412 = arith.index_cast %add3A_411 : i32 to index
        %swap3A_413 = tpu.vector_load %arg20[%swap3A_412] {strides = array<i32>} : memref<1408xf32, #tpu.memory_space<vmem>>, vector<16xf32>,
        tpu.vector_store %arg20[%swap3A_412], %mul3A_409 {strides = array<i32>} : memref<1408xf32, #tpu.memory_space<vmem>>, vector<16xf32>,
        %swap3A_414 = arith.constant 0 : i32
        %swap3A_415 = arith.index_cast %scan3A_280 : i32 to index
        %swap3A_416 = arith.index_cast %swap3A_414 : i32 to index
        %swap3A_417 = arith.constant 16 : index
        %swap3A_418 = tpu.vector_load %arg18[%swap3A_415, %swap3A_416, %swap3A_417] {strides = array<i32>} : memref<11x4x128xf32, #tpu.memory_space<vmem>>, vector<16xf32>,
        tpu.vector_store %arg18[%swap3A_415, %swap3A_416, %swap3A_417], %sub3A_364 {strides = array<i32>} : memref<11x4x128xf32, #tpu.memory_space<vmem>>, vector<16xf32>,
        %swap3A_419 = arith.constant 1 : i32
        %swap3A_420 = arith.index_cast %scan3A_280 : i32 to index
        %swap3A_421 = arith.index_cast %swap3A_419 : i32 to index
        %swap3A_422 = arith.constant 16 : index
        %swap3A_423 = tpu.vector_load %arg18[%swap3A_420, %swap3A_421, %swap3A_422] {strides = array<i32>} : memref<11x4x128xf32, #tpu.memory_space<vmem>>, vector<16xf32>,
        tpu.vector_store %arg18[%swap3A_420, %swap3A_421, %swap3A_422], %sub3A_369 {strides = array<i32>} : memref<11x4x128xf32, #tpu.memory_space<vmem>>, vector<16xf32>,
        %swap3A_424 = arith.constant 2 : i32
        %swap3A_425 = arith.index_cast %scan3A_280 : i32 to index
        %swap3A_426 = arith.index_cast %swap3A_424 : i32 to index
        %swap3A_427 = arith.constant 16 : index
        %swap3A_428 = tpu.vector_load %arg18[%swap3A_425, %swap3A_426, %swap3A_427] {strides = array<i32>} : memref<11x4x128xf32, #tpu.memory_space<vmem>>, vector<16xf32>,
        tpu.vector_store %arg18[%swap3A_425, %swap3A_426, %swap3A_427], %sub3A_374 {strides = array<i32>} : memref<11x4x128xf32, #tpu.memory_space<vmem>>, vector<16xf32>,
        %add3A_429 = arith.constant 32 : i32
        %add3A_430 = arith.addi %mul3A_283, %add3A_429 : i32
        %add3A_431 = arith.constant 128 : i32
        %add3A_432 = arith.addi %mul3A_283, %add3A_431 : i32
        %add3A_433 = arith.constant 32 : i32
        %add3A_434 = arith.addi %add3A_432, %add3A_433 : i32
        %get3A_435 = arith.index_cast %add3A_430 : i32 to index
        %get3A_436 = tpu.vector_load %arg14[%get3A_435] {strides = array<i32>} : memref<2816xf32, #tpu.memory_space<vmem>>, vector<16xf32>,
        %get3A_437 = arith.index_cast %add3A_434 : i32 to index
        %get3A_438 = tpu.vector_load %arg14[%get3A_437] {strides = array<i32>} : memref<2816xf32, #tpu.memory_space<vmem>>, vector<16xf32>,
        %sub3A_439 = arith.subf %get3A_436, %get3A_438 : vector<16xf32>
        %get3A_440 = arith.index_cast %add3A_430 : i32 to index
        %get3A_441 = tpu.vector_load %arg15[%get3A_440] {strides = array<i32>} : memref<2816xf32, #tpu.memory_space<vmem>>, vector<16xf32>,
        %get3A_442 = arith.index_cast %add3A_434 : i32 to index
        %get3A_443 = tpu.vector_load %arg15[%get3A_442] {strides = array<i32>} : memref<2816xf32, #tpu.memory_space<vmem>>, vector<16xf32>,
        %sub3A_444 = arith.subf %get3A_441, %get3A_443 : vector<16xf32>
        %get3A_445 = arith.index_cast %add3A_430 : i32 to index
        %get3A_446 = tpu.vector_load %arg16[%get3A_445] {strides = array<i32>} : memref<2816xf32, #tpu.memory_space<vmem>>, vector<16xf32>,
        %get3A_447 = arith.index_cast %add3A_434 : i32 to index
        %get3A_448 = tpu.vector_load %arg16[%get3A_447] {strides = array<i32>} : memref<2816xf32, #tpu.memory_space<vmem>>, vector<16xf32>,
        %sub3A_449 = arith.subf %get3A_446, %get3A_448 : vector<16xf32>
        %mul3A_450 = arith.mulf %sub3A_439, %sub3A_439 : vector<16xf32>
        %mul3A_451 = arith.mulf %sub3A_444, %sub3A_444 : vector<16xf32>
        %add3A_452 = arith.addf %mul3A_450, %mul3A_451 : vector<16xf32>
        %mul3A_453 = arith.mulf %sub3A_449, %sub3A_449 : vector<16xf32>
        %add3A_454 = arith.addf %add3A_452, %mul3A_453 : vector<16xf32>
        %max3A_455 = arith.constant 1.000000e-35 : f32
        %max3A_456 = vector.broadcast %max3A_455 : f32 to vector<16xf32>
        %max3A_457 = arith.maximumf %add3A_454, %max3A_456 : vector<16xf32>
        %broadcast_in_dim3A_458 = arith.constant 1597463007 : i32
        %broadcast_in_dim3A_459 = vector.broadcast %broadcast_in_dim3A_458 : i32 to vector<16xi32>
        %bitcast_convert_type3A_460 = tpu.bitcast %max3A_457 : vector<16xf32> -> vector<16xi32>
        %shift_right_arithmetic3A_461 = arith.constant 1 : i32
        %shift_right_arithmetic3A_462 = vector.broadcast %shift_right_arithmetic3A_461 : i32 to vector<16xi32>
        %shift_right_arithmetic3A_463 = arith.shrsi %bitcast_convert_type3A_460, %shift_right_arithmetic3A_462 : vector<16xi32>
        %sub3A_464 = arith.subi %broadcast_in_dim3A_459, %shift_right_arithmetic3A_463 : vector<16xi32>
        %bitcast_convert_type3A_465 = tpu.bitcast %sub3A_464 : vector<16xi32> -> vector<16xf32>
        %mul3A_466 = arith.constant 5.000000e-01 : f32
        %mul3A_467 = vector.broadcast %mul3A_466 : f32 to vector<16xf32>
        %mul3A_468 = arith.mulf %mul3A_467, %max3A_457 : vector<16xf32>
        %mul3A_469 = arith.mulf %mul3A_468, %bitcast_convert_type3A_465 : vector<16xf32>
        %mul3A_470 = arith.mulf %mul3A_469, %bitcast_convert_type3A_465 : vector<16xf32>
        %sub3A_471 = arith.constant 1.500000e+00 : f32
        %sub3A_472 = vector.broadcast %sub3A_471 : f32 to vector<16xf32>
        %sub3A_473 = arith.subf %sub3A_472, %mul3A_470 : vector<16xf32>
        %mul3A_474 = arith.mulf %bitcast_convert_type3A_465, %sub3A_473 : vector<16xf32>
        %mul3A_475 = arith.constant 5.000000e-01 : f32
        %mul3A_476 = vector.broadcast %mul3A_475 : f32 to vector<16xf32>
        %mul3A_477 = arith.mulf %mul3A_476, %max3A_457 : vector<16xf32>
        %mul3A_478 = arith.mulf %mul3A_477, %mul3A_474 : vector<16xf32>
        %mul3A_479 = arith.mulf %mul3A_478, %mul3A_474 : vector<16xf32>
        %sub3A_480 = arith.constant 1.500000e+00 : f32
        %sub3A_481 = vector.broadcast %sub3A_480 : f32 to vector<16xf32>
        %sub3A_482 = arith.subf %sub3A_481, %mul3A_479 : vector<16xf32>
        %mul3A_483 = arith.mulf %mul3A_474, %sub3A_482 : vector<16xf32>
        %mul3A_484 = arith.mulf %add3A_454, %mul3A_483 : vector<16xf32>
        %add3A_485 = arith.constant 32 : i32
        %add3A_486 = arith.addi %mul3A_285, %add3A_485 : i32
        %swap3A_487 = arith.index_cast %add3A_486 : i32 to index
        %swap3A_488 = tpu.vector_load %arg20[%swap3A_487] {strides = array<i32>} : memref<1408xf32, #tpu.memory_space<vmem>>, vector<16xf32>,
        tpu.vector_store %arg20[%swap3A_487], %mul3A_484 {strides = array<i32>} : memref<1408xf32, #tpu.memory_space<vmem>>, vector<16xf32>,
        %swap3A_489 = arith.constant 0 : i32
        %swap3A_490 = arith.index_cast %scan3A_280 : i32 to index
        %swap3A_491 = arith.index_cast %swap3A_489 : i32 to index
        %swap3A_492 = arith.constant 32 : index
        %swap3A_493 = tpu.vector_load %arg18[%swap3A_490, %swap3A_491, %swap3A_492] {strides = array<i32>} : memref<11x4x128xf32, #tpu.memory_space<vmem>>, vector<16xf32>,
        tpu.vector_store %arg18[%swap3A_490, %swap3A_491, %swap3A_492], %sub3A_439 {strides = array<i32>} : memref<11x4x128xf32, #tpu.memory_space<vmem>>, vector<16xf32>,
        %swap3A_494 = arith.constant 1 : i32
        %swap3A_495 = arith.index_cast %scan3A_280 : i32 to index
        %swap3A_496 = arith.index_cast %swap3A_494 : i32 to index
        %swap3A_497 = arith.constant 32 : index
        %swap3A_498 = tpu.vector_load %arg18[%swap3A_495, %swap3A_496, %swap3A_497] {strides = array<i32>} : memref<11x4x128xf32, #tpu.memory_space<vmem>>, vector<16xf32>,
        tpu.vector_store %arg18[%swap3A_495, %swap3A_496, %swap3A_497], %sub3A_444 {strides = array<i32>} : memref<11x4x128xf32, #tpu.memory_space<vmem>>, vector<16xf32>,
        %swap3A_499 = arith.constant 2 : i32
        %swap3A_500 = arith.index_cast %scan3A_280 : i32 to index
        %swap3A_501 = arith.index_cast %swap3A_499 : i32 to index
        %swap3A_502 = arith.constant 32 : index
        %swap3A_503 = tpu.vector_load %arg18[%swap3A_500, %swap3A_501, %swap3A_502] {strides = array<i32>} : memref<11x4x128xf32, #tpu.memory_space<vmem>>, vector<16xf32>,
        tpu.vector_store %arg18[%swap3A_500, %swap3A_501, %swap3A_502], %sub3A_449 {strides = array<i32>} : memref<11x4x128xf32, #tpu.memory_space<vmem>>, vector<16xf32>,
        %add3A_504 = arith.constant 48 : i32
        %add3A_505 = arith.addi %mul3A_283, %add3A_504 : i32
        %add3A_506 = arith.constant 128 : i32
        %add3A_507 = arith.addi %mul3A_283, %add3A_506 : i32
        %add3A_508 = arith.constant 48 : i32
        %add3A_509 = arith.addi %add3A_507, %add3A_508 : i32
        %get3A_510 = arith.index_cast %add3A_505 : i32 to index
        %get3A_511 = tpu.vector_load %arg14[%get3A_510] {strides = array<i32>} : memref<2816xf32, #tpu.memory_space<vmem>>, vector<16xf32>,
        %get3A_512 = arith.index_cast %add3A_509 : i32 to index
        %get3A_513 = tpu.vector_load %arg14[%get3A_512] {strides = array<i32>} : memref<2816xf32, #tpu.memory_space<vmem>>, vector<16xf32>,
        %sub3A_514 = arith.subf %get3A_511, %get3A_513 : vector<16xf32>
        %get3A_515 = arith.index_cast %add3A_505 : i32 to index
        %get3A_516 = tpu.vector_load %arg15[%get3A_515] {strides = array<i32>} : memref<2816xf32, #tpu.memory_space<vmem>>, vector<16xf32>,
        %get3A_517 = arith.index_cast %add3A_509 : i32 to index
        %get3A_518 = tpu.vector_load %arg15[%get3A_517] {strides = array<i32>} : memref<2816xf32, #tpu.memory_space<vmem>>, vector<16xf32>,
        %sub3A_519 = arith.subf %get3A_516, %get3A_518 : vector<16xf32>
        %get3A_520 = arith.index_cast %add3A_505 : i32 to index
        %get3A_521 = tpu.vector_load %arg16[%get3A_520] {strides = array<i32>} : memref<2816xf32, #tpu.memory_space<vmem>>, vector<16xf32>,
        %get3A_522 = arith.index_cast %add3A_509 : i32 to index
        %get3A_523 = tpu.vector_load %arg16[%get3A_522] {strides = array<i32>} : memref<2816xf32, #tpu.memory_space<vmem>>, vector<16xf32>,
        %sub3A_524 = arith.subf %get3A_521, %get3A_523 : vector<16xf32>
        %mul3A_525 = arith.mulf %sub3A_514, %sub3A_514 : vector<16xf32>
        %mul3A_526 = arith.mulf %sub3A_519, %sub3A_519 : vector<16xf32>
        %add3A_527 = arith.addf %mul3A_525, %mul3A_526 : vector<16xf32>
        %mul3A_528 = arith.mulf %sub3A_524, %sub3A_524 : vector<16xf32>
        %add3A_529 = arith.addf %add3A_527, %mul3A_528 : vector<16xf32>
        %max3A_530 = arith.constant 1.000000e-35 : f32
        %max3A_531 = vector.broadcast %max3A_530 : f32 to vector<16xf32>
        %max3A_532 = arith.maximumf %add3A_529, %max3A_531 : vector<16xf32>
        %broadcast_in_dim3A_533 = arith.constant 1597463007 : i32
        %broadcast_in_dim3A_534 = vector.broadcast %broadcast_in_dim3A_533 : i32 to vector<16xi32>
        %bitcast_convert_type3A_535 = tpu.bitcast %max3A_532 : vector<16xf32> -> vector<16xi32>
        %shift_right_arithmetic3A_536 = arith.constant 1 : i32
        %shift_right_arithmetic3A_537 = vector.broadcast %shift_right_arithmetic3A_536 : i32 to vector<16xi32>
        %shift_right_arithmetic3A_538 = arith.shrsi %bitcast_convert_type3A_535, %shift_right_arithmetic3A_537 : vector<16xi32>
        %sub3A_539 = arith.subi %broadcast_in_dim3A_534, %shift_right_arithmetic3A_538 : vector<16xi32>
        %bitcast_convert_type3A_540 = tpu.bitcast %sub3A_539 : vector<16xi32> -> vector<16xf32>
        %mul3A_541 = arith.constant 5.000000e-01 : f32
        %mul3A_542 = vector.broadcast %mul3A_541 : f32 to vector<16xf32>
        %mul3A_543 = arith.mulf %mul3A_542, %max3A_532 : vector<16xf32>
        %mul3A_544 = arith.mulf %mul3A_543, %bitcast_convert_type3A_540 : vector<16xf32>
        %mul3A_545 = arith.mulf %mul3A_544, %bitcast_convert_type3A_540 : vector<16xf32>
        %sub3A_546 = arith.constant 1.500000e+00 : f32
        %sub3A_547 = vector.broadcast %sub3A_546 : f32 to vector<16xf32>
        %sub3A_548 = arith.subf %sub3A_547, %mul3A_545 : vector<16xf32>
        %mul3A_549 = arith.mulf %bitcast_convert_type3A_540, %sub3A_548 : vector<16xf32>
        %mul3A_550 = arith.constant 5.000000e-01 : f32
        %mul3A_551 = vector.broadcast %mul3A_550 : f32 to vector<16xf32>
        %mul3A_552 = arith.mulf %mul3A_551, %max3A_532 : vector<16xf32>
        %mul3A_553 = arith.mulf %mul3A_552, %mul3A_549 : vector<16xf32>
        %mul3A_554 = arith.mulf %mul3A_553, %mul3A_549 : vector<16xf32>
        %sub3A_555 = arith.constant 1.500000e+00 : f32
        %sub3A_556 = vector.broadcast %sub3A_555 : f32 to vector<16xf32>
        %sub3A_557 = arith.subf %sub3A_556, %mul3A_554 : vector<16xf32>
        %mul3A_558 = arith.mulf %mul3A_549, %sub3A_557 : vector<16xf32>
        %mul3A_559 = arith.mulf %add3A_529, %mul3A_558 : vector<16xf32>
        %add3A_560 = arith.constant 48 : i32
        %add3A_561 = arith.addi %mul3A_285, %add3A_560 : i32
        %swap3A_562 = arith.index_cast %add3A_561 : i32 to index
        %swap3A_563 = tpu.vector_load %arg20[%swap3A_562] {strides = array<i32>} : memref<1408xf32, #tpu.memory_space<vmem>>, vector<16xf32>,
        tpu.vector_store %arg20[%swap3A_562], %mul3A_559 {strides = array<i32>} : memref<1408xf32, #tpu.memory_space<vmem>>, vector<16xf32>,
        %swap3A_564 = arith.constant 0 : i32
        %swap3A_565 = arith.index_cast %scan3A_280 : i32 to index
        %swap3A_566 = arith.index_cast %swap3A_564 : i32 to index
        %swap3A_567 = arith.constant 48 : index
        %swap3A_568 = tpu.vector_load %arg18[%swap3A_565, %swap3A_566, %swap3A_567] {strides = array<i32>} : memref<11x4x128xf32, #tpu.memory_space<vmem>>, vector<16xf32>,
        tpu.vector_store %arg18[%swap3A_565, %swap3A_566, %swap3A_567], %sub3A_514 {strides = array<i32>} : memref<11x4x128xf32, #tpu.memory_space<vmem>>, vector<16xf32>,
        %swap3A_569 = arith.constant 1 : i32
        %swap3A_570 = arith.index_cast %scan3A_280 : i32 to index
        %swap3A_571 = arith.index_cast %swap3A_569 : i32 to index
        %swap3A_572 = arith.constant 48 : index
        %swap3A_573 = tpu.vector_load %arg18[%swap3A_570, %swap3A_571, %swap3A_572] {strides = array<i32>} : memref<11x4x128xf32, #tpu.memory_space<vmem>>, vector<16xf32>,
        tpu.vector_store %arg18[%swap3A_570, %swap3A_571, %swap3A_572], %sub3A_519 {strides = array<i32>} : memref<11x4x128xf32, #tpu.memory_space<vmem>>, vector<16xf32>,
        %swap3A_574 = arith.constant 2 : i32
        %swap3A_575 = arith.index_cast %scan3A_280 : i32 to index
        %swap3A_576 = arith.index_cast %swap3A_574 : i32 to index
        %swap3A_577 = arith.constant 48 : index
        %swap3A_578 = tpu.vector_load %arg18[%swap3A_575, %swap3A_576, %swap3A_577] {strides = array<i32>} : memref<11x4x128xf32, #tpu.memory_space<vmem>>, vector<16xf32>,
        tpu.vector_store %arg18[%swap3A_575, %swap3A_576, %swap3A_577], %sub3A_524 {strides = array<i32>} : memref<11x4x128xf32, #tpu.memory_space<vmem>>, vector<16xf32>,
        %add3A_579 = arith.constant 64 : i32
        %add3A_580 = arith.addi %mul3A_283, %add3A_579 : i32
        %add3A_581 = arith.constant 128 : i32
        %add3A_582 = arith.addi %mul3A_283, %add3A_581 : i32
        %add3A_583 = arith.constant 64 : i32
        %add3A_584 = arith.addi %add3A_582, %add3A_583 : i32
        %get3A_585 = arith.index_cast %add3A_580 : i32 to index
        %get3A_586 = tpu.vector_load %arg14[%get3A_585] {strides = array<i32>} : memref<2816xf32, #tpu.memory_space<vmem>>, vector<16xf32>,
        %get3A_587 = arith.index_cast %add3A_584 : i32 to index
        %get3A_588 = tpu.vector_load %arg14[%get3A_587] {strides = array<i32>} : memref<2816xf32, #tpu.memory_space<vmem>>, vector<16xf32>,
        %sub3A_589 = arith.subf %get3A_586, %get3A_588 : vector<16xf32>
        %get3A_590 = arith.index_cast %add3A_580 : i32 to index
        %get3A_591 = tpu.vector_load %arg15[%get3A_590] {strides = array<i32>} : memref<2816xf32, #tpu.memory_space<vmem>>, vector<16xf32>,
        %get3A_592 = arith.index_cast %add3A_584 : i32 to index
        %get3A_593 = tpu.vector_load %arg15[%get3A_592] {strides = array<i32>} : memref<2816xf32, #tpu.memory_space<vmem>>, vector<16xf32>,
        %sub3A_594 = arith.subf %get3A_591, %get3A_593 : vector<16xf32>
        %get3A_595 = arith.index_cast %add3A_580 : i32 to index
        %get3A_596 = tpu.vector_load %arg16[%get3A_595] {strides = array<i32>} : memref<2816xf32, #tpu.memory_space<vmem>>, vector<16xf32>,
        %get3A_597 = arith.index_cast %add3A_584 : i32 to index
        %get3A_598 = tpu.vector_load %arg16[%get3A_597] {strides = array<i32>} : memref<2816xf32, #tpu.memory_space<vmem>>, vector<16xf32>,
        %sub3A_599 = arith.subf %get3A_596, %get3A_598 : vector<16xf32>
        %mul3A_600 = arith.mulf %sub3A_589, %sub3A_589 : vector<16xf32>
        %mul3A_601 = arith.mulf %sub3A_594, %sub3A_594 : vector<16xf32>
        %add3A_602 = arith.addf %mul3A_600, %mul3A_601 : vector<16xf32>
        %mul3A_603 = arith.mulf %sub3A_599, %sub3A_599 : vector<16xf32>
        %add3A_604 = arith.addf %add3A_602, %mul3A_603 : vector<16xf32>
        %max3A_605 = arith.constant 1.000000e-35 : f32
        %max3A_606 = vector.broadcast %max3A_605 : f32 to vector<16xf32>
        %max3A_607 = arith.maximumf %add3A_604, %max3A_606 : vector<16xf32>
        %broadcast_in_dim3A_608 = arith.constant 1597463007 : i32
        %broadcast_in_dim3A_609 = vector.broadcast %broadcast_in_dim3A_608 : i32 to vector<16xi32>
        %bitcast_convert_type3A_610 = tpu.bitcast %max3A_607 : vector<16xf32> -> vector<16xi32>
        %shift_right_arithmetic3A_611 = arith.constant 1 : i32
        %shift_right_arithmetic3A_612 = vector.broadcast %shift_right_arithmetic3A_611 : i32 to vector<16xi32>
        %shift_right_arithmetic3A_613 = arith.shrsi %bitcast_convert_type3A_610, %shift_right_arithmetic3A_612 : vector<16xi32>
        %sub3A_614 = arith.subi %broadcast_in_dim3A_609, %shift_right_arithmetic3A_613 : vector<16xi32>
        %bitcast_convert_type3A_615 = tpu.bitcast %sub3A_614 : vector<16xi32> -> vector<16xf32>
        %mul3A_616 = arith.constant 5.000000e-01 : f32
        %mul3A_617 = vector.broadcast %mul3A_616 : f32 to vector<16xf32>
        %mul3A_618 = arith.mulf %mul3A_617, %max3A_607 : vector<16xf32>
        %mul3A_619 = arith.mulf %mul3A_618, %bitcast_convert_type3A_615 : vector<16xf32>
        %mul3A_620 = arith.mulf %mul3A_619, %bitcast_convert_type3A_615 : vector<16xf32>
        %sub3A_621 = arith.constant 1.500000e+00 : f32
        %sub3A_622 = vector.broadcast %sub3A_621 : f32 to vector<16xf32>
        %sub3A_623 = arith.subf %sub3A_622, %mul3A_620 : vector<16xf32>
        %mul3A_624 = arith.mulf %bitcast_convert_type3A_615, %sub3A_623 : vector<16xf32>
        %mul3A_625 = arith.constant 5.000000e-01 : f32
        %mul3A_626 = vector.broadcast %mul3A_625 : f32 to vector<16xf32>
        %mul3A_627 = arith.mulf %mul3A_626, %max3A_607 : vector<16xf32>
        %mul3A_628 = arith.mulf %mul3A_627, %mul3A_624 : vector<16xf32>
        %mul3A_629 = arith.mulf %mul3A_628, %mul3A_624 : vector<16xf32>
        %sub3A_630 = arith.constant 1.500000e+00 : f32
        %sub3A_631 = vector.broadcast %sub3A_630 : f32 to vector<16xf32>
        %sub3A_632 = arith.subf %sub3A_631, %mul3A_629 : vector<16xf32>
        %mul3A_633 = arith.mulf %mul3A_624, %sub3A_632 : vector<16xf32>
        %mul3A_634 = arith.mulf %add3A_604, %mul3A_633 : vector<16xf32>
        %add3A_635 = arith.constant 64 : i32
        %add3A_636 = arith.addi %mul3A_285, %add3A_635 : i32
        %swap3A_637 = arith.index_cast %add3A_636 : i32 to index
        %swap3A_638 = tpu.vector_load %arg20[%swap3A_637] {strides = array<i32>} : memref<1408xf32, #tpu.memory_space<vmem>>, vector<16xf32>,
        tpu.vector_store %arg20[%swap3A_637], %mul3A_634 {strides = array<i32>} : memref<1408xf32, #tpu.memory_space<vmem>>, vector<16xf32>,
        %swap3A_639 = arith.constant 0 : i32
        %swap3A_640 = arith.index_cast %scan3A_280 : i32 to index
        %swap3A_641 = arith.index_cast %swap3A_639 : i32 to index
        %swap3A_642 = arith.constant 64 : index
        %swap3A_643 = tpu.vector_load %arg18[%swap3A_640, %swap3A_641, %swap3A_642] {strides = array<i32>} : memref<11x4x128xf32, #tpu.memory_space<vmem>>, vector<16xf32>,
        tpu.vector_store %arg18[%swap3A_640, %swap3A_641, %swap3A_642], %sub3A_589 {strides = array<i32>} : memref<11x4x128xf32, #tpu.memory_space<vmem>>, vector<16xf32>,
        %swap3A_644 = arith.constant 1 : i32
        %swap3A_645 = arith.index_cast %scan3A_280 : i32 to index
        %swap3A_646 = arith.index_cast %swap3A_644 : i32 to index
        %swap3A_647 = arith.constant 64 : index
        %swap3A_648 = tpu.vector_load %arg18[%swap3A_645, %swap3A_646, %swap3A_647] {strides = array<i32>} : memref<11x4x128xf32, #tpu.memory_space<vmem>>, vector<16xf32>,
        tpu.vector_store %arg18[%swap3A_645, %swap3A_646, %swap3A_647], %sub3A_594 {strides = array<i32>} : memref<11x4x128xf32, #tpu.memory_space<vmem>>, vector<16xf32>,
        %swap3A_649 = arith.constant 2 : i32
        %swap3A_650 = arith.index_cast %scan3A_280 : i32 to index
        %swap3A_651 = arith.index_cast %swap3A_649 : i32 to index
        %swap3A_652 = arith.constant 64 : index
        %swap3A_653 = tpu.vector_load %arg18[%swap3A_650, %swap3A_651, %swap3A_652] {strides = array<i32>} : memref<11x4x128xf32, #tpu.memory_space<vmem>>, vector<16xf32>,
        tpu.vector_store %arg18[%swap3A_650, %swap3A_651, %swap3A_652], %sub3A_599 {strides = array<i32>} : memref<11x4x128xf32, #tpu.memory_space<vmem>>, vector<16xf32>,
        %add3A_654 = arith.constant 80 : i32
        %add3A_655 = arith.addi %mul3A_283, %add3A_654 : i32
        %add3A_656 = arith.constant 128 : i32
        %add3A_657 = arith.addi %mul3A_283, %add3A_656 : i32
        %add3A_658 = arith.constant 80 : i32
        %add3A_659 = arith.addi %add3A_657, %add3A_658 : i32
        %get3A_660 = arith.index_cast %add3A_655 : i32 to index
        %get3A_661 = tpu.vector_load %arg14[%get3A_660] {strides = array<i32>} : memref<2816xf32, #tpu.memory_space<vmem>>, vector<16xf32>,
        %get3A_662 = arith.index_cast %add3A_659 : i32 to index
        %get3A_663 = tpu.vector_load %arg14[%get3A_662] {strides = array<i32>} : memref<2816xf32, #tpu.memory_space<vmem>>, vector<16xf32>,
        %sub3A_664 = arith.subf %get3A_661, %get3A_663 : vector<16xf32>
        %get3A_665 = arith.index_cast %add3A_655 : i32 to index
        %get3A_666 = tpu.vector_load %arg15[%get3A_665] {strides = array<i32>} : memref<2816xf32, #tpu.memory_space<vmem>>, vector<16xf32>,
        %get3A_667 = arith.index_cast %add3A_659 : i32 to index
        %get3A_668 = tpu.vector_load %arg15[%get3A_667] {strides = array<i32>} : memref<2816xf32, #tpu.memory_space<vmem>>, vector<16xf32>,
        %sub3A_669 = arith.subf %get3A_666, %get3A_668 : vector<16xf32>
        %get3A_670 = arith.index_cast %add3A_655 : i32 to index
        %get3A_671 = tpu.vector_load %arg16[%get3A_670] {strides = array<i32>} : memref<2816xf32, #tpu.memory_space<vmem>>, vector<16xf32>,
        %get3A_672 = arith.index_cast %add3A_659 : i32 to index
        %get3A_673 = tpu.vector_load %arg16[%get3A_672] {strides = array<i32>} : memref<2816xf32, #tpu.memory_space<vmem>>, vector<16xf32>,
        %sub3A_674 = arith.subf %get3A_671, %get3A_673 : vector<16xf32>
        %mul3A_675 = arith.mulf %sub3A_664, %sub3A_664 : vector<16xf32>
        %mul3A_676 = arith.mulf %sub3A_669, %sub3A_669 : vector<16xf32>
        %add3A_677 = arith.addf %mul3A_675, %mul3A_676 : vector<16xf32>
        %mul3A_678 = arith.mulf %sub3A_674, %sub3A_674 : vector<16xf32>
        %add3A_679 = arith.addf %add3A_677, %mul3A_678 : vector<16xf32>
        %max3A_680 = arith.constant 1.000000e-35 : f32
        %max3A_681 = vector.broadcast %max3A_680 : f32 to vector<16xf32>
        %max3A_682 = arith.maximumf %add3A_679, %max3A_681 : vector<16xf32>
        %broadcast_in_dim3A_683 = arith.constant 1597463007 : i32
        %broadcast_in_dim3A_684 = vector.broadcast %broadcast_in_dim3A_683 : i32 to vector<16xi32>
        %bitcast_convert_type3A_685 = tpu.bitcast %max3A_682 : vector<16xf32> -> vector<16xi32>
        %shift_right_arithmetic3A_686 = arith.constant 1 : i32
        %shift_right_arithmetic3A_687 = vector.broadcast %shift_right_arithmetic3A_686 : i32 to vector<16xi32>
        %shift_right_arithmetic3A_688 = arith.shrsi %bitcast_convert_type3A_685, %shift_right_arithmetic3A_687 : vector<16xi32>
        %sub3A_689 = arith.subi %broadcast_in_dim3A_684, %shift_right_arithmetic3A_688 : vector<16xi32>
        %bitcast_convert_type3A_690 = tpu.bitcast %sub3A_689 : vector<16xi32> -> vector<16xf32>
        %mul3A_691 = arith.constant 5.000000e-01 : f32
        %mul3A_692 = vector.broadcast %mul3A_691 : f32 to vector<16xf32>
        %mul3A_693 = arith.mulf %mul3A_692, %max3A_682 : vector<16xf32>
        %mul3A_694 = arith.mulf %mul3A_693, %bitcast_convert_type3A_690 : vector<16xf32>
        %mul3A_695 = arith.mulf %mul3A_694, %bitcast_convert_type3A_690 : vector<16xf32>
        %sub3A_696 = arith.constant 1.500000e+00 : f32
        %sub3A_697 = vector.broadcast %sub3A_696 : f32 to vector<16xf32>
        %sub3A_698 = arith.subf %sub3A_697, %mul3A_695 : vector<16xf32>
        %mul3A_699 = arith.mulf %bitcast_convert_type3A_690, %sub3A_698 : vector<16xf32>
        %mul3A_700 = arith.constant 5.000000e-01 : f32
        %mul3A_701 = vector.broadcast %mul3A_700 : f32 to vector<16xf32>
        %mul3A_702 = arith.mulf %mul3A_701, %max3A_682 : vector<16xf32>
        %mul3A_703 = arith.mulf %mul3A_702, %mul3A_699 : vector<16xf32>
        %mul3A_704 = arith.mulf %mul3A_703, %mul3A_699 : vector<16xf32>
        %sub3A_705 = arith.constant 1.500000e+00 : f32
        %sub3A_706 = vector.broadcast %sub3A_705 : f32 to vector<16xf32>
        %sub3A_707 = arith.subf %sub3A_706, %mul3A_704 : vector<16xf32>
        %mul3A_708 = arith.mulf %mul3A_699, %sub3A_707 : vector<16xf32>
        %mul3A_709 = arith.mulf %add3A_679, %mul3A_708 : vector<16xf32>
        %add3A_710 = arith.constant 80 : i32
        %add3A_711 = arith.addi %mul3A_285, %add3A_710 : i32
        %swap3A_712 = arith.index_cast %add3A_711 : i32 to index
        %swap3A_713 = tpu.vector_load %arg20[%swap3A_712] {strides = array<i32>} : memref<1408xf32, #tpu.memory_space<vmem>>, vector<16xf32>,
        tpu.vector_store %arg20[%swap3A_712], %mul3A_709 {strides = array<i32>} : memref<1408xf32, #tpu.memory_space<vmem>>, vector<16xf32>,
        %swap3A_714 = arith.constant 0 : i32
        %swap3A_715 = arith.index_cast %scan3A_280 : i32 to index
        %swap3A_716 = arith.index_cast %swap3A_714 : i32 to index
        %swap3A_717 = arith.constant 80 : index
        %swap3A_718 = tpu.vector_load %arg18[%swap3A_715, %swap3A_716, %swap3A_717] {strides = array<i32>} : memref<11x4x128xf32, #tpu.memory_space<vmem>>, vector<16xf32>,
        tpu.vector_store %arg18[%swap3A_715, %swap3A_716, %swap3A_717], %sub3A_664 {strides = array<i32>} : memref<11x4x128xf32, #tpu.memory_space<vmem>>, vector<16xf32>,
        %swap3A_719 = arith.constant 1 : i32
        %swap3A_720 = arith.index_cast %scan3A_280 : i32 to index
        %swap3A_721 = arith.index_cast %swap3A_719 : i32 to index
        %swap3A_722 = arith.constant 80 : index
        %swap3A_723 = tpu.vector_load %arg18[%swap3A_720, %swap3A_721, %swap3A_722] {strides = array<i32>} : memref<11x4x128xf32, #tpu.memory_space<vmem>>, vector<16xf32>,
        tpu.vector_store %arg18[%swap3A_720, %swap3A_721, %swap3A_722], %sub3A_669 {strides = array<i32>} : memref<11x4x128xf32, #tpu.memory_space<vmem>>, vector<16xf32>,
        %swap3A_724 = arith.constant 2 : i32
        %swap3A_725 = arith.index_cast %scan3A_280 : i32 to index
        %swap3A_726 = arith.index_cast %swap3A_724 : i32 to index
        %swap3A_727 = arith.constant 80 : index
        %swap3A_728 = tpu.vector_load %arg18[%swap3A_725, %swap3A_726, %swap3A_727] {strides = array<i32>} : memref<11x4x128xf32, #tpu.memory_space<vmem>>, vector<16xf32>,
        tpu.vector_store %arg18[%swap3A_725, %swap3A_726, %swap3A_727], %sub3A_674 {strides = array<i32>} : memref<11x4x128xf32, #tpu.memory_space<vmem>>, vector<16xf32>,
        %add3A_729 = arith.constant 96 : i32
        %add3A_730 = arith.addi %mul3A_283, %add3A_729 : i32
        %add3A_731 = arith.constant 128 : i32
        %add3A_732 = arith.addi %mul3A_283, %add3A_731 : i32
        %add3A_733 = arith.constant 96 : i32
        %add3A_734 = arith.addi %add3A_732, %add3A_733 : i32
        %get3A_735 = arith.index_cast %add3A_730 : i32 to index
        %get3A_736 = tpu.vector_load %arg14[%get3A_735] {strides = array<i32>} : memref<2816xf32, #tpu.memory_space<vmem>>, vector<16xf32>,
        %get3A_737 = arith.index_cast %add3A_734 : i32 to index
        %get3A_738 = tpu.vector_load %arg14[%get3A_737] {strides = array<i32>} : memref<2816xf32, #tpu.memory_space<vmem>>, vector<16xf32>,
        %sub3A_739 = arith.subf %get3A_736, %get3A_738 : vector<16xf32>
        %get3A_740 = arith.index_cast %add3A_730 : i32 to index
        %get3A_741 = tpu.vector_load %arg15[%get3A_740] {strides = array<i32>} : memref<2816xf32, #tpu.memory_space<vmem>>, vector<16xf32>,
        %get3A_742 = arith.index_cast %add3A_734 : i32 to index
        %get3A_743 = tpu.vector_load %arg15[%get3A_742] {strides = array<i32>} : memref<2816xf32, #tpu.memory_space<vmem>>, vector<16xf32>,
        %sub3A_744 = arith.subf %get3A_741, %get3A_743 : vector<16xf32>
        %get3A_745 = arith.index_cast %add3A_730 : i32 to index
        %get3A_746 = tpu.vector_load %arg16[%get3A_745] {strides = array<i32>} : memref<2816xf32, #tpu.memory_space<vmem>>, vector<16xf32>,
        %get3A_747 = arith.index_cast %add3A_734 : i32 to index
        %get3A_748 = tpu.vector_load %arg16[%get3A_747] {strides = array<i32>} : memref<2816xf32, #tpu.memory_space<vmem>>, vector<16xf32>,
        %sub3A_749 = arith.subf %get3A_746, %get3A_748 : vector<16xf32>
        %mul3A_750 = arith.mulf %sub3A_739, %sub3A_739 : vector<16xf32>
        %mul3A_751 = arith.mulf %sub3A_744, %sub3A_744 : vector<16xf32>
        %add3A_752 = arith.addf %mul3A_750, %mul3A_751 : vector<16xf32>
        %mul3A_753 = arith.mulf %sub3A_749, %sub3A_749 : vector<16xf32>
        %add3A_754 = arith.addf %add3A_752, %mul3A_753 : vector<16xf32>
        %max3A_755 = arith.constant 1.000000e-35 : f32
        %max3A_756 = vector.broadcast %max3A_755 : f32 to vector<16xf32>
        %max3A_757 = arith.maximumf %add3A_754, %max3A_756 : vector<16xf32>
        %broadcast_in_dim3A_758 = arith.constant 1597463007 : i32
        %broadcast_in_dim3A_759 = vector.broadcast %broadcast_in_dim3A_758 : i32 to vector<16xi32>
        %bitcast_convert_type3A_760 = tpu.bitcast %max3A_757 : vector<16xf32> -> vector<16xi32>
        %shift_right_arithmetic3A_761 = arith.constant 1 : i32
        %shift_right_arithmetic3A_762 = vector.broadcast %shift_right_arithmetic3A_761 : i32 to vector<16xi32>
        %shift_right_arithmetic3A_763 = arith.shrsi %bitcast_convert_type3A_760, %shift_right_arithmetic3A_762 : vector<16xi32>
        %sub3A_764 = arith.subi %broadcast_in_dim3A_759, %shift_right_arithmetic3A_763 : vector<16xi32>
        %bitcast_convert_type3A_765 = tpu.bitcast %sub3A_764 : vector<16xi32> -> vector<16xf32>
        %mul3A_766 = arith.constant 5.000000e-01 : f32
        %mul3A_767 = vector.broadcast %mul3A_766 : f32 to vector<16xf32>
        %mul3A_768 = arith.mulf %mul3A_767, %max3A_757 : vector<16xf32>
        %mul3A_769 = arith.mulf %mul3A_768, %bitcast_convert_type3A_765 : vector<16xf32>
        %mul3A_770 = arith.mulf %mul3A_769, %bitcast_convert_type3A_765 : vector<16xf32>
        %sub3A_771 = arith.constant 1.500000e+00 : f32
        %sub3A_772 = vector.broadcast %sub3A_771 : f32 to vector<16xf32>
        %sub3A_773 = arith.subf %sub3A_772, %mul3A_770 : vector<16xf32>
        %mul3A_774 = arith.mulf %bitcast_convert_type3A_765, %sub3A_773 : vector<16xf32>
        %mul3A_775 = arith.constant 5.000000e-01 : f32
        %mul3A_776 = vector.broadcast %mul3A_775 : f32 to vector<16xf32>
        %mul3A_777 = arith.mulf %mul3A_776, %max3A_757 : vector<16xf32>
        %mul3A_778 = arith.mulf %mul3A_777, %mul3A_774 : vector<16xf32>
        %mul3A_779 = arith.mulf %mul3A_778, %mul3A_774 : vector<16xf32>
        %sub3A_780 = arith.constant 1.500000e+00 : f32
        %sub3A_781 = vector.broadcast %sub3A_780 : f32 to vector<16xf32>
        %sub3A_782 = arith.subf %sub3A_781, %mul3A_779 : vector<16xf32>
        %mul3A_783 = arith.mulf %mul3A_774, %sub3A_782 : vector<16xf32>
        %mul3A_784 = arith.mulf %add3A_754, %mul3A_783 : vector<16xf32>
        %add3A_785 = arith.constant 96 : i32
        %add3A_786 = arith.addi %mul3A_285, %add3A_785 : i32
        %swap3A_787 = arith.index_cast %add3A_786 : i32 to index
        %swap3A_788 = tpu.vector_load %arg20[%swap3A_787] {strides = array<i32>} : memref<1408xf32, #tpu.memory_space<vmem>>, vector<16xf32>,
        tpu.vector_store %arg20[%swap3A_787], %mul3A_784 {strides = array<i32>} : memref<1408xf32, #tpu.memory_space<vmem>>, vector<16xf32>,
        %swap3A_789 = arith.constant 0 : i32
        %swap3A_790 = arith.index_cast %scan3A_280 : i32 to index
        %swap3A_791 = arith.index_cast %swap3A_789 : i32 to index
        %swap3A_792 = arith.constant 96 : index
        %swap3A_793 = tpu.vector_load %arg18[%swap3A_790, %swap3A_791, %swap3A_792] {strides = array<i32>} : memref<11x4x128xf32, #tpu.memory_space<vmem>>, vector<16xf32>,
        tpu.vector_store %arg18[%swap3A_790, %swap3A_791, %swap3A_792], %sub3A_739 {strides = array<i32>} : memref<11x4x128xf32, #tpu.memory_space<vmem>>, vector<16xf32>,
        %swap3A_794 = arith.constant 1 : i32
        %swap3A_795 = arith.index_cast %scan3A_280 : i32 to index
        %swap3A_796 = arith.index_cast %swap3A_794 : i32 to index
        %swap3A_797 = arith.constant 96 : index
        %swap3A_798 = tpu.vector_load %arg18[%swap3A_795, %swap3A_796, %swap3A_797] {strides = array<i32>} : memref<11x4x128xf32, #tpu.memory_space<vmem>>, vector<16xf32>,
        tpu.vector_store %arg18[%swap3A_795, %swap3A_796, %swap3A_797], %sub3A_744 {strides = array<i32>} : memref<11x4x128xf32, #tpu.memory_space<vmem>>, vector<16xf32>,
        %swap3A_799 = arith.constant 2 : i32
        %swap3A_800 = arith.index_cast %scan3A_280 : i32 to index
        %swap3A_801 = arith.index_cast %swap3A_799 : i32 to index
        %swap3A_802 = arith.constant 96 : index
        %swap3A_803 = tpu.vector_load %arg18[%swap3A_800, %swap3A_801, %swap3A_802] {strides = array<i32>} : memref<11x4x128xf32, #tpu.memory_space<vmem>>, vector<16xf32>,
        tpu.vector_store %arg18[%swap3A_800, %swap3A_801, %swap3A_802], %sub3A_749 {strides = array<i32>} : memref<11x4x128xf32, #tpu.memory_space<vmem>>, vector<16xf32>,
        %add3A_804 = arith.constant 112 : i32
        %add3A_805 = arith.addi %mul3A_283, %add3A_804 : i32
        %add3A_806 = arith.constant 128 : i32
        %add3A_807 = arith.addi %mul3A_283, %add3A_806 : i32
        %add3A_808 = arith.constant 112 : i32
        %add3A_809 = arith.addi %add3A_807, %add3A_808 : i32
        %get3A_810 = arith.index_cast %add3A_805 : i32 to index
        %get3A_811 = tpu.vector_load %arg14[%get3A_810] {strides = array<i32>} : memref<2816xf32, #tpu.memory_space<vmem>>, vector<16xf32>,
        %get3A_812 = arith.index_cast %add3A_809 : i32 to index
        %get3A_813 = tpu.vector_load %arg14[%get3A_812] {strides = array<i32>} : memref<2816xf32, #tpu.memory_space<vmem>>, vector<16xf32>,
        %sub3A_814 = arith.subf %get3A_811, %get3A_813 : vector<16xf32>
        %get3A_815 = arith.index_cast %add3A_805 : i32 to index
        %get3A_816 = tpu.vector_load %arg15[%get3A_815] {strides = array<i32>} : memref<2816xf32, #tpu.memory_space<vmem>>, vector<16xf32>,
        %get3A_817 = arith.index_cast %add3A_809 : i32 to index
        %get3A_818 = tpu.vector_load %arg15[%get3A_817] {strides = array<i32>} : memref<2816xf32, #tpu.memory_space<vmem>>, vector<16xf32>,
        %sub3A_819 = arith.subf %get3A_816, %get3A_818 : vector<16xf32>
        %get3A_820 = arith.index_cast %add3A_805 : i32 to index
        %get3A_821 = tpu.vector_load %arg16[%get3A_820] {strides = array<i32>} : memref<2816xf32, #tpu.memory_space<vmem>>, vector<16xf32>,
        %get3A_822 = arith.index_cast %add3A_809 : i32 to index
        %get3A_823 = tpu.vector_load %arg16[%get3A_822] {strides = array<i32>} : memref<2816xf32, #tpu.memory_space<vmem>>, vector<16xf32>,
        %sub3A_824 = arith.subf %get3A_821, %get3A_823 : vector<16xf32>
        %mul3A_825 = arith.mulf %sub3A_814, %sub3A_814 : vector<16xf32>
        %mul3A_826 = arith.mulf %sub3A_819, %sub3A_819 : vector<16xf32>
        %add3A_827 = arith.addf %mul3A_825, %mul3A_826 : vector<16xf32>
        %mul3A_828 = arith.mulf %sub3A_824, %sub3A_824 : vector<16xf32>
        %add3A_829 = arith.addf %add3A_827, %mul3A_828 : vector<16xf32>
        %max3A_830 = arith.constant 1.000000e-35 : f32
        %max3A_831 = vector.broadcast %max3A_830 : f32 to vector<16xf32>
        %max3A_832 = arith.maximumf %add3A_829, %max3A_831 : vector<16xf32>
        %broadcast_in_dim3A_833 = arith.constant 1597463007 : i32
        %broadcast_in_dim3A_834 = vector.broadcast %broadcast_in_dim3A_833 : i32 to vector<16xi32>
        %bitcast_convert_type3A_835 = tpu.bitcast %max3A_832 : vector<16xf32> -> vector<16xi32>
        %shift_right_arithmetic3A_836 = arith.constant 1 : i32
        %shift_right_arithmetic3A_837 = vector.broadcast %shift_right_arithmetic3A_836 : i32 to vector<16xi32>
        %shift_right_arithmetic3A_838 = arith.shrsi %bitcast_convert_type3A_835, %shift_right_arithmetic3A_837 : vector<16xi32>
        %sub3A_839 = arith.subi %broadcast_in_dim3A_834, %shift_right_arithmetic3A_838 : vector<16xi32>
        %bitcast_convert_type3A_840 = tpu.bitcast %sub3A_839 : vector<16xi32> -> vector<16xf32>
        %mul3A_841 = arith.constant 5.000000e-01 : f32
        %mul3A_842 = vector.broadcast %mul3A_841 : f32 to vector<16xf32>
        %mul3A_843 = arith.mulf %mul3A_842, %max3A_832 : vector<16xf32>
        %mul3A_844 = arith.mulf %mul3A_843, %bitcast_convert_type3A_840 : vector<16xf32>
        %mul3A_845 = arith.mulf %mul3A_844, %bitcast_convert_type3A_840 : vector<16xf32>
        %sub3A_846 = arith.constant 1.500000e+00 : f32
        %sub3A_847 = vector.broadcast %sub3A_846 : f32 to vector<16xf32>
        %sub3A_848 = arith.subf %sub3A_847, %mul3A_845 : vector<16xf32>
        %mul3A_849 = arith.mulf %bitcast_convert_type3A_840, %sub3A_848 : vector<16xf32>
        %mul3A_850 = arith.constant 5.000000e-01 : f32
        %mul3A_851 = vector.broadcast %mul3A_850 : f32 to vector<16xf32>
        %mul3A_852 = arith.mulf %mul3A_851, %max3A_832 : vector<16xf32>
        %mul3A_853 = arith.mulf %mul3A_852, %mul3A_849 : vector<16xf32>
        %mul3A_854 = arith.mulf %mul3A_853, %mul3A_849 : vector<16xf32>
        %sub3A_855 = arith.constant 1.500000e+00 : f32
        %sub3A_856 = vector.broadcast %sub3A_855 : f32 to vector<16xf32>
        %sub3A_857 = arith.subf %sub3A_856, %mul3A_854 : vector<16xf32>
        %mul3A_858 = arith.mulf %mul3A_849, %sub3A_857 : vector<16xf32>
        %mul3A_859 = arith.mulf %add3A_829, %mul3A_858 : vector<16xf32>
        %add3A_860 = arith.constant 112 : i32
        %add3A_861 = arith.addi %mul3A_285, %add3A_860 : i32
        %swap3A_862 = arith.index_cast %add3A_861 : i32 to index
        %swap3A_863 = tpu.vector_load %arg20[%swap3A_862] {strides = array<i32>} : memref<1408xf32, #tpu.memory_space<vmem>>, vector<16xf32>,
        tpu.vector_store %arg20[%swap3A_862], %mul3A_859 {strides = array<i32>} : memref<1408xf32, #tpu.memory_space<vmem>>, vector<16xf32>,
        %swap3A_864 = arith.constant 0 : i32
        %swap3A_865 = arith.index_cast %scan3A_280 : i32 to index
        %swap3A_866 = arith.index_cast %swap3A_864 : i32 to index
        %swap3A_867 = arith.constant 112 : index
        %swap3A_868 = tpu.vector_load %arg18[%swap3A_865, %swap3A_866, %swap3A_867] {strides = array<i32>} : memref<11x4x128xf32, #tpu.memory_space<vmem>>, vector<16xf32>,
        tpu.vector_store %arg18[%swap3A_865, %swap3A_866, %swap3A_867], %sub3A_814 {strides = array<i32>} : memref<11x4x128xf32, #tpu.memory_space<vmem>>, vector<16xf32>,
        %swap3A_869 = arith.constant 1 : i32
        %swap3A_870 = arith.index_cast %scan3A_280 : i32 to index
        %swap3A_871 = arith.index_cast %swap3A_869 : i32 to index
        %swap3A_872 = arith.constant 112 : index
        %swap3A_873 = tpu.vector_load %arg18[%swap3A_870, %swap3A_871, %swap3A_872] {strides = array<i32>} : memref<11x4x128xf32, #tpu.memory_space<vmem>>, vector<16xf32>,
        tpu.vector_store %arg18[%swap3A_870, %swap3A_871, %swap3A_872], %sub3A_819 {strides = array<i32>} : memref<11x4x128xf32, #tpu.memory_space<vmem>>, vector<16xf32>,
        %swap3A_874 = arith.constant 2 : i32
        %swap3A_875 = arith.index_cast %scan3A_280 : i32 to index
        %swap3A_876 = arith.index_cast %swap3A_874 : i32 to index
        %swap3A_877 = arith.constant 112 : index
        %swap3A_878 = tpu.vector_load %arg18[%swap3A_875, %swap3A_876, %swap3A_877] {strides = array<i32>} : memref<11x4x128xf32, #tpu.memory_space<vmem>>, vector<16xf32>,
        tpu.vector_store %arg18[%swap3A_875, %swap3A_876, %swap3A_877], %sub3A_824 {strides = array<i32>} : memref<11x4x128xf32, #tpu.memory_space<vmem>>, vector<16xf32>,
        %scan3A_879 = arith.constant 0 : i32
        scf.yield %scan3A_879 : i32
      }
      %scan3A_265 = arith.constant 11 : i32
      %mul3A_266 = arith.constant 11 : i32
      %mul3A_267 = arith.muli %add3A_240, %mul3A_266 : i32
      %add3A_268 = arith.addi %add3A_151, %mul3A_267 : i32
      %dma_start3A_269 = arith.constant 0 : i32
      %dma_start3A_270 = arith.constant 0 : i32
      %dma_start3A_271 = tpu.memref_slice %arg5[%add3A_268, %dma_start3A_269, %dma_start3A_270] : memref<50000x4x128xf32, #tpu.memory_space<hbm>> -> memref<11x4x128xf32, #tpu.memory_space<hbm>>
      %dma_start3A_272 = arith.constant 0 : i32
      %dma_start3A_273 = arith.constant 0 : i32
      %dma_start3A_274 = tpu.memref_slice %arg5[%add3A_268, %dma_start3A_272, %dma_start3A_273] : memref<50000x4x128xf32, #tpu.memory_space<hbm>> -> memref<11x4x128xf32, #tpu.memory_space<hbm>>
      tpu.enqueue_dma source(%arg18 : memref<11x4x128xf32, #tpu.memory_space<vmem>>) target(%dma_start3A_274 : memref<11x4x128xf32, #tpu.memory_space<hbm>>) target_semaphore(%arg25 : memref<!tpu.dma_semaphore, #tpu.memory_space<semaphore_mem>>)
      %mul3A_275 = arith.constant 128 : i32
      %mul3A_276 = arith.muli %add3A_268, %mul3A_275 : i32
      %dma_start3A_277 = tpu.memref_slice %arg4[%mul3A_276] : memref<6400000xf32, #tpu.memory_space<hbm>> -> memref<1408xf32, #tpu.memory_space<hbm>>
      %dma_start3A_278 = tpu.memref_slice %arg4[%mul3A_276] : memref<6400000xf32, #tpu.memory_space<hbm>> -> memref<1408xf32, #tpu.memory_space<hbm>>
      tpu.enqueue_dma source(%arg20 : memref<1408xf32, #tpu.memory_space<vmem>>) target(%dma_start3A_278 : memref<1408xf32, #tpu.memory_space<hbm>>) target_semaphore(%arg25 : memref<!tpu.dma_semaphore, #tpu.memory_space<semaphore_mem>>)
      %scan3A_279 = arith.constant 0 : i32
      scf.yield %scan3A_279 : i32
    }
    %scan3A_166 = arith.constant 71 : i32
    %add3A_167 = arith.constant 0 : i32
    %add3A_168 = arith.addi %add3A_151, %add3A_167 : i32
    %dma_wait3A = arith.constant 0 : i32
    %dma_wait3A_169 = arith.constant 0 : i32
    %dma_wait3A_170 = tpu.memref_slice %arg5[%add3A_168, %dma_wait3A, %dma_wait3A_169] : memref<50000x4x128xf32, #tpu.memory_space<hbm>> -> memref<11x4x128xf32, #tpu.memory_space<hbm>>
    %dma_wait3A_171 = arith.constant 0 : i32
    %dma_wait3A_172 = arith.constant 0 : i32
    %dma_wait3A_173 = tpu.memref_slice %arg5[%add3A_168, %dma_wait3A_171, %dma_wait3A_172] : memref<50000x4x128xf32, #tpu.memory_space<hbm>> -> memref<11x4x128xf32, #tpu.memory_space<hbm>>
    tpu.wait_dma2 semaphore(%arg24 : memref<!tpu.dma_semaphore, #tpu.memory_space<semaphore_mem>>) src(%arg17 : memref<11x4x128xf32, #tpu.memory_space<vmem>>) dst(%dma_wait3A_173 : memref<11x4x128xf32, #tpu.memory_space<hbm>>)
    %mul3A_174 = arith.constant 128 : i32
    %mul3A_175 = arith.muli %add3A_168, %mul3A_174 : i32
    %dma_wait3A_176 = tpu.memref_slice %arg4[%mul3A_175] : memref<6400000xf32, #tpu.memory_space<hbm>> -> memref<1408xf32, #tpu.memory_space<hbm>>
    %dma_wait3A_177 = tpu.memref_slice %arg4[%mul3A_175] : memref<6400000xf32, #tpu.memory_space<hbm>> -> memref<1408xf32, #tpu.memory_space<hbm>>
    tpu.wait_dma2 semaphore(%arg24 : memref<!tpu.dma_semaphore, #tpu.memory_space<semaphore_mem>>) src(%arg19 : memref<1408xf32, #tpu.memory_space<vmem>>) dst(%dma_wait3A_177 : memref<1408xf32, #tpu.memory_space<hbm>>)
    %add3A_178 = arith.constant 0 : i32
    %add3A_179 = arith.addi %add3A_151, %add3A_178 : i32
    %dma_wait3A_180 = arith.constant 0 : i32
    %dma_wait3A_181 = arith.constant 0 : i32
    %dma_wait3A_182 = tpu.memref_slice %arg5[%add3A_179, %dma_wait3A_180, %dma_wait3A_181] : memref<50000x4x128xf32, #tpu.memory_space<hbm>> -> memref<11x4x128xf32, #tpu.memory_space<hbm>>
    %dma_wait3A_183 = arith.constant 0 : i32
    %dma_wait3A_184 = arith.constant 0 : i32
    %dma_wait3A_185 = tpu.memref_slice %arg5[%add3A_179, %dma_wait3A_183, %dma_wait3A_184] : memref<50000x4x128xf32, #tpu.memory_space<hbm>> -> memref<11x4x128xf32, #tpu.memory_space<hbm>>
    tpu.wait_dma2 semaphore(%arg25 : memref<!tpu.dma_semaphore, #tpu.memory_space<semaphore_mem>>) src(%arg18 : memref<11x4x128xf32, #tpu.memory_space<vmem>>) dst(%dma_wait3A_185 : memref<11x4x128xf32, #tpu.memory_space<hbm>>)
    %mul3A_186 = arith.constant 128 : i32
    %mul3A_187 = arith.muli %add3A_179, %mul3A_186 : i32
    %dma_wait3A_188 = tpu.memref_slice %arg4[%mul3A_187] : memref<6400000xf32, #tpu.memory_space<hbm>> -> memref<1408xf32, #tpu.memory_space<hbm>>
    %dma_wait3A_189 = tpu.memref_slice %arg4[%mul3A_187] : memref<6400000xf32, #tpu.memory_space<hbm>> -> memref<1408xf32, #tpu.memory_space<hbm>>
    tpu.wait_dma2 semaphore(%arg25 : memref<!tpu.dma_semaphore, #tpu.memory_space<semaphore_mem>>) src(%arg20 : memref<1408xf32, #tpu.memory_space<vmem>>) dst(%dma_wait3A_189 : memref<1408xf32, #tpu.memory_space<hbm>>)
    %lt3A = arith.constant 16 : i32
    %lt3A_190 = arith.cmpi slt, %add3A, %lt3A : i32
    %convert_element_type3A_191 = arith.extui %lt3A_190 : i1 to i32
    %cond3A_192 = arith.constant 0 : i32
    %cond3A_193 = arith.cmpi ne, %convert_element_type3A_191, %cond3A_192 : i32
    scf.if %cond3A_193 {
      %add3A_194 = arith.constant 1562 : i32
      %add3A_195 = arith.addi %add3A_151, %add3A_194 : i32
      %mul3A_196 = arith.constant 256 : i32
      %mul3A_197 = arith.muli %add3A_195, %mul3A_196 : i32
      "tpu.region"() ({
        %run_scoped3A = tpu.sem_alloc : memref<!tpu.dma_semaphore, #tpu.memory_space<semaphore_mem>>
        %dma_start3A_801 = arith.constant 0 : i32
        %dma_start3A_802 = tpu.memref_slice %arg9[%dma_start3A_801] : memref<2816xi32, #tpu.memory_space<vmem>> -> memref<256xi32, #tpu.memory_space<vmem>>
        %dma_start3A_803 = tpu.memref_slice %arg3[%mul3A_197] : memref<12800000xi32, #tpu.memory_space<hbm>> -> memref<256xi32, #tpu.memory_space<hbm>>
        %dma_start3A_804 = arith.constant 0 : i32
        %dma_start3A_805 = tpu.memref_slice %arg9[%dma_start3A_804] : memref<2816xi32, #tpu.memory_space<vmem>> -> memref<256xi32, #tpu.memory_space<vmem>>
        %dma_start3A_806 = tpu.memref_slice %arg3[%mul3A_197] : memref<12800000xi32, #tpu.memory_space<hbm>> -> memref<256xi32, #tpu.memory_space<hbm>>
        tpu.enqueue_dma source(%dma_start3A_806 : memref<256xi32, #tpu.memory_space<hbm>>) target(%dma_start3A_805 : memref<256xi32, #tpu.memory_space<vmem>>) target_semaphore(%run_scoped3A : memref<!tpu.dma_semaphore, #tpu.memory_space<semaphore_mem>>)
        %dma_wait3A_807 = arith.constant 0 : i32
        %dma_wait3A_808 = tpu.memref_slice %arg9[%dma_wait3A_807] : memref<2816xi32, #tpu.memory_space<vmem>> -> memref<256xi32, #tpu.memory_space<vmem>>
        %dma_wait3A_809 = tpu.memref_slice %arg3[%mul3A_197] : memref<12800000xi32, #tpu.memory_space<hbm>> -> memref<256xi32, #tpu.memory_space<hbm>>
        %dma_wait3A_810 = arith.constant 0 : i32
        %dma_wait3A_811 = tpu.memref_slice %arg9[%dma_wait3A_810] : memref<2816xi32, #tpu.memory_space<vmem>> -> memref<256xi32, #tpu.memory_space<vmem>>
        %dma_wait3A_812 = tpu.memref_slice %arg3[%mul3A_197] : memref<12800000xi32, #tpu.memory_space<hbm>> -> memref<256xi32, #tpu.memory_space<hbm>>
        tpu.wait_dma2 semaphore(%run_scoped3A : memref<!tpu.dma_semaphore, #tpu.memory_space<semaphore_mem>>) src(%dma_wait3A_812 : memref<256xi32, #tpu.memory_space<hbm>>) dst(%dma_wait3A_811 : memref<256xi32, #tpu.memory_space<vmem>>)
        tpu.yield
      }) : () -> ()
      "tpu.region"() ({
        %run_scoped3A = tpu.sem_alloc : memref<!tpu.dma_semaphore, #tpu.memory_space<semaphore_mem>>
        %dma_start3A_801 = arith.constant 0 : i32
        %dma_start3A_802 = tpu.memref_slice %arg11[%dma_start3A_801] : memref<2816xf32, #tpu.memory_space<vmem>> -> memref<256xf32, #tpu.memory_space<vmem>>
        %dma_start3A_803 = arith.constant 0 : i32
        %dma_start3A_804 = tpu.memref_slice %arg9[%dma_start3A_803] : memref<2816xi32, #tpu.memory_space<vmem>> -> memref<256xi32, #tpu.memory_space<vmem>>
        %dma_start3A_805 = arith.constant 0 : i32
        %dma_start3A_806 = tpu.memref_slice %arg6[%dma_start3A_805] : memref<100000xf32, #tpu.memory_space<vmem_shared>> -> memref<100000xf32, #tpu.memory_space<vmem_shared>>
        tpu.enqueue_indirect_dma source(%dma_start3A_806 : memref<100000xf32, #tpu.memory_space<vmem_shared>>) target(%dma_start3A_802 : memref<256xf32, #tpu.memory_space<vmem>>) offsets(%dma_start3A_804 : memref<256xi32, #tpu.memory_space<vmem>>) semaphore(%run_scoped3A : memref<!tpu.dma_semaphore, #tpu.memory_space<semaphore_mem>>)
        %dma_wait3A_807 = arith.constant 0 : i32
        %dma_wait3A_808 = tpu.memref_slice %arg11[%dma_wait3A_807] : memref<2816xf32, #tpu.memory_space<vmem>> -> memref<256xf32, #tpu.memory_space<vmem>>
        %dma_wait3A_809 = arith.constant 0 : i32
        %dma_wait3A_810 = tpu.memref_slice %arg9[%dma_wait3A_809] : memref<2816xi32, #tpu.memory_space<vmem>> -> memref<256xi32, #tpu.memory_space<vmem>>
        %dma_wait3A_811 = arith.constant 0 : i32
        %dma_wait3A_812 = tpu.memref_slice %arg6[%dma_wait3A_811] : memref<100000xf32, #tpu.memory_space<vmem_shared>> -> memref<100000xf32, #tpu.memory_space<vmem_shared>>
        tpu.wait_indirect_dma semaphore(%run_scoped3A : memref<!tpu.dma_semaphore, #tpu.memory_space<semaphore_mem>>) src(%dma_wait3A_812 : memref<100000xf32, #tpu.memory_space<vmem_shared>>) dst(%dma_wait3A_808 : memref<256xf32, #tpu.memory_space<vmem>>)
        tpu.yield
      }) : () -> ()
      "tpu.region"() ({
        %run_scoped3A = tpu.sem_alloc : memref<!tpu.dma_semaphore, #tpu.memory_space<semaphore_mem>>
        %dma_start3A_801 = arith.constant 0 : i32
        %dma_start3A_802 = tpu.memref_slice %arg12[%dma_start3A_801] : memref<2816xf32, #tpu.memory_space<vmem>> -> memref<256xf32, #tpu.memory_space<vmem>>
        %dma_start3A_803 = arith.constant 0 : i32
        %dma_start3A_804 = tpu.memref_slice %arg9[%dma_start3A_803] : memref<2816xi32, #tpu.memory_space<vmem>> -> memref<256xi32, #tpu.memory_space<vmem>>
        %dma_start3A_805 = arith.constant 0 : i32
        %dma_start3A_806 = tpu.memref_slice %arg7[%dma_start3A_805] : memref<100000xf32, #tpu.memory_space<vmem_shared>> -> memref<100000xf32, #tpu.memory_space<vmem_shared>>
        tpu.enqueue_indirect_dma source(%dma_start3A_806 : memref<100000xf32, #tpu.memory_space<vmem_shared>>) target(%dma_start3A_802 : memref<256xf32, #tpu.memory_space<vmem>>) offsets(%dma_start3A_804 : memref<256xi32, #tpu.memory_space<vmem>>) semaphore(%run_scoped3A : memref<!tpu.dma_semaphore, #tpu.memory_space<semaphore_mem>>)
        %dma_wait3A_807 = arith.constant 0 : i32
        %dma_wait3A_808 = tpu.memref_slice %arg12[%dma_wait3A_807] : memref<2816xf32, #tpu.memory_space<vmem>> -> memref<256xf32, #tpu.memory_space<vmem>>
        %dma_wait3A_809 = arith.constant 0 : i32
        %dma_wait3A_810 = tpu.memref_slice %arg9[%dma_wait3A_809] : memref<2816xi32, #tpu.memory_space<vmem>> -> memref<256xi32, #tpu.memory_space<vmem>>
        %dma_wait3A_811 = arith.constant 0 : i32
        %dma_wait3A_812 = tpu.memref_slice %arg7[%dma_wait3A_811] : memref<100000xf32, #tpu.memory_space<vmem_shared>> -> memref<100000xf32, #tpu.memory_space<vmem_shared>>
        tpu.wait_indirect_dma semaphore(%run_scoped3A : memref<!tpu.dma_semaphore, #tpu.memory_space<semaphore_mem>>) src(%dma_wait3A_812 : memref<100000xf32, #tpu.memory_space<vmem_shared>>) dst(%dma_wait3A_808 : memref<256xf32, #tpu.memory_space<vmem>>)
        tpu.yield
      }) : () -> ()
      "tpu.region"() ({
        %run_scoped3A = tpu.sem_alloc : memref<!tpu.dma_semaphore, #tpu.memory_space<semaphore_mem>>
        %dma_start3A_801 = arith.constant 0 : i32
        %dma_start3A_802 = tpu.memref_slice %arg13[%dma_start3A_801] : memref<2816xf32, #tpu.memory_space<vmem>> -> memref<256xf32, #tpu.memory_space<vmem>>
        %dma_start3A_803 = arith.constant 0 : i32
        %dma_start3A_804 = tpu.memref_slice %arg9[%dma_start3A_803] : memref<2816xi32, #tpu.memory_space<vmem>> -> memref<256xi32, #tpu.memory_space<vmem>>
        %dma_start3A_805 = arith.constant 0 : i32
        %dma_start3A_806 = tpu.memref_slice %arg8[%dma_start3A_805] : memref<100000xf32, #tpu.memory_space<vmem_shared>> -> memref<100000xf32, #tpu.memory_space<vmem_shared>>
        tpu.enqueue_indirect_dma source(%dma_start3A_806 : memref<100000xf32, #tpu.memory_space<vmem_shared>>) target(%dma_start3A_802 : memref<256xf32, #tpu.memory_space<vmem>>) offsets(%dma_start3A_804 : memref<256xi32, #tpu.memory_space<vmem>>) semaphore(%run_scoped3A : memref<!tpu.dma_semaphore, #tpu.memory_space<semaphore_mem>>)
        %dma_wait3A_807 = arith.constant 0 : i32
        %dma_wait3A_808 = tpu.memref_slice %arg13[%dma_wait3A_807] : memref<2816xf32, #tpu.memory_space<vmem>> -> memref<256xf32, #tpu.memory_space<vmem>>
        %dma_wait3A_809 = arith.constant 0 : i32
        %dma_wait3A_810 = tpu.memref_slice %arg9[%dma_wait3A_809] : memref<2816xi32, #tpu.memory_space<vmem>> -> memref<256xi32, #tpu.memory_space<vmem>>
        %dma_wait3A_811 = arith.constant 0 : i32
        %dma_wait3A_812 = tpu.memref_slice %arg8[%dma_wait3A_811] : memref<100000xf32, #tpu.memory_space<vmem_shared>> -> memref<100000xf32, #tpu.memory_space<vmem_shared>>
        tpu.wait_indirect_dma semaphore(%run_scoped3A : memref<!tpu.dma_semaphore, #tpu.memory_space<semaphore_mem>>) src(%dma_wait3A_812 : memref<100000xf32, #tpu.memory_space<vmem_shared>>) dst(%dma_wait3A_808 : memref<256xf32, #tpu.memory_space<vmem>>)
        tpu.yield
      }) : () -> ()
      %scan3A_198 = arith.constant 0 : i32
      %scan3A_199 = arith.constant 0 : i32
      %mul3A_200 = arith.constant 256 : i32
      %mul3A_201 = arith.muli %scan3A_199, %mul3A_200 : i32
      %mul3A_202 = arith.constant 128 : i32
      %mul3A_203 = arith.muli %scan3A_199, %mul3A_202 : i32
      %add3A_204 = arith.constant 0 : i32
      %add3A_205 = arith.addi %mul3A_201, %add3A_204 : i32
      %add3A_206 = arith.constant 128 : i32
      %add3A_207 = arith.addi %mul3A_201, %add3A_206 : i32
      %add3A_208 = arith.constant 0 : i32
      %add3A_209 = arith.addi %add3A_207, %add3A_208 : i32
      %get3A = arith.index_cast %add3A_205 : i32 to index
      %get3A_210 = tpu.vector_load %arg11[%get3A] {strides = array<i32>} : memref<2816xf32, #tpu.memory_space<vmem>>, vector<16xf32>,
      %get3A_211 = arith.index_cast %add3A_209 : i32 to index
      %get3A_212 = tpu.vector_load %arg11[%get3A_211] {strides = array<i32>} : memref<2816xf32, #tpu.memory_space<vmem>>, vector<16xf32>,
      %sub3A = arith.subf %get3A_210, %get3A_212 : vector<16xf32>
      %get3A_213 = arith.index_cast %add3A_205 : i32 to index
      %get3A_214 = tpu.vector_load %arg12[%get3A_213] {strides = array<i32>} : memref<2816xf32, #tpu.memory_space<vmem>>, vector<16xf32>,
      %get3A_215 = arith.index_cast %add3A_209 : i32 to index
      %get3A_216 = tpu.vector_load %arg12[%get3A_215] {strides = array<i32>} : memref<2816xf32, #tpu.memory_space<vmem>>, vector<16xf32>,
      %sub3A_217 = arith.subf %get3A_214, %get3A_216 : vector<16xf32>
      %get3A_218 = arith.index_cast %add3A_205 : i32 to index
      %get3A_219 = tpu.vector_load %arg13[%get3A_218] {strides = array<i32>} : memref<2816xf32, #tpu.memory_space<vmem>>, vector<16xf32>,
      %get3A_220 = arith.index_cast %add3A_209 : i32 to index
      %get3A_221 = tpu.vector_load %arg13[%get3A_220] {strides = array<i32>} : memref<2816xf32, #tpu.memory_space<vmem>>, vector<16xf32>,
      %sub3A_222 = arith.subf %get3A_219, %get3A_221 : vector<16xf32>
      %mul3A_223 = arith.mulf %sub3A, %sub3A : vector<16xf32>
      %mul3A_224 = arith.mulf %sub3A_217, %sub3A_217 : vector<16xf32>
      %add3A_225 = arith.addf %mul3A_223, %mul3A_224 : vector<16xf32>
      %mul3A_226 = arith.mulf %sub3A_222, %sub3A_222 : vector<16xf32>
      %add3A_227 = arith.addf %add3A_225, %mul3A_226 : vector<16xf32>
      %max3A = arith.constant 1.000000e-35 : f32
      %max3A_228 = vector.broadcast %max3A : f32 to vector<16xf32>
      %max3A_229 = arith.maximumf %add3A_227, %max3A_228 : vector<16xf32>
      %broadcast_in_dim3A = arith.constant 1597463007 : i32
      %broadcast_in_dim3A_230 = vector.broadcast %broadcast_in_dim3A : i32 to vector<16xi32>
      %bitcast_convert_type3A = tpu.bitcast %max3A_229 : vector<16xf32> -> vector<16xi32>
      %shift_right_arithmetic3A = arith.constant 1 : i32
      %shift_right_arithmetic3A_231 = vector.broadcast %shift_right_arithmetic3A : i32 to vector<16xi32>
      %shift_right_arithmetic3A_232 = arith.shrsi %bitcast_convert_type3A, %shift_right_arithmetic3A_231 : vector<16xi32>
      %sub3A_233 = arith.subi %broadcast_in_dim3A_230, %shift_right_arithmetic3A_232 : vector<16xi32>
      %bitcast_convert_type3A_234 = tpu.bitcast %sub3A_233 : vector<16xi32> -> vector<16xf32>
      %mul3A_235 = arith.constant 5.000000e-01 : f32
      %mul3A_236 = vector.broadcast %mul3A_235 : f32 to vector<16xf32>
      %mul3A_237 = arith.mulf %mul3A_236, %max3A_229 : vector<16xf32>
      %mul3A_238 = arith.mulf %mul3A_237, %bitcast_convert_type3A_234 : vector<16xf32>
      %mul3A_239 = arith.mulf %mul3A_238, %bitcast_convert_type3A_234 : vector<16xf32>
      %sub3A_240 = arith.constant 1.500000e+00 : f32
      %sub3A_241 = vector.broadcast %sub3A_240 : f32 to vector<16xf32>
      %sub3A_242 = arith.subf %sub3A_241, %mul3A_239 : vector<16xf32>
      %mul3A_243 = arith.mulf %bitcast_convert_type3A_234, %sub3A_242 : vector<16xf32>
      %mul3A_244 = arith.constant 5.000000e-01 : f32
      %mul3A_245 = vector.broadcast %mul3A_244 : f32 to vector<16xf32>
      %mul3A_246 = arith.mulf %mul3A_245, %max3A_229 : vector<16xf32>
      %mul3A_247 = arith.mulf %mul3A_246, %mul3A_243 : vector<16xf32>
      %mul3A_248 = arith.mulf %mul3A_247, %mul3A_243 : vector<16xf32>
      %sub3A_249 = arith.constant 1.500000e+00 : f32
      %sub3A_250 = vector.broadcast %sub3A_249 : f32 to vector<16xf32>
      %sub3A_251 = arith.subf %sub3A_250, %mul3A_248 : vector<16xf32>
      %mul3A_252 = arith.mulf %mul3A_243, %sub3A_251 : vector<16xf32>
      %mul3A_253 = arith.mulf %add3A_227, %mul3A_252 : vector<16xf32>
      %add3A_254 = arith.constant 0 : i32
      %add3A_255 = arith.addi %mul3A_203, %add3A_254 : i32
      %swap3A = arith.index_cast %add3A_255 : i32 to index
      %swap3A_256 = tpu.vector_load %arg19[%swap3A] {strides = array<i32>} : memref<1408xf32, #tpu.memory_space<vmem>>, vector<16xf32>,
      tpu.vector_store %arg19[%swap3A], %mul3A_253 {strides = array<i32>} : memref<1408xf32, #tpu.memory_space<vmem>>, vector<16xf32>,
      %swap3A_257 = arith.constant 0 : i32
      %swap3A_258 = arith.index_cast %scan3A_199 : i32 to index
      %swap3A_259 = arith.index_cast %swap3A_257 : i32 to index
      %swap3A_260 = arith.constant 0 : index
      %swap3A_261 = tpu.vector_load %arg17[%swap3A_258, %swap3A_259, %swap3A_260] {strides = array<i32>} : memref<11x4x128xf32, #tpu.memory_space<vmem>>, vector<16xf32>,
      tpu.vector_store %arg17[%swap3A_258, %swap3A_259, %swap3A_260], %sub3A {strides = array<i32>} : memref<11x4x128xf32, #tpu.memory_space<vmem>>, vector<16xf32>,
      %swap3A_262 = arith.constant 1 : i32
      %swap3A_263 = arith.index_cast %scan3A_199 : i32 to index
      %swap3A_264 = arith.index_cast %swap3A_262 : i32 to index
      %swap3A_265 = arith.constant 0 : index
      %swap3A_266 = tpu.vector_load %arg17[%swap3A_263, %swap3A_264, %swap3A_265] {strides = array<i32>} : memref<11x4x128xf32, #tpu.memory_space<vmem>>, vector<16xf32>,
      tpu.vector_store %arg17[%swap3A_263, %swap3A_264, %swap3A_265], %sub3A_217 {strides = array<i32>} : memref<11x4x128xf32, #tpu.memory_space<vmem>>, vector<16xf32>,
      %swap3A_267 = arith.constant 2 : i32
      %swap3A_268 = arith.index_cast %scan3A_199 : i32 to index
      %swap3A_269 = arith.index_cast %swap3A_267 : i32 to index
      %swap3A_270 = arith.constant 0 : index
      %swap3A_271 = tpu.vector_load %arg17[%swap3A_268, %swap3A_269, %swap3A_270] {strides = array<i32>} : memref<11x4x128xf32, #tpu.memory_space<vmem>>, vector<16xf32>,
      tpu.vector_store %arg17[%swap3A_268, %swap3A_269, %swap3A_270], %sub3A_222 {strides = array<i32>} : memref<11x4x128xf32, #tpu.memory_space<vmem>>, vector<16xf32>,
      %add3A_272 = arith.constant 16 : i32
      %add3A_273 = arith.addi %mul3A_201, %add3A_272 : i32
      %add3A_274 = arith.constant 128 : i32
      %add3A_275 = arith.addi %mul3A_201, %add3A_274 : i32
      %add3A_276 = arith.constant 16 : i32
      %add3A_277 = arith.addi %add3A_275, %add3A_276 : i32
      %get3A_278 = arith.index_cast %add3A_273 : i32 to index
      %get3A_279 = tpu.vector_load %arg11[%get3A_278] {strides = array<i32>} : memref<2816xf32, #tpu.memory_space<vmem>>, vector<16xf32>,
      %get3A_280 = arith.index_cast %add3A_277 : i32 to index
      %get3A_281 = tpu.vector_load %arg11[%get3A_280] {strides = array<i32>} : memref<2816xf32, #tpu.memory_space<vmem>>, vector<16xf32>,
      %sub3A_282 = arith.subf %get3A_279, %get3A_281 : vector<16xf32>
      %get3A_283 = arith.index_cast %add3A_273 : i32 to index
      %get3A_284 = tpu.vector_load %arg12[%get3A_283] {strides = array<i32>} : memref<2816xf32, #tpu.memory_space<vmem>>, vector<16xf32>,
      %get3A_285 = arith.index_cast %add3A_277 : i32 to index
      %get3A_286 = tpu.vector_load %arg12[%get3A_285] {strides = array<i32>} : memref<2816xf32, #tpu.memory_space<vmem>>, vector<16xf32>,
      %sub3A_287 = arith.subf %get3A_284, %get3A_286 : vector<16xf32>
      %get3A_288 = arith.index_cast %add3A_273 : i32 to index
      %get3A_289 = tpu.vector_load %arg13[%get3A_288] {strides = array<i32>} : memref<2816xf32, #tpu.memory_space<vmem>>, vector<16xf32>,
      %get3A_290 = arith.index_cast %add3A_277 : i32 to index
      %get3A_291 = tpu.vector_load %arg13[%get3A_290] {strides = array<i32>} : memref<2816xf32, #tpu.memory_space<vmem>>, vector<16xf32>,
      %sub3A_292 = arith.subf %get3A_289, %get3A_291 : vector<16xf32>
      %mul3A_293 = arith.mulf %sub3A_282, %sub3A_282 : vector<16xf32>
      %mul3A_294 = arith.mulf %sub3A_287, %sub3A_287 : vector<16xf32>
      %add3A_295 = arith.addf %mul3A_293, %mul3A_294 : vector<16xf32>
      %mul3A_296 = arith.mulf %sub3A_292, %sub3A_292 : vector<16xf32>
      %add3A_297 = arith.addf %add3A_295, %mul3A_296 : vector<16xf32>
      %max3A_298 = arith.constant 1.000000e-35 : f32
      %max3A_299 = vector.broadcast %max3A_298 : f32 to vector<16xf32>
      %max3A_300 = arith.maximumf %add3A_297, %max3A_299 : vector<16xf32>
      %broadcast_in_dim3A_301 = arith.constant 1597463007 : i32
      %broadcast_in_dim3A_302 = vector.broadcast %broadcast_in_dim3A_301 : i32 to vector<16xi32>
      %bitcast_convert_type3A_303 = tpu.bitcast %max3A_300 : vector<16xf32> -> vector<16xi32>
      %shift_right_arithmetic3A_304 = arith.constant 1 : i32
      %shift_right_arithmetic3A_305 = vector.broadcast %shift_right_arithmetic3A_304 : i32 to vector<16xi32>
      %shift_right_arithmetic3A_306 = arith.shrsi %bitcast_convert_type3A_303, %shift_right_arithmetic3A_305 : vector<16xi32>
      %sub3A_307 = arith.subi %broadcast_in_dim3A_302, %shift_right_arithmetic3A_306 : vector<16xi32>
      %bitcast_convert_type3A_308 = tpu.bitcast %sub3A_307 : vector<16xi32> -> vector<16xf32>
      %mul3A_309 = arith.constant 5.000000e-01 : f32
      %mul3A_310 = vector.broadcast %mul3A_309 : f32 to vector<16xf32>
      %mul3A_311 = arith.mulf %mul3A_310, %max3A_300 : vector<16xf32>
      %mul3A_312 = arith.mulf %mul3A_311, %bitcast_convert_type3A_308 : vector<16xf32>
      %mul3A_313 = arith.mulf %mul3A_312, %bitcast_convert_type3A_308 : vector<16xf32>
      %sub3A_314 = arith.constant 1.500000e+00 : f32
      %sub3A_315 = vector.broadcast %sub3A_314 : f32 to vector<16xf32>
      %sub3A_316 = arith.subf %sub3A_315, %mul3A_313 : vector<16xf32>
      %mul3A_317 = arith.mulf %bitcast_convert_type3A_308, %sub3A_316 : vector<16xf32>
      %mul3A_318 = arith.constant 5.000000e-01 : f32
      %mul3A_319 = vector.broadcast %mul3A_318 : f32 to vector<16xf32>
      %mul3A_320 = arith.mulf %mul3A_319, %max3A_300 : vector<16xf32>
      %mul3A_321 = arith.mulf %mul3A_320, %mul3A_317 : vector<16xf32>
      %mul3A_322 = arith.mulf %mul3A_321, %mul3A_317 : vector<16xf32>
      %sub3A_323 = arith.constant 1.500000e+00 : f32
      %sub3A_324 = vector.broadcast %sub3A_323 : f32 to vector<16xf32>
      %sub3A_325 = arith.subf %sub3A_324, %mul3A_322 : vector<16xf32>
      %mul3A_326 = arith.mulf %mul3A_317, %sub3A_325 : vector<16xf32>
      %mul3A_327 = arith.mulf %add3A_297, %mul3A_326 : vector<16xf32>
      %add3A_328 = arith.constant 16 : i32
      %add3A_329 = arith.addi %mul3A_203, %add3A_328 : i32
      %swap3A_330 = arith.index_cast %add3A_329 : i32 to index
      %swap3A_331 = tpu.vector_load %arg19[%swap3A_330] {strides = array<i32>} : memref<1408xf32, #tpu.memory_space<vmem>>, vector<16xf32>,
      tpu.vector_store %arg19[%swap3A_330], %mul3A_327 {strides = array<i32>} : memref<1408xf32, #tpu.memory_space<vmem>>, vector<16xf32>,
      %swap3A_332 = arith.constant 0 : i32
      %swap3A_333 = arith.index_cast %scan3A_199 : i32 to index
      %swap3A_334 = arith.index_cast %swap3A_332 : i32 to index
      %swap3A_335 = arith.constant 16 : index
      %swap3A_336 = tpu.vector_load %arg17[%swap3A_333, %swap3A_334, %swap3A_335] {strides = array<i32>} : memref<11x4x128xf32, #tpu.memory_space<vmem>>, vector<16xf32>,
      tpu.vector_store %arg17[%swap3A_333, %swap3A_334, %swap3A_335], %sub3A_282 {strides = array<i32>} : memref<11x4x128xf32, #tpu.memory_space<vmem>>, vector<16xf32>,
      %swap3A_337 = arith.constant 1 : i32
      %swap3A_338 = arith.index_cast %scan3A_199 : i32 to index
      %swap3A_339 = arith.index_cast %swap3A_337 : i32 to index
      %swap3A_340 = arith.constant 16 : index
      %swap3A_341 = tpu.vector_load %arg17[%swap3A_338, %swap3A_339, %swap3A_340] {strides = array<i32>} : memref<11x4x128xf32, #tpu.memory_space<vmem>>, vector<16xf32>,
      tpu.vector_store %arg17[%swap3A_338, %swap3A_339, %swap3A_340], %sub3A_287 {strides = array<i32>} : memref<11x4x128xf32, #tpu.memory_space<vmem>>, vector<16xf32>,
      %swap3A_342 = arith.constant 2 : i32
      %swap3A_343 = arith.index_cast %scan3A_199 : i32 to index
      %swap3A_344 = arith.index_cast %swap3A_342 : i32 to index
      %swap3A_345 = arith.constant 16 : index
      %swap3A_346 = tpu.vector_load %arg17[%swap3A_343, %swap3A_344, %swap3A_345] {strides = array<i32>} : memref<11x4x128xf32, #tpu.memory_space<vmem>>, vector<16xf32>,
      tpu.vector_store %arg17[%swap3A_343, %swap3A_344, %swap3A_345], %sub3A_292 {strides = array<i32>} : memref<11x4x128xf32, #tpu.memory_space<vmem>>, vector<16xf32>,
      %add3A_347 = arith.constant 32 : i32
      %add3A_348 = arith.addi %mul3A_201, %add3A_347 : i32
      %add3A_349 = arith.constant 128 : i32
      %add3A_350 = arith.addi %mul3A_201, %add3A_349 : i32
      %add3A_351 = arith.constant 32 : i32
      %add3A_352 = arith.addi %add3A_350, %add3A_351 : i32
      %get3A_353 = arith.index_cast %add3A_348 : i32 to index
      %get3A_354 = tpu.vector_load %arg11[%get3A_353] {strides = array<i32>} : memref<2816xf32, #tpu.memory_space<vmem>>, vector<16xf32>,
      %get3A_355 = arith.index_cast %add3A_352 : i32 to index
      %get3A_356 = tpu.vector_load %arg11[%get3A_355] {strides = array<i32>} : memref<2816xf32, #tpu.memory_space<vmem>>, vector<16xf32>,
      %sub3A_357 = arith.subf %get3A_354, %get3A_356 : vector<16xf32>
      %get3A_358 = arith.index_cast %add3A_348 : i32 to index
      %get3A_359 = tpu.vector_load %arg12[%get3A_358] {strides = array<i32>} : memref<2816xf32, #tpu.memory_space<vmem>>, vector<16xf32>,
      %get3A_360 = arith.index_cast %add3A_352 : i32 to index
      %get3A_361 = tpu.vector_load %arg12[%get3A_360] {strides = array<i32>} : memref<2816xf32, #tpu.memory_space<vmem>>, vector<16xf32>,
      %sub3A_362 = arith.subf %get3A_359, %get3A_361 : vector<16xf32>
      %get3A_363 = arith.index_cast %add3A_348 : i32 to index
      %get3A_364 = tpu.vector_load %arg13[%get3A_363] {strides = array<i32>} : memref<2816xf32, #tpu.memory_space<vmem>>, vector<16xf32>,
      %get3A_365 = arith.index_cast %add3A_352 : i32 to index
      %get3A_366 = tpu.vector_load %arg13[%get3A_365] {strides = array<i32>} : memref<2816xf32, #tpu.memory_space<vmem>>, vector<16xf32>,
      %sub3A_367 = arith.subf %get3A_364, %get3A_366 : vector<16xf32>
      %mul3A_368 = arith.mulf %sub3A_357, %sub3A_357 : vector<16xf32>
      %mul3A_369 = arith.mulf %sub3A_362, %sub3A_362 : vector<16xf32>
      %add3A_370 = arith.addf %mul3A_368, %mul3A_369 : vector<16xf32>
      %mul3A_371 = arith.mulf %sub3A_367, %sub3A_367 : vector<16xf32>
      %add3A_372 = arith.addf %add3A_370, %mul3A_371 : vector<16xf32>
      %max3A_373 = arith.constant 1.000000e-35 : f32
      %max3A_374 = vector.broadcast %max3A_373 : f32 to vector<16xf32>
      %max3A_375 = arith.maximumf %add3A_372, %max3A_374 : vector<16xf32>
      %broadcast_in_dim3A_376 = arith.constant 1597463007 : i32
      %broadcast_in_dim3A_377 = vector.broadcast %broadcast_in_dim3A_376 : i32 to vector<16xi32>
      %bitcast_convert_type3A_378 = tpu.bitcast %max3A_375 : vector<16xf32> -> vector<16xi32>
      %shift_right_arithmetic3A_379 = arith.constant 1 : i32
      %shift_right_arithmetic3A_380 = vector.broadcast %shift_right_arithmetic3A_379 : i32 to vector<16xi32>
      %shift_right_arithmetic3A_381 = arith.shrsi %bitcast_convert_type3A_378, %shift_right_arithmetic3A_380 : vector<16xi32>
      %sub3A_382 = arith.subi %broadcast_in_dim3A_377, %shift_right_arithmetic3A_381 : vector<16xi32>
      %bitcast_convert_type3A_383 = tpu.bitcast %sub3A_382 : vector<16xi32> -> vector<16xf32>
      %mul3A_384 = arith.constant 5.000000e-01 : f32
      %mul3A_385 = vector.broadcast %mul3A_384 : f32 to vector<16xf32>
      %mul3A_386 = arith.mulf %mul3A_385, %max3A_375 : vector<16xf32>
      %mul3A_387 = arith.mulf %mul3A_386, %bitcast_convert_type3A_383 : vector<16xf32>
      %mul3A_388 = arith.mulf %mul3A_387, %bitcast_convert_type3A_383 : vector<16xf32>
      %sub3A_389 = arith.constant 1.500000e+00 : f32
      %sub3A_390 = vector.broadcast %sub3A_389 : f32 to vector<16xf32>
      %sub3A_391 = arith.subf %sub3A_390, %mul3A_388 : vector<16xf32>
      %mul3A_392 = arith.mulf %bitcast_convert_type3A_383, %sub3A_391 : vector<16xf32>
      %mul3A_393 = arith.constant 5.000000e-01 : f32
      %mul3A_394 = vector.broadcast %mul3A_393 : f32 to vector<16xf32>
      %mul3A_395 = arith.mulf %mul3A_394, %max3A_375 : vector<16xf32>
      %mul3A_396 = arith.mulf %mul3A_395, %mul3A_392 : vector<16xf32>
      %mul3A_397 = arith.mulf %mul3A_396, %mul3A_392 : vector<16xf32>
      %sub3A_398 = arith.constant 1.500000e+00 : f32
      %sub3A_399 = vector.broadcast %sub3A_398 : f32 to vector<16xf32>
      %sub3A_400 = arith.subf %sub3A_399, %mul3A_397 : vector<16xf32>
      %mul3A_401 = arith.mulf %mul3A_392, %sub3A_400 : vector<16xf32>
      %mul3A_402 = arith.mulf %add3A_372, %mul3A_401 : vector<16xf32>
      %add3A_403 = arith.constant 32 : i32
      %add3A_404 = arith.addi %mul3A_203, %add3A_403 : i32
      %swap3A_405 = arith.index_cast %add3A_404 : i32 to index
      %swap3A_406 = tpu.vector_load %arg19[%swap3A_405] {strides = array<i32>} : memref<1408xf32, #tpu.memory_space<vmem>>, vector<16xf32>,
      tpu.vector_store %arg19[%swap3A_405], %mul3A_402 {strides = array<i32>} : memref<1408xf32, #tpu.memory_space<vmem>>, vector<16xf32>,
      %swap3A_407 = arith.constant 0 : i32
      %swap3A_408 = arith.index_cast %scan3A_199 : i32 to index
      %swap3A_409 = arith.index_cast %swap3A_407 : i32 to index
      %swap3A_410 = arith.constant 32 : index
      %swap3A_411 = tpu.vector_load %arg17[%swap3A_408, %swap3A_409, %swap3A_410] {strides = array<i32>} : memref<11x4x128xf32, #tpu.memory_space<vmem>>, vector<16xf32>,
      tpu.vector_store %arg17[%swap3A_408, %swap3A_409, %swap3A_410], %sub3A_357 {strides = array<i32>} : memref<11x4x128xf32, #tpu.memory_space<vmem>>, vector<16xf32>,
      %swap3A_412 = arith.constant 1 : i32
      %swap3A_413 = arith.index_cast %scan3A_199 : i32 to index
      %swap3A_414 = arith.index_cast %swap3A_412 : i32 to index
      %swap3A_415 = arith.constant 32 : index
      %swap3A_416 = tpu.vector_load %arg17[%swap3A_413, %swap3A_414, %swap3A_415] {strides = array<i32>} : memref<11x4x128xf32, #tpu.memory_space<vmem>>, vector<16xf32>,
      tpu.vector_store %arg17[%swap3A_413, %swap3A_414, %swap3A_415], %sub3A_362 {strides = array<i32>} : memref<11x4x128xf32, #tpu.memory_space<vmem>>, vector<16xf32>,
      %swap3A_417 = arith.constant 2 : i32
      %swap3A_418 = arith.index_cast %scan3A_199 : i32 to index
      %swap3A_419 = arith.index_cast %swap3A_417 : i32 to index
      %swap3A_420 = arith.constant 32 : index
      %swap3A_421 = tpu.vector_load %arg17[%swap3A_418, %swap3A_419, %swap3A_420] {strides = array<i32>} : memref<11x4x128xf32, #tpu.memory_space<vmem>>, vector<16xf32>,
      tpu.vector_store %arg17[%swap3A_418, %swap3A_419, %swap3A_420], %sub3A_367 {strides = array<i32>} : memref<11x4x128xf32, #tpu.memory_space<vmem>>, vector<16xf32>,
      %add3A_422 = arith.constant 48 : i32
      %add3A_423 = arith.addi %mul3A_201, %add3A_422 : i32
      %add3A_424 = arith.constant 128 : i32
      %add3A_425 = arith.addi %mul3A_201, %add3A_424 : i32
      %add3A_426 = arith.constant 48 : i32
      %add3A_427 = arith.addi %add3A_425, %add3A_426 : i32
      %get3A_428 = arith.index_cast %add3A_423 : i32 to index
      %get3A_429 = tpu.vector_load %arg11[%get3A_428] {strides = array<i32>} : memref<2816xf32, #tpu.memory_space<vmem>>, vector<16xf32>,
      %get3A_430 = arith.index_cast %add3A_427 : i32 to index
      %get3A_431 = tpu.vector_load %arg11[%get3A_430] {strides = array<i32>} : memref<2816xf32, #tpu.memory_space<vmem>>, vector<16xf32>,
      %sub3A_432 = arith.subf %get3A_429, %get3A_431 : vector<16xf32>
      %get3A_433 = arith.index_cast %add3A_423 : i32 to index
      %get3A_434 = tpu.vector_load %arg12[%get3A_433] {strides = array<i32>} : memref<2816xf32, #tpu.memory_space<vmem>>, vector<16xf32>,
      %get3A_435 = arith.index_cast %add3A_427 : i32 to index
      %get3A_436 = tpu.vector_load %arg12[%get3A_435] {strides = array<i32>} : memref<2816xf32, #tpu.memory_space<vmem>>, vector<16xf32>,
      %sub3A_437 = arith.subf %get3A_434, %get3A_436 : vector<16xf32>
      %get3A_438 = arith.index_cast %add3A_423 : i32 to index
      %get3A_439 = tpu.vector_load %arg13[%get3A_438] {strides = array<i32>} : memref<2816xf32, #tpu.memory_space<vmem>>, vector<16xf32>,
      %get3A_440 = arith.index_cast %add3A_427 : i32 to index
      %get3A_441 = tpu.vector_load %arg13[%get3A_440] {strides = array<i32>} : memref<2816xf32, #tpu.memory_space<vmem>>, vector<16xf32>,
      %sub3A_442 = arith.subf %get3A_439, %get3A_441 : vector<16xf32>
      %mul3A_443 = arith.mulf %sub3A_432, %sub3A_432 : vector<16xf32>
      %mul3A_444 = arith.mulf %sub3A_437, %sub3A_437 : vector<16xf32>
      %add3A_445 = arith.addf %mul3A_443, %mul3A_444 : vector<16xf32>
      %mul3A_446 = arith.mulf %sub3A_442, %sub3A_442 : vector<16xf32>
      %add3A_447 = arith.addf %add3A_445, %mul3A_446 : vector<16xf32>
      %max3A_448 = arith.constant 1.000000e-35 : f32
      %max3A_449 = vector.broadcast %max3A_448 : f32 to vector<16xf32>
      %max3A_450 = arith.maximumf %add3A_447, %max3A_449 : vector<16xf32>
      %broadcast_in_dim3A_451 = arith.constant 1597463007 : i32
      %broadcast_in_dim3A_452 = vector.broadcast %broadcast_in_dim3A_451 : i32 to vector<16xi32>
      %bitcast_convert_type3A_453 = tpu.bitcast %max3A_450 : vector<16xf32> -> vector<16xi32>
      %shift_right_arithmetic3A_454 = arith.constant 1 : i32
      %shift_right_arithmetic3A_455 = vector.broadcast %shift_right_arithmetic3A_454 : i32 to vector<16xi32>
      %shift_right_arithmetic3A_456 = arith.shrsi %bitcast_convert_type3A_453, %shift_right_arithmetic3A_455 : vector<16xi32>
      %sub3A_457 = arith.subi %broadcast_in_dim3A_452, %shift_right_arithmetic3A_456 : vector<16xi32>
      %bitcast_convert_type3A_458 = tpu.bitcast %sub3A_457 : vector<16xi32> -> vector<16xf32>
      %mul3A_459 = arith.constant 5.000000e-01 : f32
      %mul3A_460 = vector.broadcast %mul3A_459 : f32 to vector<16xf32>
      %mul3A_461 = arith.mulf %mul3A_460, %max3A_450 : vector<16xf32>
      %mul3A_462 = arith.mulf %mul3A_461, %bitcast_convert_type3A_458 : vector<16xf32>
      %mul3A_463 = arith.mulf %mul3A_462, %bitcast_convert_type3A_458 : vector<16xf32>
      %sub3A_464 = arith.constant 1.500000e+00 : f32
      %sub3A_465 = vector.broadcast %sub3A_464 : f32 to vector<16xf32>
      %sub3A_466 = arith.subf %sub3A_465, %mul3A_463 : vector<16xf32>
      %mul3A_467 = arith.mulf %bitcast_convert_type3A_458, %sub3A_466 : vector<16xf32>
      %mul3A_468 = arith.constant 5.000000e-01 : f32
      %mul3A_469 = vector.broadcast %mul3A_468 : f32 to vector<16xf32>
      %mul3A_470 = arith.mulf %mul3A_469, %max3A_450 : vector<16xf32>
      %mul3A_471 = arith.mulf %mul3A_470, %mul3A_467 : vector<16xf32>
      %mul3A_472 = arith.mulf %mul3A_471, %mul3A_467 : vector<16xf32>
      %sub3A_473 = arith.constant 1.500000e+00 : f32
      %sub3A_474 = vector.broadcast %sub3A_473 : f32 to vector<16xf32>
      %sub3A_475 = arith.subf %sub3A_474, %mul3A_472 : vector<16xf32>
      %mul3A_476 = arith.mulf %mul3A_467, %sub3A_475 : vector<16xf32>
      %mul3A_477 = arith.mulf %add3A_447, %mul3A_476 : vector<16xf32>
      %add3A_478 = arith.constant 48 : i32
      %add3A_479 = arith.addi %mul3A_203, %add3A_478 : i32
      %swap3A_480 = arith.index_cast %add3A_479 : i32 to index
      %swap3A_481 = tpu.vector_load %arg19[%swap3A_480] {strides = array<i32>} : memref<1408xf32, #tpu.memory_space<vmem>>, vector<16xf32>,
      tpu.vector_store %arg19[%swap3A_480], %mul3A_477 {strides = array<i32>} : memref<1408xf32, #tpu.memory_space<vmem>>, vector<16xf32>,
      %swap3A_482 = arith.constant 0 : i32
      %swap3A_483 = arith.index_cast %scan3A_199 : i32 to index
      %swap3A_484 = arith.index_cast %swap3A_482 : i32 to index
      %swap3A_485 = arith.constant 48 : index
      %swap3A_486 = tpu.vector_load %arg17[%swap3A_483, %swap3A_484, %swap3A_485] {strides = array<i32>} : memref<11x4x128xf32, #tpu.memory_space<vmem>>, vector<16xf32>,
      tpu.vector_store %arg17[%swap3A_483, %swap3A_484, %swap3A_485], %sub3A_432 {strides = array<i32>} : memref<11x4x128xf32, #tpu.memory_space<vmem>>, vector<16xf32>,
      %swap3A_487 = arith.constant 1 : i32
      %swap3A_488 = arith.index_cast %scan3A_199 : i32 to index
      %swap3A_489 = arith.index_cast %swap3A_487 : i32 to index
      %swap3A_490 = arith.constant 48 : index
      %swap3A_491 = tpu.vector_load %arg17[%swap3A_488, %swap3A_489, %swap3A_490] {strides = array<i32>} : memref<11x4x128xf32, #tpu.memory_space<vmem>>, vector<16xf32>,
      tpu.vector_store %arg17[%swap3A_488, %swap3A_489, %swap3A_490], %sub3A_437 {strides = array<i32>} : memref<11x4x128xf32, #tpu.memory_space<vmem>>, vector<16xf32>,
      %swap3A_492 = arith.constant 2 : i32
      %swap3A_493 = arith.index_cast %scan3A_199 : i32 to index
      %swap3A_494 = arith.index_cast %swap3A_492 : i32 to index
      %swap3A_495 = arith.constant 48 : index
      %swap3A_496 = tpu.vector_load %arg17[%swap3A_493, %swap3A_494, %swap3A_495] {strides = array<i32>} : memref<11x4x128xf32, #tpu.memory_space<vmem>>, vector<16xf32>,
      tpu.vector_store %arg17[%swap3A_493, %swap3A_494, %swap3A_495], %sub3A_442 {strides = array<i32>} : memref<11x4x128xf32, #tpu.memory_space<vmem>>, vector<16xf32>,
      %add3A_497 = arith.constant 64 : i32
      %add3A_498 = arith.addi %mul3A_201, %add3A_497 : i32
      %add3A_499 = arith.constant 128 : i32
      %add3A_500 = arith.addi %mul3A_201, %add3A_499 : i32
      %add3A_501 = arith.constant 64 : i32
      %add3A_502 = arith.addi %add3A_500, %add3A_501 : i32
      %get3A_503 = arith.index_cast %add3A_498 : i32 to index
      %get3A_504 = tpu.vector_load %arg11[%get3A_503] {strides = array<i32>} : memref<2816xf32, #tpu.memory_space<vmem>>, vector<16xf32>,
      %get3A_505 = arith.index_cast %add3A_502 : i32 to index
      %get3A_506 = tpu.vector_load %arg11[%get3A_505] {strides = array<i32>} : memref<2816xf32, #tpu.memory_space<vmem>>, vector<16xf32>,
      %sub3A_507 = arith.subf %get3A_504, %get3A_506 : vector<16xf32>
      %get3A_508 = arith.index_cast %add3A_498 : i32 to index
      %get3A_509 = tpu.vector_load %arg12[%get3A_508] {strides = array<i32>} : memref<2816xf32, #tpu.memory_space<vmem>>, vector<16xf32>,
      %get3A_510 = arith.index_cast %add3A_502 : i32 to index
      %get3A_511 = tpu.vector_load %arg12[%get3A_510] {strides = array<i32>} : memref<2816xf32, #tpu.memory_space<vmem>>, vector<16xf32>,
      %sub3A_512 = arith.subf %get3A_509, %get3A_511 : vector<16xf32>
      %get3A_513 = arith.index_cast %add3A_498 : i32 to index
      %get3A_514 = tpu.vector_load %arg13[%get3A_513] {strides = array<i32>} : memref<2816xf32, #tpu.memory_space<vmem>>, vector<16xf32>,
      %get3A_515 = arith.index_cast %add3A_502 : i32 to index
      %get3A_516 = tpu.vector_load %arg13[%get3A_515] {strides = array<i32>} : memref<2816xf32, #tpu.memory_space<vmem>>, vector<16xf32>,
      %sub3A_517 = arith.subf %get3A_514, %get3A_516 : vector<16xf32>
      %mul3A_518 = arith.mulf %sub3A_507, %sub3A_507 : vector<16xf32>
      %mul3A_519 = arith.mulf %sub3A_512, %sub3A_512 : vector<16xf32>
      %add3A_520 = arith.addf %mul3A_518, %mul3A_519 : vector<16xf32>
      %mul3A_521 = arith.mulf %sub3A_517, %sub3A_517 : vector<16xf32>
      %add3A_522 = arith.addf %add3A_520, %mul3A_521 : vector<16xf32>
      %max3A_523 = arith.constant 1.000000e-35 : f32
      %max3A_524 = vector.broadcast %max3A_523 : f32 to vector<16xf32>
      %max3A_525 = arith.maximumf %add3A_522, %max3A_524 : vector<16xf32>
      %broadcast_in_dim3A_526 = arith.constant 1597463007 : i32
      %broadcast_in_dim3A_527 = vector.broadcast %broadcast_in_dim3A_526 : i32 to vector<16xi32>
      %bitcast_convert_type3A_528 = tpu.bitcast %max3A_525 : vector<16xf32> -> vector<16xi32>
      %shift_right_arithmetic3A_529 = arith.constant 1 : i32
      %shift_right_arithmetic3A_530 = vector.broadcast %shift_right_arithmetic3A_529 : i32 to vector<16xi32>
      %shift_right_arithmetic3A_531 = arith.shrsi %bitcast_convert_type3A_528, %shift_right_arithmetic3A_530 : vector<16xi32>
      %sub3A_532 = arith.subi %broadcast_in_dim3A_527, %shift_right_arithmetic3A_531 : vector<16xi32>
      %bitcast_convert_type3A_533 = tpu.bitcast %sub3A_532 : vector<16xi32> -> vector<16xf32>
      %mul3A_534 = arith.constant 5.000000e-01 : f32
      %mul3A_535 = vector.broadcast %mul3A_534 : f32 to vector<16xf32>
      %mul3A_536 = arith.mulf %mul3A_535, %max3A_525 : vector<16xf32>
      %mul3A_537 = arith.mulf %mul3A_536, %bitcast_convert_type3A_533 : vector<16xf32>
      %mul3A_538 = arith.mulf %mul3A_537, %bitcast_convert_type3A_533 : vector<16xf32>
      %sub3A_539 = arith.constant 1.500000e+00 : f32
      %sub3A_540 = vector.broadcast %sub3A_539 : f32 to vector<16xf32>
      %sub3A_541 = arith.subf %sub3A_540, %mul3A_538 : vector<16xf32>
      %mul3A_542 = arith.mulf %bitcast_convert_type3A_533, %sub3A_541 : vector<16xf32>
      %mul3A_543 = arith.constant 5.000000e-01 : f32
      %mul3A_544 = vector.broadcast %mul3A_543 : f32 to vector<16xf32>
      %mul3A_545 = arith.mulf %mul3A_544, %max3A_525 : vector<16xf32>
      %mul3A_546 = arith.mulf %mul3A_545, %mul3A_542 : vector<16xf32>
      %mul3A_547 = arith.mulf %mul3A_546, %mul3A_542 : vector<16xf32>
      %sub3A_548 = arith.constant 1.500000e+00 : f32
      %sub3A_549 = vector.broadcast %sub3A_548 : f32 to vector<16xf32>
      %sub3A_550 = arith.subf %sub3A_549, %mul3A_547 : vector<16xf32>
      %mul3A_551 = arith.mulf %mul3A_542, %sub3A_550 : vector<16xf32>
      %mul3A_552 = arith.mulf %add3A_522, %mul3A_551 : vector<16xf32>
      %add3A_553 = arith.constant 64 : i32
      %add3A_554 = arith.addi %mul3A_203, %add3A_553 : i32
      %swap3A_555 = arith.index_cast %add3A_554 : i32 to index
      %swap3A_556 = tpu.vector_load %arg19[%swap3A_555] {strides = array<i32>} : memref<1408xf32, #tpu.memory_space<vmem>>, vector<16xf32>,
      tpu.vector_store %arg19[%swap3A_555], %mul3A_552 {strides = array<i32>} : memref<1408xf32, #tpu.memory_space<vmem>>, vector<16xf32>,
      %swap3A_557 = arith.constant 0 : i32
      %swap3A_558 = arith.index_cast %scan3A_199 : i32 to index
      %swap3A_559 = arith.index_cast %swap3A_557 : i32 to index
      %swap3A_560 = arith.constant 64 : index
      %swap3A_561 = tpu.vector_load %arg17[%swap3A_558, %swap3A_559, %swap3A_560] {strides = array<i32>} : memref<11x4x128xf32, #tpu.memory_space<vmem>>, vector<16xf32>,
      tpu.vector_store %arg17[%swap3A_558, %swap3A_559, %swap3A_560], %sub3A_507 {strides = array<i32>} : memref<11x4x128xf32, #tpu.memory_space<vmem>>, vector<16xf32>,
      %swap3A_562 = arith.constant 1 : i32
      %swap3A_563 = arith.index_cast %scan3A_199 : i32 to index
      %swap3A_564 = arith.index_cast %swap3A_562 : i32 to index
      %swap3A_565 = arith.constant 64 : index
      %swap3A_566 = tpu.vector_load %arg17[%swap3A_563, %swap3A_564, %swap3A_565] {strides = array<i32>} : memref<11x4x128xf32, #tpu.memory_space<vmem>>, vector<16xf32>,
      tpu.vector_store %arg17[%swap3A_563, %swap3A_564, %swap3A_565], %sub3A_512 {strides = array<i32>} : memref<11x4x128xf32, #tpu.memory_space<vmem>>, vector<16xf32>,
      %swap3A_567 = arith.constant 2 : i32
      %swap3A_568 = arith.index_cast %scan3A_199 : i32 to index
      %swap3A_569 = arith.index_cast %swap3A_567 : i32 to index
      %swap3A_570 = arith.constant 64 : index
      %swap3A_571 = tpu.vector_load %arg17[%swap3A_568, %swap3A_569, %swap3A_570] {strides = array<i32>} : memref<11x4x128xf32, #tpu.memory_space<vmem>>, vector<16xf32>,
      tpu.vector_store %arg17[%swap3A_568, %swap3A_569, %swap3A_570], %sub3A_517 {strides = array<i32>} : memref<11x4x128xf32, #tpu.memory_space<vmem>>, vector<16xf32>,
      %add3A_572 = arith.constant 80 : i32
      %add3A_573 = arith.addi %mul3A_201, %add3A_572 : i32
      %add3A_574 = arith.constant 128 : i32
      %add3A_575 = arith.addi %mul3A_201, %add3A_574 : i32
      %add3A_576 = arith.constant 80 : i32
      %add3A_577 = arith.addi %add3A_575, %add3A_576 : i32
      %get3A_578 = arith.index_cast %add3A_573 : i32 to index
      %get3A_579 = tpu.vector_load %arg11[%get3A_578] {strides = array<i32>} : memref<2816xf32, #tpu.memory_space<vmem>>, vector<16xf32>,
      %get3A_580 = arith.index_cast %add3A_577 : i32 to index
      %get3A_581 = tpu.vector_load %arg11[%get3A_580] {strides = array<i32>} : memref<2816xf32, #tpu.memory_space<vmem>>, vector<16xf32>,
      %sub3A_582 = arith.subf %get3A_579, %get3A_581 : vector<16xf32>
      %get3A_583 = arith.index_cast %add3A_573 : i32 to index
      %get3A_584 = tpu.vector_load %arg12[%get3A_583] {strides = array<i32>} : memref<2816xf32, #tpu.memory_space<vmem>>, vector<16xf32>,
      %get3A_585 = arith.index_cast %add3A_577 : i32 to index
      %get3A_586 = tpu.vector_load %arg12[%get3A_585] {strides = array<i32>} : memref<2816xf32, #tpu.memory_space<vmem>>, vector<16xf32>,
      %sub3A_587 = arith.subf %get3A_584, %get3A_586 : vector<16xf32>
      %get3A_588 = arith.index_cast %add3A_573 : i32 to index
      %get3A_589 = tpu.vector_load %arg13[%get3A_588] {strides = array<i32>} : memref<2816xf32, #tpu.memory_space<vmem>>, vector<16xf32>,
      %get3A_590 = arith.index_cast %add3A_577 : i32 to index
      %get3A_591 = tpu.vector_load %arg13[%get3A_590] {strides = array<i32>} : memref<2816xf32, #tpu.memory_space<vmem>>, vector<16xf32>,
      %sub3A_592 = arith.subf %get3A_589, %get3A_591 : vector<16xf32>
      %mul3A_593 = arith.mulf %sub3A_582, %sub3A_582 : vector<16xf32>
      %mul3A_594 = arith.mulf %sub3A_587, %sub3A_587 : vector<16xf32>
      %add3A_595 = arith.addf %mul3A_593, %mul3A_594 : vector<16xf32>
      %mul3A_596 = arith.mulf %sub3A_592, %sub3A_592 : vector<16xf32>
      %add3A_597 = arith.addf %add3A_595, %mul3A_596 : vector<16xf32>
      %max3A_598 = arith.constant 1.000000e-35 : f32
      %max3A_599 = vector.broadcast %max3A_598 : f32 to vector<16xf32>
      %max3A_600 = arith.maximumf %add3A_597, %max3A_599 : vector<16xf32>
      %broadcast_in_dim3A_601 = arith.constant 1597463007 : i32
      %broadcast_in_dim3A_602 = vector.broadcast %broadcast_in_dim3A_601 : i32 to vector<16xi32>
      %bitcast_convert_type3A_603 = tpu.bitcast %max3A_600 : vector<16xf32> -> vector<16xi32>
      %shift_right_arithmetic3A_604 = arith.constant 1 : i32
      %shift_right_arithmetic3A_605 = vector.broadcast %shift_right_arithmetic3A_604 : i32 to vector<16xi32>
      %shift_right_arithmetic3A_606 = arith.shrsi %bitcast_convert_type3A_603, %shift_right_arithmetic3A_605 : vector<16xi32>
      %sub3A_607 = arith.subi %broadcast_in_dim3A_602, %shift_right_arithmetic3A_606 : vector<16xi32>
      %bitcast_convert_type3A_608 = tpu.bitcast %sub3A_607 : vector<16xi32> -> vector<16xf32>
      %mul3A_609 = arith.constant 5.000000e-01 : f32
      %mul3A_610 = vector.broadcast %mul3A_609 : f32 to vector<16xf32>
      %mul3A_611 = arith.mulf %mul3A_610, %max3A_600 : vector<16xf32>
      %mul3A_612 = arith.mulf %mul3A_611, %bitcast_convert_type3A_608 : vector<16xf32>
      %mul3A_613 = arith.mulf %mul3A_612, %bitcast_convert_type3A_608 : vector<16xf32>
      %sub3A_614 = arith.constant 1.500000e+00 : f32
      %sub3A_615 = vector.broadcast %sub3A_614 : f32 to vector<16xf32>
      %sub3A_616 = arith.subf %sub3A_615, %mul3A_613 : vector<16xf32>
      %mul3A_617 = arith.mulf %bitcast_convert_type3A_608, %sub3A_616 : vector<16xf32>
      %mul3A_618 = arith.constant 5.000000e-01 : f32
      %mul3A_619 = vector.broadcast %mul3A_618 : f32 to vector<16xf32>
      %mul3A_620 = arith.mulf %mul3A_619, %max3A_600 : vector<16xf32>
      %mul3A_621 = arith.mulf %mul3A_620, %mul3A_617 : vector<16xf32>
      %mul3A_622 = arith.mulf %mul3A_621, %mul3A_617 : vector<16xf32>
      %sub3A_623 = arith.constant 1.500000e+00 : f32
      %sub3A_624 = vector.broadcast %sub3A_623 : f32 to vector<16xf32>
      %sub3A_625 = arith.subf %sub3A_624, %mul3A_622 : vector<16xf32>
      %mul3A_626 = arith.mulf %mul3A_617, %sub3A_625 : vector<16xf32>
      %mul3A_627 = arith.mulf %add3A_597, %mul3A_626 : vector<16xf32>
      %add3A_628 = arith.constant 80 : i32
      %add3A_629 = arith.addi %mul3A_203, %add3A_628 : i32
      %swap3A_630 = arith.index_cast %add3A_629 : i32 to index
      %swap3A_631 = tpu.vector_load %arg19[%swap3A_630] {strides = array<i32>} : memref<1408xf32, #tpu.memory_space<vmem>>, vector<16xf32>,
      tpu.vector_store %arg19[%swap3A_630], %mul3A_627 {strides = array<i32>} : memref<1408xf32, #tpu.memory_space<vmem>>, vector<16xf32>,
      %swap3A_632 = arith.constant 0 : i32
      %swap3A_633 = arith.index_cast %scan3A_199 : i32 to index
      %swap3A_634 = arith.index_cast %swap3A_632 : i32 to index
      %swap3A_635 = arith.constant 80 : index
      %swap3A_636 = tpu.vector_load %arg17[%swap3A_633, %swap3A_634, %swap3A_635] {strides = array<i32>} : memref<11x4x128xf32, #tpu.memory_space<vmem>>, vector<16xf32>,
      tpu.vector_store %arg17[%swap3A_633, %swap3A_634, %swap3A_635], %sub3A_582 {strides = array<i32>} : memref<11x4x128xf32, #tpu.memory_space<vmem>>, vector<16xf32>,
      %swap3A_637 = arith.constant 1 : i32
      %swap3A_638 = arith.index_cast %scan3A_199 : i32 to index
      %swap3A_639 = arith.index_cast %swap3A_637 : i32 to index
      %swap3A_640 = arith.constant 80 : index
      %swap3A_641 = tpu.vector_load %arg17[%swap3A_638, %swap3A_639, %swap3A_640] {strides = array<i32>} : memref<11x4x128xf32, #tpu.memory_space<vmem>>, vector<16xf32>,
      tpu.vector_store %arg17[%swap3A_638, %swap3A_639, %swap3A_640], %sub3A_587 {strides = array<i32>} : memref<11x4x128xf32, #tpu.memory_space<vmem>>, vector<16xf32>,
      %swap3A_642 = arith.constant 2 : i32
      %swap3A_643 = arith.index_cast %scan3A_199 : i32 to index
      %swap3A_644 = arith.index_cast %swap3A_642 : i32 to index
      %swap3A_645 = arith.constant 80 : index
      %swap3A_646 = tpu.vector_load %arg17[%swap3A_643, %swap3A_644, %swap3A_645] {strides = array<i32>} : memref<11x4x128xf32, #tpu.memory_space<vmem>>, vector<16xf32>,
      tpu.vector_store %arg17[%swap3A_643, %swap3A_644, %swap3A_645], %sub3A_592 {strides = array<i32>} : memref<11x4x128xf32, #tpu.memory_space<vmem>>, vector<16xf32>,
      %add3A_647 = arith.constant 96 : i32
      %add3A_648 = arith.addi %mul3A_201, %add3A_647 : i32
      %add3A_649 = arith.constant 128 : i32
      %add3A_650 = arith.addi %mul3A_201, %add3A_649 : i32
      %add3A_651 = arith.constant 96 : i32
      %add3A_652 = arith.addi %add3A_650, %add3A_651 : i32
      %get3A_653 = arith.index_cast %add3A_648 : i32 to index
      %get3A_654 = tpu.vector_load %arg11[%get3A_653] {strides = array<i32>} : memref<2816xf32, #tpu.memory_space<vmem>>, vector<16xf32>,
      %get3A_655 = arith.index_cast %add3A_652 : i32 to index
      %get3A_656 = tpu.vector_load %arg11[%get3A_655] {strides = array<i32>} : memref<2816xf32, #tpu.memory_space<vmem>>, vector<16xf32>,
      %sub3A_657 = arith.subf %get3A_654, %get3A_656 : vector<16xf32>
      %get3A_658 = arith.index_cast %add3A_648 : i32 to index
      %get3A_659 = tpu.vector_load %arg12[%get3A_658] {strides = array<i32>} : memref<2816xf32, #tpu.memory_space<vmem>>, vector<16xf32>,
      %get3A_660 = arith.index_cast %add3A_652 : i32 to index
      %get3A_661 = tpu.vector_load %arg12[%get3A_660] {strides = array<i32>} : memref<2816xf32, #tpu.memory_space<vmem>>, vector<16xf32>,
      %sub3A_662 = arith.subf %get3A_659, %get3A_661 : vector<16xf32>
      %get3A_663 = arith.index_cast %add3A_648 : i32 to index
      %get3A_664 = tpu.vector_load %arg13[%get3A_663] {strides = array<i32>} : memref<2816xf32, #tpu.memory_space<vmem>>, vector<16xf32>,
      %get3A_665 = arith.index_cast %add3A_652 : i32 to index
      %get3A_666 = tpu.vector_load %arg13[%get3A_665] {strides = array<i32>} : memref<2816xf32, #tpu.memory_space<vmem>>, vector<16xf32>,
      %sub3A_667 = arith.subf %get3A_664, %get3A_666 : vector<16xf32>
      %mul3A_668 = arith.mulf %sub3A_657, %sub3A_657 : vector<16xf32>
      %mul3A_669 = arith.mulf %sub3A_662, %sub3A_662 : vector<16xf32>
      %add3A_670 = arith.addf %mul3A_668, %mul3A_669 : vector<16xf32>
      %mul3A_671 = arith.mulf %sub3A_667, %sub3A_667 : vector<16xf32>
      %add3A_672 = arith.addf %add3A_670, %mul3A_671 : vector<16xf32>
      %max3A_673 = arith.constant 1.000000e-35 : f32
      %max3A_674 = vector.broadcast %max3A_673 : f32 to vector<16xf32>
      %max3A_675 = arith.maximumf %add3A_672, %max3A_674 : vector<16xf32>
      %broadcast_in_dim3A_676 = arith.constant 1597463007 : i32
      %broadcast_in_dim3A_677 = vector.broadcast %broadcast_in_dim3A_676 : i32 to vector<16xi32>
      %bitcast_convert_type3A_678 = tpu.bitcast %max3A_675 : vector<16xf32> -> vector<16xi32>
      %shift_right_arithmetic3A_679 = arith.constant 1 : i32
      %shift_right_arithmetic3A_680 = vector.broadcast %shift_right_arithmetic3A_679 : i32 to vector<16xi32>
      %shift_right_arithmetic3A_681 = arith.shrsi %bitcast_convert_type3A_678, %shift_right_arithmetic3A_680 : vector<16xi32>
      %sub3A_682 = arith.subi %broadcast_in_dim3A_677, %shift_right_arithmetic3A_681 : vector<16xi32>
      %bitcast_convert_type3A_683 = tpu.bitcast %sub3A_682 : vector<16xi32> -> vector<16xf32>
      %mul3A_684 = arith.constant 5.000000e-01 : f32
      %mul3A_685 = vector.broadcast %mul3A_684 : f32 to vector<16xf32>
      %mul3A_686 = arith.mulf %mul3A_685, %max3A_675 : vector<16xf32>
      %mul3A_687 = arith.mulf %mul3A_686, %bitcast_convert_type3A_683 : vector<16xf32>
      %mul3A_688 = arith.mulf %mul3A_687, %bitcast_convert_type3A_683 : vector<16xf32>
      %sub3A_689 = arith.constant 1.500000e+00 : f32
      %sub3A_690 = vector.broadcast %sub3A_689 : f32 to vector<16xf32>
      %sub3A_691 = arith.subf %sub3A_690, %mul3A_688 : vector<16xf32>
      %mul3A_692 = arith.mulf %bitcast_convert_type3A_683, %sub3A_691 : vector<16xf32>
      %mul3A_693 = arith.constant 5.000000e-01 : f32
      %mul3A_694 = vector.broadcast %mul3A_693 : f32 to vector<16xf32>
      %mul3A_695 = arith.mulf %mul3A_694, %max3A_675 : vector<16xf32>
      %mul3A_696 = arith.mulf %mul3A_695, %mul3A_692 : vector<16xf32>
      %mul3A_697 = arith.mulf %mul3A_696, %mul3A_692 : vector<16xf32>
      %sub3A_698 = arith.constant 1.500000e+00 : f32
      %sub3A_699 = vector.broadcast %sub3A_698 : f32 to vector<16xf32>
      %sub3A_700 = arith.subf %sub3A_699, %mul3A_697 : vector<16xf32>
      %mul3A_701 = arith.mulf %mul3A_692, %sub3A_700 : vector<16xf32>
      %mul3A_702 = arith.mulf %add3A_672, %mul3A_701 : vector<16xf32>
      %add3A_703 = arith.constant 96 : i32
      %add3A_704 = arith.addi %mul3A_203, %add3A_703 : i32
      %swap3A_705 = arith.index_cast %add3A_704 : i32 to index
      %swap3A_706 = tpu.vector_load %arg19[%swap3A_705] {strides = array<i32>} : memref<1408xf32, #tpu.memory_space<vmem>>, vector<16xf32>,
      tpu.vector_store %arg19[%swap3A_705], %mul3A_702 {strides = array<i32>} : memref<1408xf32, #tpu.memory_space<vmem>>, vector<16xf32>,
      %swap3A_707 = arith.constant 0 : i32
      %swap3A_708 = arith.index_cast %scan3A_199 : i32 to index
      %swap3A_709 = arith.index_cast %swap3A_707 : i32 to index
      %swap3A_710 = arith.constant 96 : index
      %swap3A_711 = tpu.vector_load %arg17[%swap3A_708, %swap3A_709, %swap3A_710] {strides = array<i32>} : memref<11x4x128xf32, #tpu.memory_space<vmem>>, vector<16xf32>,
      tpu.vector_store %arg17[%swap3A_708, %swap3A_709, %swap3A_710], %sub3A_657 {strides = array<i32>} : memref<11x4x128xf32, #tpu.memory_space<vmem>>, vector<16xf32>,
      %swap3A_712 = arith.constant 1 : i32
      %swap3A_713 = arith.index_cast %scan3A_199 : i32 to index
      %swap3A_714 = arith.index_cast %swap3A_712 : i32 to index
      %swap3A_715 = arith.constant 96 : index
      %swap3A_716 = tpu.vector_load %arg17[%swap3A_713, %swap3A_714, %swap3A_715] {strides = array<i32>} : memref<11x4x128xf32, #tpu.memory_space<vmem>>, vector<16xf32>,
      tpu.vector_store %arg17[%swap3A_713, %swap3A_714, %swap3A_715], %sub3A_662 {strides = array<i32>} : memref<11x4x128xf32, #tpu.memory_space<vmem>>, vector<16xf32>,
      %swap3A_717 = arith.constant 2 : i32
      %swap3A_718 = arith.index_cast %scan3A_199 : i32 to index
      %swap3A_719 = arith.index_cast %swap3A_717 : i32 to index
      %swap3A_720 = arith.constant 96 : index
      %swap3A_721 = tpu.vector_load %arg17[%swap3A_718, %swap3A_719, %swap3A_720] {strides = array<i32>} : memref<11x4x128xf32, #tpu.memory_space<vmem>>, vector<16xf32>,
      tpu.vector_store %arg17[%swap3A_718, %swap3A_719, %swap3A_720], %sub3A_667 {strides = array<i32>} : memref<11x4x128xf32, #tpu.memory_space<vmem>>, vector<16xf32>,
      %add3A_722 = arith.constant 112 : i32
      %add3A_723 = arith.addi %mul3A_201, %add3A_722 : i32
      %add3A_724 = arith.constant 128 : i32
      %add3A_725 = arith.addi %mul3A_201, %add3A_724 : i32
      %add3A_726 = arith.constant 112 : i32
      %add3A_727 = arith.addi %add3A_725, %add3A_726 : i32
      %get3A_728 = arith.index_cast %add3A_723 : i32 to index
      %get3A_729 = tpu.vector_load %arg11[%get3A_728] {strides = array<i32>} : memref<2816xf32, #tpu.memory_space<vmem>>, vector<16xf32>,
      %get3A_730 = arith.index_cast %add3A_727 : i32 to index
      %get3A_731 = tpu.vector_load %arg11[%get3A_730] {strides = array<i32>} : memref<2816xf32, #tpu.memory_space<vmem>>, vector<16xf32>,
      %sub3A_732 = arith.subf %get3A_729, %get3A_731 : vector<16xf32>
      %get3A_733 = arith.index_cast %add3A_723 : i32 to index
      %get3A_734 = tpu.vector_load %arg12[%get3A_733] {strides = array<i32>} : memref<2816xf32, #tpu.memory_space<vmem>>, vector<16xf32>,
      %get3A_735 = arith.index_cast %add3A_727 : i32 to index
      %get3A_736 = tpu.vector_load %arg12[%get3A_735] {strides = array<i32>} : memref<2816xf32, #tpu.memory_space<vmem>>, vector<16xf32>,
      %sub3A_737 = arith.subf %get3A_734, %get3A_736 : vector<16xf32>
      %get3A_738 = arith.index_cast %add3A_723 : i32 to index
      %get3A_739 = tpu.vector_load %arg13[%get3A_738] {strides = array<i32>} : memref<2816xf32, #tpu.memory_space<vmem>>, vector<16xf32>,
      %get3A_740 = arith.index_cast %add3A_727 : i32 to index
      %get3A_741 = tpu.vector_load %arg13[%get3A_740] {strides = array<i32>} : memref<2816xf32, #tpu.memory_space<vmem>>, vector<16xf32>,
      %sub3A_742 = arith.subf %get3A_739, %get3A_741 : vector<16xf32>
      %mul3A_743 = arith.mulf %sub3A_732, %sub3A_732 : vector<16xf32>
      %mul3A_744 = arith.mulf %sub3A_737, %sub3A_737 : vector<16xf32>
      %add3A_745 = arith.addf %mul3A_743, %mul3A_744 : vector<16xf32>
      %mul3A_746 = arith.mulf %sub3A_742, %sub3A_742 : vector<16xf32>
      %add3A_747 = arith.addf %add3A_745, %mul3A_746 : vector<16xf32>
      %max3A_748 = arith.constant 1.000000e-35 : f32
      %max3A_749 = vector.broadcast %max3A_748 : f32 to vector<16xf32>
      %max3A_750 = arith.maximumf %add3A_747, %max3A_749 : vector<16xf32>
      %broadcast_in_dim3A_751 = arith.constant 1597463007 : i32
      %broadcast_in_dim3A_752 = vector.broadcast %broadcast_in_dim3A_751 : i32 to vector<16xi32>
      %bitcast_convert_type3A_753 = tpu.bitcast %max3A_750 : vector<16xf32> -> vector<16xi32>
      %shift_right_arithmetic3A_754 = arith.constant 1 : i32
      %shift_right_arithmetic3A_755 = vector.broadcast %shift_right_arithmetic3A_754 : i32 to vector<16xi32>
      %shift_right_arithmetic3A_756 = arith.shrsi %bitcast_convert_type3A_753, %shift_right_arithmetic3A_755 : vector<16xi32>
      %sub3A_757 = arith.subi %broadcast_in_dim3A_752, %shift_right_arithmetic3A_756 : vector<16xi32>
      %bitcast_convert_type3A_758 = tpu.bitcast %sub3A_757 : vector<16xi32> -> vector<16xf32>
      %mul3A_759 = arith.constant 5.000000e-01 : f32
      %mul3A_760 = vector.broadcast %mul3A_759 : f32 to vector<16xf32>
      %mul3A_761 = arith.mulf %mul3A_760, %max3A_750 : vector<16xf32>
      %mul3A_762 = arith.mulf %mul3A_761, %bitcast_convert_type3A_758 : vector<16xf32>
      %mul3A_763 = arith.mulf %mul3A_762, %bitcast_convert_type3A_758 : vector<16xf32>
      %sub3A_764 = arith.constant 1.500000e+00 : f32
      %sub3A_765 = vector.broadcast %sub3A_764 : f32 to vector<16xf32>
      %sub3A_766 = arith.subf %sub3A_765, %mul3A_763 : vector<16xf32>
      %mul3A_767 = arith.mulf %bitcast_convert_type3A_758, %sub3A_766 : vector<16xf32>
      %mul3A_768 = arith.constant 5.000000e-01 : f32
      %mul3A_769 = vector.broadcast %mul3A_768 : f32 to vector<16xf32>
      %mul3A_770 = arith.mulf %mul3A_769, %max3A_750 : vector<16xf32>
      %mul3A_771 = arith.mulf %mul3A_770, %mul3A_767 : vector<16xf32>
      %mul3A_772 = arith.mulf %mul3A_771, %mul3A_767 : vector<16xf32>
      %sub3A_773 = arith.constant 1.500000e+00 : f32
      %sub3A_774 = vector.broadcast %sub3A_773 : f32 to vector<16xf32>
      %sub3A_775 = arith.subf %sub3A_774, %mul3A_772 : vector<16xf32>
      %mul3A_776 = arith.mulf %mul3A_767, %sub3A_775 : vector<16xf32>
      %mul3A_777 = arith.mulf %add3A_747, %mul3A_776 : vector<16xf32>
      %add3A_778 = arith.constant 112 : i32
      %add3A_779 = arith.addi %mul3A_203, %add3A_778 : i32
      %swap3A_780 = arith.index_cast %add3A_779 : i32 to index
      %swap3A_781 = tpu.vector_load %arg19[%swap3A_780] {strides = array<i32>} : memref<1408xf32, #tpu.memory_space<vmem>>, vector<16xf32>,
      tpu.vector_store %arg19[%swap3A_780], %mul3A_777 {strides = array<i32>} : memref<1408xf32, #tpu.memory_space<vmem>>, vector<16xf32>,
      %swap3A_782 = arith.constant 0 : i32
      %swap3A_783 = arith.index_cast %scan3A_199 : i32 to index
      %swap3A_784 = arith.index_cast %swap3A_782 : i32 to index
      %swap3A_785 = arith.constant 112 : index
      %swap3A_786 = tpu.vector_load %arg17[%swap3A_783, %swap3A_784, %swap3A_785] {strides = array<i32>} : memref<11x4x128xf32, #tpu.memory_space<vmem>>, vector<16xf32>,
      tpu.vector_store %arg17[%swap3A_783, %swap3A_784, %swap3A_785], %sub3A_732 {strides = array<i32>} : memref<11x4x128xf32, #tpu.memory_space<vmem>>, vector<16xf32>,
      %swap3A_787 = arith.constant 1 : i32
      %swap3A_788 = arith.index_cast %scan3A_199 : i32 to index
      %swap3A_789 = arith.index_cast %swap3A_787 : i32 to index
      %swap3A_790 = arith.constant 112 : index
      %swap3A_791 = tpu.vector_load %arg17[%swap3A_788, %swap3A_789, %swap3A_790] {strides = array<i32>} : memref<11x4x128xf32, #tpu.memory_space<vmem>>, vector<16xf32>,
      tpu.vector_store %arg17[%swap3A_788, %swap3A_789, %swap3A_790], %sub3A_737 {strides = array<i32>} : memref<11x4x128xf32, #tpu.memory_space<vmem>>, vector<16xf32>,
      %swap3A_792 = arith.constant 2 : i32
      %swap3A_793 = arith.index_cast %scan3A_199 : i32 to index
      %swap3A_794 = arith.index_cast %swap3A_792 : i32 to index
      %swap3A_795 = arith.constant 112 : index
      %swap3A_796 = tpu.vector_load %arg17[%swap3A_793, %swap3A_794, %swap3A_795] {strides = array<i32>} : memref<11x4x128xf32, #tpu.memory_space<vmem>>, vector<16xf32>,
      tpu.vector_store %arg17[%swap3A_793, %swap3A_794, %swap3A_795], %sub3A_742 {strides = array<i32>} : memref<11x4x128xf32, #tpu.memory_space<vmem>>, vector<16xf32>,
      %scan3A_797 = arith.constant 0 : i32
      %scan3A_798 = arith.constant 1 : i32
      "tpu.region"() ({
        %run_scoped3A = tpu.sem_alloc : memref<!tpu.dma_semaphore, #tpu.memory_space<semaphore_mem>>
        %dma_start3A_801 = arith.constant 0 : i32
        %dma_start3A_802 = arith.constant 0 : i32
        %dma_start3A_803 = arith.constant 0 : i32
        %dma_start3A_804 = tpu.memref_slice %arg17[%dma_start3A_801, %dma_start3A_802, %dma_start3A_803] : memref<11x4x128xf32, #tpu.memory_space<vmem>> -> memref<1x4x128xf32, #tpu.memory_space<vmem>>
        %dma_start3A_805 = arith.constant 0 : i32
        %dma_start3A_806 = arith.constant 0 : i32
        %dma_start3A_807 = tpu.memref_slice %arg5[%add3A_195, %dma_start3A_805, %dma_start3A_806] : memref<50000x4x128xf32, #tpu.memory_space<hbm>> -> memref<1x4x128xf32, #tpu.memory_space<hbm>>
        %dma_start3A_808 = arith.constant 0 : i32
        %dma_start3A_809 = arith.constant 0 : i32
        %dma_start3A_810 = tpu.memref_slice %arg5[%add3A_195, %dma_start3A_808, %dma_start3A_809] : memref<50000x4x128xf32, #tpu.memory_space<hbm>> -> memref<1x4x128xf32, #tpu.memory_space<hbm>>
        %dma_start3A_811 = arith.constant 0 : i32
        %dma_start3A_812 = arith.constant 0 : i32
        %dma_start3A_813 = arith.constant 0 : i32
        %dma_start3A_814 = tpu.memref_slice %arg17[%dma_start3A_811, %dma_start3A_812, %dma_start3A_813] : memref<11x4x128xf32, #tpu.memory_space<vmem>> -> memref<1x4x128xf32, #tpu.memory_space<vmem>>
        tpu.enqueue_dma source(%dma_start3A_814 : memref<1x4x128xf32, #tpu.memory_space<vmem>>) target(%dma_start3A_810 : memref<1x4x128xf32, #tpu.memory_space<hbm>>) target_semaphore(%run_scoped3A : memref<!tpu.dma_semaphore, #tpu.memory_space<semaphore_mem>>)
        %dma_wait3A_815 = arith.constant 0 : i32
        %dma_wait3A_816 = arith.constant 0 : i32
        %dma_wait3A_817 = arith.constant 0 : i32
        %dma_wait3A_818 = tpu.memref_slice %arg17[%dma_wait3A_815, %dma_wait3A_816, %dma_wait3A_817] : memref<11x4x128xf32, #tpu.memory_space<vmem>> -> memref<1x4x128xf32, #tpu.memory_space<vmem>>
        %dma_wait3A_819 = arith.constant 0 : i32
        %dma_wait3A_820 = arith.constant 0 : i32
        %dma_wait3A_821 = tpu.memref_slice %arg5[%add3A_195, %dma_wait3A_819, %dma_wait3A_820] : memref<50000x4x128xf32, #tpu.memory_space<hbm>> -> memref<1x4x128xf32, #tpu.memory_space<hbm>>
        %dma_wait3A_822 = arith.constant 0 : i32
        %dma_wait3A_823 = arith.constant 0 : i32
        %dma_wait3A_824 = tpu.memref_slice %arg5[%add3A_195, %dma_wait3A_822, %dma_wait3A_823] : memref<50000x4x128xf32, #tpu.memory_space<hbm>> -> memref<1x4x128xf32, #tpu.memory_space<hbm>>
        %dma_wait3A_825 = arith.constant 0 : i32
        %dma_wait3A_826 = arith.constant 0 : i32
        %dma_wait3A_827 = arith.constant 0 : i32
        %dma_wait3A_828 = tpu.memref_slice %arg17[%dma_wait3A_825, %dma_wait3A_826, %dma_wait3A_827] : memref<11x4x128xf32, #tpu.memory_space<vmem>> -> memref<1x4x128xf32, #tpu.memory_space<vmem>>
        tpu.wait_dma2 semaphore(%run_scoped3A : memref<!tpu.dma_semaphore, #tpu.memory_space<semaphore_mem>>) src(%dma_wait3A_828 : memref<1x4x128xf32, #tpu.memory_space<vmem>>) dst(%dma_wait3A_824 : memref<1x4x128xf32, #tpu.memory_space<hbm>>)
        tpu.yield
      }) : () -> ()
      %mul3A_799 = arith.constant 128 : i32
      %mul3A_800 = arith.muli %add3A_195, %mul3A_799 : i32
      "tpu.region"() ({
        %run_scoped3A = tpu.sem_alloc : memref<!tpu.dma_semaphore, #tpu.memory_space<semaphore_mem>>
        %dma_start3A_801 = arith.constant 0 : i32
        %dma_start3A_802 = tpu.memref_slice %arg19[%dma_start3A_801] : memref<1408xf32, #tpu.memory_space<vmem>> -> memref<128xf32, #tpu.memory_space<vmem>>
        %dma_start3A_803 = tpu.memref_slice %arg4[%mul3A_800] : memref<6400000xf32, #tpu.memory_space<hbm>> -> memref<128xf32, #tpu.memory_space<hbm>>
        %dma_start3A_804 = tpu.memref_slice %arg4[%mul3A_800] : memref<6400000xf32, #tpu.memory_space<hbm>> -> memref<128xf32, #tpu.memory_space<hbm>>
        %dma_start3A_805 = arith.constant 0 : i32
        %dma_start3A_806 = tpu.memref_slice %arg19[%dma_start3A_805] : memref<1408xf32, #tpu.memory_space<vmem>> -> memref<128xf32, #tpu.memory_space<vmem>>
        tpu.enqueue_dma source(%dma_start3A_806 : memref<128xf32, #tpu.memory_space<vmem>>) target(%dma_start3A_804 : memref<128xf32, #tpu.memory_space<hbm>>) target_semaphore(%run_scoped3A : memref<!tpu.dma_semaphore, #tpu.memory_space<semaphore_mem>>)
        %dma_wait3A_807 = arith.constant 0 : i32
        %dma_wait3A_808 = tpu.memref_slice %arg19[%dma_wait3A_807] : memref<1408xf32, #tpu.memory_space<vmem>> -> memref<128xf32, #tpu.memory_space<vmem>>
        %dma_wait3A_809 = tpu.memref_slice %arg4[%mul3A_800] : memref<6400000xf32, #tpu.memory_space<hbm>> -> memref<128xf32, #tpu.memory_space<hbm>>
        %dma_wait3A_810 = tpu.memref_slice %arg4[%mul3A_800] : memref<6400000xf32, #tpu.memory_space<hbm>> -> memref<128xf32, #tpu.memory_space<hbm>>
        %dma_wait3A_811 = arith.constant 0 : i32
        %dma_wait3A_812 = tpu.memref_slice %arg19[%dma_wait3A_811] : memref<1408xf32, #tpu.memory_space<vmem>> -> memref<128xf32, #tpu.memory_space<vmem>>
        tpu.wait_dma2 semaphore(%run_scoped3A : memref<!tpu.dma_semaphore, #tpu.memory_space<semaphore_mem>>) src(%dma_wait3A_812 : memref<128xf32, #tpu.memory_space<vmem>>) dst(%dma_wait3A_810 : memref<128xf32, #tpu.memory_space<hbm>>)
        tpu.yield
      }) : () -> ()
    } else {
    }
    return
  }
}

</mosaic_0001>

<sc_bundles>
// kernel: _distance_sc.3.cloned.1.call-start
scs
__scs_entry_jumppad:
0x0: {  	(pc) =	sbr.rel $0x88, $3  }
0x1: {  	(tag) =	ssettag $0x0;
	lr =	simm.s32 $0x1  }
0x2: {  	[smem:$0x3F9F] =	sst lr;
	_ =	strace $0xD0000000  }
0x3: {  	_ = 	snop  }
0x4: {  	_ = 	snop  }
0x5: {  	_ = 	snop  }
0x6: {  	_ = 	snop  }
0x7: {  	_ = 	snop  }
__scs_overlays_trampoline_lowered:
0x8: {  	[smem:$0x3FAE] =	sst s0  }
0x9: {  	[smem:$0x3FAF] =	sst s1  }
0xa: {  	[smem:$0x3FB0] =	sst s2  }
0xb: {  	[smem:$0x3FB1] =	sst s3  }
0xc: {  	[smem:$0x3FB2] =	sst s4  }
0xd: {  	[smem:$0x3FB3] =	sst s5  }
0xe: {  	[smem:$0x3FB4] =	sst s6  }
0xf: {  	[smem:$0x3FB5] =	sst s7  }
0x10: {  	[smem:$0x3FB6] =	sst s8  }
0x11: {  	[smem:$0x3FB7] =	sst s9;
	s0 =	simm.s32 @!p0 $0x0  }
0x12: {  	s1 =	sld [smem:$0x3F9D];
	s0 =	simm.s32 @p0 $0x1  }
0x13: {  	[smem:$0x3FB8] =	sst s0;
	s0 =	simm.s32 @!p1 $0x0  }
0x14: {  	s2 =	sld [smem:$0x3F9C];
	s0 =	simm.s32 @p1 $0x1  }
0x15: {  	[smem:$0x3FB9] =	sst s0;
	s0 =	simm.s32 @!p2 $0x0  }
0x16: {  	s3 =	sld [smem:$0x3FDB];
	s0 =	simm.s32 @p2 $0x1  }
0x17: {  	s4 =	simm.s32 $0x1BF5;
	[smem:$0x3FBB] =	sst s0  }
0x18: {  	s0 =	sld [smem:$0x3F9E];
	_ =	swait.ge [sflag:s4], $0x0  }
0x19: {  	s7 =	sld [smem:$0x3F9F]  }
0x1a: {  	s8 =	sadd.s32 $0xFFFFE003, lr  }
0x1b: {  	s9 =	sadd.s32 $0xFFFFFEF7, lr;
	s5 =	simm.s32 $0xFFFFFFFF;
	p2 =	slt.u32 s8, $0xFFFFF086  }
0x1c: {  	p1 =	slt.u32 s9, $0xF7A;
	s5 =	simm.s32 @!p2 $0x0  }
0x1d: {  	s5 =	simm.s32 @p1 $0x1;
	p0 =	seq.s32 s7, s2  }
0x1e: {  	s7 =	smul.u32 @!p0 $0xF7A, s2;
	p2 =	seq.s32 @!p0 s5, $0x0  }
0x1f: {  	s9 =	smul.u32 $0xF7A, s1;
	s8 =	simm.s32 @!p0 $0x1BF5;
	p2 =	por !p2, p0  }
0x20: {  	[sflag:s8] =	ssyncset.s32 @!p0 $0xFFFFF086;
	s6 =	sadd.s32 @!p0 s3, s7;
	s7 =	simm.s32 @!p0 $0x108  }
0x21: {  	s3 =	sadd.s32 s3, s9;
	s6 =	sadd.s32 @!p0 $0x88, s6;
	s7 =	simm.s32 @p2 $0x1082  }
0x22: {  	[simem:s7], [sflag:s8] =	dma.local @!p0 [hbm:s6], $0xF7A  }
0x23: {  	s9 =	sor.u32 $0xD0000000, s2;
	s6 =	simm.s32 $0x108;
	_ =	swait.ge @!p0 [sflag:s8], $0x0  }
0x24: {  	s3 =	sadd.s32 $0x88, s3;
	s6 =	simm.s32 @!p1 $0x1082;
	[sflag:s4] =	ssyncset.s32 $0xFFFFF086  }
0x25: {  	[simem:s6], [sflag:s4] =	dma.local [hbm:s3], $0xF7A  }
0x26: {  	[smem:$0x3F9F] =	sst s1;
	(tag) =	ssettag s2;
	_ =	strace s9  }
0x27: {  	s1 =	sld [smem:$0x3FAF]  }
0x28: {  	s2 =	sld [smem:$0x3FB0]  }
0x29: {  	s4 =	sld [smem:$0x3FB2]  }
0x2a: {  	p0 =	seq.s32 s5, $0x0;
	s5 =	sld [smem:$0x3FB3]  }
0x2b: {  	s6 =	sld [smem:$0x3FB4]  }
0x2c: {  	s7 =	sld [smem:$0x3FB5]  }
0x2d: {  	s3 =	simm.s32 $0x108;
	s8 =	sld [smem:$0x3FB6]  }
0x2e: {  	s3 =	simm.s32 @!p0 $0x1082;
	s9 =	sld [smem:$0x3FB7]  }
0x2f: {  	lr =	sadd.s32 s0, s3;
	s0 =	sld [smem:$0x3FAE]  }
0x30: {  	s3 =	sld [smem:$0x3FB1]  }
0x31: {  	[smem:$0x3FBA] =	sst s10  }
0x32: {  	s10 =	sld [smem:$0x3FB8];
	_ =	sdelay $0x3  }
0x33: {  	p0 =	seq.s32 s10, $0x1;
	s10 =	sld [smem:$0x3FBA];
	_ =	sdelay $0x3  }
0x34: {  	[smem:$0x3FBA] =	sst s10  }
0x35: {  	s10 =	sld [smem:$0x3FB9];
	_ =	sdelay $0x3  }
0x36: {  	p1 =	seq.s32 s10, $0x1;
	s10 =	sld [smem:$0x3FBA];
	_ =	sdelay $0x3  }
0x37: {  	[smem:$0x3FBA] =	sst s10  }
0x38: {  	s10 =	sld [smem:$0x3FBB]  }
0x39: {  	_ = 	snop;
	(pc) =	sbr.ind lr, $3  }
0x3a: {  	_ = 	snop  }
0x3b: {  	_ = 	snop  }
0x3c: {  	p2 =	seq.s32 s10, $0x1;
	s10 =	sld [smem:$0x3FBA]  }
0x3d: {  	_ =	shalt  }
0x3e: {  	_ =	shalt  }
0x3f: {  	_ =	shalt  }
0x40: {  	_ =	shalt  }
0x41: {  	_ =	shalt  }
0x42: {  	_ =	shalt  }
0x43: {  	_ =	shalt  }
0x44: {  	_ =	shalt  }
0x45: {  	_ =	shalt  }
0x46: {  	_ =	shalt  }
0x47: {  	_ =	shalt  }
0x48: {  	_ =	shalt  }
0x49: {  	_ =	shalt  }
0x4a: {  	_ =	shalt  }
0x4b: {  	_ =	shalt  }
0x4c: {  	_ =	shalt  }
0x4d: {  	_ =	shalt  }
0x4e: {  	_ =	shalt  }
0x4f: {  	_ =	shalt  }
0x50: {  	_ =	shalt  }
0x51: {  	_ =	shalt  }
0x52: {  	_ =	shalt  }
0x53: {  	_ =	shalt  }
0x54: {  	_ =	shalt  }
0x55: {  	_ =	shalt  }
0x56: {  	_ =	shalt  }
0x57: {  	_ =	shalt  }
0x58: {  	_ =	shalt  }
0x59: {  	_ =	shalt  }
0x5a: {  	_ =	shalt  }
0x5b: {  	_ =	shalt  }
0x5c: {  	_ =	shalt  }
0x5d: {  	_ =	shalt  }
0x5e: {  	_ =	shalt  }
0x5f: {  	_ =	shalt  }
0x60: {  	_ =	shalt  }
0x61: {  	_ =	shalt  }
0x62: {  	_ =	shalt  }
0x63: {  	_ =	shalt  }
0x64: {  	_ =	shalt  }
0x65: {  	_ =	shalt  }
0x66: {  	_ =	shalt  }
0x67: {  	_ =	shalt  }
0x68: {  	_ =	shalt  }
0x69: {  	_ =	shalt  }
0x6a: {  	_ =	shalt  }
0x6b: {  	_ =	shalt  }
0x6c: {  	_ =	shalt  }
0x6d: {  	_ =	shalt  }
0x6e: {  	_ =	shalt  }
0x6f: {  	_ =	shalt  }
0x70: {  	_ =	shalt  }
0x71: {  	_ =	shalt  }
0x72: {  	_ =	shalt  }
0x73: {  	_ =	shalt  }
0x74: {  	_ =	shalt  }
0x75: {  	_ =	shalt  }
0x76: {  	_ =	shalt  }
0x77: {  	_ =	shalt  }
0x78: {  	_ =	shalt  }
0x79: {  	_ =	shalt  }
0x7a: {  	_ =	shalt  }
0x7b: {  	_ =	shalt  }
0x7c: {  	_ =	shalt  }
0x7d: {  	_ =	shalt  }
0x7e: {  	_ =	shalt  }
0x7f: {  	_ =	shalt  }
0x80: {  	_ =	shalt  }
0x81: {  	_ =	shalt  }
0x82: {  	_ =	shalt  }
0x83: {  	_ =	shalt  }
0x84: {  	_ =	shalt  }
0x85: {  	_ =	shalt  }
0x86: {  	_ =	shalt  }
0x87: {  	_ =	shalt  }
.Lfunc_end0:
.L_simem_size_0:
called_computation_lowered:
.L_overlay_start_0:
0x88: {  	s2 =	sld [smem:$0x3FD9]  }
0x89: {  	s3 =	sld [smem:$0x3FFE];
	_ =	sdelay $0x1  }
0x8a: {  	s1 =	srdreg.scid  }
0x8b: {  	s0 =	sand.u32 $0x1, s1  }
0x8c: {  	s15 =	sshll.u32 s0, $0xA;
	s2 =	sadd.s32 s3, s2  }
0x8d: {  	s2 =	sadd.s32 s2, s15  }
0x8e: {  	[smem:$0x3FC6] =	sst s2  }
0x8f: {  	_ = 	snop  }
0x90: {  	s2 =	sld [smem:$0x3FD0];
	_ =	sdelay $0x1  }
0x91: {  	s16 =	sld [smem:$0x3FC9]  }
0x92: {  	s5 =	simm.s32 $0xA;
	s6 =	simm.s32 $0x10;
	s4 =	sld [smem:$0x3FC8]  }
0x93: {  	[smem:s6], [sflag:s5] =	dma.local [hbm:s2], $0x1  }
0x94: {  	_ =	swait.eq [sflag:s5], $0x1  }
0x95: {  	[sflag:s5] =	ssyncset.done $0x0  }
0x96: {  	s17 =	sld [smem:$0x10];
	[sflag:s5] =	ssyncadd.s32 $0xFFFFFFFF  }
0x97: {  	s18 =	sld [smem:$0x11];
	(tm) =	ssettm $0x1  }
0x98: {  	s19 =	sld [smem:$0x3FFB];
	_ =	sdelay $0x3  }
0x99: {  	_ =	strace s19  }
0x9a: {  	s6 =	sld [smem:$0x3FFC];
	_ =	sdelay $0x3  }
0x9b: {  	_ =	strace s6  }
0x9c: {  	s6 =	sld [smem:$0x3FFD];
	_ =	sdelay $0x3  }
0x9d: {  	_ =	strace s6  }
0x9e: {  	_ =	strace $0x8FFFFFFF  }
0x9f: {  	s20 =	sld [smem:$0x3FDB];
	_ =	sdelay $0x1  }
0xa0: {  	s7 =	simm.s32 $_scs_section_size  }
0xa1: {  	s8 =	simm.s32 $_size__tile_overlayer_lowered;
	s9 =	simm.s32 $_tile_overlayer_lowered  }
0xa2: {  	s23 =	simm.s32 $0x1BFF;
	s22 =	sshll.u32 s9, $0x1;
	s6 =	sadd.s32 s7, s20  }
0xa3: {  	s10 =	simm.s32 $0x0;
	s21 =	sshll.u32 s8, $0x1;
	s8 =	sadd.s32 s22, s6  }
0xa4: {  	[timem:s10], [sflag:s23] =	dma.local [hbm:s8], s21  }
0xa5: {  	_ =	swait.ge [sflag:s23], s21  }
0xa6: {  	s7 =	ssub.s32 $0x0, s21;
	[sflag:s23] =	ssyncset.done $0x0  }
0xa7: {  	[sflag:s23] =	ssyncadd.s32 s7;
	_ =	sdelay $0x1  }
0xa8: {  	s24 =	simm.s32 $0x1B8B  }
0xa9: {  	_ =	swait.ge [sflag:s24], $0x1  }
0xaa: {  	[sflag:s24] =	ssyncset.done $0x0  }
0xab: {  	s25 =	simm.s32 $0x1B8E;
	[sflag:s24] =	ssyncadd.s32 $0xFFFFFFFF  }
0xac: {  	s26 =	simm.s32 $execute0_lowered;
	[smem:$0x3FD2] =	sst s25  }
0xad: {  	s7 =	sshll.u32 s26, $0x1;
	_ =	strace $0x80000046;
	[dreg:$0x1] =	wrdreg $0xFFFFFFFF  }
0xae: {  	s28 =	simm.s32 $_size_execute0_lowered;
	s6 =	sadd.s32 s6, s7;
	[dreg:$0x0] =	wrdreg $0x0  }
0xaf: {  	s7 =	sshll.u32 s28, $0x1;
	[dreg:$0x2] =	wrdreg s6  }
0xb0: {  	[dreg:$0x3] =	wrdreg s7  }
0xb1: {  	[dreg:$0x4] =	wrdreg $0xC0  }
0xb2: {  	_ =	task [dreg:s10], $0x5FFFF  }
0xb3: {  	[dreg:$0x1] =	wrdreg $0xFFFFFFFF  }
0xb4: {  	[dreg:$0x0] =	wrdreg $0x60  }
0xb5: {  	[dreg:$0x2] =	wrdreg s16  }
0xb6: {  	[dreg:$0x3] =	wrdreg s4  }
0xb7: {  	[dreg:$0x4] =	wrdreg s17  }
0xb8: {  	[dreg:$0x5] =	wrdreg s18  }
0xb9: {  	[dreg:$0x6] =	wrdreg $0x0  }
0xba: {  	[dreg:$0x7] =	wrdreg $0x18700  }
0xbb: {  	[dreg:$0x8] =	wrdreg $0x30E00  }
0xbc: {  	[dreg:$0x9] =	wrdreg $0x9  }
0xbd: {  	_ =	task.clear_ibuf [dreg:s10], $0xAFFFF;
	_ =	strace $0x90000046  }
0xbe: {  	s29 =	simm.s32 $0x9;
	_ =	strace $0x80000048  }
0xbf: {  	_ =	swait.ge [sflag:s29], $0x1  }
0xc0: {  	[sflag:s29] =	ssyncadd.s32 $0xFFFFFFFF  }
0xc1: {  	_ =	strace $0x90000048  }
0xc2: {  	_ =	sfence  }
0xc3: {  	s30 =	sld [smem:$0x0];
	_ =	sdelay $0x2  }
0xc4: {  	s31 =	sshll.u32 s1, $0xD;
	s1 =	sshrl.u32 s1, $0x2  }
0xc5: {  	s3 =	sand.u32 $0x4000, s31;
	s1 =	sadd.s32 s1, s30  }
0xc6: {  	s0 =	sor.u32 s3, s0;
	s1 =	sshll.u32 s1, $0x11  }
0xc7: {  	s0 =	sor.u32 s1, s0  }
0xc8: {  	s0 =	sadd.s32 $0x8F2B, s0  }
0xc9: {  	[sflag:s0] =	ssyncadd.remote.s32 $0x1  }
0xca: {  	_ =	sfence.sel $0xFFFF  }
0xcb: {  	[dreg:$0x0] =	wrdreg $0xFFFFFFFF;
	(pc) =	sbr.abs _section_cstart, $3  }
0xcc: {  	[dreg:$0x1] =	wrdreg $0xFFFFFFFF  }
0xcd: {  	_ =	task.clear_ibuf [dreg:s10], $0x2FFFF;
	_ =	strace $0x9FFFFFFF  }
0xce: {  	(tm) =	ssettm $0x7FFFFFFF  }
0xcf: {  	_ =	shalt  }
tec
execute0_lowered:
.L_overlay_start_1:
0x0: {  	(tag) =	ssettag $0x1  }
0x1: {  	s12 =	stileid.u32  }
0x2: {  	p0 =	sgt.s32 s12, $0x1  }
0x3: {  	p1 =	seq.s32 @p0 s12, $0x2  }
0x4: {  	p2 =	por !p1, !p0  }
0x5: {  	s0 =	simm.s32 @!p2 $0x0  }
0x6: {  	p1 =	por p1, !p0;
	s0 =	simm.s32 @p2 $0x1  }
0x7: {  	p2 =	seq.s32 @!p0 s12, $0x0;
	[smem:$0x7CA] =	sst s0;
	s0 =	simm.s32 @!p1 $0x0  }
0x8: {  	s0 =	simm.s32 @p1 $0x1;
	p1 =	por !p2, p0  }
0x9: {  	[smem:$0x7CB] =	sst s0;
	s0 =	simm.s32 @!p1 $0x0  }
0xa: {  	p0 =	por p2, p0;
	s0 =	simm.s32 @p1 $0x1  }
0xb: {  	p1 =	sgt.s32 s12, $0x5;
	[smem:$0x7CC] =	sst s0;
	s0 =	simm.s32 @!p0 $0x0  }
0xc: {  	s0 =	simm.s32 @p0 $0x1;
	p0 =	seq.s32 @p1 s12, $0x6  }
0xd: {  	p3 =	por !p0, !p1  }
0xe: {  	[smem:$0x7CD] =	sst s0;
	s0 =	simm.s32 @!p3 $0x0  }
0xf: {  	s13 =	rddreg [dreg:$0x0];
	p0 =	por p0, !p1;
	s0 =	simm.s32 @p3 $0x1  }
0x10: {  	p2 =	seq.s32 @!p1 s12, $0x4;
	[smem:$0x7CE] =	sst s0;
	s0 =	simm.s32 @!p0 $0x0  }
0x11: {  	s2 =	rddreg [dreg:$0x1];
	s0 =	simm.s32 @p0 $0x1;
	p0 =	por !p2, p1  }
0x12: {  	[smem:$0x7CF] =	sst s0;
	s0 =	simm.s32 @!p0 $0x0  }
0x13: {  	s3 =	rddreg [dreg:$0x2];
	s0 =	simm.s32 @p0 $0x1;
	p0 =	por p2, p1  }
0x14: {  	[smem:$0x7D0] =	sst s0;
	s0 =	simm.s32 @!p0 $0x0  }
0x15: {  	s4 =	rddreg [dreg:$0x3];
	s0 =	simm.s32 @p0 $0x1;
	p0 =	sgt.s32 s12, $0x9  }
0x16: {  	s5 =	rddreg [dreg:$0x4];
	p2 =	seq.s32 @p0 s12, $0xA  }
0x17: {  	p4 =	seq.s32 @!p0 s12, $0x8;
	p1 =	por !p2, !p0;
	p2 =	por p2, !p0  }
0x18: {  	p3 =	por !p4, p0;
	p4 =	por p4, p0;
	p0 =	sgt.s32 s12, $0xD  }
0x19: {  	[smem:$0x7D1] =	sst s0;
	s0 =	simm.s32 @!p1 $0x0;
	p5 =	seq.s32 @p0 s12, $0xE  }
0x1a: {  	s6 =	rddreg [dreg:$0x5];
	s0 =	simm.s32 @p1 $0x1;
	p1 =	por !p5, !p0  }
0x1b: {  	[smem:$0x7D2] =	sst s0;
	s0 =	simm.s32 @!p1 $0x0  }
0x1c: {  	s8 =	rddreg [dreg:$0x6];
	s0 =	simm.s32 @p1 $0x1;
	p1 =	por p5, !p0  }
0x1d: {  	s9 =	simm.s32 $0x0;
	[smem:$0x7D3] =	sst s0;
	s0 =	simm.s32 @!p1 $0x0  }
0x1e: {  	[smem:$0x7FF] =	sst s9;
	s0 =	simm.s32 @p1 $0x1  }
0x1f: {  	s20 =	sadd.s32 $0x3F7A, s13;
	[smem:$0x7D4] =	sst s0  }
0x20: {  	s11 =	sadd.s32 $0x7530, s6;
	_ =	strace $0x80000047;
	[dreg:$0x8] =	wrdreg s20  }
0x21: {  	s22 =	sadd.s32 $0x8D9A, s13;
	[dreg:$0x9] =	wrdreg s11  }
0x22: {  	s23 =	sadd.s32 $0x15F90, s8;
	[dreg:$0xa] =	wrdreg s22  }
0x23: {  	s24 =	sadd.s32 $0x3A98, s13;
	[dreg:$0xb] =	wrdreg s23  }
0x24: {  	s25 =	sadd.s32 $0x4E20, s6;
	[dreg:$0xc] =	wrdreg s24  }
0x25: {  	s26 =	sadd.s32 $0x35B6, s13;
	[dreg:$0xd] =	wrdreg s25  }
0x26: {  	s29 =	sadd.s32 $0x2710, s6;
	[dreg:$0xe] =	wrdreg s26  }
0x27: {  	s16 =	sadd.s32 $0x2BF2, s13;
	[dreg:$0xf] =	wrdreg s29  }
0x28: {  	s11 =	sadd.s32 $0x30D4, s13;
	[dreg:$0x11] =	wrdreg s16  }
0x29: {  	s22 =	sadd.s32 $0x2710, s13;
	[dreg:$0x10] =	wrdreg s11  }
0x2a: {  	s23 =	sadd.s32 $0x13880, s5;
	[dreg:$0x18] =	wrdreg s22  }
0x2b: {  	s24 =	sadd.s32 $0x222E, s13;
	[dreg:$0x19] =	wrdreg s23  }
0x2c: {  	s25 =	sadd.s32 $0x11170, s5;
	[dreg:$0x1a] =	wrdreg s24  }
0x2d: {  	s26 =	sadd.s32 $0x1D4C, s13;
	[dreg:$0x1b] =	wrdreg s25  }
0x2e: {  	s19 =	srdreg.scid;
	s29 =	sadd.s32 $0x186A, s13;
	[dreg:$0x1c] =	wrdreg s26  }
0x2f: {  	p6 =	seq.s32 @!p0 s12, $0xC;
	s16 =	sadd.s32 $0x4E20, s5;
	[dreg:$0x1e] =	wrdreg s29  }
0x30: {  	p5 =	por !p6, p0;
	[smem:$0x7DE] =	sst s16;
	s22 =	sadd.s32 $0x9C40, s6  }
0x31: {  	p6 =	por p6, p0;
	s23 =	sadd.s32 $0x4E20, s13;
	[smem:$0x7E4] =	sst s22  }
0x32: {  	s0 =	sand.u32 $0x1, s19;
	s24 =	sadd.s32 $0xEA60, s6;
	[smem:$0x7E5] =	sst s23  }
0x33: {  	s1 =	ssub.s32 $0x2, s0;
	s25 =	sadd.s32 $0x5302, s13;
	[smem:$0x7E6] =	sst s24  }
0x34: {  	s7 =	sshll.u32 s0, $0x4;
	s26 =	sadd.s32 $0x11170, s6;
	[smem:$0x7E7] =	sst s25  }
0x35: {  	p0 =	sne.s32 s0, $0x0;
	s29 =	sadd.s32 $0x13880, s6;
	[smem:$0x7E8] =	sst s26  }
0x36: {  	s0 =	simm.s32 @!p0 $0x0;
	s16 =	sadd.s32 $0x4E20, s8;
	[smem:$0x7EA] =	sst s29  }
0x37: {  	s0 =	simm.s32 @p0 $0x1;
	[smem:$0x7F1] =	sst s16  }
0x38: {  	s22 =	sadd.s32 $0xC350, s8;
	[smem:$0x7D5] =	sst s0  }
0x39: {  	s23 =	sadd.s32 $0x7EF4, s13;
	[smem:$0x7F7] =	sst s22  }
0x3a: {  	s24 =	sadd.s32 $0xEA60, s8;
	[smem:$0x7F8] =	sst s23  }
0x3b: {  	s10 =	sshrl.u32 s1, $0x1;
	s25 =	sadd.s32 $0x83D6, s13;
	[smem:$0x7F9] =	sst s24  }
0x3c: {  	s7 =	sor.u32 s12, s7;
	s26 =	sadd.s32 $0x11170, s8;
	[smem:$0x7FA] =	sst s25  }
0x3d: {  	s1 =	ssub.s32 s1, s10;
	s29 =	sadd.s32 $0x13880, s8;
	[smem:$0x7FB] =	sst s26  }
0x3e: {  	s21 =	smul.u32 $0x61A, s7;
	s20 =	smax.u32 s1, $0x1;
	[smem:$0x7FD] =	sst s29  }
0x3f: {  	s7 =	smin.u32 s7, $0x10;
	s1 =	sadd.s32 $0xC350, s5;
	[dreg:$0x16] =	wrdreg s20  }
0x40: {  	s15 =	sadd.s32 s7, s21;
	s21 =	sadd.s32 $0x15F90, s5;
	[dreg:$0x1f] =	wrdreg s1  }
0x41: {  	s20 =	sadd.s32 $0xC350, s6;
	[dreg:$0x17] =	wrdreg s21  }
0x42: {  	s1 =	sadd.s32 $0x5CC6, s13;
	s28 =	sadd.s32 $0x61A, s15;
	[smem:$0x7E2] =	sst s20  }
0x43: {  	s17 =	sshll.u32 s15, $0x5;
	s21 =	sadd.s32 $0x445C, s13;
	[smem:$0x7EB] =	sst s1  }
0x44: {  	s20 =	sadd.s32 $0x9C40, s8;
	s14 =	sshll.u32 s28, $0x5;
	[smem:$0x7E3] =	sst s21  }
0x45: {  	s18 =	sshll.u32 s28, $0x6;
	s11 =	sadd.s32 s2, s17;
	[smem:$0x7F5] =	sst s20  }
0x46: {  	s7 =	sshll.u32 s28, $0x4;
	s28 =	sadd.s32 $0xEA60, s5;
	[dreg:$0x12] =	wrdreg s11  }
0x47: {  	s17 =	sadd.s32 $0x4E2, s13;
	[dreg:$0x1d] =	wrdreg s28  }
0x48: {  	s30 =	simm.s32 $0x1;
	s21 =	sadd.s32 $0x7A12, s13;
	[smem:$0x7DF] =	sst s17  }
0x49: {  	s31 =	simm.s32 $0x5450;
	s11 =	sadd.s32 $0xEA6, s13;
	[smem:$0x7F6] =	sst s21  }
0x4a: {  	s10 =	sand.u32 $0x1FFFFFE0, s14;
	s14 =	sadd.s32 $0x9C4, s13;
	[smem:$0x7DB] =	sst s11  }
0x4b: {  	s0 =	sand.u32 $0x1FFFFFC0, s18;
	s18 =	sadd.s32 $0x2710, s5;
	[smem:$0x7DD] =	sst s14  }
0x4c: {  	p0 =	sgt.s32 s12, $0x7;
	s28 =	sadd.s32 $0x57E4, s13;
	[smem:$0x7E0] =	sst s18  }
0x4d: {  	s22 =	simm.s32 $0xD2D0;
	s17 =	sadd.s32 $0x704E, s13;
	[smem:$0x7E9] =	sst s28  }
0x4e: {  	s24 =	simm.s32 $0x4;
	s10 =	sadd.s32 s2, s10;
	[smem:$0x7F2] =	sst s17  }
0x4f: {  	s7 =	sand.u32 $0x1FFFFFF0, s7;
	s0 =	sadd.s32 s4, s0;
	[dreg:$0x13] =	wrdreg s10  }
0x50: {  	s26 =	simm.s32 $0x0;
	s19 =	sadd.s32 s3, s7;
	[dreg:$0x14] =	wrdreg s0  }
0x51: {  	s16 =	sadd.s32 $0xB, s15;
	s7 =	sadd.s32 $0x1388, s13;
	[dreg:$0x15] =	wrdreg s19  }
0x52: {  	s20 =	simm.s32 $0xB00;
	s11 =	sadd.s32 $0x668A, s13;
	[smem:$0x7D9] =	sst s7  }
0x53: {  	s14 =	sadd.s32 $0x6B6C, s13;
	s18 =	sadd.s32 $0x7530, s8;
	[smem:$0x7EE] =	sst s11  }
0x54: {  	s28 =	sadd.s32 $0x88B8, s13;
	s17 =	sadd.s32 $0x16, s15;
	[smem:$0x7F0] =	sst s14  }
0x55: {  	s0 =	simm.s32 @!p0 $0x0;
	s10 =	sadd.s32 $0x9C40, s5;
	[smem:$0x7F3] =	sst s18  }
0x56: {  	s19 =	sadd.s32 $0x493E, s13;
	s7 =	sadd.s32 $0x15F90, s6;
	[smem:$0x7FC] =	sst s28  }
0x57: {  	s18 =	simm.s32 $0x5;
	s11 =	simm.s32 $0xA150;
	[smem:$0x7DA] =	sst s10  }
0x58: {  	s14 =	simm.s32 $0xB750;
	s0 =	simm.s32 @p0 $0x1;
	[smem:$0x7E1] =	sst s19  }
0x59: {  	p0 =	sgt.s32 s12, $0x3;
	[smem:$0x7EC] =	sst s7;
	s10 =	sadd.s32 $0x61A8, s13  }
0x5a: {  	s19 =	sadd.s32 $0x7530, s13;
	s7 =	simm.s32 $0x8050;
	[smem:$0x7D6] =	sst s0  }
0x5b: {  	s13 =	simm.s32 $0x2;
	s0 =	simm.s32 @!p0 $0x0;
	[smem:$0x7ED] =	sst s10  }
.Ltmp0:
0x5c: {  	[smem:$0x7F4] =	sst s19;
	s0 =	simm.s32 @p0 $0x1;
	(pc) =	sbr.rel .LBB2_1-.Ltmp0, $4  }
0x5d: {  	p0 =	sgt.s32 s12, $0xB;
	s12 =	sadd.s32 $0x7530, s5;
	[smem:$0x7D7] =	sst s0  }
0x5e: {  	s0 =	simm.s32 @!p0 $0x0;
	[smem:$0x7DC] =	sst s12;
	s12 =	sadd.s32 $0x2710, s8  }
0x5f: {  	s10 =	simm.s32 $0x9650;
	s0 =	simm.s32 @p0 $0x1;
	[smem:$0x7EF] =	sst s12  }
0x60: {  	s12 =	simm.s32 $0xCD50;
	[smem:$0x7D8] =	sst s0;
	s0 =	simm.s32 $0x8B50  }
.LBB2_16:
0x61: {  	s26 =	sadd.s32 $0x1, s26;
	s1 =	rddreg [dreg:$0x16]  }
0x62: {  	p0 =	sne.s32 s26, s1  }
.Ltmp1:
0x63: {  	_ = 	snop;
	(pc) =	sbr.rel @!p0 .LBB2_17-.Ltmp1, $1  }
0x64: {  	_ =	sdelay $0x3  }
.LBB2_1:
0x65: {  	s1 =	sld [smem:$0x7D6];
	_ =	sdelay $0x2  }
0x66: {  	p0 =	seq.s32 s1, $0x1  }
.Ltmp2:
0x67: {  	_ = 	snop;
	(pc) =	sbr.rel @p0 .LBB2_5-.Ltmp2, $1  }
0x68: {  	_ =	sdelay $0x3  }
0x69: {  	s1 =	sld [smem:$0x7D7];
	_ =	sdelay $0x2  }
0x6a: {  	p0 =	seq.s32 s1, $0x1  }
.Ltmp3:
0x6b: {  	_ = 	snop;
	(pc) =	sbr.rel @p0 .LBB2_4-.Ltmp3, $1  }
0x6c: {  	_ =	sdelay $0x3  }
0x6d: {  	s1 =	sld [smem:$0x7CA];
	_ =	sdelay $0x1  }
0x6e: {  	s21 =	sld [smem:$0x7DD]  }
0x6f: {  	p0 =	seq.s32 s1, $0x1  }
0x70: {  	s1 =	simm.s32 @!p0 $0x0;
	s19 =	simm.s32 @!p0 $0xD850  }
0x71: {  	[tilespmem:s19], [sflag:$0x5] =	stream.linear.gather @!p0 [hbm4b:s21+s1], $0x2710, $0x38;
	[tilespmem:$0xFFD0] =	vst v63  }
0x72: {  	s21 =	simm.s32 @!p0 $0x5  }
0x73: {  	_ =	swait.ge @!p0 [sflag:s21], $0x2710  }
0x74: {  	s23 =	sld [smem:$0x7DE]  }
0x75: {  	[sflag:s21] =	ssyncset.done @!p0 $0x0  }
0x76: {  	[sflag:s21] =	ssyncadd.s32 @!p0 $0xFFFFD8F0  }
0x77: {  	[spmem:s23] =	stream.linear.scatter @!p0 [tilespmem:s19], [sflag:$0x5], $0x2710, $0x38;
	[tilespmem:$0xFFD0] =	vst v63  }
0x78: {  	_ =	swait.ge @!p0 [sflag:s21], $0x2710  }
0x79: {  	s23 =	sld [smem:$0x7E9]  }
0x7a: {  	[sflag:s21] =	ssyncset.done @!p0 $0x0  }
0x7b: {  	[sflag:s21] =	ssyncadd.s32 @!p0 $0xFFFFD8F0  }
0x7c: {  	[tilespmem:s19], [sflag:$0x5] =	stream.linear.gather @!p0 [hbm4b:s23+s1], $0x2710, $0x38;
	[tilespmem:$0xFFD0] =	vst v63  }
0x7d: {  	_ =	swait.ge @!p0 [sflag:s21], $0x2710  }
0x7e: {  	s1 =	sld [smem:$0x7EA]  }
0x7f: {  	[sflag:s21] =	ssyncset.done @!p0 $0x0;
	s25 =	sld [smem:$0x7CB]  }
0x80: {  	[sflag:s21] =	ssyncadd.s32 @!p0 $0xFFFFD8F0;
	s21 =	sld [smem:$0x7DB]  }
0x81: {  	[spmem:s1] =	stream.linear.scatter @!p0 [tilespmem:s19], [sflag:$0x5], $0x2710, $0x38;
	[tilespmem:$0xFFD0] =	vst v63  }
0x82: {  	p0 =	seq.s32 s25, $0x1  }
0x83: {  	s1 =	simm.s32 @!p0 $0x0;
	s19 =	simm.s32 @!p0 $0xD850  }
0x84: {  	[tilespmem:s19], [sflag:$0x5] =	stream.linear.gather @!p0 [hbm4b:s21+s1], $0x2710, $0x38;
	[tilespmem:$0xFFD0] =	vst v63  }
0x85: {  	s21 =	simm.s32 @!p0 $0x5  }
0x86: {  	_ =	swait.ge @!p0 [sflag:s21], $0x2710  }
0x87: {  	s23 =	sld [smem:$0x7DC]  }
0x88: {  	[sflag:s21] =	ssyncset.done @!p0 $0x0  }
0x89: {  	[sflag:s21] =	ssyncadd.s32 @!p0 $0xFFFFD8F0  }
0x8a: {  	[spmem:s23] =	stream.linear.scatter @!p0 [tilespmem:s19], [sflag:$0x5], $0x2710, $0x38;
	[tilespmem:$0xFFD0] =	vst v63  }
0x8b: {  	_ =	swait.ge @!p0 [sflag:s21], $0x2710  }
0x8c: {  	s23 =	sld [smem:$0x7EB]  }
0x8d: {  	[sflag:s21] =	ssyncset.done @!p0 $0x0  }
0x8e: {  	[sflag:s21] =	ssyncadd.s32 @!p0 $0xFFFFD8F0  }
0x8f: {  	[tilespmem:s19], [sflag:$0x5] =	stream.linear.gather @!p0 [hbm4b:s23+s1], $0x2710, $0x38;
	[tilespmem:$0xFFD0] =	vst v63  }
0x90: {  	_ =	swait.ge @!p0 [sflag:s21], $0x2710  }
0x91: {  	s1 =	sld [smem:$0x7EC]  }
0x92: {  	[sflag:s21] =	ssyncset.done @!p0 $0x0;
	s28 =	sld [smem:$0x7CC]  }
0x93: {  	[sflag:s21] =	ssyncadd.s32 @!p0 $0xFFFFD8F0  }
0x94: {  	[spmem:s1] =	stream.linear.scatter @!p0 [tilespmem:s19], [sflag:$0x5], $0x2710, $0x38;
	[tilespmem:$0xFFD0] =	vst v63  }
0x95: {  	p0 =	seq.s32 s28, $0x1  }
0x96: {  	s21 =	rddreg [dreg:$0x0];
	s1 =	simm.s32 @!p0 $0x0;
	s19 =	simm.s32 @!p0 $0xD850  }
0x97: {  	[tilespmem:s19], [sflag:$0x5] =	stream.linear.gather @!p0 [hbm4b:s21+s1], $0x2710, $0x38;
	[tilespmem:$0xFFD0] =	vst v63  }
0x98: {  	s21 =	simm.s32 @!p0 $0x5  }
0x99: {  	_ =	swait.ge @!p0 [sflag:s21], $0x2710  }
0x9a: {  	[sflag:s21] =	ssyncset.done @!p0 $0x0  }
0x9b: {  	[sflag:s21] =	ssyncadd.s32 @!p0 $0xFFFFD8F0  }
0x9c: {  	[spmem:s5] =	stream.linear.scatter @!p0 [tilespmem:s19], [sflag:$0x5], $0x2710, $0x38;
	[tilespmem:$0xFFD0] =	vst v63  }
0x9d: {  	_ =	swait.ge @!p0 [sflag:s21], $0x2710  }
0x9e: {  	s23 =	sld [smem:$0x7E5]  }
0x9f: {  	[sflag:s21] =	ssyncset.done @!p0 $0x0  }
0xa0: {  	[sflag:s21] =	ssyncadd.s32 @!p0 $0xFFFFD8F0  }
0xa1: {  	[tilespmem:s19], [sflag:$0x5] =	stream.linear.gather @!p0 [hbm4b:s23+s1], $0x2710, $0x38;
	[tilespmem:$0xFFD0] =	vst v63  }
0xa2: {  	_ =	swait.ge @!p0 [sflag:s21], $0x2710  }
0xa3: {  	s1 =	sld [smem:$0x7E6]  }
0xa4: {  	[sflag:s21] =	ssyncset.done @!p0 $0x0;
	s29 =	sld [smem:$0x7CD]  }
0xa5: {  	[sflag:s21] =	ssyncadd.s32 @!p0 $0xFFFFD8F0;
	s21 =	sld [smem:$0x7DF]  }
0xa6: {  	[spmem:s1] =	stream.linear.scatter @!p0 [tilespmem:s19], [sflag:$0x5], $0x2710, $0x38;
	[tilespmem:$0xFFD0] =	vst v63  }
0xa7: {  	p0 =	seq.s32 s29, $0x1  }
0xa8: {  	s1 =	simm.s32 @!p0 $0x0;
	s19 =	simm.s32 @!p0 $0xD850  }
0xa9: {  	[tilespmem:s19], [sflag:$0x5] =	stream.linear.gather @!p0 [hbm4b:s21+s1], $0x2710, $0x38;
	[tilespmem:$0xFFD0] =	vst v63  }
0xaa: {  	s21 =	simm.s32 @!p0 $0x5  }
0xab: {  	_ =	swait.ge @!p0 [sflag:s21], $0x2710  }
0xac: {  	s23 =	sld [smem:$0x7E0]  }
0xad: {  	[sflag:s21] =	ssyncset.done @!p0 $0x0  }
0xae: {  	[sflag:s21] =	ssyncadd.s32 @!p0 $0xFFFFD8F0  }
0xaf: {  	[spmem:s23] =	stream.linear.scatter @!p0 [tilespmem:s19], [sflag:$0x5], $0x2710, $0x38;
	[tilespmem:$0xFFD0] =	vst v63  }
0xb0: {  	_ =	swait.ge @!p0 [sflag:s21], $0x2710  }
0xb1: {  	s23 =	sld [smem:$0x7E7]  }
0xb2: {  	[sflag:s21] =	ssyncset.done @!p0 $0x0  }
0xb3: {  	[sflag:s21] =	ssyncadd.s32 @!p0 $0xFFFFD8F0  }
0xb4: {  	[tilespmem:s19], [sflag:$0x5] =	stream.linear.gather @!p0 [hbm4b:s23+s1], $0x2710, $0x38;
	[tilespmem:$0xFFD0] =	vst v63  }
.Ltmp4:
0xb5: {  	_ =	swait.ge @!p0 [sflag:s21], $0x2710;
	(pc) =	sbr.rel .LBB2_8-.Ltmp4, $4  }
0xb6: {  	s1 =	sld [smem:$0x7E8]  }
0xb7: {  	[sflag:s21] =	ssyncset.done @!p0 $0x0  }
0xb8: {  	[sflag:s21] =	ssyncadd.s32 @!p0 $0xFFFFD8F0  }
0xb9: {  	[spmem:s1] =	stream.linear.scatter @!p0 [tilespmem:s19], [sflag:$0x5], $0x2710, $0x38;
	[tilespmem:$0xFFD0] =	vst v63  }
.LBB2_5:
0xba: {  	s1 =	sld [smem:$0x7D8];
	_ =	sdelay $0x2  }
0xbb: {  	p0 =	seq.s32 s1, $0x1  }
.Ltmp5:
0xbc: {  	_ = 	snop;
	(pc) =	sbr.rel @p0 .LBB2_7-.Ltmp5, $1  }
0xbd: {  	_ =	sdelay $0x3  }
0xbe: {  	s1 =	sld [smem:$0x7D2];
	_ =	sdelay $0x2  }
0xbf: {  	p0 =	seq.s32 s1, $0x1  }
0xc0: {  	s21 =	rddreg [dreg:$0x10];
	s1 =	simm.s32 @!p0 $0x0;
	s19 =	simm.s32 @!p0 $0xD850  }
0xc1: {  	[tilespmem:s19], [sflag:$0x5] =	stream.linear.gather @!p0 [hbm4b:s21+s1], $0x2710, $0x38;
	[tilespmem:$0xFFD0] =	vst v63  }
0xc2: {  	s21 =	simm.s32 @!p0 $0x5  }
0xc3: {  	_ =	swait.ge @!p0 [sflag:s21], $0x2710  }
0xc4: {  	[sflag:s21] =	ssyncset.done @!p0 $0x0  }
0xc5: {  	[sflag:s21] =	ssyncadd.s32 @!p0 $0xFFFFD8F0  }
0xc6: {  	[spmem:s6] =	stream.linear.scatter @!p0 [tilespmem:s19], [sflag:$0x5], $0x2710, $0x38;
	[tilespmem:$0xFFD0] =	vst v63  }
0xc7: {  	_ =	swait.ge @!p0 [sflag:s21], $0x2710  }
0xc8: {  	s23 =	sld [smem:$0x7F8]  }
0xc9: {  	[sflag:s21] =	ssyncset.done @!p0 $0x0  }
0xca: {  	[sflag:s21] =	ssyncadd.s32 @!p0 $0xFFFFD8F0  }
0xcb: {  	[tilespmem:s19], [sflag:$0x5] =	stream.linear.gather @!p0 [hbm4b:s23+s1], $0x2710, $0x38;
	[tilespmem:$0xFFD0] =	vst v63  }
0xcc: {  	_ =	swait.ge @!p0 [sflag:s21], $0x2710  }
0xcd: {  	s1 =	sld [smem:$0x7F9]  }
0xce: {  	[sflag:s21] =	ssyncset.done @!p0 $0x0  }
0xcf: {  	[sflag:s21] =	ssyncadd.s32 @!p0 $0xFFFFD8F0  }
0xd0: {  	[spmem:s1] =	stream.linear.scatter @!p0 [tilespmem:s19], [sflag:$0x5], $0x2710, $0x38;
	[tilespmem:$0xFFD0] =	vst v63  }
0xd1: {  	s21 =	rddreg [dreg:$0xe];
	s1 =	simm.s32 @!p2 $0x0;
	s19 =	simm.s32 @!p2 $0xD850  }
0xd2: {  	[tilespmem:s19], [sflag:$0x5] =	stream.linear.gather @!p2 [hbm4b:s21+s1], $0x2710, $0x38;
	[tilespmem:$0xFFD0] =	vst v63  }
0xd3: {  	s21 =	simm.s32 @!p2 $0x5  }
0xd4: {  	_ =	swait.ge @!p2 [sflag:s21], $0x2710  }
0xd5: {  	[sflag:s21] =	ssyncset.done @!p2 $0x0  }
0xd6: {  	s23 =	rddreg [dreg:$0xf];
	[sflag:s21] =	ssyncadd.s32 @!p2 $0xFFFFD8F0  }
0xd7: {  	[spmem:s23] =	stream.linear.scatter @!p2 [tilespmem:s19], [sflag:$0x5], $0x2710, $0x38;
	[tilespmem:$0xFFD0] =	vst v63  }
0xd8: {  	_ =	swait.ge @!p2 [sflag:s21], $0x2710  }
0xd9: {  	s23 =	sld [smem:$0x7FA]  }
0xda: {  	[sflag:s21] =	ssyncset.done @!p2 $0x0  }
0xdb: {  	[sflag:s21] =	ssyncadd.s32 @!p2 $0xFFFFD8F0  }
0xdc: {  	[tilespmem:s19], [sflag:$0x5] =	stream.linear.gather @!p2 [hbm4b:s23+s1], $0x2710, $0x38;
	[tilespmem:$0xFFD0] =	vst v63  }
0xdd: {  	_ =	swait.ge @!p2 [sflag:s21], $0x2710  }
0xde: {  	s1 =	sld [smem:$0x7FB]  }
0xdf: {  	[sflag:s21] =	ssyncset.done @!p2 $0x0  }
0xe0: {  	[sflag:s21] =	ssyncadd.s32 @!p2 $0xFFFFD8F0  }
0xe1: {  	[spmem:s1] =	stream.linear.scatter @!p2 [tilespmem:s19], [sflag:$0x5], $0x2710, $0x38;
	[tilespmem:$0xFFD0] =	vst v63  }
0xe2: {  	s21 =	rddreg [dreg:$0x18];
	s1 =	simm.s32 @!p3 $0x0;
	s19 =	simm.s32 @!p3 $0xD850  }
0xe3: {  	[tilespmem:s19], [sflag:$0x5] =	stream.linear.gather @!p3 [hbm4b:s21+s1], $0x2710, $0x38;
	[tilespmem:$0xFFD0] =	vst v63  }
0xe4: {  	s21 =	simm.s32 @!p3 $0x5  }
0xe5: {  	_ =	swait.ge @!p3 [sflag:s21], $0x2710  }
0xe6: {  	[sflag:s21] =	ssyncset.done @!p3 $0x0  }
0xe7: {  	s23 =	rddreg [dreg:$0x19];
	[sflag:s21] =	ssyncadd.s32 @!p3 $0xFFFFD8F0  }
0xe8: {  	[spmem:s23] =	stream.linear.scatter @!p3 [tilespmem:s19], [sflag:$0x5], $0x2710, $0x38;
	[tilespmem:$0xFFD0] =	vst v63  }
0xe9: {  	_ =	swait.ge @!p3 [sflag:s21], $0x2710  }
0xea: {  	s23 =	sld [smem:$0x7F4]  }
0xeb: {  	[sflag:s21] =	ssyncset.done @!p3 $0x0  }
0xec: {  	[sflag:s21] =	ssyncadd.s32 @!p3 $0xFFFFD8F0  }
0xed: {  	[tilespmem:s19], [sflag:$0x5] =	stream.linear.gather @!p3 [hbm4b:s23+s1], $0x2710, $0x38;
	[tilespmem:$0xFFD0] =	vst v63  }
0xee: {  	_ =	swait.ge @!p3 [sflag:s21], $0x2710  }
0xef: {  	s1 =	sld [smem:$0x7F5]  }
0xf0: {  	[sflag:s21] =	ssyncset.done @!p3 $0x0  }
0xf1: {  	[sflag:s21] =	ssyncadd.s32 @!p3 $0xFFFFD8F0  }
0xf2: {  	[spmem:s1] =	stream.linear.scatter @!p3 [tilespmem:s19], [sflag:$0x5], $0x2710, $0x38;
	[tilespmem:$0xFFD0] =	vst v63  }
0xf3: {  	s21 =	rddreg [dreg:$0x11];
	s1 =	simm.s32 @!p4 $0x0;
	s19 =	simm.s32 @!p4 $0xD850  }
0xf4: {  	[tilespmem:s19], [sflag:$0x5] =	stream.linear.gather @!p4 [hbm4b:s21+s1], $0x2710, $0x38;
	[tilespmem:$0xFFD0] =	vst v63  }
0xf5: {  	s21 =	simm.s32 @!p4 $0x5  }
0xf6: {  	_ =	swait.ge @!p4 [sflag:s21], $0x2710  }
0xf7: {  	[sflag:s21] =	ssyncset.done @!p4 $0x0  }
0xf8: {  	s23 =	rddreg [dreg:$0x17];
	[sflag:s21] =	ssyncadd.s32 @!p4 $0xFFFFD8F0  }
0xf9: {  	[spmem:s23] =	stream.linear.scatter @!p4 [tilespmem:s19], [sflag:$0x5], $0x2710, $0x38;
	[tilespmem:$0xFFD0] =	vst v63  }
0xfa: {  	_ =	swait.ge @!p4 [sflag:s21], $0x2710  }
0xfb: {  	s23 =	sld [smem:$0x7F6]  }
0xfc: {  	[sflag:s21] =	ssyncset.done @!p4 $0x0  }
0xfd: {  	[sflag:s21] =	ssyncadd.s32 @!p4 $0xFFFFD8F0  }
0xfe: {  	[tilespmem:s19], [sflag:$0x5] =	stream.linear.gather @!p4 [hbm4b:s23+s1], $0x2710, $0x38;
	[tilespmem:$0xFFD0] =	vst v63  }
.Ltmp6:
0xff: {  	_ =	swait.ge @!p4 [sflag:s21], $0x2710;
	(pc) =	sbr.rel .LBB2_8-.Ltmp6, $4  }
0x100: {  	s1 =	sld [smem:$0x7F7]  }
0x101: {  	[sflag:s21] =	ssyncset.done @!p4 $0x0  }
0x102: {  	[sflag:s21] =	ssyncadd.s32 @!p4 $0xFFFFD8F0  }
0x103: {  	[spmem:s1] =	stream.linear.scatter @!p4 [tilespmem:s19], [sflag:$0x5], $0x2710, $0x38;
	[tilespmem:$0xFFD0] =	vst v63  }
.LBB2_4:
0x104: {  	s1 =	sld [smem:$0x7CE];
	_ =	sdelay $0x2  }
0x105: {  	p0 =	seq.s32 s1, $0x1  }
0x106: {  	s21 =	rddreg [dreg:$0x1c];
	s1 =	simm.s32 @!p0 $0x0;
	s19 =	simm.s32 @!p0 $0xD850  }
0x107: {  	[tilespmem:s19], [sflag:$0x5] =	stream.linear.gather @!p0 [hbm4b:s21+s1], $0x2710, $0x38;
	[tilespmem:$0xFFD0] =	vst v63  }
0x108: {  	s21 =	simm.s32 @!p0 $0x5  }
0x109: {  	_ =	swait.ge @!p0 [sflag:s21], $0x2710  }
0x10a: {  	[sflag:s21] =	ssyncset.done @!p0 $0x0  }
0x10b: {  	s23 =	rddreg [dreg:$0x1d];
	[sflag:s21] =	ssyncadd.s32 @!p0 $0xFFFFD8F0  }
0x10c: {  	[spmem:s23] =	stream.linear.scatter @!p0 [tilespmem:s19], [sflag:$0x5], $0x2710, $0x38;
	[tilespmem:$0xFFD0] =	vst v63  }
0x10d: {  	_ =	swait.ge @!p0 [sflag:s21], $0x2710  }
0x10e: {  	s23 =	sld [smem:$0x7F0]  }
0x10f: {  	[sflag:s21] =	ssyncset.done @!p0 $0x0  }
0x110: {  	[sflag:s21] =	ssyncadd.s32 @!p0 $0xFFFFD8F0  }
0x111: {  	[tilespmem:s19], [sflag:$0x5] =	stream.linear.gather @!p0 [hbm4b:s23+s1], $0x2710, $0x38;
	[tilespmem:$0xFFD0] =	vst v63  }
0x112: {  	_ =	swait.ge @!p0 [sflag:s21], $0x2710  }
0x113: {  	s1 =	sld [smem:$0x7F1]  }
0x114: {  	[sflag:s21] =	ssyncset.done @!p0 $0x0;
	s25 =	sld [smem:$0x7CF]  }
0x115: {  	[sflag:s21] =	ssyncadd.s32 @!p0 $0xFFFFD8F0  }
0x116: {  	[spmem:s1] =	stream.linear.scatter @!p0 [tilespmem:s19], [sflag:$0x5], $0x2710, $0x38;
	[tilespmem:$0xFFD0] =	vst v63  }
0x117: {  	p0 =	seq.s32 s25, $0x1  }
0x118: {  	s21 =	rddreg [dreg:$0x1a];
	s1 =	simm.s32 @!p0 $0x0;
	s19 =	simm.s32 @!p0 $0xD850  }
0x119: {  	[tilespmem:s19], [sflag:$0x5] =	stream.linear.gather @!p0 [hbm4b:s21+s1], $0x2710, $0x38;
	[tilespmem:$0xFFD0] =	vst v63  }
0x11a: {  	s21 =	simm.s32 @!p0 $0x5  }
0x11b: {  	_ =	swait.ge @!p0 [sflag:s21], $0x2710  }
0x11c: {  	[sflag:s21] =	ssyncset.done @!p0 $0x0  }
0x11d: {  	s23 =	rddreg [dreg:$0x1b];
	[sflag:s21] =	ssyncadd.s32 @!p0 $0xFFFFD8F0  }
0x11e: {  	[spmem:s23] =	stream.linear.scatter @!p0 [tilespmem:s19], [sflag:$0x5], $0x2710, $0x38;
	[tilespmem:$0xFFD0] =	vst v63  }
0x11f: {  	_ =	swait.ge @!p0 [sflag:s21], $0x2710  }
0x120: {  	s23 =	sld [smem:$0x7F2]  }
0x121: {  	[sflag:s21] =	ssyncset.done @!p0 $0x0  }
0x122: {  	[sflag:s21] =	ssyncadd.s32 @!p0 $0xFFFFD8F0  }
0x123: {  	[tilespmem:s19], [sflag:$0x5] =	stream.linear.gather @!p0 [hbm4b:s23+s1], $0x2710, $0x38;
	[tilespmem:$0xFFD0] =	vst v63  }
0x124: {  	_ =	swait.ge @!p0 [sflag:s21], $0x2710  }
0x125: {  	s1 =	sld [smem:$0x7F3]  }
0x126: {  	[sflag:s21] =	ssyncset.done @!p0 $0x0;
	s28 =	sld [smem:$0x7D0]  }
0x127: {  	[sflag:s21] =	ssyncadd.s32 @!p0 $0xFFFFD8F0;
	s21 =	sld [smem:$0x7D9]  }
0x128: {  	[spmem:s1] =	stream.linear.scatter @!p0 [tilespmem:s19], [sflag:$0x5], $0x2710, $0x38;
	[tilespmem:$0xFFD0] =	vst v63  }
0x129: {  	p0 =	seq.s32 s28, $0x1  }
0x12a: {  	s1 =	simm.s32 @!p0 $0x0;
	s19 =	simm.s32 @!p0 $0xD850  }
0x12b: {  	[tilespmem:s19], [sflag:$0x5] =	stream.linear.gather @!p0 [hbm4b:s21+s1], $0x2710, $0x38;
	[tilespmem:$0xFFD0] =	vst v63  }
0x12c: {  	s21 =	simm.s32 @!p0 $0x5  }
0x12d: {  	_ =	swait.ge @!p0 [sflag:s21], $0x2710  }
0x12e: {  	s23 =	sld [smem:$0x7DA]  }
0x12f: {  	[sflag:s21] =	ssyncset.done @!p0 $0x0  }
0x130: {  	[sflag:s21] =	ssyncadd.s32 @!p0 $0xFFFFD8F0  }
0x131: {  	[spmem:s23] =	stream.linear.scatter @!p0 [tilespmem:s19], [sflag:$0x5], $0x2710, $0x38;
	[tilespmem:$0xFFD0] =	vst v63  }
0x132: {  	_ =	swait.ge @!p0 [sflag:s21], $0x2710  }
0x133: {  	s23 =	sld [smem:$0x7ED]  }
0x134: {  	[sflag:s21] =	ssyncset.done @!p0 $0x0  }
0x135: {  	[sflag:s21] =	ssyncadd.s32 @!p0 $0xFFFFD8F0  }
0x136: {  	[tilespmem:s19], [sflag:$0x5] =	stream.linear.gather @!p0 [hbm4b:s23+s1], $0x2710, $0x38;
	[tilespmem:$0xFFD0] =	vst v63  }
0x137: {  	_ =	swait.ge @!p0 [sflag:s21], $0x2710  }
0x138: {  	[sflag:s21] =	ssyncset.done @!p0 $0x0;
	s29 =	sld [smem:$0x7D1]  }
0x139: {  	[sflag:s21] =	ssyncadd.s32 @!p0 $0xFFFFD8F0  }
0x13a: {  	[spmem:s8] =	stream.linear.scatter @!p0 [tilespmem:s19], [sflag:$0x5], $0x2710, $0x38;
	[tilespmem:$0xFFD0] =	vst v63  }
0x13b: {  	p0 =	seq.s32 s29, $0x1  }
0x13c: {  	s21 =	rddreg [dreg:$0x1e];
	s1 =	simm.s32 @!p0 $0x0;
	s19 =	simm.s32 @!p0 $0xD850  }
0x13d: {  	[tilespmem:s19], [sflag:$0x5] =	stream.linear.gather @!p0 [hbm4b:s21+s1], $0x2710, $0x38;
	[tilespmem:$0xFFD0] =	vst v63  }
0x13e: {  	s21 =	simm.s32 @!p0 $0x5  }
0x13f: {  	_ =	swait.ge @!p0 [sflag:s21], $0x2710  }
0x140: {  	[sflag:s21] =	ssyncset.done @!p0 $0x0  }
0x141: {  	s23 =	rddreg [dreg:$0x1f];
	[sflag:s21] =	ssyncadd.s32 @!p0 $0xFFFFD8F0  }
0x142: {  	[spmem:s23] =	stream.linear.scatter @!p0 [tilespmem:s19], [sflag:$0x5], $0x2710, $0x38;
	[tilespmem:$0xFFD0] =	vst v63  }
0x143: {  	_ =	swait.ge @!p0 [sflag:s21], $0x2710  }
0x144: {  	s23 =	sld [smem:$0x7EE]  }
0x145: {  	[sflag:s21] =	ssyncset.done @!p0 $0x0  }
0x146: {  	[sflag:s21] =	ssyncadd.s32 @!p0 $0xFFFFD8F0  }
0x147: {  	[tilespmem:s19], [sflag:$0x5] =	stream.linear.gather @!p0 [hbm4b:s23+s1], $0x2710, $0x38;
	[tilespmem:$0xFFD0] =	vst v63  }
.Ltmp7:
0x148: {  	_ =	swait.ge @!p0 [sflag:s21], $0x2710;
	(pc) =	sbr.rel .LBB2_8-.Ltmp7, $4  }
0x149: {  	s1 =	sld [smem:$0x7EF]  }
0x14a: {  	[sflag:s21] =	ssyncset.done @!p0 $0x0  }
0x14b: {  	[sflag:s21] =	ssyncadd.s32 @!p0 $0xFFFFD8F0  }
0x14c: {  	[spmem:s1] =	stream.linear.scatter @!p0 [tilespmem:s19], [sflag:$0x5], $0x2710, $0x38;
	[tilespmem:$0xFFD0] =	vst v63  }
.LBB2_7:
0x14d: {  	s1 =	sld [smem:$0x7D3];
	_ =	sdelay $0x1  }
0x14e: {  	s21 =	sld [smem:$0x7E3]  }
0x14f: {  	p0 =	seq.s32 s1, $0x1  }
0x150: {  	s1 =	simm.s32 @!p0 $0x0;
	s19 =	simm.s32 @!p0 $0xD850  }
0x151: {  	[tilespmem:s19], [sflag:$0x5] =	stream.linear.gather @!p0 [hbm4b:s21+s1], $0x2710, $0x38;
	[tilespmem:$0xFFD0] =	vst v63  }
0x152: {  	s1 =	simm.s32 @!p0 $0x5  }
0x153: {  	_ =	swait.ge @!p0 [sflag:s1], $0x2710  }
0x154: {  	[sflag:s1] =	ssyncset.done @!p0 $0x0  }
0x155: {  	[sflag:s1] =	ssyncadd.s32 @!p0 $0xFFFFD8F0;
	s1 =	sld [smem:$0x7E4]  }
0x156: {  	s29 =	sld [smem:$0x7D4]  }
0x157: {  	s21 =	sld [smem:$0x7E1]  }
0x158: {  	[spmem:s1] =	stream.linear.scatter @!p0 [tilespmem:s19], [sflag:$0x5], $0x2710, $0x38;
	[tilespmem:$0xFFD0] =	vst v63  }
0x159: {  	p0 =	seq.s32 s29, $0x1  }
0x15a: {  	s1 =	simm.s32 @!p0 $0x0;
	s19 =	simm.s32 @!p0 $0xD850  }
0x15b: {  	[tilespmem:s19], [sflag:$0x5] =	stream.linear.gather @!p0 [hbm4b:s21+s1], $0x2710, $0x38;
	[tilespmem:$0xFFD0] =	vst v63  }
0x15c: {  	s1 =	simm.s32 @!p0 $0x5  }
0x15d: {  	_ =	swait.ge @!p0 [sflag:s1], $0x2710  }
0x15e: {  	[sflag:s1] =	ssyncset.done @!p0 $0x0  }
0x15f: {  	[sflag:s1] =	ssyncadd.s32 @!p0 $0xFFFFD8F0;
	s1 =	sld [smem:$0x7E2];
	_ =	sdelay $0x2  }
0x160: {  	[spmem:s1] =	stream.linear.scatter @!p0 [tilespmem:s19], [sflag:$0x5], $0x2710, $0x38;
	[tilespmem:$0xFFD0] =	vst v63  }
0x161: {  	s21 =	rddreg [dreg:$0xc];
	s1 =	simm.s32 @!p5 $0x0;
	s19 =	simm.s32 @!p5 $0xD850  }
0x162: {  	[tilespmem:s19], [sflag:$0x5] =	stream.linear.gather @!p5 [hbm4b:s21+s1], $0x2710, $0x38;
	[tilespmem:$0xFFD0] =	vst v63  }
0x163: {  	s21 =	simm.s32 @!p5 $0x5  }
0x164: {  	_ =	swait.ge @!p5 [sflag:s21], $0x2710  }
0x165: {  	[sflag:s21] =	ssyncset.done @!p5 $0x0  }
0x166: {  	s23 =	rddreg [dreg:$0xd];
	[sflag:s21] =	ssyncadd.s32 @!p5 $0xFFFFD8F0  }
0x167: {  	[spmem:s23] =	stream.linear.scatter @!p5 [tilespmem:s19], [sflag:$0x5], $0x2710, $0x38;
	[tilespmem:$0xFFD0] =	vst v63  }
0x168: {  	_ =	swait.ge @!p5 [sflag:s21], $0x2710  }
0x169: {  	s23 =	sld [smem:$0x7FC]  }
0x16a: {  	[sflag:s21] =	ssyncset.done @!p5 $0x0  }
0x16b: {  	[sflag:s21] =	ssyncadd.s32 @!p5 $0xFFFFD8F0  }
0x16c: {  	[tilespmem:s19], [sflag:$0x5] =	stream.linear.gather @!p5 [hbm4b:s23+s1], $0x2710, $0x38;
	[tilespmem:$0xFFD0] =	vst v63  }
0x16d: {  	_ =	swait.ge @!p5 [sflag:s21], $0x2710  }
0x16e: {  	s1 =	sld [smem:$0x7FD]  }
0x16f: {  	[sflag:s21] =	ssyncset.done @!p5 $0x0  }
0x170: {  	[sflag:s21] =	ssyncadd.s32 @!p5 $0xFFFFD8F0  }
0x171: {  	[spmem:s1] =	stream.linear.scatter @!p5 [tilespmem:s19], [sflag:$0x5], $0x2710, $0x38;
	[tilespmem:$0xFFD0] =	vst v63  }
0x172: {  	s21 =	rddreg [dreg:$0x8];
	s1 =	simm.s32 @!p6 $0x0;
	s19 =	simm.s32 @!p6 $0xD850  }
0x173: {  	[tilespmem:s19], [sflag:$0x5] =	stream.linear.gather @!p6 [hbm4b:s21+s1], $0x2710, $0x38;
	[tilespmem:$0xFFD0] =	vst v63  }
0x174: {  	s21 =	simm.s32 @!p6 $0x5  }
0x175: {  	_ =	swait.ge @!p6 [sflag:s21], $0x2710  }
0x176: {  	[sflag:s21] =	ssyncset.done @!p6 $0x0  }
0x177: {  	s23 =	rddreg [dreg:$0x9];
	[sflag:s21] =	ssyncadd.s32 @!p6 $0xFFFFD8F0  }
0x178: {  	[spmem:s23] =	stream.linear.scatter @!p6 [tilespmem:s19], [sflag:$0x5], $0x2710, $0x38;
	[tilespmem:$0xFFD0] =	vst v63  }
0x179: {  	_ =	swait.ge @!p6 [sflag:s21], $0x2710  }
0x17a: {  	[sflag:s21] =	ssyncset.done @!p6 $0x0  }
0x17b: {  	s23 =	rddreg [dreg:$0xa];
	[sflag:s21] =	ssyncadd.s32 @!p6 $0xFFFFD8F0  }
0x17c: {  	[tilespmem:s19], [sflag:$0x5] =	stream.linear.gather @!p6 [hbm4b:s23+s1], $0x2710, $0x38;
	[tilespmem:$0xFFD0] =	vst v63  }
0x17d: {  	_ =	swait.ge @!p6 [sflag:s21], $0x2710  }
0x17e: {  	[sflag:s21] =	ssyncset.done @!p6 $0x0  }
0x17f: {  	s1 =	rddreg [dreg:$0xb];
	[sflag:s21] =	ssyncadd.s32 @!p6 $0xFFFFD8F0  }
0x180: {  	[spmem:s1] =	stream.linear.scatter @!p6 [tilespmem:s19], [sflag:$0x5], $0x2710, $0x38;
	[tilespmem:$0xFFD0] =	vst v63  }
.LBB2_8:
0x181: {  	_ =	swait.ge [sflag:s18], $0x2710  }
0x182: {  	[sflag:s18] =	ssyncset.done $0x0  }
0x183: {  	[sflag:s18] =	ssyncadd.s32 $0xFFFFD8F0  }
0x184: {  	[bflag:$0x0] =	sbarrier.arrive $0xFFFF  }
0x185: {  	s28 =	simm.s32 $0x0;
	s19 =	simm.s32 $0x4950;
	s1 =	rddreg [dreg:$0x12]  }
0x186: {  	[tilespmem:s19], [sflag:$0x5] =	stream.linear.gather [hbm4b:s1+s28], $0xB00, $0x38;
	[tilespmem:$0xFFD0] =	vst v63  }
0x187: {  	_ =	swait.ge [sflag:s18], $0xB00  }
0x188: {  	[sflag:s18] =	ssyncset.done $0x0  }
0x189: {  	s23 =	simm.s32 $0x5F50;
	[sflag:s18] =	ssyncadd.s32 $0xFFFFF500  }
0x18a: {  	[tilespmem:s23], [sflag:$0x1] =	stream.indirect.gather [spmem:s5], $0x1, s19, s20, $0xb8;
	[tilespmem:$0xFFD0] =	vst v63  }
0x18b: {  	s25 =	simm.s32 $0x6A50  }
0x18c: {  	[tilespmem:s25], [sflag:$0x1] =	stream.indirect.gather [spmem:s6], $0x1, s19, s20, $0xb8;
	[tilespmem:$0xFFD0] =	vst v63  }
0x18d: {  	s29 =	simm.s32 $0x7550  }
0x18e: {  	[tilespmem:s29], [sflag:$0x1] =	stream.indirect.gather [spmem:s8], $0x1, s19, s20, $0xb8;
	[tilespmem:$0xFFD0] =	vst v63  }
.LBB2_9:
0x18f: {  	_ =	swait.ge [sflag:s30], $0xB00  }
0x190: {  	[sflag:s30] =	ssyncset.done $0x0  }
0x191: {  	[sflag:s30] =	ssyncadd.s32 $0xFFFFF500  }
0x192: {  	s1 =	smul.u32 $0x16, s28;
	_ =	swait.ge [sflag:s30], $0xB00  }
0x193: {  	[sflag:s30] =	ssyncset.done $0x0  }
0x194: {  	s29 =	sadd.s32 s1, s16;
	[sflag:s30] =	ssyncadd.s32 $0xFFFFF500  }
0x195: {  	s19 =	sshll.u32 s29, $0x5;
	_ =	swait.ge [sflag:s30], $0xB00  }
0x196: {  	s19 =	sand.u32 $0x1FFFFFE0, s19;
	[sflag:s30] =	ssyncset.done $0x0  }
0x197: {  	s19 =	sadd.s32 s2, s19;
	[sflag:s30] =	ssyncadd.s32 $0xFFFFF500  }
0x198: {  	[tilespmem:s31], [sflag:$0x5] =	stream.linear.gather [hbm4b:s19+s9], $0xB00, $0x38;
	[tilespmem:$0xFFD0] =	vst v63  }
0x199: {  	_ =	swait.ge [sflag:s18], $0xB00  }
0x19a: {  	[sflag:s18] =	ssyncset.done $0x0  }
0x19b: {  	[sflag:s18] =	ssyncadd.s32 $0xFFFFF500  }
0x19c: {  	[tilespmem:s7], [sflag:$0x2] =	stream.indirect.gather [spmem:s5], $0x1, s31, s20, $0xb8;
	[tilespmem:$0xFFD0] =	vst v63  }
0x19d: {  	p0 =	seq.s32 s28, $0x0  }
0x19e: {  	[tilespmem:s0], [sflag:$0x2] =	stream.indirect.gather [spmem:s6], $0x1, s31, s20, $0xb8;
	[tilespmem:$0xFFD0] =	vst v63  }
0x19f: {  	s19 =	simm.s32 @!p0 $0x3  }
0x1a0: {  	[tilespmem:s10], [sflag:$0x2] =	stream.indirect.gather [spmem:s8], $0x1, s31, s20, $0xb8;
	[tilespmem:$0xFFD0] =	vst v63  }
0x1a1: {  	_ =	swait.ge @!p0 [sflag:s19], $0x1600  }
0x1a2: {  	[sflag:s19] =	ssyncset.done @!p0 $0x0  }
0x1a3: {  	[sflag:s19] =	ssyncadd.s32 @!p0 $0xFFFFEA00  }
0x1a4: {  	_ =	swait.ge @!p0 [sflag:s19], $0x580  }
0x1a5: {  	s21 =	simm.s32 $0x3C0;
	[sflag:s19] =	ssyncset.done @!p0 $0x0  }
0x1a6: {  	s25 =	simm.s32 $0xCD90;
	[sflag:s19] =	ssyncadd.s32 @!p0 $0xFFFFFA80;
	s19 =	simm.s32 $0xA210  }
.LBB2_10:
0x1a7: {  	s23 =	sshra.s32 s21, $0x2  }
0x1a8: {  	v0 =	vld [tilespmem:s23+$0x5E60]  }
0x1a9: {  	v1 =	vld [tilespmem:s23+$0x5EE0]  }
0x1aa: {  	v2 =	vld [tilespmem:s23+$0x6960]  }
0x1ab: {  	v3 =	vld [tilespmem:s23+$0x69E0]  }
0x1ac: {  	v4 =	vld [tilespmem:s23+$0x7460]  }
0x1ad: {  	v5 =	vld [tilespmem:s23+$0x74E0];
	_ =	sdelay $0x2  }
0x1ae: {  	v0 =	vsub.f32 v0, v1;
	v51 =	vsub.f32 v2, v3;
	_ =	sdelay $0x1  }
0x1af: {  	v52 =	vsub.f32 v4, v5;
	v53 =	vmul.f32 v0, v0;
	v54 =	vmul.f32 v51, v51;
	_ =	sdelay $0x1  }
0x1b0: {  	v55 =	vmul.f32 v52, v52;
	v3 =	vadd.f32 v54, v53;
	_ =	sdelay $0x1  }
0x1b1: {  	v3 =	vadd.f32 v55, v3;
	_ =	sdelay $0x1  }
0x1b2: {  	v4 =	vmax.f32 v3, $1.000000020e-35  }
0x1b3: {  	v56 =	vshra.s32 v4, $0x1;
	v4 =	vmul.f32 $5.000000000e-01, v4  }
0x1b4: {  	v5 =	vsub.s32 $0x5F3759DF, v56  }
0x1b5: {  	v6 =	vmul.f32 v5, v4;
	_ =	sdelay $0x1  }
0x1b6: {  	v6 =	vmul.f32 v5, v6;
	_ =	sdelay $0x1  }
0x1b7: {  	v6 =	vsub.f32 $1.500000000e+00, v6;
	_ =	sdelay $0x1  }
0x1b8: {  	v5 =	vmul.f32 v5, v6;
	_ =	sdelay $0x1  }
0x1b9: {  	v4 =	vmul.f32 v5, v4;
	_ =	sdelay $0x1  }
0x1ba: {  	v4 =	vmul.f32 v4, v5;
	_ =	sdelay $0x1  }
0x1bb: {  	v4 =	vsub.f32 $1.500000000e+00, v4;
	_ =	sdelay $0x1  }
0x1bc: {  	v4 =	vmul.f32 v4, v5;
	_ =	sdelay $0x1  }
0x1bd: {  	v3 =	vmul.f32 v4, v3;
	_ =	sdelay $0x1  }
0x1be: {  	[tilespmem:s25+$0xFFFFFFC0] =	vst v3  }
0x1bf: {  	[tilespmem:s19+$0xFFFFFF40] =	vst v0  }
0x1c0: {  	[tilespmem:s19+$0xFFFFFFC0] =	vst v51  }
0x1c1: {  	[tilespmem:s19+$0x40] =	vst v52  }
0x1c2: {  	v0 =	vld [tilespmem:s23+$0x5E70]  }
0x1c3: {  	v1 =	vld [tilespmem:s23+$0x5EF0]  }
0x1c4: {  	v2 =	vld [tilespmem:s23+$0x6970]  }
0x1c5: {  	v3 =	vld [tilespmem:s23+$0x69F0]  }
0x1c6: {  	v57 =	vld [tilespmem:s23+$0x7470]  }
0x1c7: {  	v58 =	vld [tilespmem:s23+$0x74F0];
	_ =	sdelay $0x2  }
0x1c8: {  	v0 =	vsub.f32 v0, v1;
	v59 =	vsub.f32 v2, v3;
	_ =	sdelay $0x1  }
0x1c9: {  	v60 =	vsub.f32 v57, v58;
	v61 =	vmul.f32 v0, v0;
	v62 =	vmul.f32 v59, v59;
	_ =	sdelay $0x1  }
0x1ca: {  	v63 =	vmul.f32 v60, v60;
	v3 =	vadd.f32 v62, v61;
	_ =	sdelay $0x1  }
0x1cb: {  	v3 =	vadd.f32 v63, v3;
	_ =	sdelay $0x1  }
0x1cc: {  	v4 =	vmax.f32 v3, $1.000000020e-35  }
0x1cd: {  	v8 =	vshra.s32 v4, $0x1;
	v4 =	vmul.f32 $5.000000000e-01, v4  }
0x1ce: {  	v5 =	vsub.s32 $0x5F3759DF, v8  }
0x1cf: {  	v9 =	vmul.f32 v5, v4;
	_ =	sdelay $0x1  }
0x1d0: {  	v6 =	vmul.f32 v5, v9;
	_ =	sdelay $0x1  }
0x1d1: {  	v6 =	vsub.f32 $1.500000000e+00, v6;
	_ =	sdelay $0x1  }
0x1d2: {  	v5 =	vmul.f32 v5, v6;
	_ =	sdelay $0x1  }
0x1d3: {  	v4 =	vmul.f32 v5, v4;
	_ =	sdelay $0x1  }
0x1d4: {  	v4 =	vmul.f32 v4, v5;
	_ =	sdelay $0x1  }
0x1d5: {  	v4 =	vsub.f32 $1.500000000e+00, v4;
	_ =	sdelay $0x1  }
0x1d6: {  	v4 =	vmul.f32 v4, v5;
	_ =	sdelay $0x1  }
0x1d7: {  	v3 =	vmul.f32 v4, v3;
	_ =	sdelay $0x1  }
0x1d8: {  	[tilespmem:s25+$0xFFFFFFD0] =	vst v3  }
0x1d9: {  	[tilespmem:s19+$0xFFFFFF50] =	vst v0  }
0x1da: {  	[tilespmem:s19+$0xFFFFFFD0] =	vst v59  }
0x1db: {  	[tilespmem:s19+$0x50] =	vst v60  }
0x1dc: {  	v0 =	vld [tilespmem:s23+$0x5E80]  }
0x1dd: {  	v1 =	vld [tilespmem:s23+$0x5F00]  }
0x1de: {  	v2 =	vld [tilespmem:s23+$0x6980]  }
0x1df: {  	v3 =	vld [tilespmem:s23+$0x6A00]  }
0x1e0: {  	v10 =	vld [tilespmem:s23+$0x7480]  }
0x1e1: {  	v11 =	vld [tilespmem:s23+$0x7500];
	_ =	sdelay $0x2  }
0x1e2: {  	v0 =	vsub.f32 v0, v1;
	v12 =	vsub.f32 v2, v3;
	_ =	sdelay $0x1  }
0x1e3: {  	v13 =	vsub.f32 v10, v11;
	v14 =	vmul.f32 v0, v0;
	v15 =	vmul.f32 v12, v12;
	_ =	sdelay $0x1  }
0x1e4: {  	v16 =	vmul.f32 v13, v13;
	v3 =	vadd.f32 v15, v14;
	_ =	sdelay $0x1  }
0x1e5: {  	v3 =	vadd.f32 v16, v3;
	_ =	sdelay $0x1  }
0x1e6: {  	v4 =	vmax.f32 v3, $1.000000020e-35  }
0x1e7: {  	v17 =	vshra.s32 v4, $0x1;
	v4 =	vmul.f32 $5.000000000e-01, v4  }
0x1e8: {  	v5 =	vsub.s32 $0x5F3759DF, v17  }
0x1e9: {  	v18 =	vmul.f32 v5, v4;
	_ =	sdelay $0x1  }
0x1ea: {  	v6 =	vmul.f32 v5, v18;
	_ =	sdelay $0x1  }
0x1eb: {  	v6 =	vsub.f32 $1.500000000e+00, v6;
	_ =	sdelay $0x1  }
0x1ec: {  	v5 =	vmul.f32 v5, v6;
	_ =	sdelay $0x1  }
0x1ed: {  	v4 =	vmul.f32 v5, v4;
	_ =	sdelay $0x1  }
0x1ee: {  	v4 =	vmul.f32 v4, v5;
	_ =	sdelay $0x1  }
0x1ef: {  	v4 =	vsub.f32 $1.500000000e+00, v4;
	_ =	sdelay $0x1  }
0x1f0: {  	v4 =	vmul.f32 v4, v5;
	_ =	sdelay $0x1  }
0x1f1: {  	v3 =	vmul.f32 v4, v3;
	_ =	sdelay $0x1  }
0x1f2: {  	[tilespmem:s25+$0xFFFFFFE0] =	vst v3  }
0x1f3: {  	[tilespmem:s19+$0xFFFFFF60] =	vst v0  }
0x1f4: {  	[tilespmem:s19+$0xFFFFFFE0] =	vst v12  }
0x1f5: {  	[tilespmem:s19+$0x60] =	vst v13  }
0x1f6: {  	v0 =	vld [tilespmem:s23+$0x5E90]  }
0x1f7: {  	v1 =	vld [tilespmem:s23+$0x5F10]  }
0x1f8: {  	v2 =	vld [tilespmem:s23+$0x6990]  }
0x1f9: {  	v3 =	vld [tilespmem:s23+$0x6A10]  }
0x1fa: {  	v19 =	vld [tilespmem:s23+$0x7490]  }
0x1fb: {  	v20 =	vld [tilespmem:s23+$0x7510];
	_ =	sdelay $0x2  }
0x1fc: {  	v0 =	vsub.f32 v0, v1;
	v21 =	vsub.f32 v2, v3;
	_ =	sdelay $0x1  }
0x1fd: {  	v22 =	vsub.f32 v19, v20;
	v23 =	vmul.f32 v0, v0;
	v24 =	vmul.f32 v21, v21;
	_ =	sdelay $0x1  }
0x1fe: {  	v25 =	vmul.f32 v22, v22;
	v3 =	vadd.f32 v24, v23;
	_ =	sdelay $0x1  }
0x1ff: {  	v3 =	vadd.f32 v25, v3;
	_ =	sdelay $0x1  }
0x200: {  	v4 =	vmax.f32 v3, $1.000000020e-35  }
0x201: {  	v26 =	vshra.s32 v4, $0x1;
	v4 =	vmul.f32 $5.000000000e-01, v4  }
0x202: {  	v5 =	vsub.s32 $0x5F3759DF, v26  }
0x203: {  	v27 =	vmul.f32 v5, v4;
	_ =	sdelay $0x1  }
0x204: {  	v6 =	vmul.f32 v5, v27;
	_ =	sdelay $0x1  }
0x205: {  	v6 =	vsub.f32 $1.500000000e+00, v6;
	_ =	sdelay $0x1  }
0x206: {  	v5 =	vmul.f32 v5, v6;
	_ =	sdelay $0x1  }
0x207: {  	v4 =	vmul.f32 v5, v4;
	_ =	sdelay $0x1  }
0x208: {  	v4 =	vmul.f32 v4, v5;
	_ =	sdelay $0x1  }
0x209: {  	v4 =	vsub.f32 $1.500000000e+00, v4;
	_ =	sdelay $0x1  }
0x20a: {  	v4 =	vmul.f32 v4, v5;
	_ =	sdelay $0x1  }
0x20b: {  	v3 =	vmul.f32 v4, v3;
	_ =	sdelay $0x1  }
0x20c: {  	[tilespmem:s25+$0xFFFFFFF0] =	vst v3  }
0x20d: {  	[tilespmem:s19+$0xFFFFFF70] =	vst v0  }
0x20e: {  	[tilespmem:s19+$0xFFFFFFF0] =	vst v21  }
0x20f: {  	[tilespmem:s19+$0x70] =	vst v22  }
0x210: {  	v0 =	vld [tilespmem:s23+$0x5EA0]  }
0x211: {  	v1 =	vld [tilespmem:s23+$0x5F20]  }
0x212: {  	v2 =	vld [tilespmem:s23+$0x69A0]  }
0x213: {  	v3 =	vld [tilespmem:s23+$0x6A20]  }
0x214: {  	v28 =	vld [tilespmem:s23+$0x74A0]  }
0x215: {  	v29 =	vld [tilespmem:s23+$0x7520];
	_ =	sdelay $0x2  }
0x216: {  	v0 =	vsub.f32 v0, v1;
	v30 =	vsub.f32 v2, v3;
	_ =	sdelay $0x1  }
0x217: {  	v31 =	vsub.f32 v28, v29;
	v32 =	vmul.f32 v0, v0;
	v33 =	vmul.f32 v30, v30;
	_ =	sdelay $0x1  }
0x218: {  	v34 =	vmul.f32 v31, v31;
	v3 =	vadd.f32 v33, v32;
	_ =	sdelay $0x1  }
0x219: {  	v3 =	vadd.f32 v34, v3;
	_ =	sdelay $0x1  }
0x21a: {  	v4 =	vmax.f32 v3, $1.000000020e-35  }
0x21b: {  	v35 =	vshra.s32 v4, $0x1;
	v4 =	vmul.f32 $5.000000000e-01, v4  }
0x21c: {  	v5 =	vsub.s32 $0x5F3759DF, v35  }
0x21d: {  	v36 =	vmul.f32 v5, v4;
	_ =	sdelay $0x1  }
0x21e: {  	v6 =	vmul.f32 v5, v36;
	_ =	sdelay $0x1  }
0x21f: {  	v6 =	vsub.f32 $1.500000000e+00, v6;
	_ =	sdelay $0x1  }
0x220: {  	v5 =	vmul.f32 v5, v6;
	_ =	sdelay $0x1  }
0x221: {  	v4 =	vmul.f32 v5, v4;
	_ =	sdelay $0x1  }
0x222: {  	v4 =	vmul.f32 v4, v5;
	_ =	sdelay $0x1  }
0x223: {  	v4 =	vsub.f32 $1.500000000e+00, v4;
	_ =	sdelay $0x1  }
0x224: {  	v4 =	vmul.f32 v4, v5;
	_ =	sdelay $0x1  }
0x225: {  	v3 =	vmul.f32 v4, v3;
	_ =	sdelay $0x1  }
0x226: {  	[tilespmem:s25+$0x0] =	vst v3  }
0x227: {  	[tilespmem:s19+$0xFFFFFF80] =	vst v0  }
0x228: {  	[tilespmem:s19+$0x0] =	vst v30  }
0x229: {  	[tilespmem:s19+$0x80] =	vst v31  }
0x22a: {  	v0 =	vld [tilespmem:s23+$0x5EB0]  }
0x22b: {  	v1 =	vld [tilespmem:s23+$0x5F30]  }
0x22c: {  	v2 =	vld [tilespmem:s23+$0x69B0]  }
0x22d: {  	v3 =	vld [tilespmem:s23+$0x6A30]  }
0x22e: {  	v37 =	vld [tilespmem:s23+$0x74B0]  }
0x22f: {  	v38 =	vld [tilespmem:s23+$0x7530];
	_ =	sdelay $0x2  }
0x230: {  	v0 =	vsub.f32 v0, v1;
	v39 =	vsub.f32 v2, v3;
	_ =	sdelay $0x1  }
0x231: {  	v40 =	vsub.f32 v37, v38;
	v41 =	vmul.f32 v0, v0;
	v42 =	vmul.f32 v39, v39;
	_ =	sdelay $0x1  }
0x232: {  	v43 =	vmul.f32 v40, v40;
	v3 =	vadd.f32 v42, v41;
	_ =	sdelay $0x1  }
0x233: {  	v3 =	vadd.f32 v43, v3;
	_ =	sdelay $0x1  }
0x234: {  	v4 =	vmax.f32 v3, $1.000000020e-35  }
0x235: {  	v44 =	vshra.s32 v4, $0x1;
	v4 =	vmul.f32 $5.000000000e-01, v4  }
0x236: {  	v5 =	vsub.s32 $0x5F3759DF, v44  }
0x237: {  	v45 =	vmul.f32 v5, v4;
	_ =	sdelay $0x1  }
0x238: {  	v6 =	vmul.f32 v5, v45;
	_ =	sdelay $0x1  }
0x239: {  	v6 =	vsub.f32 $1.500000000e+00, v6;
	_ =	sdelay $0x1  }
0x23a: {  	v5 =	vmul.f32 v5, v6;
	_ =	sdelay $0x1  }
0x23b: {  	v4 =	vmul.f32 v5, v4;
	_ =	sdelay $0x1  }
0x23c: {  	v4 =	vmul.f32 v4, v5;
	_ =	sdelay $0x1  }
0x23d: {  	v4 =	vsub.f32 $1.500000000e+00, v4;
	_ =	sdelay $0x1  }
0x23e: {  	v4 =	vmul.f32 v4, v5;
	_ =	sdelay $0x1  }
0x23f: {  	v3 =	vmul.f32 v4, v3;
	_ =	sdelay $0x1  }
0x240: {  	[tilespmem:s25+$0x10] =	vst v3  }
0x241: {  	[tilespmem:s19+$0xFFFFFF90] =	vst v0  }
0x242: {  	[tilespmem:s19+$0x10] =	vst v39  }
0x243: {  	[tilespmem:s19+$0x90] =	vst v40  }
0x244: {  	v0 =	vld [tilespmem:s23+$0x5EC0]  }
0x245: {  	v1 =	vld [tilespmem:s23+$0x5F40]  }
0x246: {  	v2 =	vld [tilespmem:s23+$0x69C0]  }
0x247: {  	v3 =	vld [tilespmem:s23+$0x6A40]  }
0x248: {  	v46 =	vld [tilespmem:s23+$0x74C0]  }
0x249: {  	v47 =	vld [tilespmem:s23+$0x7540];
	_ =	sdelay $0x2  }
0x24a: {  	v0 =	vsub.f32 v0, v1;
	v48 =	vsub.f32 v2, v3;
	_ =	sdelay $0x1  }
0x24b: {  	v49 =	vsub.f32 v46, v47;
	v50 =	vmul.f32 v0, v0;
	v51 =	vmul.f32 v48, v48;
	_ =	sdelay $0x1  }
0x24c: {  	v52 =	vmul.f32 v49, v49;
	v3 =	vadd.f32 v51, v50;
	_ =	sdelay $0x1  }
0x24d: {  	v3 =	vadd.f32 v52, v3;
	_ =	sdelay $0x1  }
0x24e: {  	v4 =	vmax.f32 v3, $1.000000020e-35  }
0x24f: {  	v53 =	vshra.s32 v4, $0x1;
	v4 =	vmul.f32 $5.000000000e-01, v4  }
0x250: {  	v5 =	vsub.s32 $0x5F3759DF, v53  }
0x251: {  	v54 =	vmul.f32 v5, v4;
	_ =	sdelay $0x1  }
0x252: {  	v6 =	vmul.f32 v5, v54;
	_ =	sdelay $0x1  }
0x253: {  	v6 =	vsub.f32 $1.500000000e+00, v6;
	_ =	sdelay $0x1  }
0x254: {  	v5 =	vmul.f32 v5, v6;
	_ =	sdelay $0x1  }
0x255: {  	v4 =	vmul.f32 v5, v4;
	_ =	sdelay $0x1  }
0x256: {  	v4 =	vmul.f32 v4, v5;
	_ =	sdelay $0x1  }
0x257: {  	v4 =	vsub.f32 $1.500000000e+00, v4;
	_ =	sdelay $0x1  }
0x258: {  	v4 =	vmul.f32 v4, v5;
	_ =	sdelay $0x1  }
0x259: {  	v3 =	vmul.f32 v4, v3;
	_ =	sdelay $0x1  }
0x25a: {  	[tilespmem:s25+$0x20] =	vst v3  }
0x25b: {  	[tilespmem:s19+$0xFFFFFFA0] =	vst v0  }
0x25c: {  	[tilespmem:s19+$0x20] =	vst v48  }
0x25d: {  	[tilespmem:s19+$0xA0] =	vst v49  }
0x25e: {  	v0 =	vld [tilespmem:s23+$0x5ED0]  }
0x25f: {  	v1 =	vld [tilespmem:s23+$0x5F50]  }
0x260: {  	v2 =	vld [tilespmem:s23+$0x69D0]  }
0x261: {  	v3 =	vld [tilespmem:s23+$0x6A50]  }
0x262: {  	v55 =	vld [tilespmem:s23+$0x74D0]  }
0x263: {  	v56 =	vld [tilespmem:s23+$0x7550];
	_ =	sdelay $0x2  }
0x264: {  	v0 =	vsub.f32 v0, v1;
	v57 =	vsub.f32 v2, v3;
	_ =	sdelay $0x1  }
0x265: {  	v58 =	vsub.f32 v55, v56;
	v59 =	vmul.f32 v0, v0;
	v60 =	vmul.f32 v57, v57;
	_ =	sdelay $0x1  }
0x266: {  	v61 =	vmul.f32 v58, v58;
	v3 =	vadd.f32 v60, v59;
	_ =	sdelay $0x1  }
0x267: {  	v3 =	vadd.f32 v61, v3;
	_ =	sdelay $0x1  }
0x268: {  	v4 =	vmax.f32 v3, $1.000000020e-35  }
0x269: {  	v62 =	vshra.s32 v4, $0x1;
	v4 =	vmul.f32 $5.000000000e-01, v4  }
0x26a: {  	v5 =	vsub.s32 $0x5F3759DF, v62  }
0x26b: {  	v63 =	vmul.f32 v5, v4;
	_ =	sdelay $0x1  }
0x26c: {  	v6 =	vmul.f32 v5, v63;
	_ =	sdelay $0x1  }
0x26d: {  	v6 =	vsub.f32 $1.500000000e+00, v6;
	_ =	sdelay $0x1  }
0x26e: {  	v5 =	vmul.f32 v5, v6;
	_ =	sdelay $0x1  }
0x26f: {  	v4 =	vmul.f32 v5, v4;
	_ =	sdelay $0x1  }
0x270: {  	v4 =	vmul.f32 v4, v5;
	_ =	sdelay $0x1  }
0x271: {  	v4 =	vsub.f32 $1.500000000e+00, v4;
	_ =	sdelay $0x1  }
0x272: {  	v4 =	vmul.f32 v4, v5;
	_ =	sdelay $0x1  }
0x273: {  	p0 =	sne.s32 s21, $0x2BC0;
	v3 =	vmul.f32 v4, v3  }
.Ltmp8:
0x274: {  	_ = 	snop;
	(pc) =	sbr.rel @p0 .LBB2_10-.Ltmp8, $4  }
0x275: {  	[tilespmem:s25+$0x30] =	vst v3  }
0x276: {  	[tilespmem:s19+$0xFFFFFFB0] =	vst v0  }
0x277: {  	[tilespmem:s19+$0x30] =	vst v57  }
0x278: {  	s21 =	sadd.s32 $0x400, s21;
	s25 =	sadd.s32 $0x80, s25;
	[tilespmem:s19+$0xB0] =	vst v58;
	s19 =	sadd.s32 $0x200, s19  }
0x279: {  	s19 =	sadd.s32 s15, s1  }
0x27a: {  	s21 =	sshll.u32 s19, $0x6  }
0x27b: {  	s19 =	sshll.u32 s19, $0x4;
	s21 =	sand.u32 $0x1FFFFFC0, s21  }
0x27c: {  	s19 =	sand.u32 $0x1FFFFFF0, s19;
	s21 =	sadd.s32 s4, s21  }
0x27d: {  	[hbm4b:s21+s9] =	stream.linear.scatter [tilespmem:s11], [sflag:$0x3], $0x1600, $0x38;
	[tilespmem:$0xFFD0] =	vst v63  }
0x27e: {  	s19 =	sadd.s32 s3, s19  }
0x27f: {  	[hbm4b:s19+s9] =	stream.linear.scatter [tilespmem:s12], [sflag:$0x3], $0x580, $0x38;
	[tilespmem:$0xFFD0] =	vst v63  }
0x280: {  	_ =	swait.ge [sflag:s13], $0xB00  }
0x281: {  	[sflag:s13] =	ssyncset.done $0x0  }
0x282: {  	[sflag:s13] =	ssyncadd.s32 $0xFFFFF500  }
0x283: {  	p0 =	seq.s32 s28, $0x46;
	_ =	swait.ge [sflag:s13], $0xB00  }
0x284: {  	s1 =	sadd.s32 @!p0 s1, s17;
	[sflag:s13] =	ssyncset.done $0x0  }
0x285: {  	s1 =	sshll.u32 @!p0 s1, $0x5;
	[sflag:s13] =	ssyncadd.s32 $0xFFFFF500  }
0x286: {  	s1 =	sand.u32 @!p0 $0x1FFFFFE0, s1;
	_ =	swait.ge [sflag:s13], $0xB00  }
0x287: {  	s1 =	sadd.s32 @!p0 s2, s1;
	[sflag:s13] =	ssyncset.done $0x0  }
0x288: {  	s21 =	simm.s32 @!p0 $0x4950;
	s19 =	simm.s32 @!p0 $0x0;
	[sflag:s13] =	ssyncadd.s32 $0xFFFFF500  }
0x289: {  	[tilespmem:s21], [sflag:$0x5] =	stream.linear.gather @!p0 [hbm4b:s1+s19], $0xB00, $0x38;
	[tilespmem:$0xFFD0] =	vst v63  }
0x28a: {  	s1 =	simm.s32 @!p0 $0x5  }
0x28b: {  	_ =	swait.ge @!p0 [sflag:s1], $0xB00  }
0x28c: {  	[sflag:s1] =	ssyncset.done @!p0 $0x0  }
0x28d: {  	s19 =	simm.s32 @!p0 $0x5F50;
	[sflag:s1] =	ssyncadd.s32 @!p0 $0xFFFFF500;
	s1 =	simm.s32 @!p0 $0xB00  }
0x28e: {  	[tilespmem:s19], [sflag:$0x1] =	stream.indirect.gather @!p0 [spmem:s5], $0x1, s21, s1, $0xb8;
	[tilespmem:$0xFFD0] =	vst v63  }
0x28f: {  	s19 =	simm.s32 @!p0 $0x6A50  }
0x290: {  	[tilespmem:s19], [sflag:$0x1] =	stream.indirect.gather @!p0 [spmem:s6], $0x1, s21, s1, $0xb8;
	[tilespmem:$0xFFD0] =	vst v63  }
0x291: {  	p1 =	seq.s32 @!p0 s28, $0x0;
	s19 =	simm.s32 @!p0 $0x7550  }
0x292: {  	[tilespmem:s19], [sflag:$0x1] =	stream.indirect.gather @!p0 [spmem:s8], $0x1, s21, s1, $0xb8;
	[tilespmem:$0xFFD0] =	vst v63  }
0x293: {  	p0 =	por p0, !p1  }
0x294: {  	_ =	swait.ge @p0 [sflag:s24], $0x1600  }
0x295: {  	[sflag:s24] =	ssyncset.done @p0 $0x0  }
0x296: {  	[sflag:s24] =	ssyncadd.s32 @p0 $0xFFFFEA00  }
0x297: {  	_ =	swait.ge @p0 [sflag:s24], $0x580  }
0x298: {  	s1 =	simm.s32 $0x3C0;
	[sflag:s24] =	ssyncset.done @p0 $0x0  }
0x299: {  	s21 =	simm.s32 $0xD310;
	s19 =	simm.s32 $0xB810;
	[sflag:s24] =	ssyncadd.s32 @p0 $0xFFFFFA80  }
.LBB2_12:
0x29a: {  	s23 =	sshra.s32 s1, $0x2  }
0x29b: {  	v0 =	vld [tilespmem:s23+$0x7F60]  }
0x29c: {  	v1 =	vld [tilespmem:s23+$0x7FE0]  }
0x29d: {  	v2 =	vld [tilespmem:s23+$0x8A60]  }
0x29e: {  	v3 =	vld [tilespmem:s23+$0x8AE0]  }
0x29f: {  	v4 =	vld [tilespmem:s23+$0x9560]  }
0x2a0: {  	v5 =	vld [tilespmem:s23+$0x95E0];
	_ =	sdelay $0x2  }
0x2a1: {  	v0 =	vsub.f32 v0, v1;
	v51 =	vsub.f32 v2, v3;
	_ =	sdelay $0x1  }
0x2a2: {  	v52 =	vsub.f32 v4, v5;
	v53 =	vmul.f32 v0, v0;
	v54 =	vmul.f32 v51, v51;
	_ =	sdelay $0x1  }
0x2a3: {  	v55 =	vmul.f32 v52, v52;
	v3 =	vadd.f32 v54, v53;
	_ =	sdelay $0x1  }
0x2a4: {  	v3 =	vadd.f32 v55, v3;
	_ =	sdelay $0x1  }
0x2a5: {  	v4 =	vmax.f32 v3, $1.000000020e-35  }
0x2a6: {  	v56 =	vshra.s32 v4, $0x1;
	v4 =	vmul.f32 $5.000000000e-01, v4  }
0x2a7: {  	v5 =	vsub.s32 $0x5F3759DF, v56  }
0x2a8: {  	v6 =	vmul.f32 v5, v4;
	_ =	sdelay $0x1  }
0x2a9: {  	v6 =	vmul.f32 v5, v6;
	_ =	sdelay $0x1  }
0x2aa: {  	v6 =	vsub.f32 $1.500000000e+00, v6;
	_ =	sdelay $0x1  }
0x2ab: {  	v5 =	vmul.f32 v5, v6;
	_ =	sdelay $0x1  }
0x2ac: {  	v4 =	vmul.f32 v5, v4;
	_ =	sdelay $0x1  }
0x2ad: {  	v4 =	vmul.f32 v4, v5;
	_ =	sdelay $0x1  }
0x2ae: {  	v4 =	vsub.f32 $1.500000000e+00, v4;
	_ =	sdelay $0x1  }
0x2af: {  	v4 =	vmul.f32 v4, v5;
	_ =	sdelay $0x1  }
0x2b0: {  	v3 =	vmul.f32 v4, v3;
	_ =	sdelay $0x1  }
0x2b1: {  	[tilespmem:s21+$0xFFFFFFC0] =	vst v3  }
0x2b2: {  	[tilespmem:s19+$0xFFFFFF40] =	vst v0  }
0x2b3: {  	[tilespmem:s19+$0xFFFFFFC0] =	vst v51  }
0x2b4: {  	[tilespmem:s19+$0x40] =	vst v52  }
0x2b5: {  	v0 =	vld [tilespmem:s23+$0x7F70]  }
0x2b6: {  	v1 =	vld [tilespmem:s23+$0x7FF0]  }
0x2b7: {  	v2 =	vld [tilespmem:s23+$0x8A70]  }
0x2b8: {  	v3 =	vld [tilespmem:s23+$0x8AF0]  }
0x2b9: {  	v57 =	vld [tilespmem:s23+$0x9570]  }
0x2ba: {  	v58 =	vld [tilespmem:s23+$0x95F0];
	_ =	sdelay $0x2  }
0x2bb: {  	v0 =	vsub.f32 v0, v1;
	v59 =	vsub.f32 v2, v3;
	_ =	sdelay $0x1  }
0x2bc: {  	v60 =	vsub.f32 v57, v58;
	v61 =	vmul.f32 v0, v0;
	v62 =	vmul.f32 v59, v59;
	_ =	sdelay $0x1  }
0x2bd: {  	v63 =	vmul.f32 v60, v60;
	v3 =	vadd.f32 v62, v61;
	_ =	sdelay $0x1  }
0x2be: {  	v3 =	vadd.f32 v63, v3;
	_ =	sdelay $0x1  }
0x2bf: {  	v4 =	vmax.f32 v3, $1.000000020e-35  }
0x2c0: {  	v8 =	vshra.s32 v4, $0x1;
	v4 =	vmul.f32 $5.000000000e-01, v4  }
0x2c1: {  	v5 =	vsub.s32 $0x5F3759DF, v8  }
0x2c2: {  	v9 =	vmul.f32 v5, v4;
	_ =	sdelay $0x1  }
0x2c3: {  	v6 =	vmul.f32 v5, v9;
	_ =	sdelay $0x1  }
0x2c4: {  	v6 =	vsub.f32 $1.500000000e+00, v6;
	_ =	sdelay $0x1  }
0x2c5: {  	v5 =	vmul.f32 v5, v6;
	_ =	sdelay $0x1  }
0x2c6: {  	v4 =	vmul.f32 v5, v4;
	_ =	sdelay $0x1  }
0x2c7: {  	v4 =	vmul.f32 v4, v5;
	_ =	sdelay $0x1  }
0x2c8: {  	v4 =	vsub.f32 $1.500000000e+00, v4;
	_ =	sdelay $0x1  }
0x2c9: {  	v4 =	vmul.f32 v4, v5;
	_ =	sdelay $0x1  }
0x2ca: {  	v3 =	vmul.f32 v4, v3;
	_ =	sdelay $0x1  }
0x2cb: {  	[tilespmem:s21+$0xFFFFFFD0] =	vst v3  }
0x2cc: {  	[tilespmem:s19+$0xFFFFFF50] =	vst v0  }
0x2cd: {  	[tilespmem:s19+$0xFFFFFFD0] =	vst v59  }
0x2ce: {  	[tilespmem:s19+$0x50] =	vst v60  }
0x2cf: {  	v0 =	vld [tilespmem:s23+$0x7F80]  }
0x2d0: {  	v1 =	vld [tilespmem:s23+$0x8000]  }
0x2d1: {  	v2 =	vld [tilespmem:s23+$0x8A80]  }
0x2d2: {  	v3 =	vld [tilespmem:s23+$0x8B00]  }
0x2d3: {  	v10 =	vld [tilespmem:s23+$0x9580]  }
0x2d4: {  	v11 =	vld [tilespmem:s23+$0x9600];
	_ =	sdelay $0x2  }
0x2d5: {  	v0 =	vsub.f32 v0, v1;
	v12 =	vsub.f32 v2, v3;
	_ =	sdelay $0x1  }
0x2d6: {  	v13 =	vsub.f32 v10, v11;
	v14 =	vmul.f32 v0, v0;
	v15 =	vmul.f32 v12, v12;
	_ =	sdelay $0x1  }
0x2d7: {  	v16 =	vmul.f32 v13, v13;
	v3 =	vadd.f32 v15, v14;
	_ =	sdelay $0x1  }
0x2d8: {  	v3 =	vadd.f32 v16, v3;
	_ =	sdelay $0x1  }
0x2d9: {  	v4 =	vmax.f32 v3, $1.000000020e-35  }
0x2da: {  	v17 =	vshra.s32 v4, $0x1;
	v4 =	vmul.f32 $5.000000000e-01, v4  }
0x2db: {  	v5 =	vsub.s32 $0x5F3759DF, v17  }
0x2dc: {  	v18 =	vmul.f32 v5, v4;
	_ =	sdelay $0x1  }
0x2dd: {  	v6 =	vmul.f32 v5, v18;
	_ =	sdelay $0x1  }
0x2de: {  	v6 =	vsub.f32 $1.500000000e+00, v6;
	_ =	sdelay $0x1  }
0x2df: {  	v5 =	vmul.f32 v5, v6;
	_ =	sdelay $0x1  }
0x2e0: {  	v4 =	vmul.f32 v5, v4;
	_ =	sdelay $0x1  }
0x2e1: {  	v4 =	vmul.f32 v4, v5;
	_ =	sdelay $0x1  }
0x2e2: {  	v4 =	vsub.f32 $1.500000000e+00, v4;
	_ =	sdelay $0x1  }
0x2e3: {  	v4 =	vmul.f32 v4, v5;
	_ =	sdelay $0x1  }
0x2e4: {  	v3 =	vmul.f32 v4, v3;
	_ =	sdelay $0x1  }
0x2e5: {  	[tilespmem:s21+$0xFFFFFFE0] =	vst v3  }
0x2e6: {  	[tilespmem:s19+$0xFFFFFF60] =	vst v0  }
0x2e7: {  	[tilespmem:s19+$0xFFFFFFE0] =	vst v12  }
0x2e8: {  	[tilespmem:s19+$0x60] =	vst v13  }
0x2e9: {  	v0 =	vld [tilespmem:s23+$0x7F90]  }
0x2ea: {  	v1 =	vld [tilespmem:s23+$0x8010]  }
0x2eb: {  	v2 =	vld [tilespmem:s23+$0x8A90]  }
0x2ec: {  	v3 =	vld [tilespmem:s23+$0x8B10]  }
0x2ed: {  	v19 =	vld [tilespmem:s23+$0x9590]  }
0x2ee: {  	v20 =	vld [tilespmem:s23+$0x9610];
	_ =	sdelay $0x2  }
0x2ef: {  	v0 =	vsub.f32 v0, v1;
	v21 =	vsub.f32 v2, v3;
	_ =	sdelay $0x1  }
0x2f0: {  	v22 =	vsub.f32 v19, v20;
	v23 =	vmul.f32 v0, v0;
	v24 =	vmul.f32 v21, v21;
	_ =	sdelay $0x1  }
0x2f1: {  	v25 =	vmul.f32 v22, v22;
	v3 =	vadd.f32 v24, v23;
	_ =	sdelay $0x1  }
0x2f2: {  	v3 =	vadd.f32 v25, v3;
	_ =	sdelay $0x1  }
0x2f3: {  	v4 =	vmax.f32 v3, $1.000000020e-35  }
0x2f4: {  	v26 =	vshra.s32 v4, $0x1;
	v4 =	vmul.f32 $5.000000000e-01, v4  }
0x2f5: {  	v5 =	vsub.s32 $0x5F3759DF, v26  }
0x2f6: {  	v27 =	vmul.f32 v5, v4;
	_ =	sdelay $0x1  }
0x2f7: {  	v6 =	vmul.f32 v5, v27;
	_ =	sdelay $0x1  }
0x2f8: {  	v6 =	vsub.f32 $1.500000000e+00, v6;
	_ =	sdelay $0x1  }
0x2f9: {  	v5 =	vmul.f32 v5, v6;
	_ =	sdelay $0x1  }
0x2fa: {  	v4 =	vmul.f32 v5, v4;
	_ =	sdelay $0x1  }
0x2fb: {  	v4 =	vmul.f32 v4, v5;
	_ =	sdelay $0x1  }
0x2fc: {  	v4 =	vsub.f32 $1.500000000e+00, v4;
	_ =	sdelay $0x1  }
0x2fd: {  	v4 =	vmul.f32 v4, v5;
	_ =	sdelay $0x1  }
0x2fe: {  	v3 =	vmul.f32 v4, v3;
	_ =	sdelay $0x1  }
0x2ff: {  	[tilespmem:s21+$0xFFFFFFF0] =	vst v3  }
0x300: {  	[tilespmem:s19+$0xFFFFFF70] =	vst v0  }
0x301: {  	[tilespmem:s19+$0xFFFFFFF0] =	vst v21  }
0x302: {  	[tilespmem:s19+$0x70] =	vst v22  }
0x303: {  	v0 =	vld [tilespmem:s23+$0x7FA0]  }
0x304: {  	v1 =	vld [tilespmem:s23+$0x8020]  }
0x305: {  	v2 =	vld [tilespmem:s23+$0x8AA0]  }
0x306: {  	v3 =	vld [tilespmem:s23+$0x8B20]  }
0x307: {  	v28 =	vld [tilespmem:s23+$0x95A0]  }
0x308: {  	v29 =	vld [tilespmem:s23+$0x9620];
	_ =	sdelay $0x2  }
0x309: {  	v0 =	vsub.f32 v0, v1;
	v30 =	vsub.f32 v2, v3;
	_ =	sdelay $0x1  }
0x30a: {  	v31 =	vsub.f32 v28, v29;
	v32 =	vmul.f32 v0, v0;
	v33 =	vmul.f32 v30, v30;
	_ =	sdelay $0x1  }
0x30b: {  	v34 =	vmul.f32 v31, v31;
	v3 =	vadd.f32 v33, v32;
	_ =	sdelay $0x1  }
0x30c: {  	v3 =	vadd.f32 v34, v3;
	_ =	sdelay $0x1  }
0x30d: {  	v4 =	vmax.f32 v3, $1.000000020e-35  }
0x30e: {  	v35 =	vshra.s32 v4, $0x1;
	v4 =	vmul.f32 $5.000000000e-01, v4  }
0x30f: {  	v5 =	vsub.s32 $0x5F3759DF, v35  }
0x310: {  	v36 =	vmul.f32 v5, v4;
	_ =	sdelay $0x1  }
0x311: {  	v6 =	vmul.f32 v5, v36;
	_ =	sdelay $0x1  }
0x312: {  	v6 =	vsub.f32 $1.500000000e+00, v6;
	_ =	sdelay $0x1  }
0x313: {  	v5 =	vmul.f32 v5, v6;
	_ =	sdelay $0x1  }
0x314: {  	v4 =	vmul.f32 v5, v4;
	_ =	sdelay $0x1  }
0x315: {  	v4 =	vmul.f32 v4, v5;
	_ =	sdelay $0x1  }
0x316: {  	v4 =	vsub.f32 $1.500000000e+00, v4;
	_ =	sdelay $0x1  }
0x317: {  	v4 =	vmul.f32 v4, v5;
	_ =	sdelay $0x1  }
0x318: {  	v3 =	vmul.f32 v4, v3;
	_ =	sdelay $0x1  }
0x319: {  	[tilespmem:s21+$0x0] =	vst v3  }
0x31a: {  	[tilespmem:s19+$0xFFFFFF80] =	vst v0  }
0x31b: {  	[tilespmem:s19+$0x0] =	vst v30  }
0x31c: {  	[tilespmem:s19+$0x80] =	vst v31  }
0x31d: {  	v0 =	vld [tilespmem:s23+$0x7FB0]  }
0x31e: {  	v1 =	vld [tilespmem:s23+$0x8030]  }
0x31f: {  	v2 =	vld [tilespmem:s23+$0x8AB0]  }
0x320: {  	v3 =	vld [tilespmem:s23+$0x8B30]  }
0x321: {  	v37 =	vld [tilespmem:s23+$0x95B0]  }
0x322: {  	v38 =	vld [tilespmem:s23+$0x9630];
	_ =	sdelay $0x2  }
0x323: {  	v0 =	vsub.f32 v0, v1;
	v39 =	vsub.f32 v2, v3;
	_ =	sdelay $0x1  }
0x324: {  	v40 =	vsub.f32 v37, v38;
	v41 =	vmul.f32 v0, v0;
	v42 =	vmul.f32 v39, v39;
	_ =	sdelay $0x1  }
0x325: {  	v43 =	vmul.f32 v40, v40;
	v3 =	vadd.f32 v42, v41;
	_ =	sdelay $0x1  }
0x326: {  	v3 =	vadd.f32 v43, v3;
	_ =	sdelay $0x1  }
0x327: {  	v4 =	vmax.f32 v3, $1.000000020e-35  }
0x328: {  	v44 =	vshra.s32 v4, $0x1;
	v4 =	vmul.f32 $5.000000000e-01, v4  }
0x329: {  	v5 =	vsub.s32 $0x5F3759DF, v44  }
0x32a: {  	v45 =	vmul.f32 v5, v4;
	_ =	sdelay $0x1  }
0x32b: {  	v6 =	vmul.f32 v5, v45;
	_ =	sdelay $0x1  }
0x32c: {  	v6 =	vsub.f32 $1.500000000e+00, v6;
	_ =	sdelay $0x1  }
0x32d: {  	v5 =	vmul.f32 v5, v6;
	_ =	sdelay $0x1  }
0x32e: {  	v4 =	vmul.f32 v5, v4;
	_ =	sdelay $0x1  }
0x32f: {  	v4 =	vmul.f32 v4, v5;
	_ =	sdelay $0x1  }
0x330: {  	v4 =	vsub.f32 $1.500000000e+00, v4;
	_ =	sdelay $0x1  }
0x331: {  	v4 =	vmul.f32 v4, v5;
	_ =	sdelay $0x1  }
0x332: {  	v3 =	vmul.f32 v4, v3;
	_ =	sdelay $0x1  }
0x333: {  	[tilespmem:s21+$0x10] =	vst v3  }
0x334: {  	[tilespmem:s19+$0xFFFFFF90] =	vst v0  }
0x335: {  	[tilespmem:s19+$0x10] =	vst v39  }
0x336: {  	[tilespmem:s19+$0x90] =	vst v40  }
0x337: {  	v0 =	vld [tilespmem:s23+$0x7FC0]  }
0x338: {  	v1 =	vld [tilespmem:s23+$0x8040]  }
0x339: {  	v2 =	vld [tilespmem:s23+$0x8AC0]  }
0x33a: {  	v3 =	vld [tilespmem:s23+$0x8B40]  }
0x33b: {  	v46 =	vld [tilespmem:s23+$0x95C0]  }
0x33c: {  	v47 =	vld [tilespmem:s23+$0x9640];
	_ =	sdelay $0x2  }
0x33d: {  	v0 =	vsub.f32 v0, v1;
	v48 =	vsub.f32 v2, v3;
	_ =	sdelay $0x1  }
0x33e: {  	v49 =	vsub.f32 v46, v47;
	v50 =	vmul.f32 v0, v0;
	v51 =	vmul.f32 v48, v48;
	_ =	sdelay $0x1  }
0x33f: {  	v52 =	vmul.f32 v49, v49;
	v3 =	vadd.f32 v51, v50;
	_ =	sdelay $0x1  }
0x340: {  	v3 =	vadd.f32 v52, v3;
	_ =	sdelay $0x1  }
0x341: {  	v4 =	vmax.f32 v3, $1.000000020e-35  }
0x342: {  	v53 =	vshra.s32 v4, $0x1;
	v4 =	vmul.f32 $5.000000000e-01, v4  }
0x343: {  	v5 =	vsub.s32 $0x5F3759DF, v53  }
0x344: {  	v54 =	vmul.f32 v5, v4;
	_ =	sdelay $0x1  }
0x345: {  	v6 =	vmul.f32 v5, v54;
	_ =	sdelay $0x1  }
0x346: {  	v6 =	vsub.f32 $1.500000000e+00, v6;
	_ =	sdelay $0x1  }
0x347: {  	v5 =	vmul.f32 v5, v6;
	_ =	sdelay $0x1  }
0x348: {  	v4 =	vmul.f32 v5, v4;
	_ =	sdelay $0x1  }
0x349: {  	v4 =	vmul.f32 v4, v5;
	_ =	sdelay $0x1  }
0x34a: {  	v4 =	vsub.f32 $1.500000000e+00, v4;
	_ =	sdelay $0x1  }
0x34b: {  	v4 =	vmul.f32 v4, v5;
	_ =	sdelay $0x1  }
0x34c: {  	v3 =	vmul.f32 v4, v3;
	_ =	sdelay $0x1  }
0x34d: {  	[tilespmem:s21+$0x20] =	vst v3  }
0x34e: {  	[tilespmem:s19+$0xFFFFFFA0] =	vst v0  }
0x34f: {  	[tilespmem:s19+$0x20] =	vst v48  }
0x350: {  	[tilespmem:s19+$0xA0] =	vst v49  }
0x351: {  	v0 =	vld [tilespmem:s23+$0x7FD0]  }
0x352: {  	v1 =	vld [tilespmem:s23+$0x8050]  }
0x353: {  	v2 =	vld [tilespmem:s23+$0x8AD0]  }
0x354: {  	v3 =	vld [tilespmem:s23+$0x8B50]  }
0x355: {  	v55 =	vld [tilespmem:s23+$0x95D0]  }
0x356: {  	v56 =	vld [tilespmem:s23+$0x9650];
	_ =	sdelay $0x2  }
0x357: {  	v0 =	vsub.f32 v0, v1;
	v57 =	vsub.f32 v2, v3;
	_ =	sdelay $0x1  }
0x358: {  	v58 =	vsub.f32 v55, v56;
	v59 =	vmul.f32 v0, v0;
	v60 =	vmul.f32 v57, v57;
	_ =	sdelay $0x1  }
0x359: {  	v61 =	vmul.f32 v58, v58;
	v3 =	vadd.f32 v60, v59;
	_ =	sdelay $0x1  }
0x35a: {  	v3 =	vadd.f32 v61, v3;
	_ =	sdelay $0x1  }
0x35b: {  	v4 =	vmax.f32 v3, $1.000000020e-35  }
0x35c: {  	v62 =	vshra.s32 v4, $0x1;
	v4 =	vmul.f32 $5.000000000e-01, v4  }
0x35d: {  	v5 =	vsub.s32 $0x5F3759DF, v62  }
0x35e: {  	v63 =	vmul.f32 v5, v4;
	_ =	sdelay $0x1  }
0x35f: {  	v6 =	vmul.f32 v5, v63;
	_ =	sdelay $0x1  }
0x360: {  	v6 =	vsub.f32 $1.500000000e+00, v6;
	_ =	sdelay $0x1  }
0x361: {  	v5 =	vmul.f32 v5, v6;
	_ =	sdelay $0x1  }
0x362: {  	v4 =	vmul.f32 v5, v4;
	_ =	sdelay $0x1  }
0x363: {  	v4 =	vmul.f32 v4, v5;
	_ =	sdelay $0x1  }
0x364: {  	v4 =	vsub.f32 $1.500000000e+00, v4;
	_ =	sdelay $0x1  }
0x365: {  	v4 =	vmul.f32 v4, v5;
	_ =	sdelay $0x1  }
0x366: {  	p0 =	sne.s32 s1, $0x2BC0;
	v3 =	vmul.f32 v4, v3  }
.Ltmp9:
0x367: {  	_ = 	snop;
	(pc) =	sbr.rel @p0 .LBB2_12-.Ltmp9, $4  }
0x368: {  	[tilespmem:s21+$0x30] =	vst v3  }
0x369: {  	[tilespmem:s19+$0xFFFFFFB0] =	vst v0  }
0x36a: {  	[tilespmem:s19+$0x30] =	vst v57  }
0x36b: {  	s1 =	sadd.s32 $0x400, s1;
	s21 =	sadd.s32 $0x80, s21;
	[tilespmem:s19+$0xB0] =	vst v58;
	s19 =	sadd.s32 $0x200, s19  }
0x36c: {  	s1 =	sshll.u32 s29, $0x6;
	s28 =	sadd.s32 $0x1, s28  }
0x36d: {  	s1 =	sand.u32 $0x1FFFFFC0, s1;
	p0 =	sne.s32 s28, $0x47  }
.Ltmp10:
0x36e: {  	s29 =	sshll.u32 s29, $0x4;
	s1 =	sadd.s32 s4, s1;
	(pc) =	sbr.rel @p0 .LBB2_9-.Ltmp10, $4  }
0x36f: {  	[hbm4b:s1+s9] =	stream.linear.scatter [tilespmem:s14], [sflag:$0x4], $0x1600, $0x38;
	[tilespmem:$0xFFD0] =	vst v63  }
0x370: {  	s1 =	sand.u32 $0x1FFFFFF0, s29  }
0x371: {  	s1 =	sadd.s32 s3, s1  }
0x372: {  	[hbm4b:s1+s9] =	stream.linear.scatter [tilespmem:s22], [sflag:$0x4], $0x580, $0x38;
	[tilespmem:$0xFFD0] =	vst v63  }
0x373: {  	s1 =	simm.s32 $0x3  }
0x374: {  	_ =	swait.ge [sflag:s1], $0x1600  }
0x375: {  	[sflag:s1] =	ssyncset.done $0x0  }
0x376: {  	[sflag:s1] =	ssyncadd.s32 $0xFFFFEA00  }
0x377: {  	_ =	swait.ge [sflag:s1], $0x580  }
0x378: {  	[sflag:s1] =	ssyncset.done $0x0  }
0x379: {  	[sflag:s1] =	ssyncadd.s32 $0xFFFFFA80  }
0x37a: {  	_ =	swait.ge [sflag:s24], $0x1600  }
0x37b: {  	[sflag:s24] =	ssyncset.done $0x0  }
0x37c: {  	[sflag:s24] =	ssyncadd.s32 $0xFFFFEA00  }
0x37d: {  	_ =	swait.ge [sflag:s24], $0x580  }
0x37e: {  	s29 =	sld [smem:$0x7D5];
	_ =	sdelay $0x2  }
0x37f: {  	p0 =	seq.s32 s29, $0x1  }
.Ltmp11:
0x380: {  	_ = 	snop;
	(pc) =	sbr.rel @p0 .LBB2_16-.Ltmp11, $3  }
0x381: {  	_ =	sdelay $0x1  }
0x382: {  	[sflag:s24] =	ssyncset.done $0x0  }
0x383: {  	[sflag:s24] =	ssyncadd.s32 $0xFFFFFA80  }
0x384: {  	s1 =	rddreg [dreg:$0x13];
	s19 =	simm.s32 $0x4950  }
0x385: {  	[tilespmem:s19], [sflag:$0x5] =	stream.linear.gather [hbm4b:s1+s9], $0x100, $0x38;
	[tilespmem:$0xFFD0] =	vst v63  }
0x386: {  	_ =	swait.ge [sflag:s18], $0x100  }
0x387: {  	[sflag:s18] =	ssyncset.done $0x0  }
0x388: {  	s29 =	simm.s32 $0x5F50;
	s21 =	simm.s32 $0x100;
	[sflag:s18] =	ssyncadd.s32 $0xFFFFFF00  }
0x389: {  	[tilespmem:s29], [sflag:$0x5] =	stream.indirect.gather [spmem:s5], $0x1, s19, s21, $0xb8;
	[tilespmem:$0xFFD0] =	vst v63  }
0x38a: {  	_ =	swait.ge [sflag:s18], $0x100  }
0x38b: {  	[sflag:s18] =	ssyncset.done $0x0  }
0x38c: {  	s23 =	simm.s32 $0x6A50;
	[sflag:s18] =	ssyncadd.s32 $0xFFFFFF00  }
0x38d: {  	[tilespmem:s23], [sflag:$0x5] =	stream.indirect.gather [spmem:s6], $0x1, s19, s21, $0xb8;
	[tilespmem:$0xFFD0] =	vst v63  }
0x38e: {  	_ =	swait.ge [sflag:s18], $0x100  }
0x38f: {  	[sflag:s18] =	ssyncset.done $0x0  }
0x390: {  	s25 =	simm.s32 $0x7550;
	[sflag:s18] =	ssyncadd.s32 $0xFFFFFF00  }
0x391: {  	[tilespmem:s25], [sflag:$0x5] =	stream.indirect.gather [spmem:s8], $0x1, s19, s21, $0xb8;
	[tilespmem:$0xFFD0] =	vst v63  }
0x392: {  	_ =	swait.ge [sflag:s18], $0x100  }
0x393: {  	[sflag:s18] =	ssyncset.done $0x0  }
0x394: {  	[sflag:s18] =	ssyncadd.s32 $0xFFFFFF00  }
0x395: {  	v0 =	vld [tilespmem:$0x5F50]  }
0x396: {  	v1 =	vld [tilespmem:$0x5FD0]  }
0x397: {  	v2 =	vld [tilespmem:$0x6A50]  }
0x398: {  	v3 =	vld [tilespmem:$0x6AD0]  }
0x399: {  	v5 =	vld [tilespmem:$0x7550]  }
0x39a: {  	v6 =	vld [tilespmem:$0x75D0]  }
0x39b: {  	v23 =	vld [tilespmem:$0x5F60]  }
0x39c: {  	v26 =	vld [tilespmem:$0x5FE0]  }
0x39d: {  	v7 =	vld [tilespmem:$0x6A60]  }
0x39e: {  	v9 =	vld [tilespmem:$0x6AE0]  }
0x39f: {  	v10 =	vld [tilespmem:$0x7560]  }
0x3a0: {  	v28 =	vld [tilespmem:$0x75E0]  }
0x3a1: {  	v11 =	vld [tilespmem:$0x5F70]  }
0x3a2: {  	v13 =	vld [tilespmem:$0x5FF0]  }
0x3a3: {  	v15 =	vld [tilespmem:$0x6A70]  }
0x3a4: {  	v29 =	vld [tilespmem:$0x6AF0]  }
0x3a5: {  	v31 =	vld [tilespmem:$0x7570];
	v4 =	vsub.f32 v0, v1;
	v1 =	vsub.f32 v2, v3  }
0x3a6: {  	v17 =	vld [tilespmem:$0x75F0]  }
0x3a7: {  	v36 =	vld [tilespmem:$0x5F80];
	v0 =	vsub.f32 v5, v6;
	v24 =	vmul.f32 v4, v4;
	v25 =	vmul.f32 v1, v1  }
0x3a8: {  	v38 =	vld [tilespmem:$0x6000]  }
0x3a9: {  	v21 =	vld [tilespmem:$0x7580];
	v27 =	vmul.f32 v0, v0;
	v3 =	vadd.f32 v25, v24  }
0x3aa: {  	v22 =	vld [tilespmem:$0x7600]  }
0x3ab: {  	v44 =	vld [tilespmem:$0x6B10];
	v12 =	vadd.f32 v27, v3  }
0x3ac: {  	v55 =	vld [tilespmem:$0x75A0];
	v6 =	vsub.f32 v11, v13  }
0x3ad: {  	v57 =	vld [tilespmem:$0x7620];
	v2 =	vsub.f32 v15, v29;
	v5 =	vmax.f32 v12, $1.000000020e-35  }
0x3ae: {  	v37 =	vmul.f32 v6, v6;
	v25 =	vld [tilespmem:$0x6010];
	v8 =	vshra.s32 v5, $0x1;
	v14 =	vmul.f32 $5.000000000e-01, v5  }
0x3af: {  	v5 =	vsub.f32 v7, v9;
	v16 =	vsub.s32 $0x5F3759DF, v8;
	v8 =	vsub.f32 v23, v26;
	v23 =	vld [tilespmem:$0x5F90]  }
0x3b0: {  	v29 =	vld [tilespmem:$0x7590];
	v11 =	vsub.f32 v21, v22;
	v15 =	vmul.f32 v2, v2;
	v30 =	vmul.f32 v16, v14  }
0x3b1: {  	v27 =	vld [tilespmem:$0x6A90];
	v7 =	vsub.f32 v10, v28;
	v33 =	vmul.f32 v5, v5;
	v32 =	vmul.f32 v8, v8  }
0x3b2: {  	v21 =	vsub.f32 v55, v57;
	v9 =	vadd.f32 v15, v37;
	v18 =	vmul.f32 v16, v30;
	v30 =	vld [tilespmem:$0x7610]  }
0x3b3: {  	v10 =	vsub.f32 v36, v38;
	v34 =	vmul.f32 v7, v7;
	v3 =	vadd.f32 v33, v32  }
0x3b4: {  	v39 =	vld [tilespmem:$0x6A80];
	v52 =	vmul.f32 v11, v11;
	v35 =	vsub.f32 $1.500000000e+00, v18;
	v23 =	vsub.f32 v23, v25  }
0x3b5: {  	v19 =	vld [tilespmem:$0x6B00];
	v47 =	vmul.f32 v10, v10;
	v13 =	vadd.f32 v34, v3;
	v3 =	vsub.f32 v31, v17  }
0x3b6: {  	v17 =	vsub.f32 v27, v44;
	v16 =	vmul.f32 v16, v35;
	v59 =	vmul.f32 v23, v23  }
0x3b7: {  	v54 =	vld [tilespmem:$0x6B20];
	v40 =	vmax.f32 v13, $1.000000020e-35;
	v41 =	vmul.f32 v3, v3;
	v29 =	vsub.f32 v29, v30  }
0x3b8: {  	v32 =	vld [tilespmem:$0x5FB0];
	v33 =	vmul.f32 v17, v17;
	v20 =	vshra.s32 v40, $0x1;
	v18 =	vmul.f32 $5.000000000e-01, v40  }
0x3b9: {  	v34 =	vld [tilespmem:$0x6030];
	v14 =	vmul.f32 v16, v14;
	v20 =	vsub.s32 $0x5F3759DF, v20;
	v15 =	vadd.f32 v41, v9  }
0x3ba: {  	v37 =	vld [tilespmem:$0x6B30];
	v9 =	vsub.f32 v39, v19;
	v30 =	vadd.f32 v33, v59;
	v60 =	vmul.f32 v29, v29  }
0x3bb: {  	v35 =	vld [tilespmem:$0x6AB0];
	v42 =	vmul.f32 v20, v18;
	v14 =	vmul.f32 v14, v16;
	v24 =	vmax.f32 v15, $1.000000020e-35  }
0x3bc: {  	v38 =	vld [tilespmem:$0x6AC0];
	v48 =	vmul.f32 v9, v9;
	v43 =	vshra.s32 v24, $0x1;
	v24 =	vmul.f32 $5.000000000e-01, v24  }
0x3bd: {  	v31 =	vld [tilespmem:$0x6AA0];
	v26 =	vmul.f32 v20, v42;
	v14 =	vsub.f32 $1.500000000e+00, v14;
	v28 =	vsub.s32 $0x5F3759DF, v43  }
0x3be: {  	v39 =	vld [tilespmem:$0x6B40];
	v32 =	vsub.f32 v32, v34;
	v30 =	vadd.f32 v60, v30;
	v46 =	vmul.f32 v28, v24  }
0x3bf: {  	v51 =	vadd.f32 v48, v47;
	v45 =	vsub.f32 $1.500000000e+00, v26;
	v14 =	vmul.f32 v14, v16  }
0x3c0: {  	v35 =	vsub.f32 v35, v37;
	v47 =	vmul.f32 v21, v21;
	v49 =	vmul.f32 v28, v46  }
0x3c1: {  	v19 =	vmul.f32 v20, v45;
	v12 =	vmul.f32 v14, v12;
	v14 =	vadd.f32 v52, v51  }
0x3c2: {  	v50 =	vld [tilespmem:$0x5FA0];
	v57 =	vmul.f32 v35, v35;
	v16 =	vsub.f32 v31, v54;
	v20 =	vsub.f32 $1.500000000e+00, v49  }
0x3c3: {  	v53 =	vld [tilespmem:$0x6020];
	v38 =	vsub.f32 v38, v39;
	v18 =	vmul.f32 v19, v18;
	v56 =	vmax.f32 v14, $1.000000020e-35  }
0x3c4: {  	v61 =	vld [tilespmem:$0x75B0];
	v58 =	vshra.s32 v56, $0x1;
	v20 =	vmul.f32 v28, v20;
	v28 =	vmul.f32 $5.000000000e-01, v56  }
0x3c5: {  	v63 =	vld [tilespmem:$0x7630];
	v41 =	vmul.f32 v16, v16;
	v18 =	vmul.f32 v18, v19;
	v27 =	vsub.s32 $0x5F3759DF, v58  }
0x3c6: {  	v42 =	vld [tilespmem:$0x5FC0];
	v46 =	vmax.f32 v30, $1.000000020e-35;
	v24 =	vmul.f32 v20, v24;
	v36 =	vmul.f32 v27, v28  }
0x3c7: {  	v54 =	vld [tilespmem:$0x7640];
	v60 =	vmul.f32 v38, v38;
	v26 =	vmul.f32 $5.000000000e-01, v46;
	v18 =	vsub.f32 $1.500000000e+00, v18  }
0x3c8: {  	v45 =	vld [tilespmem:$0x6040];
	v48 =	vshra.s32 v46, $0x1;
	v24 =	vmul.f32 v24, v20;
	v62 =	vmul.f32 v27, v36  }
0x3c9: {  	v52 =	vld [tilespmem:$0x75C0];
	v49 =	vsub.s32 $0x5F3759DF, v48;
	v18 =	vmul.f32 v18, v19;
	v19 =	vsub.f32 v50, v53  }
0x3ca: {  	v51 =	vmul.f32 v49, v26;
	v24 =	vsub.f32 $1.500000000e+00, v24;
	v44 =	vsub.f32 $1.500000000e+00, v62  }
0x3cb: {  	v22 =	vsub.f32 v61, v63;
	[tilespmem:$0xA150] =	vst v4;
	v56 =	vmul.f32 v32, v32;
	v40 =	vmul.f32 v19, v19  }
0x3cc: {  	[tilespmem:$0xA1D0] =	vst v1;
	v43 =	vmul.f32 v24, v20;
	v20 =	vmul.f32 v27, v44  }
0x3cd: {  	[tilespmem:$0xA250] =	vst v0;
	v58 =	vmul.f32 v22, v22;
	v25 =	vadd.f32 v41, v40;
	v24 =	vsub.f32 v42, v45  }
0x3ce: {  	[tilespmem:$0xCD50] =	vst v12;
	v12 =	vsub.f32 v52, v54;
	v50 =	vmul.f32 v20, v28;
	v28 =	vmul.f32 v49, v51  }
0x3cf: {  	[tilespmem:$0xA170] =	vst v6;
	v36 =	vadd.f32 v57, v56;
	v25 =	vadd.f32 v47, v25;
	v59 =	vmul.f32 v24, v24  }
0x3d0: {  	[tilespmem:$0xA1F0] =	vst v2;
	v13 =	vmul.f32 v18, v13;
	v40 =	vmul.f32 v12, v12;
	v61 =	vsub.f32 $1.500000000e+00, v28  }
0x3d1: {  	[tilespmem:$0xA280] =	vst v11;
	v53 =	vmax.f32 v25, $1.000000020e-35;
	v28 =	vadd.f32 v58, v36;
	v39 =	vadd.f32 v60, v59  }
0x3d2: {  	[tilespmem:$0xA2A0] =	vst v21;
	v15 =	vmul.f32 v43, v15;
	v27 =	vmul.f32 v50, v20;
	v55 =	vshra.s32 v53, $0x1  }
0x3d3: {  	[tilespmem:$0xA2B0] =	vst v22;
	v34 =	vmul.f32 $5.000000000e-01, v53;
	v43 =	vmax.f32 v28, $1.000000020e-35;
	v44 =	vadd.f32 v40, v39  }
0x3d4: {  	[tilespmem:$0xA1E0] =	vst v5;
	v31 =	vsub.s32 $0x5F3759DF, v55;
	v45 =	vshra.s32 v43, $0x1;
	v18 =	vmul.f32 $5.000000000e-01, v43  }
0x3d5: {  	[tilespmem:$0xA260] =	vst v7;
	v62 =	vmul.f32 v31, v34;
	v47 =	vsub.s32 $0x5F3759DF, v45;
	v50 =	vmax.f32 v44, $1.000000020e-35  }
0x3d6: {  	[tilespmem:$0xA160] =	vst v8;
	v48 =	vmul.f32 v47, v18;
	v51 =	vshra.s32 v50, $0x1;
	v8 =	vmul.f32 $5.000000000e-01, v50  }
0x3d7: {  	[tilespmem:$0xCD70] =	vst v15;
	v42 =	vmul.f32 v31, v62;
	v15 =	vsub.s32 $0x5F3759DF, v51  }
0x3d8: {  	[tilespmem:$0xA180] =	vst v10;
	v5 =	vmul.f32 v47, v48;
	v55 =	vmul.f32 v15, v8  }
0x3d9: {  	[tilespmem:$0xA190] =	vst v23;
	v41 =	vmul.f32 v49, v61;
	v4 =	vsub.f32 $1.500000000e+00, v42  }
0x3da: {  	[tilespmem:$0xA270] =	vst v3;
	v54 =	vsub.f32 $1.500000000e+00, v5;
	v58 =	vmul.f32 v15, v55  }
0x3db: {  	[tilespmem:$0xA210] =	vst v17;
	v46 =	vmul.f32 v41, v26;
	v4 =	vmul.f32 v31, v4  }
0x3dc: {  	[tilespmem:$0xA290] =	vst v29;
	v57 =	vmul.f32 v47, v54;
	v2 =	vsub.f32 $1.500000000e+00, v58  }
0x3dd: {  	[tilespmem:$0xA200] =	vst v9;
	v63 =	vsub.f32 $1.500000000e+00, v27;
	v49 =	vmul.f32 v46, v41;
	v53 =	vmul.f32 v4, v34  }
0x3de: {  	[tilespmem:$0xA1B0] =	vst v32;
	v59 =	vmul.f32 v57, v18;
	v60 =	vmul.f32 v15, v2  }
0x3df: {  	[tilespmem:$0xA230] =	vst v35;
	v1 =	vmul.f32 v63, v20;
	v52 =	vsub.f32 $1.500000000e+00, v49;
	v56 =	vmul.f32 v53, v4  }
0x3e0: {  	[tilespmem:$0xA220] =	vst v16;
	v61 =	vmul.f32 v59, v57;
	v62 =	vmul.f32 v60, v8  }
0x3e1: {  	[tilespmem:$0xA240] =	vst v38;
	v1 =	vmul.f32 v1, v14;
	v0 =	vmul.f32 v52, v41  }
0x3e2: {  	[tilespmem:$0xA2C0] =	vst v12;
	v3 =	vsub.f32 $1.500000000e+00, v56;
	v2 =	vsub.f32 $1.500000000e+00, v61;
	v63 =	vmul.f32 v62, v60  }
0x3e3: {  	[tilespmem:$0xA1A0] =	vst v19;
	v0 =	vmul.f32 v0, v30  }
0x3e4: {  	[tilespmem:$0xCD80] =	vst v1;
	v3 =	vmul.f32 v3, v4;
	v1 =	vmul.f32 v2, v57;
	v2 =	vsub.f32 $1.500000000e+00, v63  }
0x3e5: {  	[tilespmem:$0xCD60] =	vst v13  }
0x3e6: {  	[tilespmem:$0xCD90] =	vst v0;
	v3 =	vmul.f32 v3, v25;
	v0 =	vmul.f32 v2, v60  }
0x3e7: {  	[tilespmem:$0xA1C0] =	vst v24;
	v1 =	vmul.f32 v1, v28  }
0x3e8: {  	[tilespmem:$0xCDA0] =	vst v3;
	v0 =	vmul.f32 v0, v44  }
0x3e9: {  	[tilespmem:$0xCDB0] =	vst v1  }
0x3ea: {  	s28 =	rddreg [dreg:$0x14];
	[tilespmem:$0xCDC0] =	vst v0  }
0x3eb: {  	[hbm4b:s28+s9] =	stream.linear.scatter [tilespmem:s11], [sflag:$0x5], $0x200, $0x38;
	[tilespmem:$0xFFD0] =	vst v63  }
0x3ec: {  	_ =	swait.ge [sflag:s18], $0x200  }
0x3ed: {  	[sflag:s18] =	ssyncset.done $0x0  }
.Ltmp12:
0x3ee: {  	s29 =	rddreg [dreg:$0x15];
	[sflag:s18] =	ssyncadd.s32 $0xFFFFFE00;
	(pc) =	sbr.rel .LBB2_16-.Ltmp12, $4  }
0x3ef: {  	[hbm4b:s29+s9] =	stream.linear.scatter [tilespmem:s12], [sflag:$0x5], $0x80, $0x38;
	[tilespmem:$0xFFD0] =	vst v63  }
0x3f0: {  	_ =	swait.ge [sflag:s18], $0x80  }
0x3f1: {  	[sflag:s18] =	ssyncset.done $0x0  }
0x3f2: {  	[sflag:s18] =	ssyncadd.s32 $0xFFFFFF80  }
.LBB2_17:
0x3f3: {  	_ =	sfence.sel $0x180000  }
0x3f4: {  	[bflag:$0x0] =	sbarrier.arrive $0xFFFF  }
0x3f5: {  	_ =	strace $0x90000047  }
0x3f6: {  	s0 =	stileid.u32;
	[bflag:$0x2] =	sbarrier.arrive $0xFFFF  }
0x3f7: {  	p0 =	sne.s32 s0, $0x0;
	s0 =	rddreg [dreg:$0x7]  }
0x3f8: {  	s0 =	sadd.s32 @!p0 $0x100000, s0  }
0x3f9: {  	[sflag:s0] =	ssyncadd.tile.s32 @!p0 $0x1;
	_ =	shalt  }
.Lfunc_end2:
_tile_overlayer_lowered:
.L_overlay_start_2:
0x3fa: {  	(tag) =	ssettag $0x2  }
0x3fb: {  	s0 =	rddreg [dreg:$0x0];
	s2 =	stileid.u32  }
0x3fc: {  	s1 =	rddreg [dreg:$0x1];
	p0 =	sne.s32 s2, $0x0  }
0x3fd: {  	s3 =	rddreg [dreg:$0x2];
	[bflag:$0x3] =	sbarrier.arrive $0xFFFF;
	s2 =	simm.s32 @!p0 $0x1C05  }
0x3fe: {  	[timem:s3], [sflag:s2] =	dma.local @!p0 [hbm:s0], s1  }
0x3ff: {  	s0 =	simm.s32 @!p0 $0x5  }
0x400: {  	_ =	swait.ge @!p0 [sflag:s0], s1  }
0x401: {  	s1 =	ssub.s32 @!p0 $0x0, s1;
	[sflag:s0] =	ssyncset.done @!p0 $0x0  }
0x402: {  	[sflag:s0] =	ssyncadd.s32 @!p0 s1  }
0x403: {  	[bflag:$0x3] =	sbarrier.arrive $0xFFFF  }
0x404: {  	_ =	shalt  }

</sc_bundles>
